<compile_context>
chip_gen: v7x
topology: tpu7x:2x2x1
jax: 0.10.2.dev20260603
libtpu: 0.0.44.dev20260713+nightly
codegen_flags: <defaults>
</compile_context>

<pallas_src>
import functools
import math

import jax
import jax.numpy as jnp
from jax import lax
from jax.experimental import pallas as pl
from jax.experimental.pallas import tpu as pltpu
from jax.experimental.pallas import tpu_sc as plsc

EMBED = 256
HEADS = 8
HDIM = 32
MB = 4
NTOK = 4096
G1 = 64
G2 = 64
NGP = G1 * G2
DX = 2
BINBLK = 256
NLANE = 16
NCG = EMBED // NLANE
NSUB = 16
NWORK = 32
NITEM = MB * NCG
SCCHUNK = 512

_PREC = lax.Precision.HIGHEST
_f32 = jnp.float32
_i32 = jnp.int32

_NN = (((1,), (0,)), ((), ()))
_NT = (((1,), (1,)), ((), ()))
_TN = (((0,), (0,)), ((), ()))


def _head_select_T():
    dd = lax.broadcasted_iota(_i32, (EMBED, HEADS), 0)
    hh = lax.broadcasted_iota(_i32, (EMBED, HEADS), 1)
    return (dd // HDIM == hh).astype(_f32)


def _head_select():
    hh = lax.broadcasted_iota(_i32, (HEADS, EMBED), 0)
    dd = lax.broadcasted_iota(_i32, (HEADS, EMBED), 1)
    return (dd // HDIM == hh).astype(_f32)


def _prea_body(xT_ref, z_ref, xgT_ref, zg_ref, lat_ref, wq_ref, wk_ref,
               idx_ref, et_ref, eg_ref):
    xT = xT_ref[0]
    xgT = xgT_ref[0]
    z = z_ref[0]
    zg = zg_ref[0]
    lat = lat_ref[...]
    wq = wq_ref[...]
    wk = wk_ref[...]

    x0 = xT[0:1, :]
    x1 = xT[1:2, :]
    g0 = xgT[0:1, :]
    g1 = xgT[1:2, :]
    mn0 = jnp.min(g0, axis=1, keepdims=True)
    mx0 = jnp.max(g0, axis=1, keepdims=True)
    mn1 = jnp.min(g1, axis=1, keepdims=True)
    mx1 = jnp.max(g1, axis=1, keepdims=True)
    sp0 = (mx0 - mn0) / (G1 - 1.0)
    sp1 = (mx1 - mn1) / (G2 - 1.0)
    m0 = jnp.clip(jnp.floor((x0 - mn0 + 0.5 * sp0) / sp0), 0.0, G1 - 1.0)
    m1 = jnp.clip(jnp.floor((x1 - mn1 + 0.5 * sp1) / sp1), 0.0, G2 - 1.0)
    idx = (m0 * float(G2) + m1).astype(_i32)
    idx_ref[0] = idx

    q = jnp.dot(lat, wq, precision=_PREC)
    a_mat = jnp.dot(wk * q, _head_select_T(),
                    precision=_PREC) * (1.0 / math.sqrt(HDIM))

    _TT = (((0,), (1,)), ((), ()))
    lt = lax.dot_general(a_mat, z, _TT, precision=_PREC)
    lg = lax.dot_general(a_mat, zg, _TT, precision=_PREC)
    c = jnp.maximum(jnp.max(lt, axis=1, keepdims=True),
                    jnp.max(lg, axis=1, keepdims=True))
    et_ref[0] = jnp.exp(lt - c)
    eg_ref[0] = jnp.exp(lg - c)


def _full(shape):
    return pl.BlockSpec(shape, lambda m, _n=len(shape): (0,) * _n)


def _batch(shape):
    return pl.BlockSpec((1,) + shape, lambda m, _n=len(shape): (m,) + (0,) * _n)


def _prea_call(xT, z, xgT, zg, lat2, Wq, Wk):
    return pl.pallas_call(
        _prea_body,
        grid=(MB,),
        in_specs=[
            _batch((DX, NTOK)),
            _batch((NTOK, EMBED)),
            _batch((DX, NGP)),
            _batch((NGP, EMBED)),
            _full((1, EMBED)),
            _full((EMBED, EMBED)),
            _full((EMBED, EMBED)),
        ],
        out_specs=[
            _batch((1, NTOK)),
            _batch((HEADS, NTOK)),
            _batch((HEADS, NGP)),
        ],
        out_shape=[
            jax.ShapeDtypeStruct((MB, 1, NTOK), _i32),
            jax.ShapeDtypeStruct((MB, HEADS, NTOK), _f32),
            jax.ShapeDtypeStruct((MB, HEADS, NGP), _f32),
        ],
    )(xT, z, xgT, zg, lat2, Wq, Wk)


def _den_body(idx_ref, et_ref, eg_ref, den_ref):
    idx = idx_ref[0]
    et = et_ref[0]
    eg = eg_ref[0]
    et16 = et.astype(jnp.bfloat16)
    for bb in range(NGP // BINBLK):
        bins = lax.broadcasted_iota(_i32, (BINBLK, NTOK), 0) + bb * BINBLK
        mask16 = (idx == bins).astype(jnp.bfloat16)
        den_blk = lax.dot_general(et16, mask16, _NT,
                                  preferred_element_type=_f32)
        den_ref[0, :, pl.ds(bb * BINBLK, BINBLK)] = (
            den_blk + eg[:, bb * BINBLK:(bb + 1) * BINBLK])


def _den_call(idx3, et, eg):
    return pl.pallas_call(
        _den_body,
        grid=(MB,),
        in_specs=[
            _batch((1, NTOK)),
            _batch((HEADS, NTOK)),
            _batch((HEADS, NGP)),
        ],
        out_specs=_batch((HEADS, NGP)),
        out_shape=jax.ShapeDtypeStruct((MB, HEADS, NGP), _f32),
    )(idx3, et, eg)


def _preb_body(z_ref, e_ref, wv_ref, payload_ref):
    z = z_ref[0]
    e = e_ref[0]
    wv = wv_ref[...]
    vt = lax.dot_general(wv, z, (((0,), (1,)), ((), ())), precision=_PREC)
    ew = lax.dot_general(_head_select_T(), e, _NN, precision=_PREC)
    payload_ref[0] = (vt * ew).reshape(NCG, NLANE, NTOK)


def _preb_call(z, e, Wv):
    return pl.pallas_call(
        _preb_body,
        grid=(MB,),
        in_specs=[
            _batch((NTOK, EMBED)),
            _batch((HEADS, NTOK)),
            _full((EMBED, EMBED)),
        ],
        out_specs=_batch((NCG, NLANE, NTOK)),
        out_shape=jax.ShapeDtypeStruct((MB, NCG, NLANE, NTOK), _f32),
    )(z, e, Wv)


SCPAD = 1


def _sc_body(tokp_hbm, gridp_hbm, idx_hbm, out_hbm,
             acc_v, st0, st1, ir0, ir1, sem0, sem1):
    c = lax.axis_index("c")
    s = lax.axis_index("s")
    wid = c * NSUB + s
    stages = (st0, st1)
    irows = (ir0, ir1)
    sems = (sem0, sem1)
    nchk = NTOK // SCCHUNK

    def start(b, cg, t, buf):
        h1 = pltpu.async_copy(
            tokp_hbm.at[b, cg, :, pl.ds(t * SCCHUNK, SCCHUNK)],
            stages[buf].at[:, pl.ds(0, SCCHUNK)], sems[buf])
        h2 = pltpu.async_copy(
            idx_hbm.at[b, 0, pl.ds(t * SCCHUNK * NLANE, SCCHUNK * NLANE)],
            irows[buf], sems[buf])
        return h1, h2

    for it in range(NITEM // NWORK):
        item = wid + it * NWORK
        b = item // NCG
        cg = item % NCG
        hs = start(b, cg, 0, 0)
        pltpu.sync_copy(gridp_hbm.at[b, cg], acc_v.at[:, pl.ds(0, NGP)])
        for t in range(nchk):
            buf = t % 2
            for h in hs:
                h.wait()
            if t + 1 < nchk:
                hs = start(b, cg, t + 1, 1 - buf)
            stage_v = stages[buf]
            irow_v = irows[buf]

            def step(i, carry, _stage=stage_v, _irow=irow_v):
                lane = lax.broadcasted_iota(_i32, (NLANE,), 0)
                fi = jnp.full((NLANE,), i, _i32)
                row = _irow[pl.ds(i * NLANE, NLANE)]
                val = plsc.load_gather(_stage, [lane, fi])
                plsc.addupdate_scatter(acc_v, [lane, row], val)
                return carry

            lax.fori_loop(0, SCCHUNK, step, 0, unroll=8)
        pltpu.sync_copy(acc_v.at[:, pl.ds(0, NGP)], out_hbm.at[b, cg])


@functools.cache
def _sc_scatter():
    return pl.kernel(
        _sc_body,
        out_type=jax.ShapeDtypeStruct((MB, NCG, NLANE, NGP), _f32),
        compiler_params=pltpu.CompilerParams(needs_layout_passes=False),
        mesh=plsc.VectorSubcoreMesh(core_axis_name="c", subcore_axis_name="s"),
        scratch_types=[
            pltpu.VMEM((NLANE, NGP + SCPAD), _f32),
            pltpu.VMEM((NLANE, SCCHUNK + SCPAD), _f32),
            pltpu.VMEM((NLANE, SCCHUNK + SCPAD), _f32),
            pltpu.VMEM((SCCHUNK * NLANE,), _i32),
            pltpu.VMEM((SCCHUNK * NLANE,), _i32),
            pltpu.SemaphoreType.DMA,
            pltpu.SemaphoreType.DMA,
        ],
    )


def _post_body(acc_ref, den_ref, wo_ref, out_ref):
    acc = acc_ref[0].reshape(EMBED, NGP)
    den = den_ref[0]
    den_wide = lax.dot_general(_head_select_T(), den, _NN,
                               precision=_PREC)
    y = acc / den_wide
    out_ref[0] = lax.dot_general(y, wo_ref[...], _TN,
                                 precision=_PREC)


def _post_call(acc, den, Wo):
    return pl.pallas_call(
        _post_body,
        grid=(MB,),
        in_specs=[
            pl.BlockSpec((1, NCG, NLANE, NGP), lambda m: (m, 0, 0, 0)),
            pl.BlockSpec((1, HEADS, NGP), lambda m: (m, 0, 0)),
            pl.BlockSpec((EMBED, EMBED), lambda m: (0, 0)),
        ],
        out_specs=pl.BlockSpec((1, NGP, EMBED), lambda m: (m, 0, 0)),
        out_shape=jax.ShapeDtypeStruct((MB, NGP, EMBED), _f32),
    )(acc, den, Wo)


def kernel(x, z, x_grid, z_grid, latent, Wq, Wk, Wv, Wo):
    xT = x.transpose(0, 2, 1)
    xgT = x_grid.reshape(MB, NGP, DX).transpose(0, 2, 1)
    zg_flat = z_grid.reshape(MB, NGP, EMBED)
    lat2 = latent.reshape(1, EMBED)

    idx3, et, eg = _prea_call(xT, z, xgT, zg_flat, lat2, Wq, Wk)
    tokp = _preb_call(z, et, Wv)
    gridp = _preb_call(zg_flat, eg, Wv)
    idx_il = jnp.broadcast_to(
        idx3.reshape(MB, NTOK, 1), (MB, NTOK, NLANE)
    ).reshape(MB, 1, NTOK * NLANE)

    acc = _sc_scatter()(tokp, gridp, idx_il)
    den = _den_call(idx3, et, eg)

    zout = _post_call(acc, den, Wo)
    return (x_grid, zout.reshape(MB, G1, G2, EMBED))

# --- scband reference (transcript-rebuilt; emitter-appended) ---
"""Pipeline reference for scband-ootgpseudo-token-grid-encoder-86251533238896 (READ-ONLY COPY).

The authoritative reference and input builder live on the scoring server;
editing this copy changes nothing except your own understanding.
"""

import jax, jax.numpy as jnp
import numpy as np
import math

EMBED_DIM = 256
NUM_HEADS = 8
HEAD_DIM = EMBED_DIM // NUM_HEADS
M, N = 4, 4096
G1, G2 = 64, 64
DX = 2
MAX_PATCH = 66


def flatten_grid(g):
    b = g.shape[0]
    grid_shape = g.shape[1:-1]
    flat = g.reshape(b, -1, g.shape[-1])
    def unflatten(t):
        return t.reshape((b,) + tuple(grid_shape) + (t.shape[-1],))
    return flat, unflatten


def nearest_gridded_neighbours(x, x_grid):
    grid_shape = np.array(x_grid.shape[1:-1])
    x_grid_flat, _ = flatten_grid(x_grid)
    x_min = x_grid_flat.min(axis=1)
    x_max = x_grid_flat.max(axis=1)
    spacing = (x_max - x_min) / (grid_shape.astype(np.float32) - 1.0)
    multi = jnp.floor((x - x_min[:, None, :] + spacing[:, None, :] / 2.0) / spacing[:, None, :])
    multi = jnp.clip(multi, 0.0, (grid_shape - 1).astype(np.float32))
    strides = np.flip(np.cumprod(np.concatenate([[1], np.flip(grid_shape)]))[:-1]).astype(np.float32)
    nearest_idx = (multi * strides[None, None, :]).sum(-1).astype(jnp.int32)
    return nearest_idx


def compute_cumcount_idx(nearest_idx):
    m, n = nearest_idx.shape
    eq = nearest_idx[:, :, None] == nearest_idx[:, None, :]
    tril = np.tril(np.ones((n, n), dtype=bool), k=-1)
    return (eq & tril[None]).sum(-1).astype(jnp.int32)


def construct_nearest_neighbour_matrix(nearest_idx, cumcount_idx, z, z_grid, num_grid_points):
    m, n = nearest_idx.shape
    e = z.shape[-1]
    max_patch = MAX_PATCH
    rows = (nearest_idx + (jnp.arange(m)[:, None] * num_grid_points)).reshape(-1)
    cols = cumcount_idx.reshape(-1)
    joint = jnp.zeros((m * num_grid_points, max_patch, e), dtype=z.dtype)
    joint = joint.at[rows, cols].set(z.reshape(-1, e))
    valid = jnp.zeros((m * num_grid_points, max_patch), dtype=bool)
    valid = valid.at[rows, cols].set(True)
    z_grid_flat, _ = flatten_grid(z_grid)
    joint = joint.at[:, -1, :].set(z_grid_flat.reshape(-1, e))
    valid = valid.at[:, -1].set(True)
    return joint, valid[:, None, :]


def mhca(zq, zkv, mask, Wq, Wk, Wv, Wo):
    B, P = zkv.shape[0], zkv.shape[1]
    q = (zq @ Wq).reshape(B, -1, NUM_HEADS, HEAD_DIM).transpose(0, 2, 1, 3)
    k = (zkv @ Wk).reshape(B, P, NUM_HEADS, HEAD_DIM).transpose(0, 2, 1, 3)
    v = (zkv @ Wv).reshape(B, P, NUM_HEADS, HEAD_DIM).transpose(0, 2, 1, 3)
    att = jnp.einsum('bhqd,bhkd->bhqk', q, k) / math.sqrt(HEAD_DIM)
    att = jnp.where(mask[:, None, :, :], att, -1e30)
    w = jax.nn.softmax(att, axis=-1)
    out = jnp.einsum('bhqk,bhkd->bhqd', w, v)
    out = out.transpose(0, 2, 1, 3).reshape(B, -1, EMBED_DIM)
    return out @ Wo


def setup_inputs(seed: int = 0):
    key = jax.random.key(seed)
    ks = jax.random.split(key, 9)
    x = jax.random.uniform(ks[0], (M, N, DX), dtype=jnp.float32)
    z = jax.random.normal(ks[1], (M, N, EMBED_DIM), dtype=jnp.float32)
    ax1 = jnp.linspace(0.0, 1.0, G1)
    ax2 = jnp.linspace(0.0, 1.0, G2)
    gx, gy = jnp.meshgrid(ax1, ax2, indexing='ij')
    x_grid = jnp.broadcast_to(jnp.stack([gx, gy], axis=-1)[None], (M, G1, G2, DX)).astype(jnp.float32)
    z_grid = jax.random.normal(ks[2], (M, G1, G2, EMBED_DIM), dtype=jnp.float32)
    latent = jax.random.normal(ks[3], (EMBED_DIM,), dtype=jnp.float32)
    s = 1.0 / math.sqrt(EMBED_DIM)
    Wq = jax.random.normal(ks[4], (EMBED_DIM, EMBED_DIM), dtype=jnp.float32) * s
    Wk = jax.random.normal(ks[5], (EMBED_DIM, EMBED_DIM), dtype=jnp.float32) * s
    Wv = jax.random.normal(ks[6], (EMBED_DIM, EMBED_DIM), dtype=jnp.float32) * s
    Wo = jax.random.normal(ks[7], (EMBED_DIM, EMBED_DIM), dtype=jnp.float32) * s
    return {'x': x, 'z': z, 'x_grid': x_grid, 'z_grid': z_grid, 'latent': latent, 'Wq': Wq, 'Wk': Wk, 'Wv': Wv, 'Wo': Wo}


def reference(x, z, x_grid, z_grid, latent, Wq, Wk, Wv, Wo):
    b = x.shape[0]
    x_grid_flat, _ = flatten_grid(x_grid)
    num_grid_points = x_grid_flat.shape[1]
    # grid_shape is None -> latent is a single embed vector broadcast over grid
    z0_grid = jnp.broadcast_to(latent[None, None, None, :], z_grid.shape)
    nearest_idx = nearest_gridded_neighbours(x, x_grid)
    cumcount_idx = compute_cumcount_idx(nearest_idx)
    joint_grid, att_mask = construct_nearest_neighbour_matrix(nearest_idx, cumcount_idx, z, z_grid, num_grid_points)
    z0_flat, unflatten = flatten_grid(z0_grid)
    z0_q = z0_flat.reshape(b * num_grid_points, 1, EMBED_DIM)
    z_out = mhca(z0_q, joint_grid, att_mask, Wq, Wk, Wv, Wo)
    z_out = z_out.reshape(b, num_grid_points, EMBED_DIM)
    z_grid_new = unflatten(z_out)
    return (x_grid, z_grid_new)

if __name__ == "__main__":
    import jax
    _d = setup_inputs()
    print(jax.jit(kernel)(*tuple(_d.values())))

</pallas_src>

<mosaic_0001>
#map = affine_map<(d0, d1) -> (0, 0, 0, 0)>
#map1 = affine_map<(d0, d1) -> (0, 0, 0)>
module attributes {stable_mosaic.version = 14 : i64} {
  func.func @_sc_body(%arg0: i32, %arg1: i32, %arg2: memref<4x16x16x4096xf32, #tpu.memory_space<hbm>>, %arg3: memref<4x16x16x4096xf32, #tpu.memory_space<hbm>>, %arg4: memref<4x1x65536xi32, #tpu.memory_space<hbm>>, %arg5: memref<4x16x16x4096xf32, #tpu.memory_space<hbm>>, %arg6: memref<16x4097xf32, #tpu.memory_space<vmem>>, %arg7: memref<16x513xf32, #tpu.memory_space<vmem>>, %arg8: memref<16x513xf32, #tpu.memory_space<vmem>>, %arg9: memref<8192xi32, #tpu.memory_space<vmem>>, %arg10: memref<8192xi32, #tpu.memory_space<vmem>>, %arg11: memref<!tpu.dma_semaphore, #tpu.memory_space<semaphore_mem>>, %arg12: memref<!tpu.dma_semaphore, #tpu.memory_space<semaphore_mem>>) attributes {dimension_semantics = [#tpu.dimension_semantics<core_parallel>, #tpu.dimension_semantics<subcore_parallel>], iteration_bounds = array<i64: 2, 16>, scalar_prefetch = 0 : i64, scratch_operands = 7 : i64, tpu.core_type = #tpu.core_type<sc_vector_subcore>, window_params = [{transform_indices = #map}, {transform_indices = #map}, {transform_indices = #map1}, {transform_indices = #map}]} {
    %mul3A = arith.constant 16 : i32
    %mul3A_0 = arith.muli %arg0, %mul3A : i32
    %add3A = arith.addi %mul3A_0, %arg1 : i32
    %add3A_1 = arith.constant 0 : i32
    %add3A_2 = arith.addi %add3A, %add3A_1 : i32
    %jit3A = arith.constant 16 : i32
    %div3A = arith.divsi %add3A_2, %jit3A : i32
    %sign3A = arith.constant 0 : i32
    %sign3A_3 = arith.cmpi sgt, %add3A_2, %sign3A : i32
    %sign3A_4 = arith.extui %sign3A_3 : i1 to i32
    %sign3A_5 = arith.constant 0 : i32
    %sign3A_6 = arith.cmpi slt, %add3A_2, %sign3A_5 : i32
    %sign3A_7 = arith.extui %sign3A_6 : i1 to i32
    %sign3A_8 = arith.subi %sign3A_4, %sign3A_7 : i32
    %sign3A_9 = arith.constant 0 : i32
    %sign3A_10 = arith.cmpi sgt, %jit3A, %sign3A_9 : i32
    %sign3A_11 = arith.extui %sign3A_10 : i1 to i32
    %sign3A_12 = arith.constant 0 : i32
    %sign3A_13 = arith.cmpi slt, %jit3A, %sign3A_12 : i32
    %sign3A_14 = arith.extui %sign3A_13 : i1 to i32
    %sign3A_15 = arith.subi %sign3A_11, %sign3A_14 : i32
    %ne3A = arith.cmpi ne, %sign3A_8, %sign3A_15 : i32
    %rem3A = arith.remsi %add3A_2, %jit3A : i32
    %ne3A_16 = arith.constant 0 : i32
    %ne3A_17 = arith.cmpi ne, %rem3A, %ne3A_16 : i32
    %and3A = arith.andi %ne3A, %ne3A_17 : i1
    %sub3A = arith.constant 1 : i32
    %sub3A_18 = arith.subi %div3A, %sub3A : i32
    %select_n3A = arith.select %and3A, %sub3A_18, %div3A : i32
    %jit3A_19 = arith.constant 16 : i32
    %eq3A = arith.constant 0 : i32
    %eq3A_20 = arith.cmpi eq, %jit3A_19, %eq3A : i32
    %jit3A_21 = arith.constant 1 : i32
    %select_n3A_22 = arith.select %eq3A_20, %jit3A_21, %jit3A_19 : i32
    %rem3A_23 = arith.remsi %add3A_2, %select_n3A_22 : i32
    %ne3A_24 = arith.constant 0 : i32
    %ne3A_25 = arith.cmpi ne, %rem3A_23, %ne3A_24 : i32
    %lt3A = arith.constant 0 : i32
    %lt3A_26 = arith.cmpi slt, %rem3A_23, %lt3A : i32
    %lt3A_27 = arith.constant 0 : i32
    %lt3A_28 = arith.cmpi slt, %select_n3A_22, %lt3A_27 : i32
    %ne3A_29 = arith.xori %lt3A_26, %lt3A_28 : i1
    %and3A_30 = arith.andi %ne3A_29, %ne3A_25 : i1
    %add3A_31 = arith.addi %rem3A_23, %select_n3A_22 : i32
    %select_n3A_32 = arith.select %and3A_30, %add3A_31, %rem3A_23 : i32
    %dma_start3A = arith.constant 0 : i32
    %dma_start3A_33 = arith.constant 0 : i32
    %dma_start3A_34 = tpu.memref_slice %arg7[%dma_start3A, %dma_start3A_33] : memref<16x513xf32, #tpu.memory_space<vmem>> -> memref<16x512xf32, #tpu.memory_space<vmem>>
    %dma_start3A_35 = arith.constant 0 : i32
    %dma_start3A_36 = arith.constant 0 : i32
    %dma_start3A_37 = tpu.memref_slice %arg2[%select_n3A, %select_n3A_32, %dma_start3A_35, %dma_start3A_36] : memref<4x16x16x4096xf32, #tpu.memory_space<hbm>> -> memref<1x1x16x512xf32, #tpu.memory_space<hbm>>
    %dma_start3A_38 = tpu.memref_squeeze %dma_start3A_37 : memref<1x1x16x512xf32, #tpu.memory_space<hbm>> -> memref<16x512xf32, #tpu.memory_space<hbm>>
    %dma_start3A_39 = arith.constant 0 : i32
    %dma_start3A_40 = arith.constant 0 : i32
    %dma_start3A_41 = tpu.memref_slice %arg7[%dma_start3A_39, %dma_start3A_40] : memref<16x513xf32, #tpu.memory_space<vmem>> -> memref<16x512xf32, #tpu.memory_space<vmem>>
    %dma_start3A_42 = arith.constant 0 : i32
    %dma_start3A_43 = arith.constant 0 : i32
    %dma_start3A_44 = tpu.memref_slice %arg2[%select_n3A, %select_n3A_32, %dma_start3A_42, %dma_start3A_43] : memref<4x16x16x4096xf32, #tpu.memory_space<hbm>> -> memref<1x1x16x512xf32, #tpu.memory_space<hbm>>
    %dma_start3A_45 = tpu.memref_squeeze %dma_start3A_44 : memref<1x1x16x512xf32, #tpu.memory_space<hbm>> -> memref<16x512xf32, #tpu.memory_space<hbm>>
    tpu.enqueue_dma source(%dma_start3A_45 : memref<16x512xf32, #tpu.memory_space<hbm>>) target(%dma_start3A_41 : memref<16x512xf32, #tpu.memory_space<vmem>>) target_semaphore(%arg11 : memref<!tpu.dma_semaphore, #tpu.memory_space<semaphore_mem>>)
    %dma_start3A_46 = arith.constant 0 : i32
    %dma_start3A_47 = arith.constant 0 : i32
    %dma_start3A_48 = tpu.memref_slice %arg4[%select_n3A, %dma_start3A_46, %dma_start3A_47] : memref<4x1x65536xi32, #tpu.memory_space<hbm>> -> memref<1x1x8192xi32, #tpu.memory_space<hbm>>
    %dma_start3A_49 = tpu.memref_squeeze %dma_start3A_48 : memref<1x1x8192xi32, #tpu.memory_space<hbm>> -> memref<8192xi32, #tpu.memory_space<hbm>>
    %dma_start3A_50 = arith.constant 0 : i32
    %dma_start3A_51 = tpu.memref_slice %arg4[%select_n3A, %dma_start3A_46, %dma_start3A_50] : memref<4x1x65536xi32, #tpu.memory_space<hbm>> -> memref<1x1x8192xi32, #tpu.memory_space<hbm>>
    %dma_start3A_52 = tpu.memref_squeeze %dma_start3A_51 : memref<1x1x8192xi32, #tpu.memory_space<hbm>> -> memref<8192xi32, #tpu.memory_space<hbm>>
    tpu.enqueue_dma source(%dma_start3A_52 : memref<8192xi32, #tpu.memory_space<hbm>>) target(%arg9 : memref<8192xi32, #tpu.memory_space<vmem>>) target_semaphore(%arg11 : memref<!tpu.dma_semaphore, #tpu.memory_space<semaphore_mem>>)
    "tpu.region"() ({
      %run_scoped3A = tpu.sem_alloc : memref<!tpu.dma_semaphore, #tpu.memory_space<semaphore_mem>>
      %dma_start3A_840 = arith.constant 0 : i32
      %dma_start3A_841 = arith.constant 0 : i32
      %dma_start3A_842 = tpu.memref_slice %arg6[%dma_start3A_840, %dma_start3A_841] : memref<16x4097xf32, #tpu.memory_space<vmem>> -> memref<16x4096xf32, #tpu.memory_space<vmem>>
      %dma_start3A_843 = arith.constant 0 : i32
      %dma_start3A_844 = arith.constant 0 : i32
      %dma_start3A_845 = tpu.memref_slice %arg3[%select_n3A, %select_n3A_32, %dma_start3A_843, %dma_start3A_844] : memref<4x16x16x4096xf32, #tpu.memory_space<hbm>> -> memref<1x1x16x4096xf32, #tpu.memory_space<hbm>>
      %dma_start3A_846 = tpu.memref_squeeze %dma_start3A_845 : memref<1x1x16x4096xf32, #tpu.memory_space<hbm>> -> memref<16x4096xf32, #tpu.memory_space<hbm>>
      %dma_start3A_847 = arith.constant 0 : i32
      %dma_start3A_848 = arith.constant 0 : i32
      %dma_start3A_849 = tpu.memref_slice %arg6[%dma_start3A_847, %dma_start3A_848] : memref<16x4097xf32, #tpu.memory_space<vmem>> -> memref<16x4096xf32, #tpu.memory_space<vmem>>
      %dma_start3A_850 = arith.constant 0 : i32
      %dma_start3A_851 = arith.constant 0 : i32
      %dma_start3A_852 = tpu.memref_slice %arg3[%select_n3A, %select_n3A_32, %dma_start3A_850, %dma_start3A_851] : memref<4x16x16x4096xf32, #tpu.memory_space<hbm>> -> memref<1x1x16x4096xf32, #tpu.memory_space<hbm>>
      %dma_start3A_853 = tpu.memref_squeeze %dma_start3A_852 : memref<1x1x16x4096xf32, #tpu.memory_space<hbm>> -> memref<16x4096xf32, #tpu.memory_space<hbm>>
      tpu.enqueue_dma source(%dma_start3A_853 : memref<16x4096xf32, #tpu.memory_space<hbm>>) target(%dma_start3A_849 : memref<16x4096xf32, #tpu.memory_space<vmem>>) target_semaphore(%run_scoped3A : memref<!tpu.dma_semaphore, #tpu.memory_space<semaphore_mem>>)
      %dma_wait3A_854 = arith.constant 0 : i32
      %dma_wait3A_855 = arith.constant 0 : i32
      %dma_wait3A_856 = tpu.memref_slice %arg6[%dma_wait3A_854, %dma_wait3A_855] : memref<16x4097xf32, #tpu.memory_space<vmem>> -> memref<16x4096xf32, #tpu.memory_space<vmem>>
      %dma_wait3A_857 = arith.constant 0 : i32
      %dma_wait3A_858 = arith.constant 0 : i32
      %dma_wait3A_859 = tpu.memref_slice %arg3[%select_n3A, %select_n3A_32, %dma_wait3A_857, %dma_wait3A_858] : memref<4x16x16x4096xf32, #tpu.memory_space<hbm>> -> memref<1x1x16x4096xf32, #tpu.memory_space<hbm>>
      %dma_wait3A_860 = tpu.memref_squeeze %dma_wait3A_859 : memref<1x1x16x4096xf32, #tpu.memory_space<hbm>> -> memref<16x4096xf32, #tpu.memory_space<hbm>>
      %dma_wait3A_861 = arith.constant 0 : i32
      %dma_wait3A_862 = arith.constant 0 : i32
      %dma_wait3A_863 = tpu.memref_slice %arg6[%dma_wait3A_861, %dma_wait3A_862] : memref<16x4097xf32, #tpu.memory_space<vmem>> -> memref<16x4096xf32, #tpu.memory_space<vmem>>
      %dma_wait3A_864 = arith.constant 0 : i32
      %dma_wait3A_865 = arith.constant 0 : i32
      %dma_wait3A_866 = tpu.memref_slice %arg3[%select_n3A, %select_n3A_32, %dma_wait3A_864, %dma_wait3A_865] : memref<4x16x16x4096xf32, #tpu.memory_space<hbm>> -> memref<1x1x16x4096xf32, #tpu.memory_space<hbm>>
      %dma_wait3A_867 = tpu.memref_squeeze %dma_wait3A_866 : memref<1x1x16x4096xf32, #tpu.memory_space<hbm>> -> memref<16x4096xf32, #tpu.memory_space<hbm>>
      tpu.wait_dma2 semaphore(%run_scoped3A : memref<!tpu.dma_semaphore, #tpu.memory_space<semaphore_mem>>) src(%dma_wait3A_867 : memref<16x4096xf32, #tpu.memory_space<hbm>>) dst(%dma_wait3A_863 : memref<16x4096xf32, #tpu.memory_space<vmem>>)
      tpu.yield
    }) : () -> ()
    %dma_wait3A = arith.constant 0 : i32
    %dma_wait3A_53 = arith.constant 0 : i32
    %dma_wait3A_54 = tpu.memref_slice %arg7[%dma_wait3A, %dma_wait3A_53] : memref<16x513xf32, #tpu.memory_space<vmem>> -> memref<16x512xf32, #tpu.memory_space<vmem>>
    %dma_wait3A_55 = arith.constant 0 : i32
    %dma_wait3A_56 = arith.constant 0 : i32
    %dma_wait3A_57 = tpu.memref_slice %arg2[%select_n3A, %select_n3A_32, %dma_wait3A_55, %dma_wait3A_56] : memref<4x16x16x4096xf32, #tpu.memory_space<hbm>> -> memref<1x1x16x512xf32, #tpu.memory_space<hbm>>
    %dma_wait3A_58 = tpu.memref_squeeze %dma_wait3A_57 : memref<1x1x16x512xf32, #tpu.memory_space<hbm>> -> memref<16x512xf32, #tpu.memory_space<hbm>>
    %dma_wait3A_59 = arith.constant 0 : i32
    %dma_wait3A_60 = arith.constant 0 : i32
    %dma_wait3A_61 = tpu.memref_slice %arg7[%dma_wait3A_59, %dma_wait3A_60] : memref<16x513xf32, #tpu.memory_space<vmem>> -> memref<16x512xf32, #tpu.memory_space<vmem>>
    %dma_wait3A_62 = arith.constant 0 : i32
    %dma_wait3A_63 = arith.constant 0 : i32
    %dma_wait3A_64 = tpu.memref_slice %arg2[%select_n3A, %select_n3A_32, %dma_wait3A_62, %dma_wait3A_63] : memref<4x16x16x4096xf32, #tpu.memory_space<hbm>> -> memref<1x1x16x512xf32, #tpu.memory_space<hbm>>
    %dma_wait3A_65 = tpu.memref_squeeze %dma_wait3A_64 : memref<1x1x16x512xf32, #tpu.memory_space<hbm>> -> memref<16x512xf32, #tpu.memory_space<hbm>>
    tpu.wait_dma2 semaphore(%arg11 : memref<!tpu.dma_semaphore, #tpu.memory_space<semaphore_mem>>) src(%dma_wait3A_65 : memref<16x512xf32, #tpu.memory_space<hbm>>) dst(%dma_wait3A_61 : memref<16x512xf32, #tpu.memory_space<vmem>>)
    %dma_wait3A_66 = arith.constant 0 : i32
    %dma_wait3A_67 = arith.constant 0 : i32
    %dma_wait3A_68 = tpu.memref_slice %arg4[%select_n3A, %dma_wait3A_66, %dma_wait3A_67] : memref<4x1x65536xi32, #tpu.memory_space<hbm>> -> memref<1x1x8192xi32, #tpu.memory_space<hbm>>
    %dma_wait3A_69 = tpu.memref_squeeze %dma_wait3A_68 : memref<1x1x8192xi32, #tpu.memory_space<hbm>> -> memref<8192xi32, #tpu.memory_space<hbm>>
    %dma_wait3A_70 = arith.constant 0 : i32
    %dma_wait3A_71 = tpu.memref_slice %arg4[%select_n3A, %dma_wait3A_66, %dma_wait3A_70] : memref<4x1x65536xi32, #tpu.memory_space<hbm>> -> memref<1x1x8192xi32, #tpu.memory_space<hbm>>
    %dma_wait3A_72 = tpu.memref_squeeze %dma_wait3A_71 : memref<1x1x8192xi32, #tpu.memory_space<hbm>> -> memref<8192xi32, #tpu.memory_space<hbm>>
    tpu.wait_dma2 semaphore(%arg11 : memref<!tpu.dma_semaphore, #tpu.memory_space<semaphore_mem>>) src(%dma_wait3A_72 : memref<8192xi32, #tpu.memory_space<hbm>>) dst(%arg9 : memref<8192xi32, #tpu.memory_space<vmem>>)
    %dma_start3A_73 = arith.constant 0 : i32
    %dma_start3A_74 = arith.constant 0 : i32
    %dma_start3A_75 = tpu.memref_slice %arg8[%dma_start3A_73, %dma_start3A_74] : memref<16x513xf32, #tpu.memory_space<vmem>> -> memref<16x512xf32, #tpu.memory_space<vmem>>
    %dma_start3A_76 = arith.constant 0 : i32
    %dma_start3A_77 = arith.constant 512 : i32
    %dma_start3A_78 = tpu.memref_slice %arg2[%select_n3A, %select_n3A_32, %dma_start3A_76, %dma_start3A_77] : memref<4x16x16x4096xf32, #tpu.memory_space<hbm>> -> memref<1x1x16x512xf32, #tpu.memory_space<hbm>>
    %dma_start3A_79 = tpu.memref_squeeze %dma_start3A_78 : memref<1x1x16x512xf32, #tpu.memory_space<hbm>> -> memref<16x512xf32, #tpu.memory_space<hbm>>
    %dma_start3A_80 = arith.constant 0 : i32
    %dma_start3A_81 = arith.constant 0 : i32
    %dma_start3A_82 = tpu.memref_slice %arg8[%dma_start3A_80, %dma_start3A_81] : memref<16x513xf32, #tpu.memory_space<vmem>> -> memref<16x512xf32, #tpu.memory_space<vmem>>
    %dma_start3A_83 = arith.constant 0 : i32
    %dma_start3A_84 = arith.constant 512 : i32
    %dma_start3A_85 = tpu.memref_slice %arg2[%select_n3A, %select_n3A_32, %dma_start3A_83, %dma_start3A_84] : memref<4x16x16x4096xf32, #tpu.memory_space<hbm>> -> memref<1x1x16x512xf32, #tpu.memory_space<hbm>>
    %dma_start3A_86 = tpu.memref_squeeze %dma_start3A_85 : memref<1x1x16x512xf32, #tpu.memory_space<hbm>> -> memref<16x512xf32, #tpu.memory_space<hbm>>
    tpu.enqueue_dma source(%dma_start3A_86 : memref<16x512xf32, #tpu.memory_space<hbm>>) target(%dma_start3A_82 : memref<16x512xf32, #tpu.memory_space<vmem>>) target_semaphore(%arg12 : memref<!tpu.dma_semaphore, #tpu.memory_space<semaphore_mem>>)
    %dma_start3A_87 = arith.constant 0 : i32
    %dma_start3A_88 = arith.constant 8192 : i32
    %dma_start3A_89 = tpu.memref_slice %arg4[%select_n3A, %dma_start3A_87, %dma_start3A_88] : memref<4x1x65536xi32, #tpu.memory_space<hbm>> -> memref<1x1x8192xi32, #tpu.memory_space<hbm>>
    %dma_start3A_90 = tpu.memref_squeeze %dma_start3A_89 : memref<1x1x8192xi32, #tpu.memory_space<hbm>> -> memref<8192xi32, #tpu.memory_space<hbm>>
    %dma_start3A_91 = arith.constant 8192 : i32
    %dma_start3A_92 = tpu.memref_slice %arg4[%select_n3A, %dma_start3A_87, %dma_start3A_91] : memref<4x1x65536xi32, #tpu.memory_space<hbm>> -> memref<1x1x8192xi32, #tpu.memory_space<hbm>>
    %dma_start3A_93 = tpu.memref_squeeze %dma_start3A_92 : memref<1x1x8192xi32, #tpu.memory_space<hbm>> -> memref<8192xi32, #tpu.memory_space<hbm>>
    tpu.enqueue_dma source(%dma_start3A_93 : memref<8192xi32, #tpu.memory_space<hbm>>) target(%arg10 : memref<8192xi32, #tpu.memory_space<vmem>>) target_semaphore(%arg12 : memref<!tpu.dma_semaphore, #tpu.memory_space<semaphore_mem>>)
    %scan3A = arith.constant 0 : i32
    %scan3A_94 = arith.constant 0 : i32
    %scan3A_95 = arith.constant 512 : i32
    %scan3A_96 = arith.addi %scan3A_94, %scan3A_95 : i32
    %scan3A_97 = arith.constant 8 : i32
    scf.for %scan3A_840 = %scan3A_94 to %scan3A_96 step %scan3A_97  : i32 {
      %iota3A = tpu.iota {dimensions = array<i32: 0>} : vector<16xi32>
      %broadcast_in_dim3A = vector.broadcast %scan3A_840 : i32 to vector<16xi32>
      %mul3A_841 = arith.constant 16 : i32
      %mul3A_842 = arith.muli %scan3A_840, %mul3A_841 : i32
      %get3A = arith.index_cast %mul3A_842 : i32 to index
      %get3A_843 = tpu.vector_load %arg9[%get3A] {strides = array<i32>} : memref<8192xi32, #tpu.memory_space<vmem>>, vector<16xi32>,
      %gather3A = tpu.vector_load_idx %arg7[%iota3A, %broadcast_in_dim3A] : memref<16x513xf32, #tpu.memory_space<vmem>>[vector<16xi32>, vector<16xi32>], vector<16xf32>,
      tpu.vector_store_idx %arg6[%iota3A, %get3A_843], %gather3A {add = true} : memref<16x4097xf32, #tpu.memory_space<vmem>>[vector<16xi32>, vector<16xi32>], vector<16xf32>,
      %scan3A_844 = arith.constant 1 : i32
      %scan3A_845 = arith.addi %scan3A_840, %scan3A_844 : i32
      %iota3A_846 = tpu.iota {dimensions = array<i32: 0>} : vector<16xi32>
      %broadcast_in_dim3A_847 = vector.broadcast %scan3A_845 : i32 to vector<16xi32>
      %mul3A_848 = arith.constant 16 : i32
      %mul3A_849 = arith.muli %scan3A_845, %mul3A_848 : i32
      %get3A_850 = arith.index_cast %mul3A_849 : i32 to index
      %get3A_851 = tpu.vector_load %arg9[%get3A_850] {strides = array<i32>} : memref<8192xi32, #tpu.memory_space<vmem>>, vector<16xi32>,
      %gather3A_852 = tpu.vector_load_idx %arg7[%iota3A_846, %broadcast_in_dim3A_847] : memref<16x513xf32, #tpu.memory_space<vmem>>[vector<16xi32>, vector<16xi32>], vector<16xf32>,
      tpu.vector_store_idx %arg6[%iota3A_846, %get3A_851], %gather3A_852 {add = true} : memref<16x4097xf32, #tpu.memory_space<vmem>>[vector<16xi32>, vector<16xi32>], vector<16xf32>,
      %scan3A_853 = arith.constant 2 : i32
      %scan3A_854 = arith.addi %scan3A_840, %scan3A_853 : i32
      %iota3A_855 = tpu.iota {dimensions = array<i32: 0>} : vector<16xi32>
      %broadcast_in_dim3A_856 = vector.broadcast %scan3A_854 : i32 to vector<16xi32>
      %mul3A_857 = arith.constant 16 : i32
      %mul3A_858 = arith.muli %scan3A_854, %mul3A_857 : i32
      %get3A_859 = arith.index_cast %mul3A_858 : i32 to index
      %get3A_860 = tpu.vector_load %arg9[%get3A_859] {strides = array<i32>} : memref<8192xi32, #tpu.memory_space<vmem>>, vector<16xi32>,
      %gather3A_861 = tpu.vector_load_idx %arg7[%iota3A_855, %broadcast_in_dim3A_856] : memref<16x513xf32, #tpu.memory_space<vmem>>[vector<16xi32>, vector<16xi32>], vector<16xf32>,
      tpu.vector_store_idx %arg6[%iota3A_855, %get3A_860], %gather3A_861 {add = true} : memref<16x4097xf32, #tpu.memory_space<vmem>>[vector<16xi32>, vector<16xi32>], vector<16xf32>,
      %scan3A_862 = arith.constant 3 : i32
      %scan3A_863 = arith.addi %scan3A_840, %scan3A_862 : i32
      %iota3A_864 = tpu.iota {dimensions = array<i32: 0>} : vector<16xi32>
      %broadcast_in_dim3A_865 = vector.broadcast %scan3A_863 : i32 to vector<16xi32>
      %mul3A_866 = arith.constant 16 : i32
      %mul3A_867 = arith.muli %scan3A_863, %mul3A_866 : i32
      %get3A_868 = arith.index_cast %mul3A_867 : i32 to index
      %get3A_869 = tpu.vector_load %arg9[%get3A_868] {strides = array<i32>} : memref<8192xi32, #tpu.memory_space<vmem>>, vector<16xi32>,
      %gather3A_870 = tpu.vector_load_idx %arg7[%iota3A_864, %broadcast_in_dim3A_865] : memref<16x513xf32, #tpu.memory_space<vmem>>[vector<16xi32>, vector<16xi32>], vector<16xf32>,
      tpu.vector_store_idx %arg6[%iota3A_864, %get3A_869], %gather3A_870 {add = true} : memref<16x4097xf32, #tpu.memory_space<vmem>>[vector<16xi32>, vector<16xi32>], vector<16xf32>,
      %scan3A_871 = arith.constant 4 : i32
      %scan3A_872 = arith.addi %scan3A_840, %scan3A_871 : i32
      %iota3A_873 = tpu.iota {dimensions = array<i32: 0>} : vector<16xi32>
      %broadcast_in_dim3A_874 = vector.broadcast %scan3A_872 : i32 to vector<16xi32>
      %mul3A_875 = arith.constant 16 : i32
      %mul3A_876 = arith.muli %scan3A_872, %mul3A_875 : i32
      %get3A_877 = arith.index_cast %mul3A_876 : i32 to index
      %get3A_878 = tpu.vector_load %arg9[%get3A_877] {strides = array<i32>} : memref<8192xi32, #tpu.memory_space<vmem>>, vector<16xi32>,
      %gather3A_879 = tpu.vector_load_idx %arg7[%iota3A_873, %broadcast_in_dim3A_874] : memref<16x513xf32, #tpu.memory_space<vmem>>[vector<16xi32>, vector<16xi32>], vector<16xf32>,
      tpu.vector_store_idx %arg6[%iota3A_873, %get3A_878], %gather3A_879 {add = true} : memref<16x4097xf32, #tpu.memory_space<vmem>>[vector<16xi32>, vector<16xi32>], vector<16xf32>,
      %scan3A_880 = arith.constant 5 : i32
      %scan3A_881 = arith.addi %scan3A_840, %scan3A_880 : i32
      %iota3A_882 = tpu.iota {dimensions = array<i32: 0>} : vector<16xi32>
      %broadcast_in_dim3A_883 = vector.broadcast %scan3A_881 : i32 to vector<16xi32>
      %mul3A_884 = arith.constant 16 : i32
      %mul3A_885 = arith.muli %scan3A_881, %mul3A_884 : i32
      %get3A_886 = arith.index_cast %mul3A_885 : i32 to index
      %get3A_887 = tpu.vector_load %arg9[%get3A_886] {strides = array<i32>} : memref<8192xi32, #tpu.memory_space<vmem>>, vector<16xi32>,
      %gather3A_888 = tpu.vector_load_idx %arg7[%iota3A_882, %broadcast_in_dim3A_883] : memref<16x513xf32, #tpu.memory_space<vmem>>[vector<16xi32>, vector<16xi32>], vector<16xf32>,
      tpu.vector_store_idx %arg6[%iota3A_882, %get3A_887], %gather3A_888 {add = true} : memref<16x4097xf32, #tpu.memory_space<vmem>>[vector<16xi32>, vector<16xi32>], vector<16xf32>,
      %scan3A_889 = arith.constant 6 : i32
      %scan3A_890 = arith.addi %scan3A_840, %scan3A_889 : i32
      %iota3A_891 = tpu.iota {dimensions = array<i32: 0>} : vector<16xi32>
      %broadcast_in_dim3A_892 = vector.broadcast %scan3A_890 : i32 to vector<16xi32>
      %mul3A_893 = arith.constant 16 : i32
      %mul3A_894 = arith.muli %scan3A_890, %mul3A_893 : i32
      %get3A_895 = arith.index_cast %mul3A_894 : i32 to index
      %get3A_896 = tpu.vector_load %arg9[%get3A_895] {strides = array<i32>} : memref<8192xi32, #tpu.memory_space<vmem>>, vector<16xi32>,
      %gather3A_897 = tpu.vector_load_idx %arg7[%iota3A_891, %broadcast_in_dim3A_892] : memref<16x513xf32, #tpu.memory_space<vmem>>[vector<16xi32>, vector<16xi32>], vector<16xf32>,
      tpu.vector_store_idx %arg6[%iota3A_891, %get3A_896], %gather3A_897 {add = true} : memref<16x4097xf32, #tpu.memory_space<vmem>>[vector<16xi32>, vector<16xi32>], vector<16xf32>,
      %scan3A_898 = arith.constant 7 : i32
      %scan3A_899 = arith.addi %scan3A_840, %scan3A_898 : i32
      %iota3A_900 = tpu.iota {dimensions = array<i32: 0>} : vector<16xi32>
      %broadcast_in_dim3A_901 = vector.broadcast %scan3A_899 : i32 to vector<16xi32>
      %mul3A_902 = arith.constant 16 : i32
      %mul3A_903 = arith.muli %scan3A_899, %mul3A_902 : i32
      %get3A_904 = arith.index_cast %mul3A_903 : i32 to index
      %get3A_905 = tpu.vector_load %arg9[%get3A_904] {strides = array<i32>} : memref<8192xi32, #tpu.memory_space<vmem>>, vector<16xi32>,
      %gather3A_906 = tpu.vector_load_idx %arg7[%iota3A_900, %broadcast_in_dim3A_901] : memref<16x513xf32, #tpu.memory_space<vmem>>[vector<16xi32>, vector<16xi32>], vector<16xf32>,
      tpu.vector_store_idx %arg6[%iota3A_900, %get3A_905], %gather3A_906 {add = true} : memref<16x4097xf32, #tpu.memory_space<vmem>>[vector<16xi32>, vector<16xi32>], vector<16xf32>,
    }
    %scan3A_98 = arith.constant 512 : i32
    %dma_wait3A_99 = arith.constant 0 : i32
    %dma_wait3A_100 = arith.constant 0 : i32
    %dma_wait3A_101 = tpu.memref_slice %arg8[%dma_wait3A_99, %dma_wait3A_100] : memref<16x513xf32, #tpu.memory_space<vmem>> -> memref<16x512xf32, #tpu.memory_space<vmem>>
    %dma_wait3A_102 = arith.constant 0 : i32
    %dma_wait3A_103 = arith.constant 512 : i32
    %dma_wait3A_104 = tpu.memref_slice %arg2[%select_n3A, %select_n3A_32, %dma_wait3A_102, %dma_wait3A_103] : memref<4x16x16x4096xf32, #tpu.memory_space<hbm>> -> memref<1x1x16x512xf32, #tpu.memory_space<hbm>>
    %dma_wait3A_105 = tpu.memref_squeeze %dma_wait3A_104 : memref<1x1x16x512xf32, #tpu.memory_space<hbm>> -> memref<16x512xf32, #tpu.memory_space<hbm>>
    %dma_wait3A_106 = arith.constant 0 : i32
    %dma_wait3A_107 = arith.constant 0 : i32
    %dma_wait3A_108 = tpu.memref_slice %arg8[%dma_wait3A_106, %dma_wait3A_107] : memref<16x513xf32, #tpu.memory_space<vmem>> -> memref<16x512xf32, #tpu.memory_space<vmem>>
    %dma_wait3A_109 = arith.constant 0 : i32
    %dma_wait3A_110 = arith.constant 512 : i32
    %dma_wait3A_111 = tpu.memref_slice %arg2[%select_n3A, %select_n3A_32, %dma_wait3A_109, %dma_wait3A_110] : memref<4x16x16x4096xf32, #tpu.memory_space<hbm>> -> memref<1x1x16x512xf32, #tpu.memory_space<hbm>>
    %dma_wait3A_112 = tpu.memref_squeeze %dma_wait3A_111 : memref<1x1x16x512xf32, #tpu.memory_space<hbm>> -> memref<16x512xf32, #tpu.memory_space<hbm>>
    tpu.wait_dma2 semaphore(%arg12 : memref<!tpu.dma_semaphore, #tpu.memory_space<semaphore_mem>>) src(%dma_wait3A_112 : memref<16x512xf32, #tpu.memory_space<hbm>>) dst(%dma_wait3A_108 : memref<16x512xf32, #tpu.memory_space<vmem>>)
    %dma_wait3A_113 = arith.constant 0 : i32
    %dma_wait3A_114 = arith.constant 8192 : i32
    %dma_wait3A_115 = tpu.memref_slice %arg4[%select_n3A, %dma_wait3A_113, %dma_wait3A_114] : memref<4x1x65536xi32, #tpu.memory_space<hbm>> -> memref<1x1x8192xi32, #tpu.memory_space<hbm>>
    %dma_wait3A_116 = tpu.memref_squeeze %dma_wait3A_115 : memref<1x1x8192xi32, #tpu.memory_space<hbm>> -> memref<8192xi32, #tpu.memory_space<hbm>>
    %dma_wait3A_117 = arith.constant 8192 : i32
    %dma_wait3A_118 = tpu.memref_slice %arg4[%select_n3A, %dma_wait3A_113, %dma_wait3A_117] : memref<4x1x65536xi32, #tpu.memory_space<hbm>> -> memref<1x1x8192xi32, #tpu.memory_space<hbm>>
    %dma_wait3A_119 = tpu.memref_squeeze %dma_wait3A_118 : memref<1x1x8192xi32, #tpu.memory_space<hbm>> -> memref<8192xi32, #tpu.memory_space<hbm>>
    tpu.wait_dma2 semaphore(%arg12 : memref<!tpu.dma_semaphore, #tpu.memory_space<semaphore_mem>>) src(%dma_wait3A_119 : memref<8192xi32, #tpu.memory_space<hbm>>) dst(%arg10 : memref<8192xi32, #tpu.memory_space<vmem>>)
    %dma_start3A_120 = arith.constant 0 : i32
    %dma_start3A_121 = arith.constant 0 : i32
    %dma_start3A_122 = tpu.memref_slice %arg7[%dma_start3A_120, %dma_start3A_121] : memref<16x513xf32, #tpu.memory_space<vmem>> -> memref<16x512xf32, #tpu.memory_space<vmem>>
    %dma_start3A_123 = arith.constant 0 : i32
    %dma_start3A_124 = arith.constant 1024 : i32
    %dma_start3A_125 = tpu.memref_slice %arg2[%select_n3A, %select_n3A_32, %dma_start3A_123, %dma_start3A_124] : memref<4x16x16x4096xf32, #tpu.memory_space<hbm>> -> memref<1x1x16x512xf32, #tpu.memory_space<hbm>>
    %dma_start3A_126 = tpu.memref_squeeze %dma_start3A_125 : memref<1x1x16x512xf32, #tpu.memory_space<hbm>> -> memref<16x512xf32, #tpu.memory_space<hbm>>
    %dma_start3A_127 = arith.constant 0 : i32
    %dma_start3A_128 = arith.constant 0 : i32
    %dma_start3A_129 = tpu.memref_slice %arg7[%dma_start3A_127, %dma_start3A_128] : memref<16x513xf32, #tpu.memory_space<vmem>> -> memref<16x512xf32, #tpu.memory_space<vmem>>
    %dma_start3A_130 = arith.constant 0 : i32
    %dma_start3A_131 = arith.constant 1024 : i32
    %dma_start3A_132 = tpu.memref_slice %arg2[%select_n3A, %select_n3A_32, %dma_start3A_130, %dma_start3A_131] : memref<4x16x16x4096xf32, #tpu.memory_space<hbm>> -> memref<1x1x16x512xf32, #tpu.memory_space<hbm>>
    %dma_start3A_133 = tpu.memref_squeeze %dma_start3A_132 : memref<1x1x16x512xf32, #tpu.memory_space<hbm>> -> memref<16x512xf32, #tpu.memory_space<hbm>>
    tpu.enqueue_dma source(%dma_start3A_133 : memref<16x512xf32, #tpu.memory_space<hbm>>) target(%dma_start3A_129 : memref<16x512xf32, #tpu.memory_space<vmem>>) target_semaphore(%arg11 : memref<!tpu.dma_semaphore, #tpu.memory_space<semaphore_mem>>)
    %dma_start3A_134 = arith.constant 0 : i32
    %dma_start3A_135 = arith.constant 16384 : i32
    %dma_start3A_136 = tpu.memref_slice %arg4[%select_n3A, %dma_start3A_134, %dma_start3A_135] : memref<4x1x65536xi32, #tpu.memory_space<hbm>> -> memref<1x1x8192xi32, #tpu.memory_space<hbm>>
    %dma_start3A_137 = tpu.memref_squeeze %dma_start3A_136 : memref<1x1x8192xi32, #tpu.memory_space<hbm>> -> memref<8192xi32, #tpu.memory_space<hbm>>
    %dma_start3A_138 = arith.constant 16384 : i32
    %dma_start3A_139 = tpu.memref_slice %arg4[%select_n3A, %dma_start3A_134, %dma_start3A_138] : memref<4x1x65536xi32, #tpu.memory_space<hbm>> -> memref<1x1x8192xi32, #tpu.memory_space<hbm>>
    %dma_start3A_140 = tpu.memref_squeeze %dma_start3A_139 : memref<1x1x8192xi32, #tpu.memory_space<hbm>> -> memref<8192xi32, #tpu.memory_space<hbm>>
    tpu.enqueue_dma source(%dma_start3A_140 : memref<8192xi32, #tpu.memory_space<hbm>>) target(%arg9 : memref<8192xi32, #tpu.memory_space<vmem>>) target_semaphore(%arg11 : memref<!tpu.dma_semaphore, #tpu.memory_space<semaphore_mem>>)
    %scan3A_141 = arith.constant 0 : i32
    %scan3A_142 = arith.constant 0 : i32
    %scan3A_143 = arith.constant 512 : i32
    %scan3A_144 = arith.addi %scan3A_142, %scan3A_143 : i32
    %scan3A_145 = arith.constant 8 : i32
    scf.for %scan3A_840 = %scan3A_142 to %scan3A_144 step %scan3A_145  : i32 {
      %iota3A = tpu.iota {dimensions = array<i32: 0>} : vector<16xi32>
      %broadcast_in_dim3A = vector.broadcast %scan3A_840 : i32 to vector<16xi32>
      %mul3A_841 = arith.constant 16 : i32
      %mul3A_842 = arith.muli %scan3A_840, %mul3A_841 : i32
      %get3A = arith.index_cast %mul3A_842 : i32 to index
      %get3A_843 = tpu.vector_load %arg10[%get3A] {strides = array<i32>} : memref<8192xi32, #tpu.memory_space<vmem>>, vector<16xi32>,
      %gather3A = tpu.vector_load_idx %arg8[%iota3A, %broadcast_in_dim3A] : memref<16x513xf32, #tpu.memory_space<vmem>>[vector<16xi32>, vector<16xi32>], vector<16xf32>,
      tpu.vector_store_idx %arg6[%iota3A, %get3A_843], %gather3A {add = true} : memref<16x4097xf32, #tpu.memory_space<vmem>>[vector<16xi32>, vector<16xi32>], vector<16xf32>,
      %scan3A_844 = arith.constant 1 : i32
      %scan3A_845 = arith.addi %scan3A_840, %scan3A_844 : i32
      %iota3A_846 = tpu.iota {dimensions = array<i32: 0>} : vector<16xi32>
      %broadcast_in_dim3A_847 = vector.broadcast %scan3A_845 : i32 to vector<16xi32>
      %mul3A_848 = arith.constant 16 : i32
      %mul3A_849 = arith.muli %scan3A_845, %mul3A_848 : i32
      %get3A_850 = arith.index_cast %mul3A_849 : i32 to index
      %get3A_851 = tpu.vector_load %arg10[%get3A_850] {strides = array<i32>} : memref<8192xi32, #tpu.memory_space<vmem>>, vector<16xi32>,
      %gather3A_852 = tpu.vector_load_idx %arg8[%iota3A_846, %broadcast_in_dim3A_847] : memref<16x513xf32, #tpu.memory_space<vmem>>[vector<16xi32>, vector<16xi32>], vector<16xf32>,
      tpu.vector_store_idx %arg6[%iota3A_846, %get3A_851], %gather3A_852 {add = true} : memref<16x4097xf32, #tpu.memory_space<vmem>>[vector<16xi32>, vector<16xi32>], vector<16xf32>,
      %scan3A_853 = arith.constant 2 : i32
      %scan3A_854 = arith.addi %scan3A_840, %scan3A_853 : i32
      %iota3A_855 = tpu.iota {dimensions = array<i32: 0>} : vector<16xi32>
      %broadcast_in_dim3A_856 = vector.broadcast %scan3A_854 : i32 to vector<16xi32>
      %mul3A_857 = arith.constant 16 : i32
      %mul3A_858 = arith.muli %scan3A_854, %mul3A_857 : i32
      %get3A_859 = arith.index_cast %mul3A_858 : i32 to index
      %get3A_860 = tpu.vector_load %arg10[%get3A_859] {strides = array<i32>} : memref<8192xi32, #tpu.memory_space<vmem>>, vector<16xi32>,
      %gather3A_861 = tpu.vector_load_idx %arg8[%iota3A_855, %broadcast_in_dim3A_856] : memref<16x513xf32, #tpu.memory_space<vmem>>[vector<16xi32>, vector<16xi32>], vector<16xf32>,
      tpu.vector_store_idx %arg6[%iota3A_855, %get3A_860], %gather3A_861 {add = true} : memref<16x4097xf32, #tpu.memory_space<vmem>>[vector<16xi32>, vector<16xi32>], vector<16xf32>,
      %scan3A_862 = arith.constant 3 : i32
      %scan3A_863 = arith.addi %scan3A_840, %scan3A_862 : i32
      %iota3A_864 = tpu.iota {dimensions = array<i32: 0>} : vector<16xi32>
      %broadcast_in_dim3A_865 = vector.broadcast %scan3A_863 : i32 to vector<16xi32>
      %mul3A_866 = arith.constant 16 : i32
      %mul3A_867 = arith.muli %scan3A_863, %mul3A_866 : i32
      %get3A_868 = arith.index_cast %mul3A_867 : i32 to index
      %get3A_869 = tpu.vector_load %arg10[%get3A_868] {strides = array<i32>} : memref<8192xi32, #tpu.memory_space<vmem>>, vector<16xi32>,
      %gather3A_870 = tpu.vector_load_idx %arg8[%iota3A_864, %broadcast_in_dim3A_865] : memref<16x513xf32, #tpu.memory_space<vmem>>[vector<16xi32>, vector<16xi32>], vector<16xf32>,
      tpu.vector_store_idx %arg6[%iota3A_864, %get3A_869], %gather3A_870 {add = true} : memref<16x4097xf32, #tpu.memory_space<vmem>>[vector<16xi32>, vector<16xi32>], vector<16xf32>,
      %scan3A_871 = arith.constant 4 : i32
      %scan3A_872 = arith.addi %scan3A_840, %scan3A_871 : i32
      %iota3A_873 = tpu.iota {dimensions = array<i32: 0>} : vector<16xi32>
      %broadcast_in_dim3A_874 = vector.broadcast %scan3A_872 : i32 to vector<16xi32>
      %mul3A_875 = arith.constant 16 : i32
      %mul3A_876 = arith.muli %scan3A_872, %mul3A_875 : i32
      %get3A_877 = arith.index_cast %mul3A_876 : i32 to index
      %get3A_878 = tpu.vector_load %arg10[%get3A_877] {strides = array<i32>} : memref<8192xi32, #tpu.memory_space<vmem>>, vector<16xi32>,
      %gather3A_879 = tpu.vector_load_idx %arg8[%iota3A_873, %broadcast_in_dim3A_874] : memref<16x513xf32, #tpu.memory_space<vmem>>[vector<16xi32>, vector<16xi32>], vector<16xf32>,
      tpu.vector_store_idx %arg6[%iota3A_873, %get3A_878], %gather3A_879 {add = true} : memref<16x4097xf32, #tpu.memory_space<vmem>>[vector<16xi32>, vector<16xi32>], vector<16xf32>,
      %scan3A_880 = arith.constant 5 : i32
      %scan3A_881 = arith.addi %scan3A_840, %scan3A_880 : i32
      %iota3A_882 = tpu.iota {dimensions = array<i32: 0>} : vector<16xi32>
      %broadcast_in_dim3A_883 = vector.broadcast %scan3A_881 : i32 to vector<16xi32>
      %mul3A_884 = arith.constant 16 : i32
      %mul3A_885 = arith.muli %scan3A_881, %mul3A_884 : i32
      %get3A_886 = arith.index_cast %mul3A_885 : i32 to index
      %get3A_887 = tpu.vector_load %arg10[%get3A_886] {strides = array<i32>} : memref<8192xi32, #tpu.memory_space<vmem>>, vector<16xi32>,
      %gather3A_888 = tpu.vector_load_idx %arg8[%iota3A_882, %broadcast_in_dim3A_883] : memref<16x513xf32, #tpu.memory_space<vmem>>[vector<16xi32>, vector<16xi32>], vector<16xf32>,
      tpu.vector_store_idx %arg6[%iota3A_882, %get3A_887], %gather3A_888 {add = true} : memref<16x4097xf32, #tpu.memory_space<vmem>>[vector<16xi32>, vector<16xi32>], vector<16xf32>,
      %scan3A_889 = arith.constant 6 : i32
      %scan3A_890 = arith.addi %scan3A_840, %scan3A_889 : i32
      %iota3A_891 = tpu.iota {dimensions = array<i32: 0>} : vector<16xi32>
      %broadcast_in_dim3A_892 = vector.broadcast %scan3A_890 : i32 to vector<16xi32>
      %mul3A_893 = arith.constant 16 : i32
      %mul3A_894 = arith.muli %scan3A_890, %mul3A_893 : i32
      %get3A_895 = arith.index_cast %mul3A_894 : i32 to index
      %get3A_896 = tpu.vector_load %arg10[%get3A_895] {strides = array<i32>} : memref<8192xi32, #tpu.memory_space<vmem>>, vector<16xi32>,
      %gather3A_897 = tpu.vector_load_idx %arg8[%iota3A_891, %broadcast_in_dim3A_892] : memref<16x513xf32, #tpu.memory_space<vmem>>[vector<16xi32>, vector<16xi32>], vector<16xf32>,
      tpu.vector_store_idx %arg6[%iota3A_891, %get3A_896], %gather3A_897 {add = true} : memref<16x4097xf32, #tpu.memory_space<vmem>>[vector<16xi32>, vector<16xi32>], vector<16xf32>,
      %scan3A_898 = arith.constant 7 : i32
      %scan3A_899 = arith.addi %scan3A_840, %scan3A_898 : i32
      %iota3A_900 = tpu.iota {dimensions = array<i32: 0>} : vector<16xi32>
      %broadcast_in_dim3A_901 = vector.broadcast %scan3A_899 : i32 to vector<16xi32>
      %mul3A_902 = arith.constant 16 : i32
      %mul3A_903 = arith.muli %scan3A_899, %mul3A_902 : i32
      %get3A_904 = arith.index_cast %mul3A_903 : i32 to index
      %get3A_905 = tpu.vector_load %arg10[%get3A_904] {strides = array<i32>} : memref<8192xi32, #tpu.memory_space<vmem>>, vector<16xi32>,
      %gather3A_906 = tpu.vector_load_idx %arg8[%iota3A_900, %broadcast_in_dim3A_901] : memref<16x513xf32, #tpu.memory_space<vmem>>[vector<16xi32>, vector<16xi32>], vector<16xf32>,
      tpu.vector_store_idx %arg6[%iota3A_900, %get3A_905], %gather3A_906 {add = true} : memref<16x4097xf32, #tpu.memory_space<vmem>>[vector<16xi32>, vector<16xi32>], vector<16xf32>,
    }
    %scan3A_146 = arith.constant 512 : i32
    %dma_wait3A_147 = arith.constant 0 : i32
    %dma_wait3A_148 = arith.constant 0 : i32
    %dma_wait3A_149 = tpu.memref_slice %arg7[%dma_wait3A_147, %dma_wait3A_148] : memref<16x513xf32, #tpu.memory_space<vmem>> -> memref<16x512xf32, #tpu.memory_space<vmem>>
    %dma_wait3A_150 = arith.constant 0 : i32
    %dma_wait3A_151 = arith.constant 1024 : i32
    %dma_wait3A_152 = tpu.memref_slice %arg2[%select_n3A, %select_n3A_32, %dma_wait3A_150, %dma_wait3A_151] : memref<4x16x16x4096xf32, #tpu.memory_space<hbm>> -> memref<1x1x16x512xf32, #tpu.memory_space<hbm>>
    %dma_wait3A_153 = tpu.memref_squeeze %dma_wait3A_152 : memref<1x1x16x512xf32, #tpu.memory_space<hbm>> -> memref<16x512xf32, #tpu.memory_space<hbm>>
    %dma_wait3A_154 = arith.constant 0 : i32
    %dma_wait3A_155 = arith.constant 0 : i32
    %dma_wait3A_156 = tpu.memref_slice %arg7[%dma_wait3A_154, %dma_wait3A_155] : memref<16x513xf32, #tpu.memory_space<vmem>> -> memref<16x512xf32, #tpu.memory_space<vmem>>
    %dma_wait3A_157 = arith.constant 0 : i32
    %dma_wait3A_158 = arith.constant 1024 : i32
    %dma_wait3A_159 = tpu.memref_slice %arg2[%select_n3A, %select_n3A_32, %dma_wait3A_157, %dma_wait3A_158] : memref<4x16x16x4096xf32, #tpu.memory_space<hbm>> -> memref<1x1x16x512xf32, #tpu.memory_space<hbm>>
    %dma_wait3A_160 = tpu.memref_squeeze %dma_wait3A_159 : memref<1x1x16x512xf32, #tpu.memory_space<hbm>> -> memref<16x512xf32, #tpu.memory_space<hbm>>
    tpu.wait_dma2 semaphore(%arg11 : memref<!tpu.dma_semaphore, #tpu.memory_space<semaphore_mem>>) src(%dma_wait3A_160 : memref<16x512xf32, #tpu.memory_space<hbm>>) dst(%dma_wait3A_156 : memref<16x512xf32, #tpu.memory_space<vmem>>)
    %dma_wait3A_161 = arith.constant 0 : i32
    %dma_wait3A_162 = arith.constant 16384 : i32
    %dma_wait3A_163 = tpu.memref_slice %arg4[%select_n3A, %dma_wait3A_161, %dma_wait3A_162] : memref<4x1x65536xi32, #tpu.memory_space<hbm>> -> memref<1x1x8192xi32, #tpu.memory_space<hbm>>
    %dma_wait3A_164 = tpu.memref_squeeze %dma_wait3A_163 : memref<1x1x8192xi32, #tpu.memory_space<hbm>> -> memref<8192xi32, #tpu.memory_space<hbm>>
    %dma_wait3A_165 = arith.constant 16384 : i32
    %dma_wait3A_166 = tpu.memref_slice %arg4[%select_n3A, %dma_wait3A_161, %dma_wait3A_165] : memref<4x1x65536xi32, #tpu.memory_space<hbm>> -> memref<1x1x8192xi32, #tpu.memory_space<hbm>>
    %dma_wait3A_167 = tpu.memref_squeeze %dma_wait3A_166 : memref<1x1x8192xi32, #tpu.memory_space<hbm>> -> memref<8192xi32, #tpu.memory_space<hbm>>
    tpu.wait_dma2 semaphore(%arg11 : memref<!tpu.dma_semaphore, #tpu.memory_space<semaphore_mem>>) src(%dma_wait3A_167 : memref<8192xi32, #tpu.memory_space<hbm>>) dst(%arg9 : memref<8192xi32, #tpu.memory_space<vmem>>)
    %dma_start3A_168 = arith.constant 0 : i32
    %dma_start3A_169 = arith.constant 0 : i32
    %dma_start3A_170 = tpu.memref_slice %arg8[%dma_start3A_168, %dma_start3A_169] : memref<16x513xf32, #tpu.memory_space<vmem>> -> memref<16x512xf32, #tpu.memory_space<vmem>>
    %dma_start3A_171 = arith.constant 0 : i32
    %dma_start3A_172 = arith.constant 1536 : i32
    %dma_start3A_173 = tpu.memref_slice %arg2[%select_n3A, %select_n3A_32, %dma_start3A_171, %dma_start3A_172] : memref<4x16x16x4096xf32, #tpu.memory_space<hbm>> -> memref<1x1x16x512xf32, #tpu.memory_space<hbm>>
    %dma_start3A_174 = tpu.memref_squeeze %dma_start3A_173 : memref<1x1x16x512xf32, #tpu.memory_space<hbm>> -> memref<16x512xf32, #tpu.memory_space<hbm>>
    %dma_start3A_175 = arith.constant 0 : i32
    %dma_start3A_176 = arith.constant 0 : i32
    %dma_start3A_177 = tpu.memref_slice %arg8[%dma_start3A_175, %dma_start3A_176] : memref<16x513xf32, #tpu.memory_space<vmem>> -> memref<16x512xf32, #tpu.memory_space<vmem>>
    %dma_start3A_178 = arith.constant 0 : i32
    %dma_start3A_179 = arith.constant 1536 : i32
    %dma_start3A_180 = tpu.memref_slice %arg2[%select_n3A, %select_n3A_32, %dma_start3A_178, %dma_start3A_179] : memref<4x16x16x4096xf32, #tpu.memory_space<hbm>> -> memref<1x1x16x512xf32, #tpu.memory_space<hbm>>
    %dma_start3A_181 = tpu.memref_squeeze %dma_start3A_180 : memref<1x1x16x512xf32, #tpu.memory_space<hbm>> -> memref<16x512xf32, #tpu.memory_space<hbm>>
    tpu.enqueue_dma source(%dma_start3A_181 : memref<16x512xf32, #tpu.memory_space<hbm>>) target(%dma_start3A_177 : memref<16x512xf32, #tpu.memory_space<vmem>>) target_semaphore(%arg12 : memref<!tpu.dma_semaphore, #tpu.memory_space<semaphore_mem>>)
    %dma_start3A_182 = arith.constant 0 : i32
    %dma_start3A_183 = arith.constant 24576 : i32
    %dma_start3A_184 = tpu.memref_slice %arg4[%select_n3A, %dma_start3A_182, %dma_start3A_183] : memref<4x1x65536xi32, #tpu.memory_space<hbm>> -> memref<1x1x8192xi32, #tpu.memory_space<hbm>>
    %dma_start3A_185 = tpu.memref_squeeze %dma_start3A_184 : memref<1x1x8192xi32, #tpu.memory_space<hbm>> -> memref<8192xi32, #tpu.memory_space<hbm>>
    %dma_start3A_186 = arith.constant 24576 : i32
    %dma_start3A_187 = tpu.memref_slice %arg4[%select_n3A, %dma_start3A_182, %dma_start3A_186] : memref<4x1x65536xi32, #tpu.memory_space<hbm>> -> memref<1x1x8192xi32, #tpu.memory_space<hbm>>
    %dma_start3A_188 = tpu.memref_squeeze %dma_start3A_187 : memref<1x1x8192xi32, #tpu.memory_space<hbm>> -> memref<8192xi32, #tpu.memory_space<hbm>>
    tpu.enqueue_dma source(%dma_start3A_188 : memref<8192xi32, #tpu.memory_space<hbm>>) target(%arg10 : memref<8192xi32, #tpu.memory_space<vmem>>) target_semaphore(%arg12 : memref<!tpu.dma_semaphore, #tpu.memory_space<semaphore_mem>>)
    %scan3A_189 = arith.constant 0 : i32
    %scan3A_190 = arith.constant 0 : i32
    %scan3A_191 = arith.constant 512 : i32
    %scan3A_192 = arith.addi %scan3A_190, %scan3A_191 : i32
    %scan3A_193 = arith.constant 8 : i32
    scf.for %scan3A_840 = %scan3A_190 to %scan3A_192 step %scan3A_193  : i32 {
      %iota3A = tpu.iota {dimensions = array<i32: 0>} : vector<16xi32>
      %broadcast_in_dim3A = vector.broadcast %scan3A_840 : i32 to vector<16xi32>
      %mul3A_841 = arith.constant 16 : i32
      %mul3A_842 = arith.muli %scan3A_840, %mul3A_841 : i32
      %get3A = arith.index_cast %mul3A_842 : i32 to index
      %get3A_843 = tpu.vector_load %arg9[%get3A] {strides = array<i32>} : memref<8192xi32, #tpu.memory_space<vmem>>, vector<16xi32>,
      %gather3A = tpu.vector_load_idx %arg7[%iota3A, %broadcast_in_dim3A] : memref<16x513xf32, #tpu.memory_space<vmem>>[vector<16xi32>, vector<16xi32>], vector<16xf32>,
      tpu.vector_store_idx %arg6[%iota3A, %get3A_843], %gather3A {add = true} : memref<16x4097xf32, #tpu.memory_space<vmem>>[vector<16xi32>, vector<16xi32>], vector<16xf32>,
      %scan3A_844 = arith.constant 1 : i32
      %scan3A_845 = arith.addi %scan3A_840, %scan3A_844 : i32
      %iota3A_846 = tpu.iota {dimensions = array<i32: 0>} : vector<16xi32>
      %broadcast_in_dim3A_847 = vector.broadcast %scan3A_845 : i32 to vector<16xi32>
      %mul3A_848 = arith.constant 16 : i32
      %mul3A_849 = arith.muli %scan3A_845, %mul3A_848 : i32
      %get3A_850 = arith.index_cast %mul3A_849 : i32 to index
      %get3A_851 = tpu.vector_load %arg9[%get3A_850] {strides = array<i32>} : memref<8192xi32, #tpu.memory_space<vmem>>, vector<16xi32>,
      %gather3A_852 = tpu.vector_load_idx %arg7[%iota3A_846, %broadcast_in_dim3A_847] : memref<16x513xf32, #tpu.memory_space<vmem>>[vector<16xi32>, vector<16xi32>], vector<16xf32>,
      tpu.vector_store_idx %arg6[%iota3A_846, %get3A_851], %gather3A_852 {add = true} : memref<16x4097xf32, #tpu.memory_space<vmem>>[vector<16xi32>, vector<16xi32>], vector<16xf32>,
      %scan3A_853 = arith.constant 2 : i32
      %scan3A_854 = arith.addi %scan3A_840, %scan3A_853 : i32
      %iota3A_855 = tpu.iota {dimensions = array<i32: 0>} : vector<16xi32>
      %broadcast_in_dim3A_856 = vector.broadcast %scan3A_854 : i32 to vector<16xi32>
      %mul3A_857 = arith.constant 16 : i32
      %mul3A_858 = arith.muli %scan3A_854, %mul3A_857 : i32
      %get3A_859 = arith.index_cast %mul3A_858 : i32 to index
      %get3A_860 = tpu.vector_load %arg9[%get3A_859] {strides = array<i32>} : memref<8192xi32, #tpu.memory_space<vmem>>, vector<16xi32>,
      %gather3A_861 = tpu.vector_load_idx %arg7[%iota3A_855, %broadcast_in_dim3A_856] : memref<16x513xf32, #tpu.memory_space<vmem>>[vector<16xi32>, vector<16xi32>], vector<16xf32>,
      tpu.vector_store_idx %arg6[%iota3A_855, %get3A_860], %gather3A_861 {add = true} : memref<16x4097xf32, #tpu.memory_space<vmem>>[vector<16xi32>, vector<16xi32>], vector<16xf32>,
      %scan3A_862 = arith.constant 3 : i32
      %scan3A_863 = arith.addi %scan3A_840, %scan3A_862 : i32
      %iota3A_864 = tpu.iota {dimensions = array<i32: 0>} : vector<16xi32>
      %broadcast_in_dim3A_865 = vector.broadcast %scan3A_863 : i32 to vector<16xi32>
      %mul3A_866 = arith.constant 16 : i32
      %mul3A_867 = arith.muli %scan3A_863, %mul3A_866 : i32
      %get3A_868 = arith.index_cast %mul3A_867 : i32 to index
      %get3A_869 = tpu.vector_load %arg9[%get3A_868] {strides = array<i32>} : memref<8192xi32, #tpu.memory_space<vmem>>, vector<16xi32>,
      %gather3A_870 = tpu.vector_load_idx %arg7[%iota3A_864, %broadcast_in_dim3A_865] : memref<16x513xf32, #tpu.memory_space<vmem>>[vector<16xi32>, vector<16xi32>], vector<16xf32>,
      tpu.vector_store_idx %arg6[%iota3A_864, %get3A_869], %gather3A_870 {add = true} : memref<16x4097xf32, #tpu.memory_space<vmem>>[vector<16xi32>, vector<16xi32>], vector<16xf32>,
      %scan3A_871 = arith.constant 4 : i32
      %scan3A_872 = arith.addi %scan3A_840, %scan3A_871 : i32
      %iota3A_873 = tpu.iota {dimensions = array<i32: 0>} : vector<16xi32>
      %broadcast_in_dim3A_874 = vector.broadcast %scan3A_872 : i32 to vector<16xi32>
      %mul3A_875 = arith.constant 16 : i32
      %mul3A_876 = arith.muli %scan3A_872, %mul3A_875 : i32
      %get3A_877 = arith.index_cast %mul3A_876 : i32 to index
      %get3A_878 = tpu.vector_load %arg9[%get3A_877] {strides = array<i32>} : memref<8192xi32, #tpu.memory_space<vmem>>, vector<16xi32>,
      %gather3A_879 = tpu.vector_load_idx %arg7[%iota3A_873, %broadcast_in_dim3A_874] : memref<16x513xf32, #tpu.memory_space<vmem>>[vector<16xi32>, vector<16xi32>], vector<16xf32>,
      tpu.vector_store_idx %arg6[%iota3A_873, %get3A_878], %gather3A_879 {add = true} : memref<16x4097xf32, #tpu.memory_space<vmem>>[vector<16xi32>, vector<16xi32>], vector<16xf32>,
      %scan3A_880 = arith.constant 5 : i32
      %scan3A_881 = arith.addi %scan3A_840, %scan3A_880 : i32
      %iota3A_882 = tpu.iota {dimensions = array<i32: 0>} : vector<16xi32>
      %broadcast_in_dim3A_883 = vector.broadcast %scan3A_881 : i32 to vector<16xi32>
      %mul3A_884 = arith.constant 16 : i32
      %mul3A_885 = arith.muli %scan3A_881, %mul3A_884 : i32
      %get3A_886 = arith.index_cast %mul3A_885 : i32 to index
      %get3A_887 = tpu.vector_load %arg9[%get3A_886] {strides = array<i32>} : memref<8192xi32, #tpu.memory_space<vmem>>, vector<16xi32>,
      %gather3A_888 = tpu.vector_load_idx %arg7[%iota3A_882, %broadcast_in_dim3A_883] : memref<16x513xf32, #tpu.memory_space<vmem>>[vector<16xi32>, vector<16xi32>], vector<16xf32>,
      tpu.vector_store_idx %arg6[%iota3A_882, %get3A_887], %gather3A_888 {add = true} : memref<16x4097xf32, #tpu.memory_space<vmem>>[vector<16xi32>, vector<16xi32>], vector<16xf32>,
      %scan3A_889 = arith.constant 6 : i32
      %scan3A_890 = arith.addi %scan3A_840, %scan3A_889 : i32
      %iota3A_891 = tpu.iota {dimensions = array<i32: 0>} : vector<16xi32>
      %broadcast_in_dim3A_892 = vector.broadcast %scan3A_890 : i32 to vector<16xi32>
      %mul3A_893 = arith.constant 16 : i32
      %mul3A_894 = arith.muli %scan3A_890, %mul3A_893 : i32
      %get3A_895 = arith.index_cast %mul3A_894 : i32 to index
      %get3A_896 = tpu.vector_load %arg9[%get3A_895] {strides = array<i32>} : memref<8192xi32, #tpu.memory_space<vmem>>, vector<16xi32>,
      %gather3A_897 = tpu.vector_load_idx %arg7[%iota3A_891, %broadcast_in_dim3A_892] : memref<16x513xf32, #tpu.memory_space<vmem>>[vector<16xi32>, vector<16xi32>], vector<16xf32>,
      tpu.vector_store_idx %arg6[%iota3A_891, %get3A_896], %gather3A_897 {add = true} : memref<16x4097xf32, #tpu.memory_space<vmem>>[vector<16xi32>, vector<16xi32>], vector<16xf32>,
      %scan3A_898 = arith.constant 7 : i32
      %scan3A_899 = arith.addi %scan3A_840, %scan3A_898 : i32
      %iota3A_900 = tpu.iota {dimensions = array<i32: 0>} : vector<16xi32>
      %broadcast_in_dim3A_901 = vector.broadcast %scan3A_899 : i32 to vector<16xi32>
      %mul3A_902 = arith.constant 16 : i32
      %mul3A_903 = arith.muli %scan3A_899, %mul3A_902 : i32
      %get3A_904 = arith.index_cast %mul3A_903 : i32 to index
      %get3A_905 = tpu.vector_load %arg9[%get3A_904] {strides = array<i32>} : memref<8192xi32, #tpu.memory_space<vmem>>, vector<16xi32>,
      %gather3A_906 = tpu.vector_load_idx %arg7[%iota3A_900, %broadcast_in_dim3A_901] : memref<16x513xf32, #tpu.memory_space<vmem>>[vector<16xi32>, vector<16xi32>], vector<16xf32>,
      tpu.vector_store_idx %arg6[%iota3A_900, %get3A_905], %gather3A_906 {add = true} : memref<16x4097xf32, #tpu.memory_space<vmem>>[vector<16xi32>, vector<16xi32>], vector<16xf32>,
    }
    %scan3A_194 = arith.constant 512 : i32
    %dma_wait3A_195 = arith.constant 0 : i32
    %dma_wait3A_196 = arith.constant 0 : i32
    %dma_wait3A_197 = tpu.memref_slice %arg8[%dma_wait3A_195, %dma_wait3A_196] : memref<16x513xf32, #tpu.memory_space<vmem>> -> memref<16x512xf32, #tpu.memory_space<vmem>>
    %dma_wait3A_198 = arith.constant 0 : i32
    %dma_wait3A_199 = arith.constant 1536 : i32
    %dma_wait3A_200 = tpu.memref_slice %arg2[%select_n3A, %select_n3A_32, %dma_wait3A_198, %dma_wait3A_199] : memref<4x16x16x4096xf32, #tpu.memory_space<hbm>> -> memref<1x1x16x512xf32, #tpu.memory_space<hbm>>
    %dma_wait3A_201 = tpu.memref_squeeze %dma_wait3A_200 : memref<1x1x16x512xf32, #tpu.memory_space<hbm>> -> memref<16x512xf32, #tpu.memory_space<hbm>>
    %dma_wait3A_202 = arith.constant 0 : i32
    %dma_wait3A_203 = arith.constant 0 : i32
    %dma_wait3A_204 = tpu.memref_slice %arg8[%dma_wait3A_202, %dma_wait3A_203] : memref<16x513xf32, #tpu.memory_space<vmem>> -> memref<16x512xf32, #tpu.memory_space<vmem>>
    %dma_wait3A_205 = arith.constant 0 : i32
    %dma_wait3A_206 = arith.constant 1536 : i32
    %dma_wait3A_207 = tpu.memref_slice %arg2[%select_n3A, %select_n3A_32, %dma_wait3A_205, %dma_wait3A_206] : memref<4x16x16x4096xf32, #tpu.memory_space<hbm>> -> memref<1x1x16x512xf32, #tpu.memory_space<hbm>>
    %dma_wait3A_208 = tpu.memref_squeeze %dma_wait3A_207 : memref<1x1x16x512xf32, #tpu.memory_space<hbm>> -> memref<16x512xf32, #tpu.memory_space<hbm>>
    tpu.wait_dma2 semaphore(%arg12 : memref<!tpu.dma_semaphore, #tpu.memory_space<semaphore_mem>>) src(%dma_wait3A_208 : memref<16x512xf32, #tpu.memory_space<hbm>>) dst(%dma_wait3A_204 : memref<16x512xf32, #tpu.memory_space<vmem>>)
    %dma_wait3A_209 = arith.constant 0 : i32
    %dma_wait3A_210 = arith.constant 24576 : i32
    %dma_wait3A_211 = tpu.memref_slice %arg4[%select_n3A, %dma_wait3A_209, %dma_wait3A_210] : memref<4x1x65536xi32, #tpu.memory_space<hbm>> -> memref<1x1x8192xi32, #tpu.memory_space<hbm>>
    %dma_wait3A_212 = tpu.memref_squeeze %dma_wait3A_211 : memref<1x1x8192xi32, #tpu.memory_space<hbm>> -> memref<8192xi32, #tpu.memory_space<hbm>>
    %dma_wait3A_213 = arith.constant 24576 : i32
    %dma_wait3A_214 = tpu.memref_slice %arg4[%select_n3A, %dma_wait3A_209, %dma_wait3A_213] : memref<4x1x65536xi32, #tpu.memory_space<hbm>> -> memref<1x1x8192xi32, #tpu.memory_space<hbm>>
    %dma_wait3A_215 = tpu.memref_squeeze %dma_wait3A_214 : memref<1x1x8192xi32, #tpu.memory_space<hbm>> -> memref<8192xi32, #tpu.memory_space<hbm>>
    tpu.wait_dma2 semaphore(%arg12 : memref<!tpu.dma_semaphore, #tpu.memory_space<semaphore_mem>>) src(%dma_wait3A_215 : memref<8192xi32, #tpu.memory_space<hbm>>) dst(%arg10 : memref<8192xi32, #tpu.memory_space<vmem>>)
    %dma_start3A_216 = arith.constant 0 : i32
    %dma_start3A_217 = arith.constant 0 : i32
    %dma_start3A_218 = tpu.memref_slice %arg7[%dma_start3A_216, %dma_start3A_217] : memref<16x513xf32, #tpu.memory_space<vmem>> -> memref<16x512xf32, #tpu.memory_space<vmem>>
    %dma_start3A_219 = arith.constant 0 : i32
    %dma_start3A_220 = arith.constant 2048 : i32
    %dma_start3A_221 = tpu.memref_slice %arg2[%select_n3A, %select_n3A_32, %dma_start3A_219, %dma_start3A_220] : memref<4x16x16x4096xf32, #tpu.memory_space<hbm>> -> memref<1x1x16x512xf32, #tpu.memory_space<hbm>>
    %dma_start3A_222 = tpu.memref_squeeze %dma_start3A_221 : memref<1x1x16x512xf32, #tpu.memory_space<hbm>> -> memref<16x512xf32, #tpu.memory_space<hbm>>
    %dma_start3A_223 = arith.constant 0 : i32
    %dma_start3A_224 = arith.constant 0 : i32
    %dma_start3A_225 = tpu.memref_slice %arg7[%dma_start3A_223, %dma_start3A_224] : memref<16x513xf32, #tpu.memory_space<vmem>> -> memref<16x512xf32, #tpu.memory_space<vmem>>
    %dma_start3A_226 = arith.constant 0 : i32
    %dma_start3A_227 = arith.constant 2048 : i32
    %dma_start3A_228 = tpu.memref_slice %arg2[%select_n3A, %select_n3A_32, %dma_start3A_226, %dma_start3A_227] : memref<4x16x16x4096xf32, #tpu.memory_space<hbm>> -> memref<1x1x16x512xf32, #tpu.memory_space<hbm>>
    %dma_start3A_229 = tpu.memref_squeeze %dma_start3A_228 : memref<1x1x16x512xf32, #tpu.memory_space<hbm>> -> memref<16x512xf32, #tpu.memory_space<hbm>>
    tpu.enqueue_dma source(%dma_start3A_229 : memref<16x512xf32, #tpu.memory_space<hbm>>) target(%dma_start3A_225 : memref<16x512xf32, #tpu.memory_space<vmem>>) target_semaphore(%arg11 : memref<!tpu.dma_semaphore, #tpu.memory_space<semaphore_mem>>)
    %dma_start3A_230 = arith.constant 0 : i32
    %dma_start3A_231 = arith.constant 32768 : i32
    %dma_start3A_232 = tpu.memref_slice %arg4[%select_n3A, %dma_start3A_230, %dma_start3A_231] : memref<4x1x65536xi32, #tpu.memory_space<hbm>> -> memref<1x1x8192xi32, #tpu.memory_space<hbm>>
    %dma_start3A_233 = tpu.memref_squeeze %dma_start3A_232 : memref<1x1x8192xi32, #tpu.memory_space<hbm>> -> memref<8192xi32, #tpu.memory_space<hbm>>
    %dma_start3A_234 = arith.constant 32768 : i32
    %dma_start3A_235 = tpu.memref_slice %arg4[%select_n3A, %dma_start3A_230, %dma_start3A_234] : memref<4x1x65536xi32, #tpu.memory_space<hbm>> -> memref<1x1x8192xi32, #tpu.memory_space<hbm>>
    %dma_start3A_236 = tpu.memref_squeeze %dma_start3A_235 : memref<1x1x8192xi32, #tpu.memory_space<hbm>> -> memref<8192xi32, #tpu.memory_space<hbm>>
    tpu.enqueue_dma source(%dma_start3A_236 : memref<8192xi32, #tpu.memory_space<hbm>>) target(%arg9 : memref<8192xi32, #tpu.memory_space<vmem>>) target_semaphore(%arg11 : memref<!tpu.dma_semaphore, #tpu.memory_space<semaphore_mem>>)
    %scan3A_237 = arith.constant 0 : i32
    %scan3A_238 = arith.constant 0 : i32
    %scan3A_239 = arith.constant 512 : i32
    %scan3A_240 = arith.addi %scan3A_238, %scan3A_239 : i32
    %scan3A_241 = arith.constant 8 : i32
    scf.for %scan3A_840 = %scan3A_238 to %scan3A_240 step %scan3A_241  : i32 {
      %iota3A = tpu.iota {dimensions = array<i32: 0>} : vector<16xi32>
      %broadcast_in_dim3A = vector.broadcast %scan3A_840 : i32 to vector<16xi32>
      %mul3A_841 = arith.constant 16 : i32
      %mul3A_842 = arith.muli %scan3A_840, %mul3A_841 : i32
      %get3A = arith.index_cast %mul3A_842 : i32 to index
      %get3A_843 = tpu.vector_load %arg10[%get3A] {strides = array<i32>} : memref<8192xi32, #tpu.memory_space<vmem>>, vector<16xi32>,
      %gather3A = tpu.vector_load_idx %arg8[%iota3A, %broadcast_in_dim3A] : memref<16x513xf32, #tpu.memory_space<vmem>>[vector<16xi32>, vector<16xi32>], vector<16xf32>,
      tpu.vector_store_idx %arg6[%iota3A, %get3A_843], %gather3A {add = true} : memref<16x4097xf32, #tpu.memory_space<vmem>>[vector<16xi32>, vector<16xi32>], vector<16xf32>,
      %scan3A_844 = arith.constant 1 : i32
      %scan3A_845 = arith.addi %scan3A_840, %scan3A_844 : i32
      %iota3A_846 = tpu.iota {dimensions = array<i32: 0>} : vector<16xi32>
      %broadcast_in_dim3A_847 = vector.broadcast %scan3A_845 : i32 to vector<16xi32>
      %mul3A_848 = arith.constant 16 : i32
      %mul3A_849 = arith.muli %scan3A_845, %mul3A_848 : i32
      %get3A_850 = arith.index_cast %mul3A_849 : i32 to index
      %get3A_851 = tpu.vector_load %arg10[%get3A_850] {strides = array<i32>} : memref<8192xi32, #tpu.memory_space<vmem>>, vector<16xi32>,
      %gather3A_852 = tpu.vector_load_idx %arg8[%iota3A_846, %broadcast_in_dim3A_847] : memref<16x513xf32, #tpu.memory_space<vmem>>[vector<16xi32>, vector<16xi32>], vector<16xf32>,
      tpu.vector_store_idx %arg6[%iota3A_846, %get3A_851], %gather3A_852 {add = true} : memref<16x4097xf32, #tpu.memory_space<vmem>>[vector<16xi32>, vector<16xi32>], vector<16xf32>,
      %scan3A_853 = arith.constant 2 : i32
      %scan3A_854 = arith.addi %scan3A_840, %scan3A_853 : i32
      %iota3A_855 = tpu.iota {dimensions = array<i32: 0>} : vector<16xi32>
      %broadcast_in_dim3A_856 = vector.broadcast %scan3A_854 : i32 to vector<16xi32>
      %mul3A_857 = arith.constant 16 : i32
      %mul3A_858 = arith.muli %scan3A_854, %mul3A_857 : i32
      %get3A_859 = arith.index_cast %mul3A_858 : i32 to index
      %get3A_860 = tpu.vector_load %arg10[%get3A_859] {strides = array<i32>} : memref<8192xi32, #tpu.memory_space<vmem>>, vector<16xi32>,
      %gather3A_861 = tpu.vector_load_idx %arg8[%iota3A_855, %broadcast_in_dim3A_856] : memref<16x513xf32, #tpu.memory_space<vmem>>[vector<16xi32>, vector<16xi32>], vector<16xf32>,
      tpu.vector_store_idx %arg6[%iota3A_855, %get3A_860], %gather3A_861 {add = true} : memref<16x4097xf32, #tpu.memory_space<vmem>>[vector<16xi32>, vector<16xi32>], vector<16xf32>,
      %scan3A_862 = arith.constant 3 : i32
      %scan3A_863 = arith.addi %scan3A_840, %scan3A_862 : i32
      %iota3A_864 = tpu.iota {dimensions = array<i32: 0>} : vector<16xi32>
      %broadcast_in_dim3A_865 = vector.broadcast %scan3A_863 : i32 to vector<16xi32>
      %mul3A_866 = arith.constant 16 : i32
      %mul3A_867 = arith.muli %scan3A_863, %mul3A_866 : i32
      %get3A_868 = arith.index_cast %mul3A_867 : i32 to index
      %get3A_869 = tpu.vector_load %arg10[%get3A_868] {strides = array<i32>} : memref<8192xi32, #tpu.memory_space<vmem>>, vector<16xi32>,
      %gather3A_870 = tpu.vector_load_idx %arg8[%iota3A_864, %broadcast_in_dim3A_865] : memref<16x513xf32, #tpu.memory_space<vmem>>[vector<16xi32>, vector<16xi32>], vector<16xf32>,
      tpu.vector_store_idx %arg6[%iota3A_864, %get3A_869], %gather3A_870 {add = true} : memref<16x4097xf32, #tpu.memory_space<vmem>>[vector<16xi32>, vector<16xi32>], vector<16xf32>,
      %scan3A_871 = arith.constant 4 : i32
      %scan3A_872 = arith.addi %scan3A_840, %scan3A_871 : i32
      %iota3A_873 = tpu.iota {dimensions = array<i32: 0>} : vector<16xi32>
      %broadcast_in_dim3A_874 = vector.broadcast %scan3A_872 : i32 to vector<16xi32>
      %mul3A_875 = arith.constant 16 : i32
      %mul3A_876 = arith.muli %scan3A_872, %mul3A_875 : i32
      %get3A_877 = arith.index_cast %mul3A_876 : i32 to index
      %get3A_878 = tpu.vector_load %arg10[%get3A_877] {strides = array<i32>} : memref<8192xi32, #tpu.memory_space<vmem>>, vector<16xi32>,
      %gather3A_879 = tpu.vector_load_idx %arg8[%iota3A_873, %broadcast_in_dim3A_874] : memref<16x513xf32, #tpu.memory_space<vmem>>[vector<16xi32>, vector<16xi32>], vector<16xf32>,
      tpu.vector_store_idx %arg6[%iota3A_873, %get3A_878], %gather3A_879 {add = true} : memref<16x4097xf32, #tpu.memory_space<vmem>>[vector<16xi32>, vector<16xi32>], vector<16xf32>,
      %scan3A_880 = arith.constant 5 : i32
      %scan3A_881 = arith.addi %scan3A_840, %scan3A_880 : i32
      %iota3A_882 = tpu.iota {dimensions = array<i32: 0>} : vector<16xi32>
      %broadcast_in_dim3A_883 = vector.broadcast %scan3A_881 : i32 to vector<16xi32>
      %mul3A_884 = arith.constant 16 : i32
      %mul3A_885 = arith.muli %scan3A_881, %mul3A_884 : i32
      %get3A_886 = arith.index_cast %mul3A_885 : i32 to index
      %get3A_887 = tpu.vector_load %arg10[%get3A_886] {strides = array<i32>} : memref<8192xi32, #tpu.memory_space<vmem>>, vector<16xi32>,
      %gather3A_888 = tpu.vector_load_idx %arg8[%iota3A_882, %broadcast_in_dim3A_883] : memref<16x513xf32, #tpu.memory_space<vmem>>[vector<16xi32>, vector<16xi32>], vector<16xf32>,
      tpu.vector_store_idx %arg6[%iota3A_882, %get3A_887], %gather3A_888 {add = true} : memref<16x4097xf32, #tpu.memory_space<vmem>>[vector<16xi32>, vector<16xi32>], vector<16xf32>,
      %scan3A_889 = arith.constant 6 : i32
      %scan3A_890 = arith.addi %scan3A_840, %scan3A_889 : i32
      %iota3A_891 = tpu.iota {dimensions = array<i32: 0>} : vector<16xi32>
      %broadcast_in_dim3A_892 = vector.broadcast %scan3A_890 : i32 to vector<16xi32>
      %mul3A_893 = arith.constant 16 : i32
      %mul3A_894 = arith.muli %scan3A_890, %mul3A_893 : i32
      %get3A_895 = arith.index_cast %mul3A_894 : i32 to index
      %get3A_896 = tpu.vector_load %arg10[%get3A_895] {strides = array<i32>} : memref<8192xi32, #tpu.memory_space<vmem>>, vector<16xi32>,
      %gather3A_897 = tpu.vector_load_idx %arg8[%iota3A_891, %broadcast_in_dim3A_892] : memref<16x513xf32, #tpu.memory_space<vmem>>[vector<16xi32>, vector<16xi32>], vector<16xf32>,
      tpu.vector_store_idx %arg6[%iota3A_891, %get3A_896], %gather3A_897 {add = true} : memref<16x4097xf32, #tpu.memory_space<vmem>>[vector<16xi32>, vector<16xi32>], vector<16xf32>,
      %scan3A_898 = arith.constant 7 : i32
      %scan3A_899 = arith.addi %scan3A_840, %scan3A_898 : i32
      %iota3A_900 = tpu.iota {dimensions = array<i32: 0>} : vector<16xi32>
      %broadcast_in_dim3A_901 = vector.broadcast %scan3A_899 : i32 to vector<16xi32>
      %mul3A_902 = arith.constant 16 : i32
      %mul3A_903 = arith.muli %scan3A_899, %mul3A_902 : i32
      %get3A_904 = arith.index_cast %mul3A_903 : i32 to index
      %get3A_905 = tpu.vector_load %arg10[%get3A_904] {strides = array<i32>} : memref<8192xi32, #tpu.memory_space<vmem>>, vector<16xi32>,
      %gather3A_906 = tpu.vector_load_idx %arg8[%iota3A_900, %broadcast_in_dim3A_901] : memref<16x513xf32, #tpu.memory_space<vmem>>[vector<16xi32>, vector<16xi32>], vector<16xf32>,
      tpu.vector_store_idx %arg6[%iota3A_900, %get3A_905], %gather3A_906 {add = true} : memref<16x4097xf32, #tpu.memory_space<vmem>>[vector<16xi32>, vector<16xi32>], vector<16xf32>,
    }
    %scan3A_242 = arith.constant 512 : i32
    %dma_wait3A_243 = arith.constant 0 : i32
    %dma_wait3A_244 = arith.constant 0 : i32
    %dma_wait3A_245 = tpu.memref_slice %arg7[%dma_wait3A_243, %dma_wait3A_244] : memref<16x513xf32, #tpu.memory_space<vmem>> -> memref<16x512xf32, #tpu.memory_space<vmem>>
    %dma_wait3A_246 = arith.constant 0 : i32
    %dma_wait3A_247 = arith.constant 2048 : i32
    %dma_wait3A_248 = tpu.memref_slice %arg2[%select_n3A, %select_n3A_32, %dma_wait3A_246, %dma_wait3A_247] : memref<4x16x16x4096xf32, #tpu.memory_space<hbm>> -> memref<1x1x16x512xf32, #tpu.memory_space<hbm>>
    %dma_wait3A_249 = tpu.memref_squeeze %dma_wait3A_248 : memref<1x1x16x512xf32, #tpu.memory_space<hbm>> -> memref<16x512xf32, #tpu.memory_space<hbm>>
    %dma_wait3A_250 = arith.constant 0 : i32
    %dma_wait3A_251 = arith.constant 0 : i32
    %dma_wait3A_252 = tpu.memref_slice %arg7[%dma_wait3A_250, %dma_wait3A_251] : memref<16x513xf32, #tpu.memory_space<vmem>> -> memref<16x512xf32, #tpu.memory_space<vmem>>
    %dma_wait3A_253 = arith.constant 0 : i32
    %dma_wait3A_254 = arith.constant 2048 : i32
    %dma_wait3A_255 = tpu.memref_slice %arg2[%select_n3A, %select_n3A_32, %dma_wait3A_253, %dma_wait3A_254] : memref<4x16x16x4096xf32, #tpu.memory_space<hbm>> -> memref<1x1x16x512xf32, #tpu.memory_space<hbm>>
    %dma_wait3A_256 = tpu.memref_squeeze %dma_wait3A_255 : memref<1x1x16x512xf32, #tpu.memory_space<hbm>> -> memref<16x512xf32, #tpu.memory_space<hbm>>
    tpu.wait_dma2 semaphore(%arg11 : memref<!tpu.dma_semaphore, #tpu.memory_space<semaphore_mem>>) src(%dma_wait3A_256 : memref<16x512xf32, #tpu.memory_space<hbm>>) dst(%dma_wait3A_252 : memref<16x512xf32, #tpu.memory_space<vmem>>)
    %dma_wait3A_257 = arith.constant 0 : i32
    %dma_wait3A_258 = arith.constant 32768 : i32
    %dma_wait3A_259 = tpu.memref_slice %arg4[%select_n3A, %dma_wait3A_257, %dma_wait3A_258] : memref<4x1x65536xi32, #tpu.memory_space<hbm>> -> memref<1x1x8192xi32, #tpu.memory_space<hbm>>
    %dma_wait3A_260 = tpu.memref_squeeze %dma_wait3A_259 : memref<1x1x8192xi32, #tpu.memory_space<hbm>> -> memref<8192xi32, #tpu.memory_space<hbm>>
    %dma_wait3A_261 = arith.constant 32768 : i32
    %dma_wait3A_262 = tpu.memref_slice %arg4[%select_n3A, %dma_wait3A_257, %dma_wait3A_261] : memref<4x1x65536xi32, #tpu.memory_space<hbm>> -> memref<1x1x8192xi32, #tpu.memory_space<hbm>>
    %dma_wait3A_263 = tpu.memref_squeeze %dma_wait3A_262 : memref<1x1x8192xi32, #tpu.memory_space<hbm>> -> memref<8192xi32, #tpu.memory_space<hbm>>
    tpu.wait_dma2 semaphore(%arg11 : memref<!tpu.dma_semaphore, #tpu.memory_space<semaphore_mem>>) src(%dma_wait3A_263 : memref<8192xi32, #tpu.memory_space<hbm>>) dst(%arg9 : memref<8192xi32, #tpu.memory_space<vmem>>)
    %dma_start3A_264 = arith.constant 0 : i32
    %dma_start3A_265 = arith.constant 0 : i32
    %dma_start3A_266 = tpu.memref_slice %arg8[%dma_start3A_264, %dma_start3A_265] : memref<16x513xf32, #tpu.memory_space<vmem>> -> memref<16x512xf32, #tpu.memory_space<vmem>>
    %dma_start3A_267 = arith.constant 0 : i32
    %dma_start3A_268 = arith.constant 2560 : i32
    %dma_start3A_269 = tpu.memref_slice %arg2[%select_n3A, %select_n3A_32, %dma_start3A_267, %dma_start3A_268] : memref<4x16x16x4096xf32, #tpu.memory_space<hbm>> -> memref<1x1x16x512xf32, #tpu.memory_space<hbm>>
    %dma_start3A_270 = tpu.memref_squeeze %dma_start3A_269 : memref<1x1x16x512xf32, #tpu.memory_space<hbm>> -> memref<16x512xf32, #tpu.memory_space<hbm>>
    %dma_start3A_271 = arith.constant 0 : i32
    %dma_start3A_272 = arith.constant 0 : i32
    %dma_start3A_273 = tpu.memref_slice %arg8[%dma_start3A_271, %dma_start3A_272] : memref<16x513xf32, #tpu.memory_space<vmem>> -> memref<16x512xf32, #tpu.memory_space<vmem>>
    %dma_start3A_274 = arith.constant 0 : i32
    %dma_start3A_275 = arith.constant 2560 : i32
    %dma_start3A_276 = tpu.memref_slice %arg2[%select_n3A, %select_n3A_32, %dma_start3A_274, %dma_start3A_275] : memref<4x16x16x4096xf32, #tpu.memory_space<hbm>> -> memref<1x1x16x512xf32, #tpu.memory_space<hbm>>
    %dma_start3A_277 = tpu.memref_squeeze %dma_start3A_276 : memref<1x1x16x512xf32, #tpu.memory_space<hbm>> -> memref<16x512xf32, #tpu.memory_space<hbm>>
    tpu.enqueue_dma source(%dma_start3A_277 : memref<16x512xf32, #tpu.memory_space<hbm>>) target(%dma_start3A_273 : memref<16x512xf32, #tpu.memory_space<vmem>>) target_semaphore(%arg12 : memref<!tpu.dma_semaphore, #tpu.memory_space<semaphore_mem>>)
    %dma_start3A_278 = arith.constant 0 : i32
    %dma_start3A_279 = arith.constant 40960 : i32
    %dma_start3A_280 = tpu.memref_slice %arg4[%select_n3A, %dma_start3A_278, %dma_start3A_279] : memref<4x1x65536xi32, #tpu.memory_space<hbm>> -> memref<1x1x8192xi32, #tpu.memory_space<hbm>>
    %dma_start3A_281 = tpu.memref_squeeze %dma_start3A_280 : memref<1x1x8192xi32, #tpu.memory_space<hbm>> -> memref<8192xi32, #tpu.memory_space<hbm>>
    %dma_start3A_282 = arith.constant 40960 : i32
    %dma_start3A_283 = tpu.memref_slice %arg4[%select_n3A, %dma_start3A_278, %dma_start3A_282] : memref<4x1x65536xi32, #tpu.memory_space<hbm>> -> memref<1x1x8192xi32, #tpu.memory_space<hbm>>
    %dma_start3A_284 = tpu.memref_squeeze %dma_start3A_283 : memref<1x1x8192xi32, #tpu.memory_space<hbm>> -> memref<8192xi32, #tpu.memory_space<hbm>>
    tpu.enqueue_dma source(%dma_start3A_284 : memref<8192xi32, #tpu.memory_space<hbm>>) target(%arg10 : memref<8192xi32, #tpu.memory_space<vmem>>) target_semaphore(%arg12 : memref<!tpu.dma_semaphore, #tpu.memory_space<semaphore_mem>>)
    %scan3A_285 = arith.constant 0 : i32
    %scan3A_286 = arith.constant 0 : i32
    %scan3A_287 = arith.constant 512 : i32
    %scan3A_288 = arith.addi %scan3A_286, %scan3A_287 : i32
    %scan3A_289 = arith.constant 8 : i32
    scf.for %scan3A_840 = %scan3A_286 to %scan3A_288 step %scan3A_289  : i32 {
      %iota3A = tpu.iota {dimensions = array<i32: 0>} : vector<16xi32>
      %broadcast_in_dim3A = vector.broadcast %scan3A_840 : i32 to vector<16xi32>
      %mul3A_841 = arith.constant 16 : i32
      %mul3A_842 = arith.muli %scan3A_840, %mul3A_841 : i32
      %get3A = arith.index_cast %mul3A_842 : i32 to index
      %get3A_843 = tpu.vector_load %arg9[%get3A] {strides = array<i32>} : memref<8192xi32, #tpu.memory_space<vmem>>, vector<16xi32>,
      %gather3A = tpu.vector_load_idx %arg7[%iota3A, %broadcast_in_dim3A] : memref<16x513xf32, #tpu.memory_space<vmem>>[vector<16xi32>, vector<16xi32>], vector<16xf32>,
      tpu.vector_store_idx %arg6[%iota3A, %get3A_843], %gather3A {add = true} : memref<16x4097xf32, #tpu.memory_space<vmem>>[vector<16xi32>, vector<16xi32>], vector<16xf32>,
      %scan3A_844 = arith.constant 1 : i32
      %scan3A_845 = arith.addi %scan3A_840, %scan3A_844 : i32
      %iota3A_846 = tpu.iota {dimensions = array<i32: 0>} : vector<16xi32>
      %broadcast_in_dim3A_847 = vector.broadcast %scan3A_845 : i32 to vector<16xi32>
      %mul3A_848 = arith.constant 16 : i32
      %mul3A_849 = arith.muli %scan3A_845, %mul3A_848 : i32
      %get3A_850 = arith.index_cast %mul3A_849 : i32 to index
      %get3A_851 = tpu.vector_load %arg9[%get3A_850] {strides = array<i32>} : memref<8192xi32, #tpu.memory_space<vmem>>, vector<16xi32>,
      %gather3A_852 = tpu.vector_load_idx %arg7[%iota3A_846, %broadcast_in_dim3A_847] : memref<16x513xf32, #tpu.memory_space<vmem>>[vector<16xi32>, vector<16xi32>], vector<16xf32>,
      tpu.vector_store_idx %arg6[%iota3A_846, %get3A_851], %gather3A_852 {add = true} : memref<16x4097xf32, #tpu.memory_space<vmem>>[vector<16xi32>, vector<16xi32>], vector<16xf32>,
      %scan3A_853 = arith.constant 2 : i32
      %scan3A_854 = arith.addi %scan3A_840, %scan3A_853 : i32
      %iota3A_855 = tpu.iota {dimensions = array<i32: 0>} : vector<16xi32>
      %broadcast_in_dim3A_856 = vector.broadcast %scan3A_854 : i32 to vector<16xi32>
      %mul3A_857 = arith.constant 16 : i32
      %mul3A_858 = arith.muli %scan3A_854, %mul3A_857 : i32
      %get3A_859 = arith.index_cast %mul3A_858 : i32 to index
      %get3A_860 = tpu.vector_load %arg9[%get3A_859] {strides = array<i32>} : memref<8192xi32, #tpu.memory_space<vmem>>, vector<16xi32>,
      %gather3A_861 = tpu.vector_load_idx %arg7[%iota3A_855, %broadcast_in_dim3A_856] : memref<16x513xf32, #tpu.memory_space<vmem>>[vector<16xi32>, vector<16xi32>], vector<16xf32>,
      tpu.vector_store_idx %arg6[%iota3A_855, %get3A_860], %gather3A_861 {add = true} : memref<16x4097xf32, #tpu.memory_space<vmem>>[vector<16xi32>, vector<16xi32>], vector<16xf32>,
      %scan3A_862 = arith.constant 3 : i32
      %scan3A_863 = arith.addi %scan3A_840, %scan3A_862 : i32
      %iota3A_864 = tpu.iota {dimensions = array<i32: 0>} : vector<16xi32>
      %broadcast_in_dim3A_865 = vector.broadcast %scan3A_863 : i32 to vector<16xi32>
      %mul3A_866 = arith.constant 16 : i32
      %mul3A_867 = arith.muli %scan3A_863, %mul3A_866 : i32
      %get3A_868 = arith.index_cast %mul3A_867 : i32 to index
      %get3A_869 = tpu.vector_load %arg9[%get3A_868] {strides = array<i32>} : memref<8192xi32, #tpu.memory_space<vmem>>, vector<16xi32>,
      %gather3A_870 = tpu.vector_load_idx %arg7[%iota3A_864, %broadcast_in_dim3A_865] : memref<16x513xf32, #tpu.memory_space<vmem>>[vector<16xi32>, vector<16xi32>], vector<16xf32>,
      tpu.vector_store_idx %arg6[%iota3A_864, %get3A_869], %gather3A_870 {add = true} : memref<16x4097xf32, #tpu.memory_space<vmem>>[vector<16xi32>, vector<16xi32>], vector<16xf32>,
      %scan3A_871 = arith.constant 4 : i32
      %scan3A_872 = arith.addi %scan3A_840, %scan3A_871 : i32
      %iota3A_873 = tpu.iota {dimensions = array<i32: 0>} : vector<16xi32>
      %broadcast_in_dim3A_874 = vector.broadcast %scan3A_872 : i32 to vector<16xi32>
      %mul3A_875 = arith.constant 16 : i32
      %mul3A_876 = arith.muli %scan3A_872, %mul3A_875 : i32
      %get3A_877 = arith.index_cast %mul3A_876 : i32 to index
      %get3A_878 = tpu.vector_load %arg9[%get3A_877] {strides = array<i32>} : memref<8192xi32, #tpu.memory_space<vmem>>, vector<16xi32>,
      %gather3A_879 = tpu.vector_load_idx %arg7[%iota3A_873, %broadcast_in_dim3A_874] : memref<16x513xf32, #tpu.memory_space<vmem>>[vector<16xi32>, vector<16xi32>], vector<16xf32>,
      tpu.vector_store_idx %arg6[%iota3A_873, %get3A_878], %gather3A_879 {add = true} : memref<16x4097xf32, #tpu.memory_space<vmem>>[vector<16xi32>, vector<16xi32>], vector<16xf32>,
      %scan3A_880 = arith.constant 5 : i32
      %scan3A_881 = arith.addi %scan3A_840, %scan3A_880 : i32
      %iota3A_882 = tpu.iota {dimensions = array<i32: 0>} : vector<16xi32>
      %broadcast_in_dim3A_883 = vector.broadcast %scan3A_881 : i32 to vector<16xi32>
      %mul3A_884 = arith.constant 16 : i32
      %mul3A_885 = arith.muli %scan3A_881, %mul3A_884 : i32
      %get3A_886 = arith.index_cast %mul3A_885 : i32 to index
      %get3A_887 = tpu.vector_load %arg9[%get3A_886] {strides = array<i32>} : memref<8192xi32, #tpu.memory_space<vmem>>, vector<16xi32>,
      %gather3A_888 = tpu.vector_load_idx %arg7[%iota3A_882, %broadcast_in_dim3A_883] : memref<16x513xf32, #tpu.memory_space<vmem>>[vector<16xi32>, vector<16xi32>], vector<16xf32>,
      tpu.vector_store_idx %arg6[%iota3A_882, %get3A_887], %gather3A_888 {add = true} : memref<16x4097xf32, #tpu.memory_space<vmem>>[vector<16xi32>, vector<16xi32>], vector<16xf32>,
      %scan3A_889 = arith.constant 6 : i32
      %scan3A_890 = arith.addi %scan3A_840, %scan3A_889 : i32
      %iota3A_891 = tpu.iota {dimensions = array<i32: 0>} : vector<16xi32>
      %broadcast_in_dim3A_892 = vector.broadcast %scan3A_890 : i32 to vector<16xi32>
      %mul3A_893 = arith.constant 16 : i32
      %mul3A_894 = arith.muli %scan3A_890, %mul3A_893 : i32
      %get3A_895 = arith.index_cast %mul3A_894 : i32 to index
      %get3A_896 = tpu.vector_load %arg9[%get3A_895] {strides = array<i32>} : memref<8192xi32, #tpu.memory_space<vmem>>, vector<16xi32>,
      %gather3A_897 = tpu.vector_load_idx %arg7[%iota3A_891, %broadcast_in_dim3A_892] : memref<16x513xf32, #tpu.memory_space<vmem>>[vector<16xi32>, vector<16xi32>], vector<16xf32>,
      tpu.vector_store_idx %arg6[%iota3A_891, %get3A_896], %gather3A_897 {add = true} : memref<16x4097xf32, #tpu.memory_space<vmem>>[vector<16xi32>, vector<16xi32>], vector<16xf32>,
      %scan3A_898 = arith.constant 7 : i32
      %scan3A_899 = arith.addi %scan3A_840, %scan3A_898 : i32
      %iota3A_900 = tpu.iota {dimensions = array<i32: 0>} : vector<16xi32>
      %broadcast_in_dim3A_901 = vector.broadcast %scan3A_899 : i32 to vector<16xi32>
      %mul3A_902 = arith.constant 16 : i32
      %mul3A_903 = arith.muli %scan3A_899, %mul3A_902 : i32
      %get3A_904 = arith.index_cast %mul3A_903 : i32 to index
      %get3A_905 = tpu.vector_load %arg9[%get3A_904] {strides = array<i32>} : memref<8192xi32, #tpu.memory_space<vmem>>, vector<16xi32>,
      %gather3A_906 = tpu.vector_load_idx %arg7[%iota3A_900, %broadcast_in_dim3A_901] : memref<16x513xf32, #tpu.memory_space<vmem>>[vector<16xi32>, vector<16xi32>], vector<16xf32>,
      tpu.vector_store_idx %arg6[%iota3A_900, %get3A_905], %gather3A_906 {add = true} : memref<16x4097xf32, #tpu.memory_space<vmem>>[vector<16xi32>, vector<16xi32>], vector<16xf32>,
    }
    %scan3A_290 = arith.constant 512 : i32
    %dma_wait3A_291 = arith.constant 0 : i32
    %dma_wait3A_292 = arith.constant 0 : i32
    %dma_wait3A_293 = tpu.memref_slice %arg8[%dma_wait3A_291, %dma_wait3A_292] : memref<16x513xf32, #tpu.memory_space<vmem>> -> memref<16x512xf32, #tpu.memory_space<vmem>>
    %dma_wait3A_294 = arith.constant 0 : i32
    %dma_wait3A_295 = arith.constant 2560 : i32
    %dma_wait3A_296 = tpu.memref_slice %arg2[%select_n3A, %select_n3A_32, %dma_wait3A_294, %dma_wait3A_295] : memref<4x16x16x4096xf32, #tpu.memory_space<hbm>> -> memref<1x1x16x512xf32, #tpu.memory_space<hbm>>
    %dma_wait3A_297 = tpu.memref_squeeze %dma_wait3A_296 : memref<1x1x16x512xf32, #tpu.memory_space<hbm>> -> memref<16x512xf32, #tpu.memory_space<hbm>>
    %dma_wait3A_298 = arith.constant 0 : i32
    %dma_wait3A_299 = arith.constant 0 : i32
    %dma_wait3A_300 = tpu.memref_slice %arg8[%dma_wait3A_298, %dma_wait3A_299] : memref<16x513xf32, #tpu.memory_space<vmem>> -> memref<16x512xf32, #tpu.memory_space<vmem>>
    %dma_wait3A_301 = arith.constant 0 : i32
    %dma_wait3A_302 = arith.constant 2560 : i32
    %dma_wait3A_303 = tpu.memref_slice %arg2[%select_n3A, %select_n3A_32, %dma_wait3A_301, %dma_wait3A_302] : memref<4x16x16x4096xf32, #tpu.memory_space<hbm>> -> memref<1x1x16x512xf32, #tpu.memory_space<hbm>>
    %dma_wait3A_304 = tpu.memref_squeeze %dma_wait3A_303 : memref<1x1x16x512xf32, #tpu.memory_space<hbm>> -> memref<16x512xf32, #tpu.memory_space<hbm>>
    tpu.wait_dma2 semaphore(%arg12 : memref<!tpu.dma_semaphore, #tpu.memory_space<semaphore_mem>>) src(%dma_wait3A_304 : memref<16x512xf32, #tpu.memory_space<hbm>>) dst(%dma_wait3A_300 : memref<16x512xf32, #tpu.memory_space<vmem>>)
    %dma_wait3A_305 = arith.constant 0 : i32
    %dma_wait3A_306 = arith.constant 40960 : i32
    %dma_wait3A_307 = tpu.memref_slice %arg4[%select_n3A, %dma_wait3A_305, %dma_wait3A_306] : memref<4x1x65536xi32, #tpu.memory_space<hbm>> -> memref<1x1x8192xi32, #tpu.memory_space<hbm>>
    %dma_wait3A_308 = tpu.memref_squeeze %dma_wait3A_307 : memref<1x1x8192xi32, #tpu.memory_space<hbm>> -> memref<8192xi32, #tpu.memory_space<hbm>>
    %dma_wait3A_309 = arith.constant 40960 : i32
    %dma_wait3A_310 = tpu.memref_slice %arg4[%select_n3A, %dma_wait3A_305, %dma_wait3A_309] : memref<4x1x65536xi32, #tpu.memory_space<hbm>> -> memref<1x1x8192xi32, #tpu.memory_space<hbm>>
    %dma_wait3A_311 = tpu.memref_squeeze %dma_wait3A_310 : memref<1x1x8192xi32, #tpu.memory_space<hbm>> -> memref<8192xi32, #tpu.memory_space<hbm>>
    tpu.wait_dma2 semaphore(%arg12 : memref<!tpu.dma_semaphore, #tpu.memory_space<semaphore_mem>>) src(%dma_wait3A_311 : memref<8192xi32, #tpu.memory_space<hbm>>) dst(%arg10 : memref<8192xi32, #tpu.memory_space<vmem>>)
    %dma_start3A_312 = arith.constant 0 : i32
    %dma_start3A_313 = arith.constant 0 : i32
    %dma_start3A_314 = tpu.memref_slice %arg7[%dma_start3A_312, %dma_start3A_313] : memref<16x513xf32, #tpu.memory_space<vmem>> -> memref<16x512xf32, #tpu.memory_space<vmem>>
    %dma_start3A_315 = arith.constant 0 : i32
    %dma_start3A_316 = arith.constant 3072 : i32
    %dma_start3A_317 = tpu.memref_slice %arg2[%select_n3A, %select_n3A_32, %dma_start3A_315, %dma_start3A_316] : memref<4x16x16x4096xf32, #tpu.memory_space<hbm>> -> memref<1x1x16x512xf32, #tpu.memory_space<hbm>>
    %dma_start3A_318 = tpu.memref_squeeze %dma_start3A_317 : memref<1x1x16x512xf32, #tpu.memory_space<hbm>> -> memref<16x512xf32, #tpu.memory_space<hbm>>
    %dma_start3A_319 = arith.constant 0 : i32
    %dma_start3A_320 = arith.constant 0 : i32
    %dma_start3A_321 = tpu.memref_slice %arg7[%dma_start3A_319, %dma_start3A_320] : memref<16x513xf32, #tpu.memory_space<vmem>> -> memref<16x512xf32, #tpu.memory_space<vmem>>
    %dma_start3A_322 = arith.constant 0 : i32
    %dma_start3A_323 = arith.constant 3072 : i32
    %dma_start3A_324 = tpu.memref_slice %arg2[%select_n3A, %select_n3A_32, %dma_start3A_322, %dma_start3A_323] : memref<4x16x16x4096xf32, #tpu.memory_space<hbm>> -> memref<1x1x16x512xf32, #tpu.memory_space<hbm>>
    %dma_start3A_325 = tpu.memref_squeeze %dma_start3A_324 : memref<1x1x16x512xf32, #tpu.memory_space<hbm>> -> memref<16x512xf32, #tpu.memory_space<hbm>>
    tpu.enqueue_dma source(%dma_start3A_325 : memref<16x512xf32, #tpu.memory_space<hbm>>) target(%dma_start3A_321 : memref<16x512xf32, #tpu.memory_space<vmem>>) target_semaphore(%arg11 : memref<!tpu.dma_semaphore, #tpu.memory_space<semaphore_mem>>)
    %dma_start3A_326 = arith.constant 0 : i32
    %dma_start3A_327 = arith.constant 49152 : i32
    %dma_start3A_328 = tpu.memref_slice %arg4[%select_n3A, %dma_start3A_326, %dma_start3A_327] : memref<4x1x65536xi32, #tpu.memory_space<hbm>> -> memref<1x1x8192xi32, #tpu.memory_space<hbm>>
    %dma_start3A_329 = tpu.memref_squeeze %dma_start3A_328 : memref<1x1x8192xi32, #tpu.memory_space<hbm>> -> memref<8192xi32, #tpu.memory_space<hbm>>
    %dma_start3A_330 = arith.constant 49152 : i32
    %dma_start3A_331 = tpu.memref_slice %arg4[%select_n3A, %dma_start3A_326, %dma_start3A_330] : memref<4x1x65536xi32, #tpu.memory_space<hbm>> -> memref<1x1x8192xi32, #tpu.memory_space<hbm>>
    %dma_start3A_332 = tpu.memref_squeeze %dma_start3A_331 : memref<1x1x8192xi32, #tpu.memory_space<hbm>> -> memref<8192xi32, #tpu.memory_space<hbm>>
    tpu.enqueue_dma source(%dma_start3A_332 : memref<8192xi32, #tpu.memory_space<hbm>>) target(%arg9 : memref<8192xi32, #tpu.memory_space<vmem>>) target_semaphore(%arg11 : memref<!tpu.dma_semaphore, #tpu.memory_space<semaphore_mem>>)
    %scan3A_333 = arith.constant 0 : i32
    %scan3A_334 = arith.constant 0 : i32
    %scan3A_335 = arith.constant 512 : i32
    %scan3A_336 = arith.addi %scan3A_334, %scan3A_335 : i32
    %scan3A_337 = arith.constant 8 : i32
    scf.for %scan3A_840 = %scan3A_334 to %scan3A_336 step %scan3A_337  : i32 {
      %iota3A = tpu.iota {dimensions = array<i32: 0>} : vector<16xi32>
      %broadcast_in_dim3A = vector.broadcast %scan3A_840 : i32 to vector<16xi32>
      %mul3A_841 = arith.constant 16 : i32
      %mul3A_842 = arith.muli %scan3A_840, %mul3A_841 : i32
      %get3A = arith.index_cast %mul3A_842 : i32 to index
      %get3A_843 = tpu.vector_load %arg10[%get3A] {strides = array<i32>} : memref<8192xi32, #tpu.memory_space<vmem>>, vector<16xi32>,
      %gather3A = tpu.vector_load_idx %arg8[%iota3A, %broadcast_in_dim3A] : memref<16x513xf32, #tpu.memory_space<vmem>>[vector<16xi32>, vector<16xi32>], vector<16xf32>,
      tpu.vector_store_idx %arg6[%iota3A, %get3A_843], %gather3A {add = true} : memref<16x4097xf32, #tpu.memory_space<vmem>>[vector<16xi32>, vector<16xi32>], vector<16xf32>,
      %scan3A_844 = arith.constant 1 : i32
      %scan3A_845 = arith.addi %scan3A_840, %scan3A_844 : i32
      %iota3A_846 = tpu.iota {dimensions = array<i32: 0>} : vector<16xi32>
      %broadcast_in_dim3A_847 = vector.broadcast %scan3A_845 : i32 to vector<16xi32>
      %mul3A_848 = arith.constant 16 : i32
      %mul3A_849 = arith.muli %scan3A_845, %mul3A_848 : i32
      %get3A_850 = arith.index_cast %mul3A_849 : i32 to index
      %get3A_851 = tpu.vector_load %arg10[%get3A_850] {strides = array<i32>} : memref<8192xi32, #tpu.memory_space<vmem>>, vector<16xi32>,
      %gather3A_852 = tpu.vector_load_idx %arg8[%iota3A_846, %broadcast_in_dim3A_847] : memref<16x513xf32, #tpu.memory_space<vmem>>[vector<16xi32>, vector<16xi32>], vector<16xf32>,
      tpu.vector_store_idx %arg6[%iota3A_846, %get3A_851], %gather3A_852 {add = true} : memref<16x4097xf32, #tpu.memory_space<vmem>>[vector<16xi32>, vector<16xi32>], vector<16xf32>,
      %scan3A_853 = arith.constant 2 : i32
      %scan3A_854 = arith.addi %scan3A_840, %scan3A_853 : i32
      %iota3A_855 = tpu.iota {dimensions = array<i32: 0>} : vector<16xi32>
      %broadcast_in_dim3A_856 = vector.broadcast %scan3A_854 : i32 to vector<16xi32>
      %mul3A_857 = arith.constant 16 : i32
      %mul3A_858 = arith.muli %scan3A_854, %mul3A_857 : i32
      %get3A_859 = arith.index_cast %mul3A_858 : i32 to index
      %get3A_860 = tpu.vector_load %arg10[%get3A_859] {strides = array<i32>} : memref<8192xi32, #tpu.memory_space<vmem>>, vector<16xi32>,
      %gather3A_861 = tpu.vector_load_idx %arg8[%iota3A_855, %broadcast_in_dim3A_856] : memref<16x513xf32, #tpu.memory_space<vmem>>[vector<16xi32>, vector<16xi32>], vector<16xf32>,
      tpu.vector_store_idx %arg6[%iota3A_855, %get3A_860], %gather3A_861 {add = true} : memref<16x4097xf32, #tpu.memory_space<vmem>>[vector<16xi32>, vector<16xi32>], vector<16xf32>,
      %scan3A_862 = arith.constant 3 : i32
      %scan3A_863 = arith.addi %scan3A_840, %scan3A_862 : i32
      %iota3A_864 = tpu.iota {dimensions = array<i32: 0>} : vector<16xi32>
      %broadcast_in_dim3A_865 = vector.broadcast %scan3A_863 : i32 to vector<16xi32>
      %mul3A_866 = arith.constant 16 : i32
      %mul3A_867 = arith.muli %scan3A_863, %mul3A_866 : i32
      %get3A_868 = arith.index_cast %mul3A_867 : i32 to index
      %get3A_869 = tpu.vector_load %arg10[%get3A_868] {strides = array<i32>} : memref<8192xi32, #tpu.memory_space<vmem>>, vector<16xi32>,
      %gather3A_870 = tpu.vector_load_idx %arg8[%iota3A_864, %broadcast_in_dim3A_865] : memref<16x513xf32, #tpu.memory_space<vmem>>[vector<16xi32>, vector<16xi32>], vector<16xf32>,
      tpu.vector_store_idx %arg6[%iota3A_864, %get3A_869], %gather3A_870 {add = true} : memref<16x4097xf32, #tpu.memory_space<vmem>>[vector<16xi32>, vector<16xi32>], vector<16xf32>,
      %scan3A_871 = arith.constant 4 : i32
      %scan3A_872 = arith.addi %scan3A_840, %scan3A_871 : i32
      %iota3A_873 = tpu.iota {dimensions = array<i32: 0>} : vector<16xi32>
      %broadcast_in_dim3A_874 = vector.broadcast %scan3A_872 : i32 to vector<16xi32>
      %mul3A_875 = arith.constant 16 : i32
      %mul3A_876 = arith.muli %scan3A_872, %mul3A_875 : i32
      %get3A_877 = arith.index_cast %mul3A_876 : i32 to index
      %get3A_878 = tpu.vector_load %arg10[%get3A_877] {strides = array<i32>} : memref<8192xi32, #tpu.memory_space<vmem>>, vector<16xi32>,
      %gather3A_879 = tpu.vector_load_idx %arg8[%iota3A_873, %broadcast_in_dim3A_874] : memref<16x513xf32, #tpu.memory_space<vmem>>[vector<16xi32>, vector<16xi32>], vector<16xf32>,
      tpu.vector_store_idx %arg6[%iota3A_873, %get3A_878], %gather3A_879 {add = true} : memref<16x4097xf32, #tpu.memory_space<vmem>>[vector<16xi32>, vector<16xi32>], vector<16xf32>,
      %scan3A_880 = arith.constant 5 : i32
      %scan3A_881 = arith.addi %scan3A_840, %scan3A_880 : i32
      %iota3A_882 = tpu.iota {dimensions = array<i32: 0>} : vector<16xi32>
      %broadcast_in_dim3A_883 = vector.broadcast %scan3A_881 : i32 to vector<16xi32>
      %mul3A_884 = arith.constant 16 : i32
      %mul3A_885 = arith.muli %scan3A_881, %mul3A_884 : i32
      %get3A_886 = arith.index_cast %mul3A_885 : i32 to index
      %get3A_887 = tpu.vector_load %arg10[%get3A_886] {strides = array<i32>} : memref<8192xi32, #tpu.memory_space<vmem>>, vector<16xi32>,
      %gather3A_888 = tpu.vector_load_idx %arg8[%iota3A_882, %broadcast_in_dim3A_883] : memref<16x513xf32, #tpu.memory_space<vmem>>[vector<16xi32>, vector<16xi32>], vector<16xf32>,
      tpu.vector_store_idx %arg6[%iota3A_882, %get3A_887], %gather3A_888 {add = true} : memref<16x4097xf32, #tpu.memory_space<vmem>>[vector<16xi32>, vector<16xi32>], vector<16xf32>,
      %scan3A_889 = arith.constant 6 : i32
      %scan3A_890 = arith.addi %scan3A_840, %scan3A_889 : i32
      %iota3A_891 = tpu.iota {dimensions = array<i32: 0>} : vector<16xi32>
      %broadcast_in_dim3A_892 = vector.broadcast %scan3A_890 : i32 to vector<16xi32>
      %mul3A_893 = arith.constant 16 : i32
      %mul3A_894 = arith.muli %scan3A_890, %mul3A_893 : i32
      %get3A_895 = arith.index_cast %mul3A_894 : i32 to index
      %get3A_896 = tpu.vector_load %arg10[%get3A_895] {strides = array<i32>} : memref<8192xi32, #tpu.memory_space<vmem>>, vector<16xi32>,
      %gather3A_897 = tpu.vector_load_idx %arg8[%iota3A_891, %broadcast_in_dim3A_892] : memref<16x513xf32, #tpu.memory_space<vmem>>[vector<16xi32>, vector<16xi32>], vector<16xf32>,
      tpu.vector_store_idx %arg6[%iota3A_891, %get3A_896], %gather3A_897 {add = true} : memref<16x4097xf32, #tpu.memory_space<vmem>>[vector<16xi32>, vector<16xi32>], vector<16xf32>,
      %scan3A_898 = arith.constant 7 : i32
      %scan3A_899 = arith.addi %scan3A_840, %scan3A_898 : i32
      %iota3A_900 = tpu.iota {dimensions = array<i32: 0>} : vector<16xi32>
      %broadcast_in_dim3A_901 = vector.broadcast %scan3A_899 : i32 to vector<16xi32>
      %mul3A_902 = arith.constant 16 : i32
      %mul3A_903 = arith.muli %scan3A_899, %mul3A_902 : i32
      %get3A_904 = arith.index_cast %mul3A_903 : i32 to index
      %get3A_905 = tpu.vector_load %arg10[%get3A_904] {strides = array<i32>} : memref<8192xi32, #tpu.memory_space<vmem>>, vector<16xi32>,
      %gather3A_906 = tpu.vector_load_idx %arg8[%iota3A_900, %broadcast_in_dim3A_901] : memref<16x513xf32, #tpu.memory_space<vmem>>[vector<16xi32>, vector<16xi32>], vector<16xf32>,
      tpu.vector_store_idx %arg6[%iota3A_900, %get3A_905], %gather3A_906 {add = true} : memref<16x4097xf32, #tpu.memory_space<vmem>>[vector<16xi32>, vector<16xi32>], vector<16xf32>,
    }
    %scan3A_338 = arith.constant 512 : i32
    %dma_wait3A_339 = arith.constant 0 : i32
    %dma_wait3A_340 = arith.constant 0 : i32
    %dma_wait3A_341 = tpu.memref_slice %arg7[%dma_wait3A_339, %dma_wait3A_340] : memref<16x513xf32, #tpu.memory_space<vmem>> -> memref<16x512xf32, #tpu.memory_space<vmem>>
    %dma_wait3A_342 = arith.constant 0 : i32
    %dma_wait3A_343 = arith.constant 3072 : i32
    %dma_wait3A_344 = tpu.memref_slice %arg2[%select_n3A, %select_n3A_32, %dma_wait3A_342, %dma_wait3A_343] : memref<4x16x16x4096xf32, #tpu.memory_space<hbm>> -> memref<1x1x16x512xf32, #tpu.memory_space<hbm>>
    %dma_wait3A_345 = tpu.memref_squeeze %dma_wait3A_344 : memref<1x1x16x512xf32, #tpu.memory_space<hbm>> -> memref<16x512xf32, #tpu.memory_space<hbm>>
    %dma_wait3A_346 = arith.constant 0 : i32
    %dma_wait3A_347 = arith.constant 0 : i32
    %dma_wait3A_348 = tpu.memref_slice %arg7[%dma_wait3A_346, %dma_wait3A_347] : memref<16x513xf32, #tpu.memory_space<vmem>> -> memref<16x512xf32, #tpu.memory_space<vmem>>
    %dma_wait3A_349 = arith.constant 0 : i32
    %dma_wait3A_350 = arith.constant 3072 : i32
    %dma_wait3A_351 = tpu.memref_slice %arg2[%select_n3A, %select_n3A_32, %dma_wait3A_349, %dma_wait3A_350] : memref<4x16x16x4096xf32, #tpu.memory_space<hbm>> -> memref<1x1x16x512xf32, #tpu.memory_space<hbm>>
    %dma_wait3A_352 = tpu.memref_squeeze %dma_wait3A_351 : memref<1x1x16x512xf32, #tpu.memory_space<hbm>> -> memref<16x512xf32, #tpu.memory_space<hbm>>
    tpu.wait_dma2 semaphore(%arg11 : memref<!tpu.dma_semaphore, #tpu.memory_space<semaphore_mem>>) src(%dma_wait3A_352 : memref<16x512xf32, #tpu.memory_space<hbm>>) dst(%dma_wait3A_348 : memref<16x512xf32, #tpu.memory_space<vmem>>)
    %dma_wait3A_353 = arith.constant 0 : i32
    %dma_wait3A_354 = arith.constant 49152 : i32
    %dma_wait3A_355 = tpu.memref_slice %arg4[%select_n3A, %dma_wait3A_353, %dma_wait3A_354] : memref<4x1x65536xi32, #tpu.memory_space<hbm>> -> memref<1x1x8192xi32, #tpu.memory_space<hbm>>
    %dma_wait3A_356 = tpu.memref_squeeze %dma_wait3A_355 : memref<1x1x8192xi32, #tpu.memory_space<hbm>> -> memref<8192xi32, #tpu.memory_space<hbm>>
    %dma_wait3A_357 = arith.constant 49152 : i32
    %dma_wait3A_358 = tpu.memref_slice %arg4[%select_n3A, %dma_wait3A_353, %dma_wait3A_357] : memref<4x1x65536xi32, #tpu.memory_space<hbm>> -> memref<1x1x8192xi32, #tpu.memory_space<hbm>>
    %dma_wait3A_359 = tpu.memref_squeeze %dma_wait3A_358 : memref<1x1x8192xi32, #tpu.memory_space<hbm>> -> memref<8192xi32, #tpu.memory_space<hbm>>
    tpu.wait_dma2 semaphore(%arg11 : memref<!tpu.dma_semaphore, #tpu.memory_space<semaphore_mem>>) src(%dma_wait3A_359 : memref<8192xi32, #tpu.memory_space<hbm>>) dst(%arg9 : memref<8192xi32, #tpu.memory_space<vmem>>)
    %dma_start3A_360 = arith.constant 0 : i32
    %dma_start3A_361 = arith.constant 0 : i32
    %dma_start3A_362 = tpu.memref_slice %arg8[%dma_start3A_360, %dma_start3A_361] : memref<16x513xf32, #tpu.memory_space<vmem>> -> memref<16x512xf32, #tpu.memory_space<vmem>>
    %dma_start3A_363 = arith.constant 0 : i32
    %dma_start3A_364 = arith.constant 3584 : i32
    %dma_start3A_365 = tpu.memref_slice %arg2[%select_n3A, %select_n3A_32, %dma_start3A_363, %dma_start3A_364] : memref<4x16x16x4096xf32, #tpu.memory_space<hbm>> -> memref<1x1x16x512xf32, #tpu.memory_space<hbm>>
    %dma_start3A_366 = tpu.memref_squeeze %dma_start3A_365 : memref<1x1x16x512xf32, #tpu.memory_space<hbm>> -> memref<16x512xf32, #tpu.memory_space<hbm>>
    %dma_start3A_367 = arith.constant 0 : i32
    %dma_start3A_368 = arith.constant 0 : i32
    %dma_start3A_369 = tpu.memref_slice %arg8[%dma_start3A_367, %dma_start3A_368] : memref<16x513xf32, #tpu.memory_space<vmem>> -> memref<16x512xf32, #tpu.memory_space<vmem>>
    %dma_start3A_370 = arith.constant 0 : i32
    %dma_start3A_371 = arith.constant 3584 : i32
    %dma_start3A_372 = tpu.memref_slice %arg2[%select_n3A, %select_n3A_32, %dma_start3A_370, %dma_start3A_371] : memref<4x16x16x4096xf32, #tpu.memory_space<hbm>> -> memref<1x1x16x512xf32, #tpu.memory_space<hbm>>
    %dma_start3A_373 = tpu.memref_squeeze %dma_start3A_372 : memref<1x1x16x512xf32, #tpu.memory_space<hbm>> -> memref<16x512xf32, #tpu.memory_space<hbm>>
    tpu.enqueue_dma source(%dma_start3A_373 : memref<16x512xf32, #tpu.memory_space<hbm>>) target(%dma_start3A_369 : memref<16x512xf32, #tpu.memory_space<vmem>>) target_semaphore(%arg12 : memref<!tpu.dma_semaphore, #tpu.memory_space<semaphore_mem>>)
    %dma_start3A_374 = arith.constant 0 : i32
    %dma_start3A_375 = arith.constant 57344 : i32
    %dma_start3A_376 = tpu.memref_slice %arg4[%select_n3A, %dma_start3A_374, %dma_start3A_375] : memref<4x1x65536xi32, #tpu.memory_space<hbm>> -> memref<1x1x8192xi32, #tpu.memory_space<hbm>>
    %dma_start3A_377 = tpu.memref_squeeze %dma_start3A_376 : memref<1x1x8192xi32, #tpu.memory_space<hbm>> -> memref<8192xi32, #tpu.memory_space<hbm>>
    %dma_start3A_378 = arith.constant 57344 : i32
    %dma_start3A_379 = tpu.memref_slice %arg4[%select_n3A, %dma_start3A_374, %dma_start3A_378] : memref<4x1x65536xi32, #tpu.memory_space<hbm>> -> memref<1x1x8192xi32, #tpu.memory_space<hbm>>
    %dma_start3A_380 = tpu.memref_squeeze %dma_start3A_379 : memref<1x1x8192xi32, #tpu.memory_space<hbm>> -> memref<8192xi32, #tpu.memory_space<hbm>>
    tpu.enqueue_dma source(%dma_start3A_380 : memref<8192xi32, #tpu.memory_space<hbm>>) target(%arg10 : memref<8192xi32, #tpu.memory_space<vmem>>) target_semaphore(%arg12 : memref<!tpu.dma_semaphore, #tpu.memory_space<semaphore_mem>>)
    %scan3A_381 = arith.constant 0 : i32
    %scan3A_382 = arith.constant 0 : i32
    %scan3A_383 = arith.constant 512 : i32
    %scan3A_384 = arith.addi %scan3A_382, %scan3A_383 : i32
    %scan3A_385 = arith.constant 8 : i32
    scf.for %scan3A_840 = %scan3A_382 to %scan3A_384 step %scan3A_385  : i32 {
      %iota3A = tpu.iota {dimensions = array<i32: 0>} : vector<16xi32>
      %broadcast_in_dim3A = vector.broadcast %scan3A_840 : i32 to vector<16xi32>
      %mul3A_841 = arith.constant 16 : i32
      %mul3A_842 = arith.muli %scan3A_840, %mul3A_841 : i32
      %get3A = arith.index_cast %mul3A_842 : i32 to index
      %get3A_843 = tpu.vector_load %arg9[%get3A] {strides = array<i32>} : memref<8192xi32, #tpu.memory_space<vmem>>, vector<16xi32>,
      %gather3A = tpu.vector_load_idx %arg7[%iota3A, %broadcast_in_dim3A] : memref<16x513xf32, #tpu.memory_space<vmem>>[vector<16xi32>, vector<16xi32>], vector<16xf32>,
      tpu.vector_store_idx %arg6[%iota3A, %get3A_843], %gather3A {add = true} : memref<16x4097xf32, #tpu.memory_space<vmem>>[vector<16xi32>, vector<16xi32>], vector<16xf32>,
      %scan3A_844 = arith.constant 1 : i32
      %scan3A_845 = arith.addi %scan3A_840, %scan3A_844 : i32
      %iota3A_846 = tpu.iota {dimensions = array<i32: 0>} : vector<16xi32>
      %broadcast_in_dim3A_847 = vector.broadcast %scan3A_845 : i32 to vector<16xi32>
      %mul3A_848 = arith.constant 16 : i32
      %mul3A_849 = arith.muli %scan3A_845, %mul3A_848 : i32
      %get3A_850 = arith.index_cast %mul3A_849 : i32 to index
      %get3A_851 = tpu.vector_load %arg9[%get3A_850] {strides = array<i32>} : memref<8192xi32, #tpu.memory_space<vmem>>, vector<16xi32>,
      %gather3A_852 = tpu.vector_load_idx %arg7[%iota3A_846, %broadcast_in_dim3A_847] : memref<16x513xf32, #tpu.memory_space<vmem>>[vector<16xi32>, vector<16xi32>], vector<16xf32>,
      tpu.vector_store_idx %arg6[%iota3A_846, %get3A_851], %gather3A_852 {add = true} : memref<16x4097xf32, #tpu.memory_space<vmem>>[vector<16xi32>, vector<16xi32>], vector<16xf32>,
      %scan3A_853 = arith.constant 2 : i32
      %scan3A_854 = arith.addi %scan3A_840, %scan3A_853 : i32
      %iota3A_855 = tpu.iota {dimensions = array<i32: 0>} : vector<16xi32>
      %broadcast_in_dim3A_856 = vector.broadcast %scan3A_854 : i32 to vector<16xi32>
      %mul3A_857 = arith.constant 16 : i32
      %mul3A_858 = arith.muli %scan3A_854, %mul3A_857 : i32
      %get3A_859 = arith.index_cast %mul3A_858 : i32 to index
      %get3A_860 = tpu.vector_load %arg9[%get3A_859] {strides = array<i32>} : memref<8192xi32, #tpu.memory_space<vmem>>, vector<16xi32>,
      %gather3A_861 = tpu.vector_load_idx %arg7[%iota3A_855, %broadcast_in_dim3A_856] : memref<16x513xf32, #tpu.memory_space<vmem>>[vector<16xi32>, vector<16xi32>], vector<16xf32>,
      tpu.vector_store_idx %arg6[%iota3A_855, %get3A_860], %gather3A_861 {add = true} : memref<16x4097xf32, #tpu.memory_space<vmem>>[vector<16xi32>, vector<16xi32>], vector<16xf32>,
      %scan3A_862 = arith.constant 3 : i32
      %scan3A_863 = arith.addi %scan3A_840, %scan3A_862 : i32
      %iota3A_864 = tpu.iota {dimensions = array<i32: 0>} : vector<16xi32>
      %broadcast_in_dim3A_865 = vector.broadcast %scan3A_863 : i32 to vector<16xi32>
      %mul3A_866 = arith.constant 16 : i32
      %mul3A_867 = arith.muli %scan3A_863, %mul3A_866 : i32
      %get3A_868 = arith.index_cast %mul3A_867 : i32 to index
      %get3A_869 = tpu.vector_load %arg9[%get3A_868] {strides = array<i32>} : memref<8192xi32, #tpu.memory_space<vmem>>, vector<16xi32>,
      %gather3A_870 = tpu.vector_load_idx %arg7[%iota3A_864, %broadcast_in_dim3A_865] : memref<16x513xf32, #tpu.memory_space<vmem>>[vector<16xi32>, vector<16xi32>], vector<16xf32>,
      tpu.vector_store_idx %arg6[%iota3A_864, %get3A_869], %gather3A_870 {add = true} : memref<16x4097xf32, #tpu.memory_space<vmem>>[vector<16xi32>, vector<16xi32>], vector<16xf32>,
      %scan3A_871 = arith.constant 4 : i32
      %scan3A_872 = arith.addi %scan3A_840, %scan3A_871 : i32
      %iota3A_873 = tpu.iota {dimensions = array<i32: 0>} : vector<16xi32>
      %broadcast_in_dim3A_874 = vector.broadcast %scan3A_872 : i32 to vector<16xi32>
      %mul3A_875 = arith.constant 16 : i32
      %mul3A_876 = arith.muli %scan3A_872, %mul3A_875 : i32
      %get3A_877 = arith.index_cast %mul3A_876 : i32 to index
      %get3A_878 = tpu.vector_load %arg9[%get3A_877] {strides = array<i32>} : memref<8192xi32, #tpu.memory_space<vmem>>, vector<16xi32>,
      %gather3A_879 = tpu.vector_load_idx %arg7[%iota3A_873, %broadcast_in_dim3A_874] : memref<16x513xf32, #tpu.memory_space<vmem>>[vector<16xi32>, vector<16xi32>], vector<16xf32>,
      tpu.vector_store_idx %arg6[%iota3A_873, %get3A_878], %gather3A_879 {add = true} : memref<16x4097xf32, #tpu.memory_space<vmem>>[vector<16xi32>, vector<16xi32>], vector<16xf32>,
      %scan3A_880 = arith.constant 5 : i32
      %scan3A_881 = arith.addi %scan3A_840, %scan3A_880 : i32
      %iota3A_882 = tpu.iota {dimensions = array<i32: 0>} : vector<16xi32>
      %broadcast_in_dim3A_883 = vector.broadcast %scan3A_881 : i32 to vector<16xi32>
      %mul3A_884 = arith.constant 16 : i32
      %mul3A_885 = arith.muli %scan3A_881, %mul3A_884 : i32
      %get3A_886 = arith.index_cast %mul3A_885 : i32 to index
      %get3A_887 = tpu.vector_load %arg9[%get3A_886] {strides = array<i32>} : memref<8192xi32, #tpu.memory_space<vmem>>, vector<16xi32>,
      %gather3A_888 = tpu.vector_load_idx %arg7[%iota3A_882, %broadcast_in_dim3A_883] : memref<16x513xf32, #tpu.memory_space<vmem>>[vector<16xi32>, vector<16xi32>], vector<16xf32>,
      tpu.vector_store_idx %arg6[%iota3A_882, %get3A_887], %gather3A_888 {add = true} : memref<16x4097xf32, #tpu.memory_space<vmem>>[vector<16xi32>, vector<16xi32>], vector<16xf32>,
      %scan3A_889 = arith.constant 6 : i32
      %scan3A_890 = arith.addi %scan3A_840, %scan3A_889 : i32
      %iota3A_891 = tpu.iota {dimensions = array<i32: 0>} : vector<16xi32>
      %broadcast_in_dim3A_892 = vector.broadcast %scan3A_890 : i32 to vector<16xi32>
      %mul3A_893 = arith.constant 16 : i32
      %mul3A_894 = arith.muli %scan3A_890, %mul3A_893 : i32
      %get3A_895 = arith.index_cast %mul3A_894 : i32 to index
      %get3A_896 = tpu.vector_load %arg9[%get3A_895] {strides = array<i32>} : memref<8192xi32, #tpu.memory_space<vmem>>, vector<16xi32>,
      %gather3A_897 = tpu.vector_load_idx %arg7[%iota3A_891, %broadcast_in_dim3A_892] : memref<16x513xf32, #tpu.memory_space<vmem>>[vector<16xi32>, vector<16xi32>], vector<16xf32>,
      tpu.vector_store_idx %arg6[%iota3A_891, %get3A_896], %gather3A_897 {add = true} : memref<16x4097xf32, #tpu.memory_space<vmem>>[vector<16xi32>, vector<16xi32>], vector<16xf32>,
      %scan3A_898 = arith.constant 7 : i32
      %scan3A_899 = arith.addi %scan3A_840, %scan3A_898 : i32
      %iota3A_900 = tpu.iota {dimensions = array<i32: 0>} : vector<16xi32>
      %broadcast_in_dim3A_901 = vector.broadcast %scan3A_899 : i32 to vector<16xi32>
      %mul3A_902 = arith.constant 16 : i32
      %mul3A_903 = arith.muli %scan3A_899, %mul3A_902 : i32
      %get3A_904 = arith.index_cast %mul3A_903 : i32 to index
      %get3A_905 = tpu.vector_load %arg9[%get3A_904] {strides = array<i32>} : memref<8192xi32, #tpu.memory_space<vmem>>, vector<16xi32>,
      %gather3A_906 = tpu.vector_load_idx %arg7[%iota3A_900, %broadcast_in_dim3A_901] : memref<16x513xf32, #tpu.memory_space<vmem>>[vector<16xi32>, vector<16xi32>], vector<16xf32>,
      tpu.vector_store_idx %arg6[%iota3A_900, %get3A_905], %gather3A_906 {add = true} : memref<16x4097xf32, #tpu.memory_space<vmem>>[vector<16xi32>, vector<16xi32>], vector<16xf32>,
    }
    %scan3A_386 = arith.constant 512 : i32
    %dma_wait3A_387 = arith.constant 0 : i32
    %dma_wait3A_388 = arith.constant 0 : i32
    %dma_wait3A_389 = tpu.memref_slice %arg8[%dma_wait3A_387, %dma_wait3A_388] : memref<16x513xf32, #tpu.memory_space<vmem>> -> memref<16x512xf32, #tpu.memory_space<vmem>>
    %dma_wait3A_390 = arith.constant 0 : i32
    %dma_wait3A_391 = arith.constant 3584 : i32
    %dma_wait3A_392 = tpu.memref_slice %arg2[%select_n3A, %select_n3A_32, %dma_wait3A_390, %dma_wait3A_391] : memref<4x16x16x4096xf32, #tpu.memory_space<hbm>> -> memref<1x1x16x512xf32, #tpu.memory_space<hbm>>
    %dma_wait3A_393 = tpu.memref_squeeze %dma_wait3A_392 : memref<1x1x16x512xf32, #tpu.memory_space<hbm>> -> memref<16x512xf32, #tpu.memory_space<hbm>>
    %dma_wait3A_394 = arith.constant 0 : i32
    %dma_wait3A_395 = arith.constant 0 : i32
    %dma_wait3A_396 = tpu.memref_slice %arg8[%dma_wait3A_394, %dma_wait3A_395] : memref<16x513xf32, #tpu.memory_space<vmem>> -> memref<16x512xf32, #tpu.memory_space<vmem>>
    %dma_wait3A_397 = arith.constant 0 : i32
    %dma_wait3A_398 = arith.constant 3584 : i32
    %dma_wait3A_399 = tpu.memref_slice %arg2[%select_n3A, %select_n3A_32, %dma_wait3A_397, %dma_wait3A_398] : memref<4x16x16x4096xf32, #tpu.memory_space<hbm>> -> memref<1x1x16x512xf32, #tpu.memory_space<hbm>>
    %dma_wait3A_400 = tpu.memref_squeeze %dma_wait3A_399 : memref<1x1x16x512xf32, #tpu.memory_space<hbm>> -> memref<16x512xf32, #tpu.memory_space<hbm>>
    tpu.wait_dma2 semaphore(%arg12 : memref<!tpu.dma_semaphore, #tpu.memory_space<semaphore_mem>>) src(%dma_wait3A_400 : memref<16x512xf32, #tpu.memory_space<hbm>>) dst(%dma_wait3A_396 : memref<16x512xf32, #tpu.memory_space<vmem>>)
    %dma_wait3A_401 = arith.constant 0 : i32
    %dma_wait3A_402 = arith.constant 57344 : i32
    %dma_wait3A_403 = tpu.memref_slice %arg4[%select_n3A, %dma_wait3A_401, %dma_wait3A_402] : memref<4x1x65536xi32, #tpu.memory_space<hbm>> -> memref<1x1x8192xi32, #tpu.memory_space<hbm>>
    %dma_wait3A_404 = tpu.memref_squeeze %dma_wait3A_403 : memref<1x1x8192xi32, #tpu.memory_space<hbm>> -> memref<8192xi32, #tpu.memory_space<hbm>>
    %dma_wait3A_405 = arith.constant 57344 : i32
    %dma_wait3A_406 = tpu.memref_slice %arg4[%select_n3A, %dma_wait3A_401, %dma_wait3A_405] : memref<4x1x65536xi32, #tpu.memory_space<hbm>> -> memref<1x1x8192xi32, #tpu.memory_space<hbm>>
    %dma_wait3A_407 = tpu.memref_squeeze %dma_wait3A_406 : memref<1x1x8192xi32, #tpu.memory_space<hbm>> -> memref<8192xi32, #tpu.memory_space<hbm>>
    tpu.wait_dma2 semaphore(%arg12 : memref<!tpu.dma_semaphore, #tpu.memory_space<semaphore_mem>>) src(%dma_wait3A_407 : memref<8192xi32, #tpu.memory_space<hbm>>) dst(%arg10 : memref<8192xi32, #tpu.memory_space<vmem>>)
    %scan3A_408 = arith.constant 0 : i32
    %scan3A_409 = arith.constant 0 : i32
    %scan3A_410 = arith.constant 512 : i32
    %scan3A_411 = arith.addi %scan3A_409, %scan3A_410 : i32
    %scan3A_412 = arith.constant 8 : i32
    scf.for %scan3A_840 = %scan3A_409 to %scan3A_411 step %scan3A_412  : i32 {
      %iota3A = tpu.iota {dimensions = array<i32: 0>} : vector<16xi32>
      %broadcast_in_dim3A = vector.broadcast %scan3A_840 : i32 to vector<16xi32>
      %mul3A_841 = arith.constant 16 : i32
      %mul3A_842 = arith.muli %scan3A_840, %mul3A_841 : i32
      %get3A = arith.index_cast %mul3A_842 : i32 to index
      %get3A_843 = tpu.vector_load %arg10[%get3A] {strides = array<i32>} : memref<8192xi32, #tpu.memory_space<vmem>>, vector<16xi32>,
      %gather3A = tpu.vector_load_idx %arg8[%iota3A, %broadcast_in_dim3A] : memref<16x513xf32, #tpu.memory_space<vmem>>[vector<16xi32>, vector<16xi32>], vector<16xf32>,
      tpu.vector_store_idx %arg6[%iota3A, %get3A_843], %gather3A {add = true} : memref<16x4097xf32, #tpu.memory_space<vmem>>[vector<16xi32>, vector<16xi32>], vector<16xf32>,
      %scan3A_844 = arith.constant 1 : i32
      %scan3A_845 = arith.addi %scan3A_840, %scan3A_844 : i32
      %iota3A_846 = tpu.iota {dimensions = array<i32: 0>} : vector<16xi32>
      %broadcast_in_dim3A_847 = vector.broadcast %scan3A_845 : i32 to vector<16xi32>
      %mul3A_848 = arith.constant 16 : i32
      %mul3A_849 = arith.muli %scan3A_845, %mul3A_848 : i32
      %get3A_850 = arith.index_cast %mul3A_849 : i32 to index
      %get3A_851 = tpu.vector_load %arg10[%get3A_850] {strides = array<i32>} : memref<8192xi32, #tpu.memory_space<vmem>>, vector<16xi32>,
      %gather3A_852 = tpu.vector_load_idx %arg8[%iota3A_846, %broadcast_in_dim3A_847] : memref<16x513xf32, #tpu.memory_space<vmem>>[vector<16xi32>, vector<16xi32>], vector<16xf32>,
      tpu.vector_store_idx %arg6[%iota3A_846, %get3A_851], %gather3A_852 {add = true} : memref<16x4097xf32, #tpu.memory_space<vmem>>[vector<16xi32>, vector<16xi32>], vector<16xf32>,
      %scan3A_853 = arith.constant 2 : i32
      %scan3A_854 = arith.addi %scan3A_840, %scan3A_853 : i32
      %iota3A_855 = tpu.iota {dimensions = array<i32: 0>} : vector<16xi32>
      %broadcast_in_dim3A_856 = vector.broadcast %scan3A_854 : i32 to vector<16xi32>
      %mul3A_857 = arith.constant 16 : i32
      %mul3A_858 = arith.muli %scan3A_854, %mul3A_857 : i32
      %get3A_859 = arith.index_cast %mul3A_858 : i32 to index
      %get3A_860 = tpu.vector_load %arg10[%get3A_859] {strides = array<i32>} : memref<8192xi32, #tpu.memory_space<vmem>>, vector<16xi32>,
      %gather3A_861 = tpu.vector_load_idx %arg8[%iota3A_855, %broadcast_in_dim3A_856] : memref<16x513xf32, #tpu.memory_space<vmem>>[vector<16xi32>, vector<16xi32>], vector<16xf32>,
      tpu.vector_store_idx %arg6[%iota3A_855, %get3A_860], %gather3A_861 {add = true} : memref<16x4097xf32, #tpu.memory_space<vmem>>[vector<16xi32>, vector<16xi32>], vector<16xf32>,
      %scan3A_862 = arith.constant 3 : i32
      %scan3A_863 = arith.addi %scan3A_840, %scan3A_862 : i32
      %iota3A_864 = tpu.iota {dimensions = array<i32: 0>} : vector<16xi32>
      %broadcast_in_dim3A_865 = vector.broadcast %scan3A_863 : i32 to vector<16xi32>
      %mul3A_866 = arith.constant 16 : i32
      %mul3A_867 = arith.muli %scan3A_863, %mul3A_866 : i32
      %get3A_868 = arith.index_cast %mul3A_867 : i32 to index
      %get3A_869 = tpu.vector_load %arg10[%get3A_868] {strides = array<i32>} : memref<8192xi32, #tpu.memory_space<vmem>>, vector<16xi32>,
      %gather3A_870 = tpu.vector_load_idx %arg8[%iota3A_864, %broadcast_in_dim3A_865] : memref<16x513xf32, #tpu.memory_space<vmem>>[vector<16xi32>, vector<16xi32>], vector<16xf32>,
      tpu.vector_store_idx %arg6[%iota3A_864, %get3A_869], %gather3A_870 {add = true} : memref<16x4097xf32, #tpu.memory_space<vmem>>[vector<16xi32>, vector<16xi32>], vector<16xf32>,
      %scan3A_871 = arith.constant 4 : i32
      %scan3A_872 = arith.addi %scan3A_840, %scan3A_871 : i32
      %iota3A_873 = tpu.iota {dimensions = array<i32: 0>} : vector<16xi32>
      %broadcast_in_dim3A_874 = vector.broadcast %scan3A_872 : i32 to vector<16xi32>
      %mul3A_875 = arith.constant 16 : i32
      %mul3A_876 = arith.muli %scan3A_872, %mul3A_875 : i32
      %get3A_877 = arith.index_cast %mul3A_876 : i32 to index
      %get3A_878 = tpu.vector_load %arg10[%get3A_877] {strides = array<i32>} : memref<8192xi32, #tpu.memory_space<vmem>>, vector<16xi32>,
      %gather3A_879 = tpu.vector_load_idx %arg8[%iota3A_873, %broadcast_in_dim3A_874] : memref<16x513xf32, #tpu.memory_space<vmem>>[vector<16xi32>, vector<16xi32>], vector<16xf32>,
      tpu.vector_store_idx %arg6[%iota3A_873, %get3A_878], %gather3A_879 {add = true} : memref<16x4097xf32, #tpu.memory_space<vmem>>[vector<16xi32>, vector<16xi32>], vector<16xf32>,
      %scan3A_880 = arith.constant 5 : i32
      %scan3A_881 = arith.addi %scan3A_840, %scan3A_880 : i32
      %iota3A_882 = tpu.iota {dimensions = array<i32: 0>} : vector<16xi32>
      %broadcast_in_dim3A_883 = vector.broadcast %scan3A_881 : i32 to vector<16xi32>
      %mul3A_884 = arith.constant 16 : i32
      %mul3A_885 = arith.muli %scan3A_881, %mul3A_884 : i32
      %get3A_886 = arith.index_cast %mul3A_885 : i32 to index
      %get3A_887 = tpu.vector_load %arg10[%get3A_886] {strides = array<i32>} : memref<8192xi32, #tpu.memory_space<vmem>>, vector<16xi32>,
      %gather3A_888 = tpu.vector_load_idx %arg8[%iota3A_882, %broadcast_in_dim3A_883] : memref<16x513xf32, #tpu.memory_space<vmem>>[vector<16xi32>, vector<16xi32>], vector<16xf32>,
      tpu.vector_store_idx %arg6[%iota3A_882, %get3A_887], %gather3A_888 {add = true} : memref<16x4097xf32, #tpu.memory_space<vmem>>[vector<16xi32>, vector<16xi32>], vector<16xf32>,
      %scan3A_889 = arith.constant 6 : i32
      %scan3A_890 = arith.addi %scan3A_840, %scan3A_889 : i32
      %iota3A_891 = tpu.iota {dimensions = array<i32: 0>} : vector<16xi32>
      %broadcast_in_dim3A_892 = vector.broadcast %scan3A_890 : i32 to vector<16xi32>
      %mul3A_893 = arith.constant 16 : i32
      %mul3A_894 = arith.muli %scan3A_890, %mul3A_893 : i32
      %get3A_895 = arith.index_cast %mul3A_894 : i32 to index
      %get3A_896 = tpu.vector_load %arg10[%get3A_895] {strides = array<i32>} : memref<8192xi32, #tpu.memory_space<vmem>>, vector<16xi32>,
      %gather3A_897 = tpu.vector_load_idx %arg8[%iota3A_891, %broadcast_in_dim3A_892] : memref<16x513xf32, #tpu.memory_space<vmem>>[vector<16xi32>, vector<16xi32>], vector<16xf32>,
      tpu.vector_store_idx %arg6[%iota3A_891, %get3A_896], %gather3A_897 {add = true} : memref<16x4097xf32, #tpu.memory_space<vmem>>[vector<16xi32>, vector<16xi32>], vector<16xf32>,
      %scan3A_898 = arith.constant 7 : i32
      %scan3A_899 = arith.addi %scan3A_840, %scan3A_898 : i32
      %iota3A_900 = tpu.iota {dimensions = array<i32: 0>} : vector<16xi32>
      %broadcast_in_dim3A_901 = vector.broadcast %scan3A_899 : i32 to vector<16xi32>
      %mul3A_902 = arith.constant 16 : i32
      %mul3A_903 = arith.muli %scan3A_899, %mul3A_902 : i32
      %get3A_904 = arith.index_cast %mul3A_903 : i32 to index
      %get3A_905 = tpu.vector_load %arg10[%get3A_904] {strides = array<i32>} : memref<8192xi32, #tpu.memory_space<vmem>>, vector<16xi32>,
      %gather3A_906 = tpu.vector_load_idx %arg8[%iota3A_900, %broadcast_in_dim3A_901] : memref<16x513xf32, #tpu.memory_space<vmem>>[vector<16xi32>, vector<16xi32>], vector<16xf32>,
      tpu.vector_store_idx %arg6[%iota3A_900, %get3A_905], %gather3A_906 {add = true} : memref<16x4097xf32, #tpu.memory_space<vmem>>[vector<16xi32>, vector<16xi32>], vector<16xf32>,
    }
    %scan3A_413 = arith.constant 512 : i32
    "tpu.region"() ({
      %run_scoped3A = tpu.sem_alloc : memref<!tpu.dma_semaphore, #tpu.memory_space<semaphore_mem>>
      %dma_start3A_840 = arith.constant 0 : i32
      %dma_start3A_841 = arith.constant 0 : i32
      %dma_start3A_842 = tpu.memref_slice %arg6[%dma_start3A_840, %dma_start3A_841] : memref<16x4097xf32, #tpu.memory_space<vmem>> -> memref<16x4096xf32, #tpu.memory_space<vmem>>
      %dma_start3A_843 = arith.constant 0 : i32
      %dma_start3A_844 = arith.constant 0 : i32
      %dma_start3A_845 = tpu.memref_slice %arg5[%select_n3A, %select_n3A_32, %dma_start3A_843, %dma_start3A_844] : memref<4x16x16x4096xf32, #tpu.memory_space<hbm>> -> memref<1x1x16x4096xf32, #tpu.memory_space<hbm>>
      %dma_start3A_846 = tpu.memref_squeeze %dma_start3A_845 : memref<1x1x16x4096xf32, #tpu.memory_space<hbm>> -> memref<16x4096xf32, #tpu.memory_space<hbm>>
      %dma_start3A_847 = arith.constant 0 : i32
      %dma_start3A_848 = arith.constant 0 : i32
      %dma_start3A_849 = tpu.memref_slice %arg5[%select_n3A, %select_n3A_32, %dma_start3A_847, %dma_start3A_848] : memref<4x16x16x4096xf32, #tpu.memory_space<hbm>> -> memref<1x1x16x4096xf32, #tpu.memory_space<hbm>>
      %dma_start3A_850 = tpu.memref_squeeze %dma_start3A_849 : memref<1x1x16x4096xf32, #tpu.memory_space<hbm>> -> memref<16x4096xf32, #tpu.memory_space<hbm>>
      %dma_start3A_851 = arith.constant 0 : i32
      %dma_start3A_852 = arith.constant 0 : i32
      %dma_start3A_853 = tpu.memref_slice %arg6[%dma_start3A_851, %dma_start3A_852] : memref<16x4097xf32, #tpu.memory_space<vmem>> -> memref<16x4096xf32, #tpu.memory_space<vmem>>
      tpu.enqueue_dma source(%dma_start3A_853 : memref<16x4096xf32, #tpu.memory_space<vmem>>) target(%dma_start3A_850 : memref<16x4096xf32, #tpu.memory_space<hbm>>) target_semaphore(%run_scoped3A : memref<!tpu.dma_semaphore, #tpu.memory_space<semaphore_mem>>)
      %dma_wait3A_854 = arith.constant 0 : i32
      %dma_wait3A_855 = arith.constant 0 : i32
      %dma_wait3A_856 = tpu.memref_slice %arg6[%dma_wait3A_854, %dma_wait3A_855] : memref<16x4097xf32, #tpu.memory_space<vmem>> -> memref<16x4096xf32, #tpu.memory_space<vmem>>
      %dma_wait3A_857 = arith.constant 0 : i32
      %dma_wait3A_858 = arith.constant 0 : i32
      %dma_wait3A_859 = tpu.memref_slice %arg5[%select_n3A, %select_n3A_32, %dma_wait3A_857, %dma_wait3A_858] : memref<4x16x16x4096xf32, #tpu.memory_space<hbm>> -> memref<1x1x16x4096xf32, #tpu.memory_space<hbm>>
      %dma_wait3A_860 = tpu.memref_squeeze %dma_wait3A_859 : memref<1x1x16x4096xf32, #tpu.memory_space<hbm>> -> memref<16x4096xf32, #tpu.memory_space<hbm>>
      %dma_wait3A_861 = arith.constant 0 : i32
      %dma_wait3A_862 = arith.constant 0 : i32
      %dma_wait3A_863 = tpu.memref_slice %arg5[%select_n3A, %select_n3A_32, %dma_wait3A_861, %dma_wait3A_862] : memref<4x16x16x4096xf32, #tpu.memory_space<hbm>> -> memref<1x1x16x4096xf32, #tpu.memory_space<hbm>>
      %dma_wait3A_864 = tpu.memref_squeeze %dma_wait3A_863 : memref<1x1x16x4096xf32, #tpu.memory_space<hbm>> -> memref<16x4096xf32, #tpu.memory_space<hbm>>
      %dma_wait3A_865 = arith.constant 0 : i32
      %dma_wait3A_866 = arith.constant 0 : i32
      %dma_wait3A_867 = tpu.memref_slice %arg6[%dma_wait3A_865, %dma_wait3A_866] : memref<16x4097xf32, #tpu.memory_space<vmem>> -> memref<16x4096xf32, #tpu.memory_space<vmem>>
      tpu.wait_dma2 semaphore(%run_scoped3A : memref<!tpu.dma_semaphore, #tpu.memory_space<semaphore_mem>>) src(%dma_wait3A_867 : memref<16x4096xf32, #tpu.memory_space<vmem>>) dst(%dma_wait3A_864 : memref<16x4096xf32, #tpu.memory_space<hbm>>)
      tpu.yield
    }) : () -> ()
    %add3A_414 = arith.constant 32 : i32
    %add3A_415 = arith.addi %add3A, %add3A_414 : i32
    %jit3A_416 = arith.constant 16 : i32
    %div3A_417 = arith.divsi %add3A_415, %jit3A_416 : i32
    %sign3A_418 = arith.constant 0 : i32
    %sign3A_419 = arith.cmpi sgt, %add3A_415, %sign3A_418 : i32
    %sign3A_420 = arith.extui %sign3A_419 : i1 to i32
    %sign3A_421 = arith.constant 0 : i32
    %sign3A_422 = arith.cmpi slt, %add3A_415, %sign3A_421 : i32
    %sign3A_423 = arith.extui %sign3A_422 : i1 to i32
    %sign3A_424 = arith.subi %sign3A_420, %sign3A_423 : i32
    %sign3A_425 = arith.constant 0 : i32
    %sign3A_426 = arith.cmpi sgt, %jit3A_416, %sign3A_425 : i32
    %sign3A_427 = arith.extui %sign3A_426 : i1 to i32
    %sign3A_428 = arith.constant 0 : i32
    %sign3A_429 = arith.cmpi slt, %jit3A_416, %sign3A_428 : i32
    %sign3A_430 = arith.extui %sign3A_429 : i1 to i32
    %sign3A_431 = arith.subi %sign3A_427, %sign3A_430 : i32
    %ne3A_432 = arith.cmpi ne, %sign3A_424, %sign3A_431 : i32
    %rem3A_433 = arith.remsi %add3A_415, %jit3A_416 : i32
    %ne3A_434 = arith.constant 0 : i32
    %ne3A_435 = arith.cmpi ne, %rem3A_433, %ne3A_434 : i32
    %and3A_436 = arith.andi %ne3A_432, %ne3A_435 : i1
    %sub3A_437 = arith.constant 1 : i32
    %sub3A_438 = arith.subi %div3A_417, %sub3A_437 : i32
    %select_n3A_439 = arith.select %and3A_436, %sub3A_438, %div3A_417 : i32
    %jit3A_440 = arith.constant 16 : i32
    %eq3A_441 = arith.constant 0 : i32
    %eq3A_442 = arith.cmpi eq, %jit3A_440, %eq3A_441 : i32
    %jit3A_443 = arith.constant 1 : i32
    %select_n3A_444 = arith.select %eq3A_442, %jit3A_443, %jit3A_440 : i32
    %rem3A_445 = arith.remsi %add3A_415, %select_n3A_444 : i32
    %ne3A_446 = arith.constant 0 : i32
    %ne3A_447 = arith.cmpi ne, %rem3A_445, %ne3A_446 : i32
    %lt3A_448 = arith.constant 0 : i32
    %lt3A_449 = arith.cmpi slt, %rem3A_445, %lt3A_448 : i32
    %lt3A_450 = arith.constant 0 : i32
    %lt3A_451 = arith.cmpi slt, %select_n3A_444, %lt3A_450 : i32
    %ne3A_452 = arith.xori %lt3A_449, %lt3A_451 : i1
    %and3A_453 = arith.andi %ne3A_452, %ne3A_447 : i1
    %add3A_454 = arith.addi %rem3A_445, %select_n3A_444 : i32
    %select_n3A_455 = arith.select %and3A_453, %add3A_454, %rem3A_445 : i32
    %dma_start3A_456 = arith.constant 0 : i32
    %dma_start3A_457 = arith.constant 0 : i32
    %dma_start3A_458 = tpu.memref_slice %arg7[%dma_start3A_456, %dma_start3A_457] : memref<16x513xf32, #tpu.memory_space<vmem>> -> memref<16x512xf32, #tpu.memory_space<vmem>>
    %dma_start3A_459 = arith.constant 0 : i32
    %dma_start3A_460 = arith.constant 0 : i32
    %dma_start3A_461 = tpu.memref_slice %arg2[%select_n3A_439, %select_n3A_455, %dma_start3A_459, %dma_start3A_460] : memref<4x16x16x4096xf32, #tpu.memory_space<hbm>> -> memref<1x1x16x512xf32, #tpu.memory_space<hbm>>
    %dma_start3A_462 = tpu.memref_squeeze %dma_start3A_461 : memref<1x1x16x512xf32, #tpu.memory_space<hbm>> -> memref<16x512xf32, #tpu.memory_space<hbm>>
    %dma_start3A_463 = arith.constant 0 : i32
    %dma_start3A_464 = arith.constant 0 : i32
    %dma_start3A_465 = tpu.memref_slice %arg7[%dma_start3A_463, %dma_start3A_464] : memref<16x513xf32, #tpu.memory_space<vmem>> -> memref<16x512xf32, #tpu.memory_space<vmem>>
    %dma_start3A_466 = arith.constant 0 : i32
    %dma_start3A_467 = arith.constant 0 : i32
    %dma_start3A_468 = tpu.memref_slice %arg2[%select_n3A_439, %select_n3A_455, %dma_start3A_466, %dma_start3A_467] : memref<4x16x16x4096xf32, #tpu.memory_space<hbm>> -> memref<1x1x16x512xf32, #tpu.memory_space<hbm>>
    %dma_start3A_469 = tpu.memref_squeeze %dma_start3A_468 : memref<1x1x16x512xf32, #tpu.memory_space<hbm>> -> memref<16x512xf32, #tpu.memory_space<hbm>>
    tpu.enqueue_dma source(%dma_start3A_469 : memref<16x512xf32, #tpu.memory_space<hbm>>) target(%dma_start3A_465 : memref<16x512xf32, #tpu.memory_space<vmem>>) target_semaphore(%arg11 : memref<!tpu.dma_semaphore, #tpu.memory_space<semaphore_mem>>)
    %dma_start3A_470 = arith.constant 0 : i32
    %dma_start3A_471 = arith.constant 0 : i32
    %dma_start3A_472 = tpu.memref_slice %arg4[%select_n3A_439, %dma_start3A_470, %dma_start3A_471] : memref<4x1x65536xi32, #tpu.memory_space<hbm>> -> memref<1x1x8192xi32, #tpu.memory_space<hbm>>
    %dma_start3A_473 = tpu.memref_squeeze %dma_start3A_472 : memref<1x1x8192xi32, #tpu.memory_space<hbm>> -> memref<8192xi32, #tpu.memory_space<hbm>>
    %dma_start3A_474 = arith.constant 0 : i32
    %dma_start3A_475 = tpu.memref_slice %arg4[%select_n3A_439, %dma_start3A_470, %dma_start3A_474] : memref<4x1x65536xi32, #tpu.memory_space<hbm>> -> memref<1x1x8192xi32, #tpu.memory_space<hbm>>
    %dma_start3A_476 = tpu.memref_squeeze %dma_start3A_475 : memref<1x1x8192xi32, #tpu.memory_space<hbm>> -> memref<8192xi32, #tpu.memory_space<hbm>>
    tpu.enqueue_dma source(%dma_start3A_476 : memref<8192xi32, #tpu.memory_space<hbm>>) target(%arg9 : memref<8192xi32, #tpu.memory_space<vmem>>) target_semaphore(%arg11 : memref<!tpu.dma_semaphore, #tpu.memory_space<semaphore_mem>>)
    "tpu.region"() ({
      %run_scoped3A = tpu.sem_alloc : memref<!tpu.dma_semaphore, #tpu.memory_space<semaphore_mem>>
      %dma_start3A_840 = arith.constant 0 : i32
      %dma_start3A_841 = arith.constant 0 : i32
      %dma_start3A_842 = tpu.memref_slice %arg6[%dma_start3A_840, %dma_start3A_841] : memref<16x4097xf32, #tpu.memory_space<vmem>> -> memref<16x4096xf32, #tpu.memory_space<vmem>>
      %dma_start3A_843 = arith.constant 0 : i32
      %dma_start3A_844 = arith.constant 0 : i32
      %dma_start3A_845 = tpu.memref_slice %arg3[%select_n3A_439, %select_n3A_455, %dma_start3A_843, %dma_start3A_844] : memref<4x16x16x4096xf32, #tpu.memory_space<hbm>> -> memref<1x1x16x4096xf32, #tpu.memory_space<hbm>>
      %dma_start3A_846 = tpu.memref_squeeze %dma_start3A_845 : memref<1x1x16x4096xf32, #tpu.memory_space<hbm>> -> memref<16x4096xf32, #tpu.memory_space<hbm>>
      %dma_start3A_847 = arith.constant 0 : i32
      %dma_start3A_848 = arith.constant 0 : i32
      %dma_start3A_849 = tpu.memref_slice %arg6[%dma_start3A_847, %dma_start3A_848] : memref<16x4097xf32, #tpu.memory_space<vmem>> -> memref<16x4096xf32, #tpu.memory_space<vmem>>
      %dma_start3A_850 = arith.constant 0 : i32
      %dma_start3A_851 = arith.constant 0 : i32
      %dma_start3A_852 = tpu.memref_slice %arg3[%select_n3A_439, %select_n3A_455, %dma_start3A_850, %dma_start3A_851] : memref<4x16x16x4096xf32, #tpu.memory_space<hbm>> -> memref<1x1x16x4096xf32, #tpu.memory_space<hbm>>
      %dma_start3A_853 = tpu.memref_squeeze %dma_start3A_852 : memref<1x1x16x4096xf32, #tpu.memory_space<hbm>> -> memref<16x4096xf32, #tpu.memory_space<hbm>>
      tpu.enqueue_dma source(%dma_start3A_853 : memref<16x4096xf32, #tpu.memory_space<hbm>>) target(%dma_start3A_849 : memref<16x4096xf32, #tpu.memory_space<vmem>>) target_semaphore(%run_scoped3A : memref<!tpu.dma_semaphore, #tpu.memory_space<semaphore_mem>>)
      %dma_wait3A_854 = arith.constant 0 : i32
      %dma_wait3A_855 = arith.constant 0 : i32
      %dma_wait3A_856 = tpu.memref_slice %arg6[%dma_wait3A_854, %dma_wait3A_855] : memref<16x4097xf32, #tpu.memory_space<vmem>> -> memref<16x4096xf32, #tpu.memory_space<vmem>>
      %dma_wait3A_857 = arith.constant 0 : i32
      %dma_wait3A_858 = arith.constant 0 : i32
      %dma_wait3A_859 = tpu.memref_slice %arg3[%select_n3A_439, %select_n3A_455, %dma_wait3A_857, %dma_wait3A_858] : memref<4x16x16x4096xf32, #tpu.memory_space<hbm>> -> memref<1x1x16x4096xf32, #tpu.memory_space<hbm>>
      %dma_wait3A_860 = tpu.memref_squeeze %dma_wait3A_859 : memref<1x1x16x4096xf32, #tpu.memory_space<hbm>> -> memref<16x4096xf32, #tpu.memory_space<hbm>>
      %dma_wait3A_861 = arith.constant 0 : i32
      %dma_wait3A_862 = arith.constant 0 : i32
      %dma_wait3A_863 = tpu.memref_slice %arg6[%dma_wait3A_861, %dma_wait3A_862] : memref<16x4097xf32, #tpu.memory_space<vmem>> -> memref<16x4096xf32, #tpu.memory_space<vmem>>
      %dma_wait3A_864 = arith.constant 0 : i32
      %dma_wait3A_865 = arith.constant 0 : i32
      %dma_wait3A_866 = tpu.memref_slice %arg3[%select_n3A_439, %select_n3A_455, %dma_wait3A_864, %dma_wait3A_865] : memref<4x16x16x4096xf32, #tpu.memory_space<hbm>> -> memref<1x1x16x4096xf32, #tpu.memory_space<hbm>>
      %dma_wait3A_867 = tpu.memref_squeeze %dma_wait3A_866 : memref<1x1x16x4096xf32, #tpu.memory_space<hbm>> -> memref<16x4096xf32, #tpu.memory_space<hbm>>
      tpu.wait_dma2 semaphore(%run_scoped3A : memref<!tpu.dma_semaphore, #tpu.memory_space<semaphore_mem>>) src(%dma_wait3A_867 : memref<16x4096xf32, #tpu.memory_space<hbm>>) dst(%dma_wait3A_863 : memref<16x4096xf32, #tpu.memory_space<vmem>>)
      tpu.yield
    }) : () -> ()
    %dma_wait3A_477 = arith.constant 0 : i32
    %dma_wait3A_478 = arith.constant 0 : i32
    %dma_wait3A_479 = tpu.memref_slice %arg7[%dma_wait3A_477, %dma_wait3A_478] : memref<16x513xf32, #tpu.memory_space<vmem>> -> memref<16x512xf32, #tpu.memory_space<vmem>>
    %dma_wait3A_480 = arith.constant 0 : i32
    %dma_wait3A_481 = arith.constant 0 : i32
    %dma_wait3A_482 = tpu.memref_slice %arg2[%select_n3A_439, %select_n3A_455, %dma_wait3A_480, %dma_wait3A_481] : memref<4x16x16x4096xf32, #tpu.memory_space<hbm>> -> memref<1x1x16x512xf32, #tpu.memory_space<hbm>>
    %dma_wait3A_483 = tpu.memref_squeeze %dma_wait3A_482 : memref<1x1x16x512xf32, #tpu.memory_space<hbm>> -> memref<16x512xf32, #tpu.memory_space<hbm>>
    %dma_wait3A_484 = arith.constant 0 : i32
    %dma_wait3A_485 = arith.constant 0 : i32
    %dma_wait3A_486 = tpu.memref_slice %arg7[%dma_wait3A_484, %dma_wait3A_485] : memref<16x513xf32, #tpu.memory_space<vmem>> -> memref<16x512xf32, #tpu.memory_space<vmem>>
    %dma_wait3A_487 = arith.constant 0 : i32
    %dma_wait3A_488 = arith.constant 0 : i32
    %dma_wait3A_489 = tpu.memref_slice %arg2[%select_n3A_439, %select_n3A_455, %dma_wait3A_487, %dma_wait3A_488] : memref<4x16x16x4096xf32, #tpu.memory_space<hbm>> -> memref<1x1x16x512xf32, #tpu.memory_space<hbm>>
    %dma_wait3A_490 = tpu.memref_squeeze %dma_wait3A_489 : memref<1x1x16x512xf32, #tpu.memory_space<hbm>> -> memref<16x512xf32, #tpu.memory_space<hbm>>
    tpu.wait_dma2 semaphore(%arg11 : memref<!tpu.dma_semaphore, #tpu.memory_space<semaphore_mem>>) src(%dma_wait3A_490 : memref<16x512xf32, #tpu.memory_space<hbm>>) dst(%dma_wait3A_486 : memref<16x512xf32, #tpu.memory_space<vmem>>)
    %dma_wait3A_491 = arith.constant 0 : i32
    %dma_wait3A_492 = arith.constant 0 : i32
    %dma_wait3A_493 = tpu.memref_slice %arg4[%select_n3A_439, %dma_wait3A_491, %dma_wait3A_492] : memref<4x1x65536xi32, #tpu.memory_space<hbm>> -> memref<1x1x8192xi32, #tpu.memory_space<hbm>>
    %dma_wait3A_494 = tpu.memref_squeeze %dma_wait3A_493 : memref<1x1x8192xi32, #tpu.memory_space<hbm>> -> memref<8192xi32, #tpu.memory_space<hbm>>
    %dma_wait3A_495 = arith.constant 0 : i32
    %dma_wait3A_496 = tpu.memref_slice %arg4[%select_n3A_439, %dma_wait3A_491, %dma_wait3A_495] : memref<4x1x65536xi32, #tpu.memory_space<hbm>> -> memref<1x1x8192xi32, #tpu.memory_space<hbm>>
    %dma_wait3A_497 = tpu.memref_squeeze %dma_wait3A_496 : memref<1x1x8192xi32, #tpu.memory_space<hbm>> -> memref<8192xi32, #tpu.memory_space<hbm>>
    tpu.wait_dma2 semaphore(%arg11 : memref<!tpu.dma_semaphore, #tpu.memory_space<semaphore_mem>>) src(%dma_wait3A_497 : memref<8192xi32, #tpu.memory_space<hbm>>) dst(%arg9 : memref<8192xi32, #tpu.memory_space<vmem>>)
    %dma_start3A_498 = arith.constant 0 : i32
    %dma_start3A_499 = arith.constant 0 : i32
    %dma_start3A_500 = tpu.memref_slice %arg8[%dma_start3A_498, %dma_start3A_499] : memref<16x513xf32, #tpu.memory_space<vmem>> -> memref<16x512xf32, #tpu.memory_space<vmem>>
    %dma_start3A_501 = arith.constant 0 : i32
    %dma_start3A_502 = arith.constant 512 : i32
    %dma_start3A_503 = tpu.memref_slice %arg2[%select_n3A_439, %select_n3A_455, %dma_start3A_501, %dma_start3A_502] : memref<4x16x16x4096xf32, #tpu.memory_space<hbm>> -> memref<1x1x16x512xf32, #tpu.memory_space<hbm>>
    %dma_start3A_504 = tpu.memref_squeeze %dma_start3A_503 : memref<1x1x16x512xf32, #tpu.memory_space<hbm>> -> memref<16x512xf32, #tpu.memory_space<hbm>>
    %dma_start3A_505 = arith.constant 0 : i32
    %dma_start3A_506 = arith.constant 0 : i32
    %dma_start3A_507 = tpu.memref_slice %arg8[%dma_start3A_505, %dma_start3A_506] : memref<16x513xf32, #tpu.memory_space<vmem>> -> memref<16x512xf32, #tpu.memory_space<vmem>>
    %dma_start3A_508 = arith.constant 0 : i32
    %dma_start3A_509 = arith.constant 512 : i32
    %dma_start3A_510 = tpu.memref_slice %arg2[%select_n3A_439, %select_n3A_455, %dma_start3A_508, %dma_start3A_509] : memref<4x16x16x4096xf32, #tpu.memory_space<hbm>> -> memref<1x1x16x512xf32, #tpu.memory_space<hbm>>
    %dma_start3A_511 = tpu.memref_squeeze %dma_start3A_510 : memref<1x1x16x512xf32, #tpu.memory_space<hbm>> -> memref<16x512xf32, #tpu.memory_space<hbm>>
    tpu.enqueue_dma source(%dma_start3A_511 : memref<16x512xf32, #tpu.memory_space<hbm>>) target(%dma_start3A_507 : memref<16x512xf32, #tpu.memory_space<vmem>>) target_semaphore(%arg12 : memref<!tpu.dma_semaphore, #tpu.memory_space<semaphore_mem>>)
    %dma_start3A_512 = arith.constant 0 : i32
    %dma_start3A_513 = arith.constant 8192 : i32
    %dma_start3A_514 = tpu.memref_slice %arg4[%select_n3A_439, %dma_start3A_512, %dma_start3A_513] : memref<4x1x65536xi32, #tpu.memory_space<hbm>> -> memref<1x1x8192xi32, #tpu.memory_space<hbm>>
    %dma_start3A_515 = tpu.memref_squeeze %dma_start3A_514 : memref<1x1x8192xi32, #tpu.memory_space<hbm>> -> memref<8192xi32, #tpu.memory_space<hbm>>
    %dma_start3A_516 = arith.constant 8192 : i32
    %dma_start3A_517 = tpu.memref_slice %arg4[%select_n3A_439, %dma_start3A_512, %dma_start3A_516] : memref<4x1x65536xi32, #tpu.memory_space<hbm>> -> memref<1x1x8192xi32, #tpu.memory_space<hbm>>
    %dma_start3A_518 = tpu.memref_squeeze %dma_start3A_517 : memref<1x1x8192xi32, #tpu.memory_space<hbm>> -> memref<8192xi32, #tpu.memory_space<hbm>>
    tpu.enqueue_dma source(%dma_start3A_518 : memref<8192xi32, #tpu.memory_space<hbm>>) target(%arg10 : memref<8192xi32, #tpu.memory_space<vmem>>) target_semaphore(%arg12 : memref<!tpu.dma_semaphore, #tpu.memory_space<semaphore_mem>>)
    %scan3A_519 = arith.constant 0 : i32
    %scan3A_520 = arith.constant 0 : i32
    %scan3A_521 = arith.constant 512 : i32
    %scan3A_522 = arith.addi %scan3A_520, %scan3A_521 : i32
    %scan3A_523 = arith.constant 8 : i32
    scf.for %scan3A_840 = %scan3A_520 to %scan3A_522 step %scan3A_523  : i32 {
      %iota3A = tpu.iota {dimensions = array<i32: 0>} : vector<16xi32>
      %broadcast_in_dim3A = vector.broadcast %scan3A_840 : i32 to vector<16xi32>
      %mul3A_841 = arith.constant 16 : i32
      %mul3A_842 = arith.muli %scan3A_840, %mul3A_841 : i32
      %get3A = arith.index_cast %mul3A_842 : i32 to index
      %get3A_843 = tpu.vector_load %arg9[%get3A] {strides = array<i32>} : memref<8192xi32, #tpu.memory_space<vmem>>, vector<16xi32>,
      %gather3A = tpu.vector_load_idx %arg7[%iota3A, %broadcast_in_dim3A] : memref<16x513xf32, #tpu.memory_space<vmem>>[vector<16xi32>, vector<16xi32>], vector<16xf32>,
      tpu.vector_store_idx %arg6[%iota3A, %get3A_843], %gather3A {add = true} : memref<16x4097xf32, #tpu.memory_space<vmem>>[vector<16xi32>, vector<16xi32>], vector<16xf32>,
      %scan3A_844 = arith.constant 1 : i32
      %scan3A_845 = arith.addi %scan3A_840, %scan3A_844 : i32
      %iota3A_846 = tpu.iota {dimensions = array<i32: 0>} : vector<16xi32>
      %broadcast_in_dim3A_847 = vector.broadcast %scan3A_845 : i32 to vector<16xi32>
      %mul3A_848 = arith.constant 16 : i32
      %mul3A_849 = arith.muli %scan3A_845, %mul3A_848 : i32
      %get3A_850 = arith.index_cast %mul3A_849 : i32 to index
      %get3A_851 = tpu.vector_load %arg9[%get3A_850] {strides = array<i32>} : memref<8192xi32, #tpu.memory_space<vmem>>, vector<16xi32>,
      %gather3A_852 = tpu.vector_load_idx %arg7[%iota3A_846, %broadcast_in_dim3A_847] : memref<16x513xf32, #tpu.memory_space<vmem>>[vector<16xi32>, vector<16xi32>], vector<16xf32>,
      tpu.vector_store_idx %arg6[%iota3A_846, %get3A_851], %gather3A_852 {add = true} : memref<16x4097xf32, #tpu.memory_space<vmem>>[vector<16xi32>, vector<16xi32>], vector<16xf32>,
      %scan3A_853 = arith.constant 2 : i32
      %scan3A_854 = arith.addi %scan3A_840, %scan3A_853 : i32
      %iota3A_855 = tpu.iota {dimensions = array<i32: 0>} : vector<16xi32>
      %broadcast_in_dim3A_856 = vector.broadcast %scan3A_854 : i32 to vector<16xi32>
      %mul3A_857 = arith.constant 16 : i32
      %mul3A_858 = arith.muli %scan3A_854, %mul3A_857 : i32
      %get3A_859 = arith.index_cast %mul3A_858 : i32 to index
      %get3A_860 = tpu.vector_load %arg9[%get3A_859] {strides = array<i32>} : memref<8192xi32, #tpu.memory_space<vmem>>, vector<16xi32>,
      %gather3A_861 = tpu.vector_load_idx %arg7[%iota3A_855, %broadcast_in_dim3A_856] : memref<16x513xf32, #tpu.memory_space<vmem>>[vector<16xi32>, vector<16xi32>], vector<16xf32>,
      tpu.vector_store_idx %arg6[%iota3A_855, %get3A_860], %gather3A_861 {add = true} : memref<16x4097xf32, #tpu.memory_space<vmem>>[vector<16xi32>, vector<16xi32>], vector<16xf32>,
      %scan3A_862 = arith.constant 3 : i32
      %scan3A_863 = arith.addi %scan3A_840, %scan3A_862 : i32
      %iota3A_864 = tpu.iota {dimensions = array<i32: 0>} : vector<16xi32>
      %broadcast_in_dim3A_865 = vector.broadcast %scan3A_863 : i32 to vector<16xi32>
      %mul3A_866 = arith.constant 16 : i32
      %mul3A_867 = arith.muli %scan3A_863, %mul3A_866 : i32
      %get3A_868 = arith.index_cast %mul3A_867 : i32 to index
      %get3A_869 = tpu.vector_load %arg9[%get3A_868] {strides = array<i32>} : memref<8192xi32, #tpu.memory_space<vmem>>, vector<16xi32>,
      %gather3A_870 = tpu.vector_load_idx %arg7[%iota3A_864, %broadcast_in_dim3A_865] : memref<16x513xf32, #tpu.memory_space<vmem>>[vector<16xi32>, vector<16xi32>], vector<16xf32>,
      tpu.vector_store_idx %arg6[%iota3A_864, %get3A_869], %gather3A_870 {add = true} : memref<16x4097xf32, #tpu.memory_space<vmem>>[vector<16xi32>, vector<16xi32>], vector<16xf32>,
      %scan3A_871 = arith.constant 4 : i32
      %scan3A_872 = arith.addi %scan3A_840, %scan3A_871 : i32
      %iota3A_873 = tpu.iota {dimensions = array<i32: 0>} : vector<16xi32>
      %broadcast_in_dim3A_874 = vector.broadcast %scan3A_872 : i32 to vector<16xi32>
      %mul3A_875 = arith.constant 16 : i32
      %mul3A_876 = arith.muli %scan3A_872, %mul3A_875 : i32
      %get3A_877 = arith.index_cast %mul3A_876 : i32 to index
      %get3A_878 = tpu.vector_load %arg9[%get3A_877] {strides = array<i32>} : memref<8192xi32, #tpu.memory_space<vmem>>, vector<16xi32>,
      %gather3A_879 = tpu.vector_load_idx %arg7[%iota3A_873, %broadcast_in_dim3A_874] : memref<16x513xf32, #tpu.memory_space<vmem>>[vector<16xi32>, vector<16xi32>], vector<16xf32>,
      tpu.vector_store_idx %arg6[%iota3A_873, %get3A_878], %gather3A_879 {add = true} : memref<16x4097xf32, #tpu.memory_space<vmem>>[vector<16xi32>, vector<16xi32>], vector<16xf32>,
      %scan3A_880 = arith.constant 5 : i32
      %scan3A_881 = arith.addi %scan3A_840, %scan3A_880 : i32
      %iota3A_882 = tpu.iota {dimensions = array<i32: 0>} : vector<16xi32>
      %broadcast_in_dim3A_883 = vector.broadcast %scan3A_881 : i32 to vector<16xi32>
      %mul3A_884 = arith.constant 16 : i32
      %mul3A_885 = arith.muli %scan3A_881, %mul3A_884 : i32
      %get3A_886 = arith.index_cast %mul3A_885 : i32 to index
      %get3A_887 = tpu.vector_load %arg9[%get3A_886] {strides = array<i32>} : memref<8192xi32, #tpu.memory_space<vmem>>, vector<16xi32>,
      %gather3A_888 = tpu.vector_load_idx %arg7[%iota3A_882, %broadcast_in_dim3A_883] : memref<16x513xf32, #tpu.memory_space<vmem>>[vector<16xi32>, vector<16xi32>], vector<16xf32>,
      tpu.vector_store_idx %arg6[%iota3A_882, %get3A_887], %gather3A_888 {add = true} : memref<16x4097xf32, #tpu.memory_space<vmem>>[vector<16xi32>, vector<16xi32>], vector<16xf32>,
      %scan3A_889 = arith.constant 6 : i32
      %scan3A_890 = arith.addi %scan3A_840, %scan3A_889 : i32
      %iota3A_891 = tpu.iota {dimensions = array<i32: 0>} : vector<16xi32>
      %broadcast_in_dim3A_892 = vector.broadcast %scan3A_890 : i32 to vector<16xi32>
      %mul3A_893 = arith.constant 16 : i32
      %mul3A_894 = arith.muli %scan3A_890, %mul3A_893 : i32
      %get3A_895 = arith.index_cast %mul3A_894 : i32 to index
      %get3A_896 = tpu.vector_load %arg9[%get3A_895] {strides = array<i32>} : memref<8192xi32, #tpu.memory_space<vmem>>, vector<16xi32>,
      %gather3A_897 = tpu.vector_load_idx %arg7[%iota3A_891, %broadcast_in_dim3A_892] : memref<16x513xf32, #tpu.memory_space<vmem>>[vector<16xi32>, vector<16xi32>], vector<16xf32>,
      tpu.vector_store_idx %arg6[%iota3A_891, %get3A_896], %gather3A_897 {add = true} : memref<16x4097xf32, #tpu.memory_space<vmem>>[vector<16xi32>, vector<16xi32>], vector<16xf32>,
      %scan3A_898 = arith.constant 7 : i32
      %scan3A_899 = arith.addi %scan3A_840, %scan3A_898 : i32
      %iota3A_900 = tpu.iota {dimensions = array<i32: 0>} : vector<16xi32>
      %broadcast_in_dim3A_901 = vector.broadcast %scan3A_899 : i32 to vector<16xi32>
      %mul3A_902 = arith.constant 16 : i32
      %mul3A_903 = arith.muli %scan3A_899, %mul3A_902 : i32
      %get3A_904 = arith.index_cast %mul3A_903 : i32 to index
      %get3A_905 = tpu.vector_load %arg9[%get3A_904] {strides = array<i32>} : memref<8192xi32, #tpu.memory_space<vmem>>, vector<16xi32>,
      %gather3A_906 = tpu.vector_load_idx %arg7[%iota3A_900, %broadcast_in_dim3A_901] : memref<16x513xf32, #tpu.memory_space<vmem>>[vector<16xi32>, vector<16xi32>], vector<16xf32>,
      tpu.vector_store_idx %arg6[%iota3A_900, %get3A_905], %gather3A_906 {add = true} : memref<16x4097xf32, #tpu.memory_space<vmem>>[vector<16xi32>, vector<16xi32>], vector<16xf32>,
    }
    %scan3A_524 = arith.constant 512 : i32
    %dma_wait3A_525 = arith.constant 0 : i32
    %dma_wait3A_526 = arith.constant 0 : i32
    %dma_wait3A_527 = tpu.memref_slice %arg8[%dma_wait3A_525, %dma_wait3A_526] : memref<16x513xf32, #tpu.memory_space<vmem>> -> memref<16x512xf32, #tpu.memory_space<vmem>>
    %dma_wait3A_528 = arith.constant 0 : i32
    %dma_wait3A_529 = arith.constant 512 : i32
    %dma_wait3A_530 = tpu.memref_slice %arg2[%select_n3A_439, %select_n3A_455, %dma_wait3A_528, %dma_wait3A_529] : memref<4x16x16x4096xf32, #tpu.memory_space<hbm>> -> memref<1x1x16x512xf32, #tpu.memory_space<hbm>>
    %dma_wait3A_531 = tpu.memref_squeeze %dma_wait3A_530 : memref<1x1x16x512xf32, #tpu.memory_space<hbm>> -> memref<16x512xf32, #tpu.memory_space<hbm>>
    %dma_wait3A_532 = arith.constant 0 : i32
    %dma_wait3A_533 = arith.constant 0 : i32
    %dma_wait3A_534 = tpu.memref_slice %arg8[%dma_wait3A_532, %dma_wait3A_533] : memref<16x513xf32, #tpu.memory_space<vmem>> -> memref<16x512xf32, #tpu.memory_space<vmem>>
    %dma_wait3A_535 = arith.constant 0 : i32
    %dma_wait3A_536 = arith.constant 512 : i32
    %dma_wait3A_537 = tpu.memref_slice %arg2[%select_n3A_439, %select_n3A_455, %dma_wait3A_535, %dma_wait3A_536] : memref<4x16x16x4096xf32, #tpu.memory_space<hbm>> -> memref<1x1x16x512xf32, #tpu.memory_space<hbm>>
    %dma_wait3A_538 = tpu.memref_squeeze %dma_wait3A_537 : memref<1x1x16x512xf32, #tpu.memory_space<hbm>> -> memref<16x512xf32, #tpu.memory_space<hbm>>
    tpu.wait_dma2 semaphore(%arg12 : memref<!tpu.dma_semaphore, #tpu.memory_space<semaphore_mem>>) src(%dma_wait3A_538 : memref<16x512xf32, #tpu.memory_space<hbm>>) dst(%dma_wait3A_534 : memref<16x512xf32, #tpu.memory_space<vmem>>)
    %dma_wait3A_539 = arith.constant 0 : i32
    %dma_wait3A_540 = arith.constant 8192 : i32
    %dma_wait3A_541 = tpu.memref_slice %arg4[%select_n3A_439, %dma_wait3A_539, %dma_wait3A_540] : memref<4x1x65536xi32, #tpu.memory_space<hbm>> -> memref<1x1x8192xi32, #tpu.memory_space<hbm>>
    %dma_wait3A_542 = tpu.memref_squeeze %dma_wait3A_541 : memref<1x1x8192xi32, #tpu.memory_space<hbm>> -> memref<8192xi32, #tpu.memory_space<hbm>>
    %dma_wait3A_543 = arith.constant 8192 : i32
    %dma_wait3A_544 = tpu.memref_slice %arg4[%select_n3A_439, %dma_wait3A_539, %dma_wait3A_543] : memref<4x1x65536xi32, #tpu.memory_space<hbm>> -> memref<1x1x8192xi32, #tpu.memory_space<hbm>>
    %dma_wait3A_545 = tpu.memref_squeeze %dma_wait3A_544 : memref<1x1x8192xi32, #tpu.memory_space<hbm>> -> memref<8192xi32, #tpu.memory_space<hbm>>
    tpu.wait_dma2 semaphore(%arg12 : memref<!tpu.dma_semaphore, #tpu.memory_space<semaphore_mem>>) src(%dma_wait3A_545 : memref<8192xi32, #tpu.memory_space<hbm>>) dst(%arg10 : memref<8192xi32, #tpu.memory_space<vmem>>)
    %dma_start3A_546 = arith.constant 0 : i32
    %dma_start3A_547 = arith.constant 0 : i32
    %dma_start3A_548 = tpu.memref_slice %arg7[%dma_start3A_546, %dma_start3A_547] : memref<16x513xf32, #tpu.memory_space<vmem>> -> memref<16x512xf32, #tpu.memory_space<vmem>>
    %dma_start3A_549 = arith.constant 0 : i32
    %dma_start3A_550 = arith.constant 1024 : i32
    %dma_start3A_551 = tpu.memref_slice %arg2[%select_n3A_439, %select_n3A_455, %dma_start3A_549, %dma_start3A_550] : memref<4x16x16x4096xf32, #tpu.memory_space<hbm>> -> memref<1x1x16x512xf32, #tpu.memory_space<hbm>>
    %dma_start3A_552 = tpu.memref_squeeze %dma_start3A_551 : memref<1x1x16x512xf32, #tpu.memory_space<hbm>> -> memref<16x512xf32, #tpu.memory_space<hbm>>
    %dma_start3A_553 = arith.constant 0 : i32
    %dma_start3A_554 = arith.constant 0 : i32
    %dma_start3A_555 = tpu.memref_slice %arg7[%dma_start3A_553, %dma_start3A_554] : memref<16x513xf32, #tpu.memory_space<vmem>> -> memref<16x512xf32, #tpu.memory_space<vmem>>
    %dma_start3A_556 = arith.constant 0 : i32
    %dma_start3A_557 = arith.constant 1024 : i32
    %dma_start3A_558 = tpu.memref_slice %arg2[%select_n3A_439, %select_n3A_455, %dma_start3A_556, %dma_start3A_557] : memref<4x16x16x4096xf32, #tpu.memory_space<hbm>> -> memref<1x1x16x512xf32, #tpu.memory_space<hbm>>
    %dma_start3A_559 = tpu.memref_squeeze %dma_start3A_558 : memref<1x1x16x512xf32, #tpu.memory_space<hbm>> -> memref<16x512xf32, #tpu.memory_space<hbm>>
    tpu.enqueue_dma source(%dma_start3A_559 : memref<16x512xf32, #tpu.memory_space<hbm>>) target(%dma_start3A_555 : memref<16x512xf32, #tpu.memory_space<vmem>>) target_semaphore(%arg11 : memref<!tpu.dma_semaphore, #tpu.memory_space<semaphore_mem>>)
    %dma_start3A_560 = arith.constant 0 : i32
    %dma_start3A_561 = arith.constant 16384 : i32
    %dma_start3A_562 = tpu.memref_slice %arg4[%select_n3A_439, %dma_start3A_560, %dma_start3A_561] : memref<4x1x65536xi32, #tpu.memory_space<hbm>> -> memref<1x1x8192xi32, #tpu.memory_space<hbm>>
    %dma_start3A_563 = tpu.memref_squeeze %dma_start3A_562 : memref<1x1x8192xi32, #tpu.memory_space<hbm>> -> memref<8192xi32, #tpu.memory_space<hbm>>
    %dma_start3A_564 = arith.constant 16384 : i32
    %dma_start3A_565 = tpu.memref_slice %arg4[%select_n3A_439, %dma_start3A_560, %dma_start3A_564] : memref<4x1x65536xi32, #tpu.memory_space<hbm>> -> memref<1x1x8192xi32, #tpu.memory_space<hbm>>
    %dma_start3A_566 = tpu.memref_squeeze %dma_start3A_565 : memref<1x1x8192xi32, #tpu.memory_space<hbm>> -> memref<8192xi32, #tpu.memory_space<hbm>>
    tpu.enqueue_dma source(%dma_start3A_566 : memref<8192xi32, #tpu.memory_space<hbm>>) target(%arg9 : memref<8192xi32, #tpu.memory_space<vmem>>) target_semaphore(%arg11 : memref<!tpu.dma_semaphore, #tpu.memory_space<semaphore_mem>>)
    %scan3A_567 = arith.constant 0 : i32
    %scan3A_568 = arith.constant 0 : i32
    %scan3A_569 = arith.constant 512 : i32
    %scan3A_570 = arith.addi %scan3A_568, %scan3A_569 : i32
    %scan3A_571 = arith.constant 8 : i32
    scf.for %scan3A_840 = %scan3A_568 to %scan3A_570 step %scan3A_571  : i32 {
      %iota3A = tpu.iota {dimensions = array<i32: 0>} : vector<16xi32>
      %broadcast_in_dim3A = vector.broadcast %scan3A_840 : i32 to vector<16xi32>
      %mul3A_841 = arith.constant 16 : i32
      %mul3A_842 = arith.muli %scan3A_840, %mul3A_841 : i32
      %get3A = arith.index_cast %mul3A_842 : i32 to index
      %get3A_843 = tpu.vector_load %arg10[%get3A] {strides = array<i32>} : memref<8192xi32, #tpu.memory_space<vmem>>, vector<16xi32>,
      %gather3A = tpu.vector_load_idx %arg8[%iota3A, %broadcast_in_dim3A] : memref<16x513xf32, #tpu.memory_space<vmem>>[vector<16xi32>, vector<16xi32>], vector<16xf32>,
      tpu.vector_store_idx %arg6[%iota3A, %get3A_843], %gather3A {add = true} : memref<16x4097xf32, #tpu.memory_space<vmem>>[vector<16xi32>, vector<16xi32>], vector<16xf32>,
      %scan3A_844 = arith.constant 1 : i32
      %scan3A_845 = arith.addi %scan3A_840, %scan3A_844 : i32
      %iota3A_846 = tpu.iota {dimensions = array<i32: 0>} : vector<16xi32>
      %broadcast_in_dim3A_847 = vector.broadcast %scan3A_845 : i32 to vector<16xi32>
      %mul3A_848 = arith.constant 16 : i32
      %mul3A_849 = arith.muli %scan3A_845, %mul3A_848 : i32
      %get3A_850 = arith.index_cast %mul3A_849 : i32 to index
      %get3A_851 = tpu.vector_load %arg10[%get3A_850] {strides = array<i32>} : memref<8192xi32, #tpu.memory_space<vmem>>, vector<16xi32>,
      %gather3A_852 = tpu.vector_load_idx %arg8[%iota3A_846, %broadcast_in_dim3A_847] : memref<16x513xf32, #tpu.memory_space<vmem>>[vector<16xi32>, vector<16xi32>], vector<16xf32>,
      tpu.vector_store_idx %arg6[%iota3A_846, %get3A_851], %gather3A_852 {add = true} : memref<16x4097xf32, #tpu.memory_space<vmem>>[vector<16xi32>, vector<16xi32>], vector<16xf32>,
      %scan3A_853 = arith.constant 2 : i32
      %scan3A_854 = arith.addi %scan3A_840, %scan3A_853 : i32
      %iota3A_855 = tpu.iota {dimensions = array<i32: 0>} : vector<16xi32>
      %broadcast_in_dim3A_856 = vector.broadcast %scan3A_854 : i32 to vector<16xi32>
      %mul3A_857 = arith.constant 16 : i32
      %mul3A_858 = arith.muli %scan3A_854, %mul3A_857 : i32
      %get3A_859 = arith.index_cast %mul3A_858 : i32 to index
      %get3A_860 = tpu.vector_load %arg10[%get3A_859] {strides = array<i32>} : memref<8192xi32, #tpu.memory_space<vmem>>, vector<16xi32>,
      %gather3A_861 = tpu.vector_load_idx %arg8[%iota3A_855, %broadcast_in_dim3A_856] : memref<16x513xf32, #tpu.memory_space<vmem>>[vector<16xi32>, vector<16xi32>], vector<16xf32>,
      tpu.vector_store_idx %arg6[%iota3A_855, %get3A_860], %gather3A_861 {add = true} : memref<16x4097xf32, #tpu.memory_space<vmem>>[vector<16xi32>, vector<16xi32>], vector<16xf32>,
      %scan3A_862 = arith.constant 3 : i32
      %scan3A_863 = arith.addi %scan3A_840, %scan3A_862 : i32
      %iota3A_864 = tpu.iota {dimensions = array<i32: 0>} : vector<16xi32>
      %broadcast_in_dim3A_865 = vector.broadcast %scan3A_863 : i32 to vector<16xi32>
      %mul3A_866 = arith.constant 16 : i32
      %mul3A_867 = arith.muli %scan3A_863, %mul3A_866 : i32
      %get3A_868 = arith.index_cast %mul3A_867 : i32 to index
      %get3A_869 = tpu.vector_load %arg10[%get3A_868] {strides = array<i32>} : memref<8192xi32, #tpu.memory_space<vmem>>, vector<16xi32>,
      %gather3A_870 = tpu.vector_load_idx %arg8[%iota3A_864, %broadcast_in_dim3A_865] : memref<16x513xf32, #tpu.memory_space<vmem>>[vector<16xi32>, vector<16xi32>], vector<16xf32>,
      tpu.vector_store_idx %arg6[%iota3A_864, %get3A_869], %gather3A_870 {add = true} : memref<16x4097xf32, #tpu.memory_space<vmem>>[vector<16xi32>, vector<16xi32>], vector<16xf32>,
      %scan3A_871 = arith.constant 4 : i32
      %scan3A_872 = arith.addi %scan3A_840, %scan3A_871 : i32
      %iota3A_873 = tpu.iota {dimensions = array<i32: 0>} : vector<16xi32>
      %broadcast_in_dim3A_874 = vector.broadcast %scan3A_872 : i32 to vector<16xi32>
      %mul3A_875 = arith.constant 16 : i32
      %mul3A_876 = arith.muli %scan3A_872, %mul3A_875 : i32
      %get3A_877 = arith.index_cast %mul3A_876 : i32 to index
      %get3A_878 = tpu.vector_load %arg10[%get3A_877] {strides = array<i32>} : memref<8192xi32, #tpu.memory_space<vmem>>, vector<16xi32>,
      %gather3A_879 = tpu.vector_load_idx %arg8[%iota3A_873, %broadcast_in_dim3A_874] : memref<16x513xf32, #tpu.memory_space<vmem>>[vector<16xi32>, vector<16xi32>], vector<16xf32>,
      tpu.vector_store_idx %arg6[%iota3A_873, %get3A_878], %gather3A_879 {add = true} : memref<16x4097xf32, #tpu.memory_space<vmem>>[vector<16xi32>, vector<16xi32>], vector<16xf32>,
      %scan3A_880 = arith.constant 5 : i32
      %scan3A_881 = arith.addi %scan3A_840, %scan3A_880 : i32
      %iota3A_882 = tpu.iota {dimensions = array<i32: 0>} : vector<16xi32>
      %broadcast_in_dim3A_883 = vector.broadcast %scan3A_881 : i32 to vector<16xi32>
      %mul3A_884 = arith.constant 16 : i32
      %mul3A_885 = arith.muli %scan3A_881, %mul3A_884 : i32
      %get3A_886 = arith.index_cast %mul3A_885 : i32 to index
      %get3A_887 = tpu.vector_load %arg10[%get3A_886] {strides = array<i32>} : memref<8192xi32, #tpu.memory_space<vmem>>, vector<16xi32>,
      %gather3A_888 = tpu.vector_load_idx %arg8[%iota3A_882, %broadcast_in_dim3A_883] : memref<16x513xf32, #tpu.memory_space<vmem>>[vector<16xi32>, vector<16xi32>], vector<16xf32>,
      tpu.vector_store_idx %arg6[%iota3A_882, %get3A_887], %gather3A_888 {add = true} : memref<16x4097xf32, #tpu.memory_space<vmem>>[vector<16xi32>, vector<16xi32>], vector<16xf32>,
      %scan3A_889 = arith.constant 6 : i32
      %scan3A_890 = arith.addi %scan3A_840, %scan3A_889 : i32
      %iota3A_891 = tpu.iota {dimensions = array<i32: 0>} : vector<16xi32>
      %broadcast_in_dim3A_892 = vector.broadcast %scan3A_890 : i32 to vector<16xi32>
      %mul3A_893 = arith.constant 16 : i32
      %mul3A_894 = arith.muli %scan3A_890, %mul3A_893 : i32
      %get3A_895 = arith.index_cast %mul3A_894 : i32 to index
      %get3A_896 = tpu.vector_load %arg10[%get3A_895] {strides = array<i32>} : memref<8192xi32, #tpu.memory_space<vmem>>, vector<16xi32>,
      %gather3A_897 = tpu.vector_load_idx %arg8[%iota3A_891, %broadcast_in_dim3A_892] : memref<16x513xf32, #tpu.memory_space<vmem>>[vector<16xi32>, vector<16xi32>], vector<16xf32>,
      tpu.vector_store_idx %arg6[%iota3A_891, %get3A_896], %gather3A_897 {add = true} : memref<16x4097xf32, #tpu.memory_space<vmem>>[vector<16xi32>, vector<16xi32>], vector<16xf32>,
      %scan3A_898 = arith.constant 7 : i32
      %scan3A_899 = arith.addi %scan3A_840, %scan3A_898 : i32
      %iota3A_900 = tpu.iota {dimensions = array<i32: 0>} : vector<16xi32>
      %broadcast_in_dim3A_901 = vector.broadcast %scan3A_899 : i32 to vector<16xi32>
      %mul3A_902 = arith.constant 16 : i32
      %mul3A_903 = arith.muli %scan3A_899, %mul3A_902 : i32
      %get3A_904 = arith.index_cast %mul3A_903 : i32 to index
      %get3A_905 = tpu.vector_load %arg10[%get3A_904] {strides = array<i32>} : memref<8192xi32, #tpu.memory_space<vmem>>, vector<16xi32>,
      %gather3A_906 = tpu.vector_load_idx %arg8[%iota3A_900, %broadcast_in_dim3A_901] : memref<16x513xf32, #tpu.memory_space<vmem>>[vector<16xi32>, vector<16xi32>], vector<16xf32>,
      tpu.vector_store_idx %arg6[%iota3A_900, %get3A_905], %gather3A_906 {add = true} : memref<16x4097xf32, #tpu.memory_space<vmem>>[vector<16xi32>, vector<16xi32>], vector<16xf32>,
    }
    %scan3A_572 = arith.constant 512 : i32
    %dma_wait3A_573 = arith.constant 0 : i32
    %dma_wait3A_574 = arith.constant 0 : i32
    %dma_wait3A_575 = tpu.memref_slice %arg7[%dma_wait3A_573, %dma_wait3A_574] : memref<16x513xf32, #tpu.memory_space<vmem>> -> memref<16x512xf32, #tpu.memory_space<vmem>>
    %dma_wait3A_576 = arith.constant 0 : i32
    %dma_wait3A_577 = arith.constant 1024 : i32
    %dma_wait3A_578 = tpu.memref_slice %arg2[%select_n3A_439, %select_n3A_455, %dma_wait3A_576, %dma_wait3A_577] : memref<4x16x16x4096xf32, #tpu.memory_space<hbm>> -> memref<1x1x16x512xf32, #tpu.memory_space<hbm>>
    %dma_wait3A_579 = tpu.memref_squeeze %dma_wait3A_578 : memref<1x1x16x512xf32, #tpu.memory_space<hbm>> -> memref<16x512xf32, #tpu.memory_space<hbm>>
    %dma_wait3A_580 = arith.constant 0 : i32
    %dma_wait3A_581 = arith.constant 0 : i32
    %dma_wait3A_582 = tpu.memref_slice %arg7[%dma_wait3A_580, %dma_wait3A_581] : memref<16x513xf32, #tpu.memory_space<vmem>> -> memref<16x512xf32, #tpu.memory_space<vmem>>
    %dma_wait3A_583 = arith.constant 0 : i32
    %dma_wait3A_584 = arith.constant 1024 : i32
    %dma_wait3A_585 = tpu.memref_slice %arg2[%select_n3A_439, %select_n3A_455, %dma_wait3A_583, %dma_wait3A_584] : memref<4x16x16x4096xf32, #tpu.memory_space<hbm>> -> memref<1x1x16x512xf32, #tpu.memory_space<hbm>>
    %dma_wait3A_586 = tpu.memref_squeeze %dma_wait3A_585 : memref<1x1x16x512xf32, #tpu.memory_space<hbm>> -> memref<16x512xf32, #tpu.memory_space<hbm>>
    tpu.wait_dma2 semaphore(%arg11 : memref<!tpu.dma_semaphore, #tpu.memory_space<semaphore_mem>>) src(%dma_wait3A_586 : memref<16x512xf32, #tpu.memory_space<hbm>>) dst(%dma_wait3A_582 : memref<16x512xf32, #tpu.memory_space<vmem>>)
    %dma_wait3A_587 = arith.constant 0 : i32
    %dma_wait3A_588 = arith.constant 16384 : i32
    %dma_wait3A_589 = tpu.memref_slice %arg4[%select_n3A_439, %dma_wait3A_587, %dma_wait3A_588] : memref<4x1x65536xi32, #tpu.memory_space<hbm>> -> memref<1x1x8192xi32, #tpu.memory_space<hbm>>
    %dma_wait3A_590 = tpu.memref_squeeze %dma_wait3A_589 : memref<1x1x8192xi32, #tpu.memory_space<hbm>> -> memref<8192xi32, #tpu.memory_space<hbm>>
    %dma_wait3A_591 = arith.constant 16384 : i32
    %dma_wait3A_592 = tpu.memref_slice %arg4[%select_n3A_439, %dma_wait3A_587, %dma_wait3A_591] : memref<4x1x65536xi32, #tpu.memory_space<hbm>> -> memref<1x1x8192xi32, #tpu.memory_space<hbm>>
    %dma_wait3A_593 = tpu.memref_squeeze %dma_wait3A_592 : memref<1x1x8192xi32, #tpu.memory_space<hbm>> -> memref<8192xi32, #tpu.memory_space<hbm>>
    tpu.wait_dma2 semaphore(%arg11 : memref<!tpu.dma_semaphore, #tpu.memory_space<semaphore_mem>>) src(%dma_wait3A_593 : memref<8192xi32, #tpu.memory_space<hbm>>) dst(%arg9 : memref<8192xi32, #tpu.memory_space<vmem>>)
    %dma_start3A_594 = arith.constant 0 : i32
    %dma_start3A_595 = arith.constant 0 : i32
    %dma_start3A_596 = tpu.memref_slice %arg8[%dma_start3A_594, %dma_start3A_595] : memref<16x513xf32, #tpu.memory_space<vmem>> -> memref<16x512xf32, #tpu.memory_space<vmem>>
    %dma_start3A_597 = arith.constant 0 : i32
    %dma_start3A_598 = arith.constant 1536 : i32
    %dma_start3A_599 = tpu.memref_slice %arg2[%select_n3A_439, %select_n3A_455, %dma_start3A_597, %dma_start3A_598] : memref<4x16x16x4096xf32, #tpu.memory_space<hbm>> -> memref<1x1x16x512xf32, #tpu.memory_space<hbm>>
    %dma_start3A_600 = tpu.memref_squeeze %dma_start3A_599 : memref<1x1x16x512xf32, #tpu.memory_space<hbm>> -> memref<16x512xf32, #tpu.memory_space<hbm>>
    %dma_start3A_601 = arith.constant 0 : i32
    %dma_start3A_602 = arith.constant 0 : i32
    %dma_start3A_603 = tpu.memref_slice %arg8[%dma_start3A_601, %dma_start3A_602] : memref<16x513xf32, #tpu.memory_space<vmem>> -> memref<16x512xf32, #tpu.memory_space<vmem>>
    %dma_start3A_604 = arith.constant 0 : i32
    %dma_start3A_605 = arith.constant 1536 : i32
    %dma_start3A_606 = tpu.memref_slice %arg2[%select_n3A_439, %select_n3A_455, %dma_start3A_604, %dma_start3A_605] : memref<4x16x16x4096xf32, #tpu.memory_space<hbm>> -> memref<1x1x16x512xf32, #tpu.memory_space<hbm>>
    %dma_start3A_607 = tpu.memref_squeeze %dma_start3A_606 : memref<1x1x16x512xf32, #tpu.memory_space<hbm>> -> memref<16x512xf32, #tpu.memory_space<hbm>>
    tpu.enqueue_dma source(%dma_start3A_607 : memref<16x512xf32, #tpu.memory_space<hbm>>) target(%dma_start3A_603 : memref<16x512xf32, #tpu.memory_space<vmem>>) target_semaphore(%arg12 : memref<!tpu.dma_semaphore, #tpu.memory_space<semaphore_mem>>)
    %dma_start3A_608 = arith.constant 0 : i32
    %dma_start3A_609 = arith.constant 24576 : i32
    %dma_start3A_610 = tpu.memref_slice %arg4[%select_n3A_439, %dma_start3A_608, %dma_start3A_609] : memref<4x1x65536xi32, #tpu.memory_space<hbm>> -> memref<1x1x8192xi32, #tpu.memory_space<hbm>>
    %dma_start3A_611 = tpu.memref_squeeze %dma_start3A_610 : memref<1x1x8192xi32, #tpu.memory_space<hbm>> -> memref<8192xi32, #tpu.memory_space<hbm>>
    %dma_start3A_612 = arith.constant 24576 : i32
    %dma_start3A_613 = tpu.memref_slice %arg4[%select_n3A_439, %dma_start3A_608, %dma_start3A_612] : memref<4x1x65536xi32, #tpu.memory_space<hbm>> -> memref<1x1x8192xi32, #tpu.memory_space<hbm>>
    %dma_start3A_614 = tpu.memref_squeeze %dma_start3A_613 : memref<1x1x8192xi32, #tpu.memory_space<hbm>> -> memref<8192xi32, #tpu.memory_space<hbm>>
    tpu.enqueue_dma source(%dma_start3A_614 : memref<8192xi32, #tpu.memory_space<hbm>>) target(%arg10 : memref<8192xi32, #tpu.memory_space<vmem>>) target_semaphore(%arg12 : memref<!tpu.dma_semaphore, #tpu.memory_space<semaphore_mem>>)
    %scan3A_615 = arith.constant 0 : i32
    %scan3A_616 = arith.constant 0 : i32
    %scan3A_617 = arith.constant 512 : i32
    %scan3A_618 = arith.addi %scan3A_616, %scan3A_617 : i32
    %scan3A_619 = arith.constant 8 : i32
    scf.for %scan3A_840 = %scan3A_616 to %scan3A_618 step %scan3A_619  : i32 {
      %iota3A = tpu.iota {dimensions = array<i32: 0>} : vector<16xi32>
      %broadcast_in_dim3A = vector.broadcast %scan3A_840 : i32 to vector<16xi32>
      %mul3A_841 = arith.constant 16 : i32
      %mul3A_842 = arith.muli %scan3A_840, %mul3A_841 : i32
      %get3A = arith.index_cast %mul3A_842 : i32 to index
      %get3A_843 = tpu.vector_load %arg9[%get3A] {strides = array<i32>} : memref<8192xi32, #tpu.memory_space<vmem>>, vector<16xi32>,
      %gather3A = tpu.vector_load_idx %arg7[%iota3A, %broadcast_in_dim3A] : memref<16x513xf32, #tpu.memory_space<vmem>>[vector<16xi32>, vector<16xi32>], vector<16xf32>,
      tpu.vector_store_idx %arg6[%iota3A, %get3A_843], %gather3A {add = true} : memref<16x4097xf32, #tpu.memory_space<vmem>>[vector<16xi32>, vector<16xi32>], vector<16xf32>,
      %scan3A_844 = arith.constant 1 : i32
      %scan3A_845 = arith.addi %scan3A_840, %scan3A_844 : i32
      %iota3A_846 = tpu.iota {dimensions = array<i32: 0>} : vector<16xi32>
      %broadcast_in_dim3A_847 = vector.broadcast %scan3A_845 : i32 to vector<16xi32>
      %mul3A_848 = arith.constant 16 : i32
      %mul3A_849 = arith.muli %scan3A_845, %mul3A_848 : i32
      %get3A_850 = arith.index_cast %mul3A_849 : i32 to index
      %get3A_851 = tpu.vector_load %arg9[%get3A_850] {strides = array<i32>} : memref<8192xi32, #tpu.memory_space<vmem>>, vector<16xi32>,
      %gather3A_852 = tpu.vector_load_idx %arg7[%iota3A_846, %broadcast_in_dim3A_847] : memref<16x513xf32, #tpu.memory_space<vmem>>[vector<16xi32>, vector<16xi32>], vector<16xf32>,
      tpu.vector_store_idx %arg6[%iota3A_846, %get3A_851], %gather3A_852 {add = true} : memref<16x4097xf32, #tpu.memory_space<vmem>>[vector<16xi32>, vector<16xi32>], vector<16xf32>,
      %scan3A_853 = arith.constant 2 : i32
      %scan3A_854 = arith.addi %scan3A_840, %scan3A_853 : i32
      %iota3A_855 = tpu.iota {dimensions = array<i32: 0>} : vector<16xi32>
      %broadcast_in_dim3A_856 = vector.broadcast %scan3A_854 : i32 to vector<16xi32>
      %mul3A_857 = arith.constant 16 : i32
      %mul3A_858 = arith.muli %scan3A_854, %mul3A_857 : i32
      %get3A_859 = arith.index_cast %mul3A_858 : i32 to index
      %get3A_860 = tpu.vector_load %arg9[%get3A_859] {strides = array<i32>} : memref<8192xi32, #tpu.memory_space<vmem>>, vector<16xi32>,
      %gather3A_861 = tpu.vector_load_idx %arg7[%iota3A_855, %broadcast_in_dim3A_856] : memref<16x513xf32, #tpu.memory_space<vmem>>[vector<16xi32>, vector<16xi32>], vector<16xf32>,
      tpu.vector_store_idx %arg6[%iota3A_855, %get3A_860], %gather3A_861 {add = true} : memref<16x4097xf32, #tpu.memory_space<vmem>>[vector<16xi32>, vector<16xi32>], vector<16xf32>,
      %scan3A_862 = arith.constant 3 : i32
      %scan3A_863 = arith.addi %scan3A_840, %scan3A_862 : i32
      %iota3A_864 = tpu.iota {dimensions = array<i32: 0>} : vector<16xi32>
      %broadcast_in_dim3A_865 = vector.broadcast %scan3A_863 : i32 to vector<16xi32>
      %mul3A_866 = arith.constant 16 : i32
      %mul3A_867 = arith.muli %scan3A_863, %mul3A_866 : i32
      %get3A_868 = arith.index_cast %mul3A_867 : i32 to index
      %get3A_869 = tpu.vector_load %arg9[%get3A_868] {strides = array<i32>} : memref<8192xi32, #tpu.memory_space<vmem>>, vector<16xi32>,
      %gather3A_870 = tpu.vector_load_idx %arg7[%iota3A_864, %broadcast_in_dim3A_865] : memref<16x513xf32, #tpu.memory_space<vmem>>[vector<16xi32>, vector<16xi32>], vector<16xf32>,
      tpu.vector_store_idx %arg6[%iota3A_864, %get3A_869], %gather3A_870 {add = true} : memref<16x4097xf32, #tpu.memory_space<vmem>>[vector<16xi32>, vector<16xi32>], vector<16xf32>,
      %scan3A_871 = arith.constant 4 : i32
      %scan3A_872 = arith.addi %scan3A_840, %scan3A_871 : i32
      %iota3A_873 = tpu.iota {dimensions = array<i32: 0>} : vector<16xi32>
      %broadcast_in_dim3A_874 = vector.broadcast %scan3A_872 : i32 to vector<16xi32>
      %mul3A_875 = arith.constant 16 : i32
      %mul3A_876 = arith.muli %scan3A_872, %mul3A_875 : i32
      %get3A_877 = arith.index_cast %mul3A_876 : i32 to index
      %get3A_878 = tpu.vector_load %arg9[%get3A_877] {strides = array<i32>} : memref<8192xi32, #tpu.memory_space<vmem>>, vector<16xi32>,
      %gather3A_879 = tpu.vector_load_idx %arg7[%iota3A_873, %broadcast_in_dim3A_874] : memref<16x513xf32, #tpu.memory_space<vmem>>[vector<16xi32>, vector<16xi32>], vector<16xf32>,
      tpu.vector_store_idx %arg6[%iota3A_873, %get3A_878], %gather3A_879 {add = true} : memref<16x4097xf32, #tpu.memory_space<vmem>>[vector<16xi32>, vector<16xi32>], vector<16xf32>,
      %scan3A_880 = arith.constant 5 : i32
      %scan3A_881 = arith.addi %scan3A_840, %scan3A_880 : i32
      %iota3A_882 = tpu.iota {dimensions = array<i32: 0>} : vector<16xi32>
      %broadcast_in_dim3A_883 = vector.broadcast %scan3A_881 : i32 to vector<16xi32>
      %mul3A_884 = arith.constant 16 : i32
      %mul3A_885 = arith.muli %scan3A_881, %mul3A_884 : i32
      %get3A_886 = arith.index_cast %mul3A_885 : i32 to index
      %get3A_887 = tpu.vector_load %arg9[%get3A_886] {strides = array<i32>} : memref<8192xi32, #tpu.memory_space<vmem>>, vector<16xi32>,
      %gather3A_888 = tpu.vector_load_idx %arg7[%iota3A_882, %broadcast_in_dim3A_883] : memref<16x513xf32, #tpu.memory_space<vmem>>[vector<16xi32>, vector<16xi32>], vector<16xf32>,
      tpu.vector_store_idx %arg6[%iota3A_882, %get3A_887], %gather3A_888 {add = true} : memref<16x4097xf32, #tpu.memory_space<vmem>>[vector<16xi32>, vector<16xi32>], vector<16xf32>,
      %scan3A_889 = arith.constant 6 : i32
      %scan3A_890 = arith.addi %scan3A_840, %scan3A_889 : i32
      %iota3A_891 = tpu.iota {dimensions = array<i32: 0>} : vector<16xi32>
      %broadcast_in_dim3A_892 = vector.broadcast %scan3A_890 : i32 to vector<16xi32>
      %mul3A_893 = arith.constant 16 : i32
      %mul3A_894 = arith.muli %scan3A_890, %mul3A_893 : i32
      %get3A_895 = arith.index_cast %mul3A_894 : i32 to index
      %get3A_896 = tpu.vector_load %arg9[%get3A_895] {strides = array<i32>} : memref<8192xi32, #tpu.memory_space<vmem>>, vector<16xi32>,
      %gather3A_897 = tpu.vector_load_idx %arg7[%iota3A_891, %broadcast_in_dim3A_892] : memref<16x513xf32, #tpu.memory_space<vmem>>[vector<16xi32>, vector<16xi32>], vector<16xf32>,
      tpu.vector_store_idx %arg6[%iota3A_891, %get3A_896], %gather3A_897 {add = true} : memref<16x4097xf32, #tpu.memory_space<vmem>>[vector<16xi32>, vector<16xi32>], vector<16xf32>,
      %scan3A_898 = arith.constant 7 : i32
      %scan3A_899 = arith.addi %scan3A_840, %scan3A_898 : i32
      %iota3A_900 = tpu.iota {dimensions = array<i32: 0>} : vector<16xi32>
      %broadcast_in_dim3A_901 = vector.broadcast %scan3A_899 : i32 to vector<16xi32>
      %mul3A_902 = arith.constant 16 : i32
      %mul3A_903 = arith.muli %scan3A_899, %mul3A_902 : i32
      %get3A_904 = arith.index_cast %mul3A_903 : i32 to index
      %get3A_905 = tpu.vector_load %arg9[%get3A_904] {strides = array<i32>} : memref<8192xi32, #tpu.memory_space<vmem>>, vector<16xi32>,
      %gather3A_906 = tpu.vector_load_idx %arg7[%iota3A_900, %broadcast_in_dim3A_901] : memref<16x513xf32, #tpu.memory_space<vmem>>[vector<16xi32>, vector<16xi32>], vector<16xf32>,
      tpu.vector_store_idx %arg6[%iota3A_900, %get3A_905], %gather3A_906 {add = true} : memref<16x4097xf32, #tpu.memory_space<vmem>>[vector<16xi32>, vector<16xi32>], vector<16xf32>,
    }
    %scan3A_620 = arith.constant 512 : i32
    %dma_wait3A_621 = arith.constant 0 : i32
    %dma_wait3A_622 = arith.constant 0 : i32
    %dma_wait3A_623 = tpu.memref_slice %arg8[%dma_wait3A_621, %dma_wait3A_622] : memref<16x513xf32, #tpu.memory_space<vmem>> -> memref<16x512xf32, #tpu.memory_space<vmem>>
    %dma_wait3A_624 = arith.constant 0 : i32
    %dma_wait3A_625 = arith.constant 1536 : i32
    %dma_wait3A_626 = tpu.memref_slice %arg2[%select_n3A_439, %select_n3A_455, %dma_wait3A_624, %dma_wait3A_625] : memref<4x16x16x4096xf32, #tpu.memory_space<hbm>> -> memref<1x1x16x512xf32, #tpu.memory_space<hbm>>
    %dma_wait3A_627 = tpu.memref_squeeze %dma_wait3A_626 : memref<1x1x16x512xf32, #tpu.memory_space<hbm>> -> memref<16x512xf32, #tpu.memory_space<hbm>>
    %dma_wait3A_628 = arith.constant 0 : i32
    %dma_wait3A_629 = arith.constant 0 : i32
    %dma_wait3A_630 = tpu.memref_slice %arg8[%dma_wait3A_628, %dma_wait3A_629] : memref<16x513xf32, #tpu.memory_space<vmem>> -> memref<16x512xf32, #tpu.memory_space<vmem>>
    %dma_wait3A_631 = arith.constant 0 : i32
    %dma_wait3A_632 = arith.constant 1536 : i32
    %dma_wait3A_633 = tpu.memref_slice %arg2[%select_n3A_439, %select_n3A_455, %dma_wait3A_631, %dma_wait3A_632] : memref<4x16x16x4096xf32, #tpu.memory_space<hbm>> -> memref<1x1x16x512xf32, #tpu.memory_space<hbm>>
    %dma_wait3A_634 = tpu.memref_squeeze %dma_wait3A_633 : memref<1x1x16x512xf32, #tpu.memory_space<hbm>> -> memref<16x512xf32, #tpu.memory_space<hbm>>
    tpu.wait_dma2 semaphore(%arg12 : memref<!tpu.dma_semaphore, #tpu.memory_space<semaphore_mem>>) src(%dma_wait3A_634 : memref<16x512xf32, #tpu.memory_space<hbm>>) dst(%dma_wait3A_630 : memref<16x512xf32, #tpu.memory_space<vmem>>)
    %dma_wait3A_635 = arith.constant 0 : i32
    %dma_wait3A_636 = arith.constant 24576 : i32
    %dma_wait3A_637 = tpu.memref_slice %arg4[%select_n3A_439, %dma_wait3A_635, %dma_wait3A_636] : memref<4x1x65536xi32, #tpu.memory_space<hbm>> -> memref<1x1x8192xi32, #tpu.memory_space<hbm>>
    %dma_wait3A_638 = tpu.memref_squeeze %dma_wait3A_637 : memref<1x1x8192xi32, #tpu.memory_space<hbm>> -> memref<8192xi32, #tpu.memory_space<hbm>>
    %dma_wait3A_639 = arith.constant 24576 : i32
    %dma_wait3A_640 = tpu.memref_slice %arg4[%select_n3A_439, %dma_wait3A_635, %dma_wait3A_639] : memref<4x1x65536xi32, #tpu.memory_space<hbm>> -> memref<1x1x8192xi32, #tpu.memory_space<hbm>>
    %dma_wait3A_641 = tpu.memref_squeeze %dma_wait3A_640 : memref<1x1x8192xi32, #tpu.memory_space<hbm>> -> memref<8192xi32, #tpu.memory_space<hbm>>
    tpu.wait_dma2 semaphore(%arg12 : memref<!tpu.dma_semaphore, #tpu.memory_space<semaphore_mem>>) src(%dma_wait3A_641 : memref<8192xi32, #tpu.memory_space<hbm>>) dst(%arg10 : memref<8192xi32, #tpu.memory_space<vmem>>)
    %dma_start3A_642 = arith.constant 0 : i32
    %dma_start3A_643 = arith.constant 0 : i32
    %dma_start3A_644 = tpu.memref_slice %arg7[%dma_start3A_642, %dma_start3A_643] : memref<16x513xf32, #tpu.memory_space<vmem>> -> memref<16x512xf32, #tpu.memory_space<vmem>>
    %dma_start3A_645 = arith.constant 0 : i32
    %dma_start3A_646 = arith.constant 2048 : i32
    %dma_start3A_647 = tpu.memref_slice %arg2[%select_n3A_439, %select_n3A_455, %dma_start3A_645, %dma_start3A_646] : memref<4x16x16x4096xf32, #tpu.memory_space<hbm>> -> memref<1x1x16x512xf32, #tpu.memory_space<hbm>>
    %dma_start3A_648 = tpu.memref_squeeze %dma_start3A_647 : memref<1x1x16x512xf32, #tpu.memory_space<hbm>> -> memref<16x512xf32, #tpu.memory_space<hbm>>
    %dma_start3A_649 = arith.constant 0 : i32
    %dma_start3A_650 = arith.constant 0 : i32
    %dma_start3A_651 = tpu.memref_slice %arg7[%dma_start3A_649, %dma_start3A_650] : memref<16x513xf32, #tpu.memory_space<vmem>> -> memref<16x512xf32, #tpu.memory_space<vmem>>
    %dma_start3A_652 = arith.constant 0 : i32
    %dma_start3A_653 = arith.constant 2048 : i32
    %dma_start3A_654 = tpu.memref_slice %arg2[%select_n3A_439, %select_n3A_455, %dma_start3A_652, %dma_start3A_653] : memref<4x16x16x4096xf32, #tpu.memory_space<hbm>> -> memref<1x1x16x512xf32, #tpu.memory_space<hbm>>
    %dma_start3A_655 = tpu.memref_squeeze %dma_start3A_654 : memref<1x1x16x512xf32, #tpu.memory_space<hbm>> -> memref<16x512xf32, #tpu.memory_space<hbm>>
    tpu.enqueue_dma source(%dma_start3A_655 : memref<16x512xf32, #tpu.memory_space<hbm>>) target(%dma_start3A_651 : memref<16x512xf32, #tpu.memory_space<vmem>>) target_semaphore(%arg11 : memref<!tpu.dma_semaphore, #tpu.memory_space<semaphore_mem>>)
    %dma_start3A_656 = arith.constant 0 : i32
    %dma_start3A_657 = arith.constant 32768 : i32
    %dma_start3A_658 = tpu.memref_slice %arg4[%select_n3A_439, %dma_start3A_656, %dma_start3A_657] : memref<4x1x65536xi32, #tpu.memory_space<hbm>> -> memref<1x1x8192xi32, #tpu.memory_space<hbm>>
    %dma_start3A_659 = tpu.memref_squeeze %dma_start3A_658 : memref<1x1x8192xi32, #tpu.memory_space<hbm>> -> memref<8192xi32, #tpu.memory_space<hbm>>
    %dma_start3A_660 = arith.constant 32768 : i32
    %dma_start3A_661 = tpu.memref_slice %arg4[%select_n3A_439, %dma_start3A_656, %dma_start3A_660] : memref<4x1x65536xi32, #tpu.memory_space<hbm>> -> memref<1x1x8192xi32, #tpu.memory_space<hbm>>
    %dma_start3A_662 = tpu.memref_squeeze %dma_start3A_661 : memref<1x1x8192xi32, #tpu.memory_space<hbm>> -> memref<8192xi32, #tpu.memory_space<hbm>>
    tpu.enqueue_dma source(%dma_start3A_662 : memref<8192xi32, #tpu.memory_space<hbm>>) target(%arg9 : memref<8192xi32, #tpu.memory_space<vmem>>) target_semaphore(%arg11 : memref<!tpu.dma_semaphore, #tpu.memory_space<semaphore_mem>>)
    %scan3A_663 = arith.constant 0 : i32
    %scan3A_664 = arith.constant 0 : i32
    %scan3A_665 = arith.constant 512 : i32
    %scan3A_666 = arith.addi %scan3A_664, %scan3A_665 : i32
    %scan3A_667 = arith.constant 8 : i32
    scf.for %scan3A_840 = %scan3A_664 to %scan3A_666 step %scan3A_667  : i32 {
      %iota3A = tpu.iota {dimensions = array<i32: 0>} : vector<16xi32>
      %broadcast_in_dim3A = vector.broadcast %scan3A_840 : i32 to vector<16xi32>
      %mul3A_841 = arith.constant 16 : i32
      %mul3A_842 = arith.muli %scan3A_840, %mul3A_841 : i32
      %get3A = arith.index_cast %mul3A_842 : i32 to index
      %get3A_843 = tpu.vector_load %arg10[%get3A] {strides = array<i32>} : memref<8192xi32, #tpu.memory_space<vmem>>, vector<16xi32>,
      %gather3A = tpu.vector_load_idx %arg8[%iota3A, %broadcast_in_dim3A] : memref<16x513xf32, #tpu.memory_space<vmem>>[vector<16xi32>, vector<16xi32>], vector<16xf32>,
      tpu.vector_store_idx %arg6[%iota3A, %get3A_843], %gather3A {add = true} : memref<16x4097xf32, #tpu.memory_space<vmem>>[vector<16xi32>, vector<16xi32>], vector<16xf32>,
      %scan3A_844 = arith.constant 1 : i32
      %scan3A_845 = arith.addi %scan3A_840, %scan3A_844 : i32
      %iota3A_846 = tpu.iota {dimensions = array<i32: 0>} : vector<16xi32>
      %broadcast_in_dim3A_847 = vector.broadcast %scan3A_845 : i32 to vector<16xi32>
      %mul3A_848 = arith.constant 16 : i32
      %mul3A_849 = arith.muli %scan3A_845, %mul3A_848 : i32
      %get3A_850 = arith.index_cast %mul3A_849 : i32 to index
      %get3A_851 = tpu.vector_load %arg10[%get3A_850] {strides = array<i32>} : memref<8192xi32, #tpu.memory_space<vmem>>, vector<16xi32>,
      %gather3A_852 = tpu.vector_load_idx %arg8[%iota3A_846, %broadcast_in_dim3A_847] : memref<16x513xf32, #tpu.memory_space<vmem>>[vector<16xi32>, vector<16xi32>], vector<16xf32>,
      tpu.vector_store_idx %arg6[%iota3A_846, %get3A_851], %gather3A_852 {add = true} : memref<16x4097xf32, #tpu.memory_space<vmem>>[vector<16xi32>, vector<16xi32>], vector<16xf32>,
      %scan3A_853 = arith.constant 2 : i32
      %scan3A_854 = arith.addi %scan3A_840, %scan3A_853 : i32
      %iota3A_855 = tpu.iota {dimensions = array<i32: 0>} : vector<16xi32>
      %broadcast_in_dim3A_856 = vector.broadcast %scan3A_854 : i32 to vector<16xi32>
      %mul3A_857 = arith.constant 16 : i32
      %mul3A_858 = arith.muli %scan3A_854, %mul3A_857 : i32
      %get3A_859 = arith.index_cast %mul3A_858 : i32 to index
      %get3A_860 = tpu.vector_load %arg10[%get3A_859] {strides = array<i32>} : memref<8192xi32, #tpu.memory_space<vmem>>, vector<16xi32>,
      %gather3A_861 = tpu.vector_load_idx %arg8[%iota3A_855, %broadcast_in_dim3A_856] : memref<16x513xf32, #tpu.memory_space<vmem>>[vector<16xi32>, vector<16xi32>], vector<16xf32>,
      tpu.vector_store_idx %arg6[%iota3A_855, %get3A_860], %gather3A_861 {add = true} : memref<16x4097xf32, #tpu.memory_space<vmem>>[vector<16xi32>, vector<16xi32>], vector<16xf32>,
      %scan3A_862 = arith.constant 3 : i32
      %scan3A_863 = arith.addi %scan3A_840, %scan3A_862 : i32
      %iota3A_864 = tpu.iota {dimensions = array<i32: 0>} : vector<16xi32>
      %broadcast_in_dim3A_865 = vector.broadcast %scan3A_863 : i32 to vector<16xi32>
      %mul3A_866 = arith.constant 16 : i32
      %mul3A_867 = arith.muli %scan3A_863, %mul3A_866 : i32
      %get3A_868 = arith.index_cast %mul3A_867 : i32 to index
      %get3A_869 = tpu.vector_load %arg10[%get3A_868] {strides = array<i32>} : memref<8192xi32, #tpu.memory_space<vmem>>, vector<16xi32>,
      %gather3A_870 = tpu.vector_load_idx %arg8[%iota3A_864, %broadcast_in_dim3A_865] : memref<16x513xf32, #tpu.memory_space<vmem>>[vector<16xi32>, vector<16xi32>], vector<16xf32>,
      tpu.vector_store_idx %arg6[%iota3A_864, %get3A_869], %gather3A_870 {add = true} : memref<16x4097xf32, #tpu.memory_space<vmem>>[vector<16xi32>, vector<16xi32>], vector<16xf32>,
      %scan3A_871 = arith.constant 4 : i32
      %scan3A_872 = arith.addi %scan3A_840, %scan3A_871 : i32
      %iota3A_873 = tpu.iota {dimensions = array<i32: 0>} : vector<16xi32>
      %broadcast_in_dim3A_874 = vector.broadcast %scan3A_872 : i32 to vector<16xi32>
      %mul3A_875 = arith.constant 16 : i32
      %mul3A_876 = arith.muli %scan3A_872, %mul3A_875 : i32
      %get3A_877 = arith.index_cast %mul3A_876 : i32 to index
      %get3A_878 = tpu.vector_load %arg10[%get3A_877] {strides = array<i32>} : memref<8192xi32, #tpu.memory_space<vmem>>, vector<16xi32>,
      %gather3A_879 = tpu.vector_load_idx %arg8[%iota3A_873, %broadcast_in_dim3A_874] : memref<16x513xf32, #tpu.memory_space<vmem>>[vector<16xi32>, vector<16xi32>], vector<16xf32>,
      tpu.vector_store_idx %arg6[%iota3A_873, %get3A_878], %gather3A_879 {add = true} : memref<16x4097xf32, #tpu.memory_space<vmem>>[vector<16xi32>, vector<16xi32>], vector<16xf32>,
      %scan3A_880 = arith.constant 5 : i32
      %scan3A_881 = arith.addi %scan3A_840, %scan3A_880 : i32
      %iota3A_882 = tpu.iota {dimensions = array<i32: 0>} : vector<16xi32>
      %broadcast_in_dim3A_883 = vector.broadcast %scan3A_881 : i32 to vector<16xi32>
      %mul3A_884 = arith.constant 16 : i32
      %mul3A_885 = arith.muli %scan3A_881, %mul3A_884 : i32
      %get3A_886 = arith.index_cast %mul3A_885 : i32 to index
      %get3A_887 = tpu.vector_load %arg10[%get3A_886] {strides = array<i32>} : memref<8192xi32, #tpu.memory_space<vmem>>, vector<16xi32>,
      %gather3A_888 = tpu.vector_load_idx %arg8[%iota3A_882, %broadcast_in_dim3A_883] : memref<16x513xf32, #tpu.memory_space<vmem>>[vector<16xi32>, vector<16xi32>], vector<16xf32>,
      tpu.vector_store_idx %arg6[%iota3A_882, %get3A_887], %gather3A_888 {add = true} : memref<16x4097xf32, #tpu.memory_space<vmem>>[vector<16xi32>, vector<16xi32>], vector<16xf32>,
      %scan3A_889 = arith.constant 6 : i32
      %scan3A_890 = arith.addi %scan3A_840, %scan3A_889 : i32
      %iota3A_891 = tpu.iota {dimensions = array<i32: 0>} : vector<16xi32>
      %broadcast_in_dim3A_892 = vector.broadcast %scan3A_890 : i32 to vector<16xi32>
      %mul3A_893 = arith.constant 16 : i32
      %mul3A_894 = arith.muli %scan3A_890, %mul3A_893 : i32
      %get3A_895 = arith.index_cast %mul3A_894 : i32 to index
      %get3A_896 = tpu.vector_load %arg10[%get3A_895] {strides = array<i32>} : memref<8192xi32, #tpu.memory_space<vmem>>, vector<16xi32>,
      %gather3A_897 = tpu.vector_load_idx %arg8[%iota3A_891, %broadcast_in_dim3A_892] : memref<16x513xf32, #tpu.memory_space<vmem>>[vector<16xi32>, vector<16xi32>], vector<16xf32>,
      tpu.vector_store_idx %arg6[%iota3A_891, %get3A_896], %gather3A_897 {add = true} : memref<16x4097xf32, #tpu.memory_space<vmem>>[vector<16xi32>, vector<16xi32>], vector<16xf32>,
      %scan3A_898 = arith.constant 7 : i32
      %scan3A_899 = arith.addi %scan3A_840, %scan3A_898 : i32
      %iota3A_900 = tpu.iota {dimensions = array<i32: 0>} : vector<16xi32>
      %broadcast_in_dim3A_901 = vector.broadcast %scan3A_899 : i32 to vector<16xi32>
      %mul3A_902 = arith.constant 16 : i32
      %mul3A_903 = arith.muli %scan3A_899, %mul3A_902 : i32
      %get3A_904 = arith.index_cast %mul3A_903 : i32 to index
      %get3A_905 = tpu.vector_load %arg10[%get3A_904] {strides = array<i32>} : memref<8192xi32, #tpu.memory_space<vmem>>, vector<16xi32>,
      %gather3A_906 = tpu.vector_load_idx %arg8[%iota3A_900, %broadcast_in_dim3A_901] : memref<16x513xf32, #tpu.memory_space<vmem>>[vector<16xi32>, vector<16xi32>], vector<16xf32>,
      tpu.vector_store_idx %arg6[%iota3A_900, %get3A_905], %gather3A_906 {add = true} : memref<16x4097xf32, #tpu.memory_space<vmem>>[vector<16xi32>, vector<16xi32>], vector<16xf32>,
    }
    %scan3A_668 = arith.constant 512 : i32
    %dma_wait3A_669 = arith.constant 0 : i32
    %dma_wait3A_670 = arith.constant 0 : i32
    %dma_wait3A_671 = tpu.memref_slice %arg7[%dma_wait3A_669, %dma_wait3A_670] : memref<16x513xf32, #tpu.memory_space<vmem>> -> memref<16x512xf32, #tpu.memory_space<vmem>>
    %dma_wait3A_672 = arith.constant 0 : i32
    %dma_wait3A_673 = arith.constant 2048 : i32
    %dma_wait3A_674 = tpu.memref_slice %arg2[%select_n3A_439, %select_n3A_455, %dma_wait3A_672, %dma_wait3A_673] : memref<4x16x16x4096xf32, #tpu.memory_space<hbm>> -> memref<1x1x16x512xf32, #tpu.memory_space<hbm>>
    %dma_wait3A_675 = tpu.memref_squeeze %dma_wait3A_674 : memref<1x1x16x512xf32, #tpu.memory_space<hbm>> -> memref<16x512xf32, #tpu.memory_space<hbm>>
    %dma_wait3A_676 = arith.constant 0 : i32
    %dma_wait3A_677 = arith.constant 0 : i32
    %dma_wait3A_678 = tpu.memref_slice %arg7[%dma_wait3A_676, %dma_wait3A_677] : memref<16x513xf32, #tpu.memory_space<vmem>> -> memref<16x512xf32, #tpu.memory_space<vmem>>
    %dma_wait3A_679 = arith.constant 0 : i32
    %dma_wait3A_680 = arith.constant 2048 : i32
    %dma_wait3A_681 = tpu.memref_slice %arg2[%select_n3A_439, %select_n3A_455, %dma_wait3A_679, %dma_wait3A_680] : memref<4x16x16x4096xf32, #tpu.memory_space<hbm>> -> memref<1x1x16x512xf32, #tpu.memory_space<hbm>>
    %dma_wait3A_682 = tpu.memref_squeeze %dma_wait3A_681 : memref<1x1x16x512xf32, #tpu.memory_space<hbm>> -> memref<16x512xf32, #tpu.memory_space<hbm>>
    tpu.wait_dma2 semaphore(%arg11 : memref<!tpu.dma_semaphore, #tpu.memory_space<semaphore_mem>>) src(%dma_wait3A_682 : memref<16x512xf32, #tpu.memory_space<hbm>>) dst(%dma_wait3A_678 : memref<16x512xf32, #tpu.memory_space<vmem>>)
    %dma_wait3A_683 = arith.constant 0 : i32
    %dma_wait3A_684 = arith.constant 32768 : i32
    %dma_wait3A_685 = tpu.memref_slice %arg4[%select_n3A_439, %dma_wait3A_683, %dma_wait3A_684] : memref<4x1x65536xi32, #tpu.memory_space<hbm>> -> memref<1x1x8192xi32, #tpu.memory_space<hbm>>
    %dma_wait3A_686 = tpu.memref_squeeze %dma_wait3A_685 : memref<1x1x8192xi32, #tpu.memory_space<hbm>> -> memref<8192xi32, #tpu.memory_space<hbm>>
    %dma_wait3A_687 = arith.constant 32768 : i32
    %dma_wait3A_688 = tpu.memref_slice %arg4[%select_n3A_439, %dma_wait3A_683, %dma_wait3A_687] : memref<4x1x65536xi32, #tpu.memory_space<hbm>> -> memref<1x1x8192xi32, #tpu.memory_space<hbm>>
    %dma_wait3A_689 = tpu.memref_squeeze %dma_wait3A_688 : memref<1x1x8192xi32, #tpu.memory_space<hbm>> -> memref<8192xi32, #tpu.memory_space<hbm>>
    tpu.wait_dma2 semaphore(%arg11 : memref<!tpu.dma_semaphore, #tpu.memory_space<semaphore_mem>>) src(%dma_wait3A_689 : memref<8192xi32, #tpu.memory_space<hbm>>) dst(%arg9 : memref<8192xi32, #tpu.memory_space<vmem>>)
    %dma_start3A_690 = arith.constant 0 : i32
    %dma_start3A_691 = arith.constant 0 : i32
    %dma_start3A_692 = tpu.memref_slice %arg8[%dma_start3A_690, %dma_start3A_691] : memref<16x513xf32, #tpu.memory_space<vmem>> -> memref<16x512xf32, #tpu.memory_space<vmem>>
    %dma_start3A_693 = arith.constant 0 : i32
    %dma_start3A_694 = arith.constant 2560 : i32
    %dma_start3A_695 = tpu.memref_slice %arg2[%select_n3A_439, %select_n3A_455, %dma_start3A_693, %dma_start3A_694] : memref<4x16x16x4096xf32, #tpu.memory_space<hbm>> -> memref<1x1x16x512xf32, #tpu.memory_space<hbm>>
    %dma_start3A_696 = tpu.memref_squeeze %dma_start3A_695 : memref<1x1x16x512xf32, #tpu.memory_space<hbm>> -> memref<16x512xf32, #tpu.memory_space<hbm>>
    %dma_start3A_697 = arith.constant 0 : i32
    %dma_start3A_698 = arith.constant 0 : i32
    %dma_start3A_699 = tpu.memref_slice %arg8[%dma_start3A_697, %dma_start3A_698] : memref<16x513xf32, #tpu.memory_space<vmem>> -> memref<16x512xf32, #tpu.memory_space<vmem>>
    %dma_start3A_700 = arith.constant 0 : i32
    %dma_start3A_701 = arith.constant 2560 : i32
    %dma_start3A_702 = tpu.memref_slice %arg2[%select_n3A_439, %select_n3A_455, %dma_start3A_700, %dma_start3A_701] : memref<4x16x16x4096xf32, #tpu.memory_space<hbm>> -> memref<1x1x16x512xf32, #tpu.memory_space<hbm>>
    %dma_start3A_703 = tpu.memref_squeeze %dma_start3A_702 : memref<1x1x16x512xf32, #tpu.memory_space<hbm>> -> memref<16x512xf32, #tpu.memory_space<hbm>>
    tpu.enqueue_dma source(%dma_start3A_703 : memref<16x512xf32, #tpu.memory_space<hbm>>) target(%dma_start3A_699 : memref<16x512xf32, #tpu.memory_space<vmem>>) target_semaphore(%arg12 : memref<!tpu.dma_semaphore, #tpu.memory_space<semaphore_mem>>)
    %dma_start3A_704 = arith.constant 0 : i32
    %dma_start3A_705 = arith.constant 40960 : i32
    %dma_start3A_706 = tpu.memref_slice %arg4[%select_n3A_439, %dma_start3A_704, %dma_start3A_705] : memref<4x1x65536xi32, #tpu.memory_space<hbm>> -> memref<1x1x8192xi32, #tpu.memory_space<hbm>>
    %dma_start3A_707 = tpu.memref_squeeze %dma_start3A_706 : memref<1x1x8192xi32, #tpu.memory_space<hbm>> -> memref<8192xi32, #tpu.memory_space<hbm>>
    %dma_start3A_708 = arith.constant 40960 : i32
    %dma_start3A_709 = tpu.memref_slice %arg4[%select_n3A_439, %dma_start3A_704, %dma_start3A_708] : memref<4x1x65536xi32, #tpu.memory_space<hbm>> -> memref<1x1x8192xi32, #tpu.memory_space<hbm>>
    %dma_start3A_710 = tpu.memref_squeeze %dma_start3A_709 : memref<1x1x8192xi32, #tpu.memory_space<hbm>> -> memref<8192xi32, #tpu.memory_space<hbm>>
    tpu.enqueue_dma source(%dma_start3A_710 : memref<8192xi32, #tpu.memory_space<hbm>>) target(%arg10 : memref<8192xi32, #tpu.memory_space<vmem>>) target_semaphore(%arg12 : memref<!tpu.dma_semaphore, #tpu.memory_space<semaphore_mem>>)
    %scan3A_711 = arith.constant 0 : i32
    %scan3A_712 = arith.constant 0 : i32
    %scan3A_713 = arith.constant 512 : i32
    %scan3A_714 = arith.addi %scan3A_712, %scan3A_713 : i32
    %scan3A_715 = arith.constant 8 : i32
    scf.for %scan3A_840 = %scan3A_712 to %scan3A_714 step %scan3A_715  : i32 {
      %iota3A = tpu.iota {dimensions = array<i32: 0>} : vector<16xi32>
      %broadcast_in_dim3A = vector.broadcast %scan3A_840 : i32 to vector<16xi32>
      %mul3A_841 = arith.constant 16 : i32
      %mul3A_842 = arith.muli %scan3A_840, %mul3A_841 : i32
      %get3A = arith.index_cast %mul3A_842 : i32 to index
      %get3A_843 = tpu.vector_load %arg9[%get3A] {strides = array<i32>} : memref<8192xi32, #tpu.memory_space<vmem>>, vector<16xi32>,
      %gather3A = tpu.vector_load_idx %arg7[%iota3A, %broadcast_in_dim3A] : memref<16x513xf32, #tpu.memory_space<vmem>>[vector<16xi32>, vector<16xi32>], vector<16xf32>,
      tpu.vector_store_idx %arg6[%iota3A, %get3A_843], %gather3A {add = true} : memref<16x4097xf32, #tpu.memory_space<vmem>>[vector<16xi32>, vector<16xi32>], vector<16xf32>,
      %scan3A_844 = arith.constant 1 : i32
      %scan3A_845 = arith.addi %scan3A_840, %scan3A_844 : i32
      %iota3A_846 = tpu.iota {dimensions = array<i32: 0>} : vector<16xi32>
      %broadcast_in_dim3A_847 = vector.broadcast %scan3A_845 : i32 to vector<16xi32>
      %mul3A_848 = arith.constant 16 : i32
      %mul3A_849 = arith.muli %scan3A_845, %mul3A_848 : i32
      %get3A_850 = arith.index_cast %mul3A_849 : i32 to index
      %get3A_851 = tpu.vector_load %arg9[%get3A_850] {strides = array<i32>} : memref<8192xi32, #tpu.memory_space<vmem>>, vector<16xi32>,
      %gather3A_852 = tpu.vector_load_idx %arg7[%iota3A_846, %broadcast_in_dim3A_847] : memref<16x513xf32, #tpu.memory_space<vmem>>[vector<16xi32>, vector<16xi32>], vector<16xf32>,
      tpu.vector_store_idx %arg6[%iota3A_846, %get3A_851], %gather3A_852 {add = true} : memref<16x4097xf32, #tpu.memory_space<vmem>>[vector<16xi32>, vector<16xi32>], vector<16xf32>,
      %scan3A_853 = arith.constant 2 : i32
      %scan3A_854 = arith.addi %scan3A_840, %scan3A_853 : i32
      %iota3A_855 = tpu.iota {dimensions = array<i32: 0>} : vector<16xi32>
      %broadcast_in_dim3A_856 = vector.broadcast %scan3A_854 : i32 to vector<16xi32>
      %mul3A_857 = arith.constant 16 : i32
      %mul3A_858 = arith.muli %scan3A_854, %mul3A_857 : i32
      %get3A_859 = arith.index_cast %mul3A_858 : i32 to index
      %get3A_860 = tpu.vector_load %arg9[%get3A_859] {strides = array<i32>} : memref<8192xi32, #tpu.memory_space<vmem>>, vector<16xi32>,
      %gather3A_861 = tpu.vector_load_idx %arg7[%iota3A_855, %broadcast_in_dim3A_856] : memref<16x513xf32, #tpu.memory_space<vmem>>[vector<16xi32>, vector<16xi32>], vector<16xf32>,
      tpu.vector_store_idx %arg6[%iota3A_855, %get3A_860], %gather3A_861 {add = true} : memref<16x4097xf32, #tpu.memory_space<vmem>>[vector<16xi32>, vector<16xi32>], vector<16xf32>,
      %scan3A_862 = arith.constant 3 : i32
      %scan3A_863 = arith.addi %scan3A_840, %scan3A_862 : i32
      %iota3A_864 = tpu.iota {dimensions = array<i32: 0>} : vector<16xi32>
      %broadcast_in_dim3A_865 = vector.broadcast %scan3A_863 : i32 to vector<16xi32>
      %mul3A_866 = arith.constant 16 : i32
      %mul3A_867 = arith.muli %scan3A_863, %mul3A_866 : i32
      %get3A_868 = arith.index_cast %mul3A_867 : i32 to index
      %get3A_869 = tpu.vector_load %arg9[%get3A_868] {strides = array<i32>} : memref<8192xi32, #tpu.memory_space<vmem>>, vector<16xi32>,
      %gather3A_870 = tpu.vector_load_idx %arg7[%iota3A_864, %broadcast_in_dim3A_865] : memref<16x513xf32, #tpu.memory_space<vmem>>[vector<16xi32>, vector<16xi32>], vector<16xf32>,
      tpu.vector_store_idx %arg6[%iota3A_864, %get3A_869], %gather3A_870 {add = true} : memref<16x4097xf32, #tpu.memory_space<vmem>>[vector<16xi32>, vector<16xi32>], vector<16xf32>,
      %scan3A_871 = arith.constant 4 : i32
      %scan3A_872 = arith.addi %scan3A_840, %scan3A_871 : i32
      %iota3A_873 = tpu.iota {dimensions = array<i32: 0>} : vector<16xi32>
      %broadcast_in_dim3A_874 = vector.broadcast %scan3A_872 : i32 to vector<16xi32>
      %mul3A_875 = arith.constant 16 : i32
      %mul3A_876 = arith.muli %scan3A_872, %mul3A_875 : i32
      %get3A_877 = arith.index_cast %mul3A_876 : i32 to index
      %get3A_878 = tpu.vector_load %arg9[%get3A_877] {strides = array<i32>} : memref<8192xi32, #tpu.memory_space<vmem>>, vector<16xi32>,
      %gather3A_879 = tpu.vector_load_idx %arg7[%iota3A_873, %broadcast_in_dim3A_874] : memref<16x513xf32, #tpu.memory_space<vmem>>[vector<16xi32>, vector<16xi32>], vector<16xf32>,
      tpu.vector_store_idx %arg6[%iota3A_873, %get3A_878], %gather3A_879 {add = true} : memref<16x4097xf32, #tpu.memory_space<vmem>>[vector<16xi32>, vector<16xi32>], vector<16xf32>,
      %scan3A_880 = arith.constant 5 : i32
      %scan3A_881 = arith.addi %scan3A_840, %scan3A_880 : i32
      %iota3A_882 = tpu.iota {dimensions = array<i32: 0>} : vector<16xi32>
      %broadcast_in_dim3A_883 = vector.broadcast %scan3A_881 : i32 to vector<16xi32>
      %mul3A_884 = arith.constant 16 : i32
      %mul3A_885 = arith.muli %scan3A_881, %mul3A_884 : i32
      %get3A_886 = arith.index_cast %mul3A_885 : i32 to index
      %get3A_887 = tpu.vector_load %arg9[%get3A_886] {strides = array<i32>} : memref<8192xi32, #tpu.memory_space<vmem>>, vector<16xi32>,
      %gather3A_888 = tpu.vector_load_idx %arg7[%iota3A_882, %broadcast_in_dim3A_883] : memref<16x513xf32, #tpu.memory_space<vmem>>[vector<16xi32>, vector<16xi32>], vector<16xf32>,
      tpu.vector_store_idx %arg6[%iota3A_882, %get3A_887], %gather3A_888 {add = true} : memref<16x4097xf32, #tpu.memory_space<vmem>>[vector<16xi32>, vector<16xi32>], vector<16xf32>,
      %scan3A_889 = arith.constant 6 : i32
      %scan3A_890 = arith.addi %scan3A_840, %scan3A_889 : i32
      %iota3A_891 = tpu.iota {dimensions = array<i32: 0>} : vector<16xi32>
      %broadcast_in_dim3A_892 = vector.broadcast %scan3A_890 : i32 to vector<16xi32>
      %mul3A_893 = arith.constant 16 : i32
      %mul3A_894 = arith.muli %scan3A_890, %mul3A_893 : i32
      %get3A_895 = arith.index_cast %mul3A_894 : i32 to index
      %get3A_896 = tpu.vector_load %arg9[%get3A_895] {strides = array<i32>} : memref<8192xi32, #tpu.memory_space<vmem>>, vector<16xi32>,
      %gather3A_897 = tpu.vector_load_idx %arg7[%iota3A_891, %broadcast_in_dim3A_892] : memref<16x513xf32, #tpu.memory_space<vmem>>[vector<16xi32>, vector<16xi32>], vector<16xf32>,
      tpu.vector_store_idx %arg6[%iota3A_891, %get3A_896], %gather3A_897 {add = true} : memref<16x4097xf32, #tpu.memory_space<vmem>>[vector<16xi32>, vector<16xi32>], vector<16xf32>,
      %scan3A_898 = arith.constant 7 : i32
      %scan3A_899 = arith.addi %scan3A_840, %scan3A_898 : i32
      %iota3A_900 = tpu.iota {dimensions = array<i32: 0>} : vector<16xi32>
      %broadcast_in_dim3A_901 = vector.broadcast %scan3A_899 : i32 to vector<16xi32>
      %mul3A_902 = arith.constant 16 : i32
      %mul3A_903 = arith.muli %scan3A_899, %mul3A_902 : i32
      %get3A_904 = arith.index_cast %mul3A_903 : i32 to index
      %get3A_905 = tpu.vector_load %arg9[%get3A_904] {strides = array<i32>} : memref<8192xi32, #tpu.memory_space<vmem>>, vector<16xi32>,
      %gather3A_906 = tpu.vector_load_idx %arg7[%iota3A_900, %broadcast_in_dim3A_901] : memref<16x513xf32, #tpu.memory_space<vmem>>[vector<16xi32>, vector<16xi32>], vector<16xf32>,
      tpu.vector_store_idx %arg6[%iota3A_900, %get3A_905], %gather3A_906 {add = true} : memref<16x4097xf32, #tpu.memory_space<vmem>>[vector<16xi32>, vector<16xi32>], vector<16xf32>,
    }
    %scan3A_716 = arith.constant 512 : i32
    %dma_wait3A_717 = arith.constant 0 : i32
    %dma_wait3A_718 = arith.constant 0 : i32
    %dma_wait3A_719 = tpu.memref_slice %arg8[%dma_wait3A_717, %dma_wait3A_718] : memref<16x513xf32, #tpu.memory_space<vmem>> -> memref<16x512xf32, #tpu.memory_space<vmem>>
    %dma_wait3A_720 = arith.constant 0 : i32
    %dma_wait3A_721 = arith.constant 2560 : i32
    %dma_wait3A_722 = tpu.memref_slice %arg2[%select_n3A_439, %select_n3A_455, %dma_wait3A_720, %dma_wait3A_721] : memref<4x16x16x4096xf32, #tpu.memory_space<hbm>> -> memref<1x1x16x512xf32, #tpu.memory_space<hbm>>
    %dma_wait3A_723 = tpu.memref_squeeze %dma_wait3A_722 : memref<1x1x16x512xf32, #tpu.memory_space<hbm>> -> memref<16x512xf32, #tpu.memory_space<hbm>>
    %dma_wait3A_724 = arith.constant 0 : i32
    %dma_wait3A_725 = arith.constant 0 : i32
    %dma_wait3A_726 = tpu.memref_slice %arg8[%dma_wait3A_724, %dma_wait3A_725] : memref<16x513xf32, #tpu.memory_space<vmem>> -> memref<16x512xf32, #tpu.memory_space<vmem>>
    %dma_wait3A_727 = arith.constant 0 : i32
    %dma_wait3A_728 = arith.constant 2560 : i32
    %dma_wait3A_729 = tpu.memref_slice %arg2[%select_n3A_439, %select_n3A_455, %dma_wait3A_727, %dma_wait3A_728] : memref<4x16x16x4096xf32, #tpu.memory_space<hbm>> -> memref<1x1x16x512xf32, #tpu.memory_space<hbm>>
    %dma_wait3A_730 = tpu.memref_squeeze %dma_wait3A_729 : memref<1x1x16x512xf32, #tpu.memory_space<hbm>> -> memref<16x512xf32, #tpu.memory_space<hbm>>
    tpu.wait_dma2 semaphore(%arg12 : memref<!tpu.dma_semaphore, #tpu.memory_space<semaphore_mem>>) src(%dma_wait3A_730 : memref<16x512xf32, #tpu.memory_space<hbm>>) dst(%dma_wait3A_726 : memref<16x512xf32, #tpu.memory_space<vmem>>)
    %dma_wait3A_731 = arith.constant 0 : i32
    %dma_wait3A_732 = arith.constant 40960 : i32
    %dma_wait3A_733 = tpu.memref_slice %arg4[%select_n3A_439, %dma_wait3A_731, %dma_wait3A_732] : memref<4x1x65536xi32, #tpu.memory_space<hbm>> -> memref<1x1x8192xi32, #tpu.memory_space<hbm>>
    %dma_wait3A_734 = tpu.memref_squeeze %dma_wait3A_733 : memref<1x1x8192xi32, #tpu.memory_space<hbm>> -> memref<8192xi32, #tpu.memory_space<hbm>>
    %dma_wait3A_735 = arith.constant 40960 : i32
    %dma_wait3A_736 = tpu.memref_slice %arg4[%select_n3A_439, %dma_wait3A_731, %dma_wait3A_735] : memref<4x1x65536xi32, #tpu.memory_space<hbm>> -> memref<1x1x8192xi32, #tpu.memory_space<hbm>>
    %dma_wait3A_737 = tpu.memref_squeeze %dma_wait3A_736 : memref<1x1x8192xi32, #tpu.memory_space<hbm>> -> memref<8192xi32, #tpu.memory_space<hbm>>
    tpu.wait_dma2 semaphore(%arg12 : memref<!tpu.dma_semaphore, #tpu.memory_space<semaphore_mem>>) src(%dma_wait3A_737 : memref<8192xi32, #tpu.memory_space<hbm>>) dst(%arg10 : memref<8192xi32, #tpu.memory_space<vmem>>)
    %dma_start3A_738 = arith.constant 0 : i32
    %dma_start3A_739 = arith.constant 0 : i32
    %dma_start3A_740 = tpu.memref_slice %arg7[%dma_start3A_738, %dma_start3A_739] : memref<16x513xf32, #tpu.memory_space<vmem>> -> memref<16x512xf32, #tpu.memory_space<vmem>>
    %dma_start3A_741 = arith.constant 0 : i32
    %dma_start3A_742 = arith.constant 3072 : i32
    %dma_start3A_743 = tpu.memref_slice %arg2[%select_n3A_439, %select_n3A_455, %dma_start3A_741, %dma_start3A_742] : memref<4x16x16x4096xf32, #tpu.memory_space<hbm>> -> memref<1x1x16x512xf32, #tpu.memory_space<hbm>>
    %dma_start3A_744 = tpu.memref_squeeze %dma_start3A_743 : memref<1x1x16x512xf32, #tpu.memory_space<hbm>> -> memref<16x512xf32, #tpu.memory_space<hbm>>
    %dma_start3A_745 = arith.constant 0 : i32
    %dma_start3A_746 = arith.constant 0 : i32
    %dma_start3A_747 = tpu.memref_slice %arg7[%dma_start3A_745, %dma_start3A_746] : memref<16x513xf32, #tpu.memory_space<vmem>> -> memref<16x512xf32, #tpu.memory_space<vmem>>
    %dma_start3A_748 = arith.constant 0 : i32
    %dma_start3A_749 = arith.constant 3072 : i32
    %dma_start3A_750 = tpu.memref_slice %arg2[%select_n3A_439, %select_n3A_455, %dma_start3A_748, %dma_start3A_749] : memref<4x16x16x4096xf32, #tpu.memory_space<hbm>> -> memref<1x1x16x512xf32, #tpu.memory_space<hbm>>
    %dma_start3A_751 = tpu.memref_squeeze %dma_start3A_750 : memref<1x1x16x512xf32, #tpu.memory_space<hbm>> -> memref<16x512xf32, #tpu.memory_space<hbm>>
    tpu.enqueue_dma source(%dma_start3A_751 : memref<16x512xf32, #tpu.memory_space<hbm>>) target(%dma_start3A_747 : memref<16x512xf32, #tpu.memory_space<vmem>>) target_semaphore(%arg11 : memref<!tpu.dma_semaphore, #tpu.memory_space<semaphore_mem>>)
    %dma_start3A_752 = arith.constant 0 : i32
    %dma_start3A_753 = arith.constant 49152 : i32
    %dma_start3A_754 = tpu.memref_slice %arg4[%select_n3A_439, %dma_start3A_752, %dma_start3A_753] : memref<4x1x65536xi32, #tpu.memory_space<hbm>> -> memref<1x1x8192xi32, #tpu.memory_space<hbm>>
    %dma_start3A_755 = tpu.memref_squeeze %dma_start3A_754 : memref<1x1x8192xi32, #tpu.memory_space<hbm>> -> memref<8192xi32, #tpu.memory_space<hbm>>
    %dma_start3A_756 = arith.constant 49152 : i32
    %dma_start3A_757 = tpu.memref_slice %arg4[%select_n3A_439, %dma_start3A_752, %dma_start3A_756] : memref<4x1x65536xi32, #tpu.memory_space<hbm>> -> memref<1x1x8192xi32, #tpu.memory_space<hbm>>
    %dma_start3A_758 = tpu.memref_squeeze %dma_start3A_757 : memref<1x1x8192xi32, #tpu.memory_space<hbm>> -> memref<8192xi32, #tpu.memory_space<hbm>>
    tpu.enqueue_dma source(%dma_start3A_758 : memref<8192xi32, #tpu.memory_space<hbm>>) target(%arg9 : memref<8192xi32, #tpu.memory_space<vmem>>) target_semaphore(%arg11 : memref<!tpu.dma_semaphore, #tpu.memory_space<semaphore_mem>>)
    %scan3A_759 = arith.constant 0 : i32
    %scan3A_760 = arith.constant 0 : i32
    %scan3A_761 = arith.constant 512 : i32
    %scan3A_762 = arith.addi %scan3A_760, %scan3A_761 : i32
    %scan3A_763 = arith.constant 8 : i32
    scf.for %scan3A_840 = %scan3A_760 to %scan3A_762 step %scan3A_763  : i32 {
      %iota3A = tpu.iota {dimensions = array<i32: 0>} : vector<16xi32>
      %broadcast_in_dim3A = vector.broadcast %scan3A_840 : i32 to vector<16xi32>
      %mul3A_841 = arith.constant 16 : i32
      %mul3A_842 = arith.muli %scan3A_840, %mul3A_841 : i32
      %get3A = arith.index_cast %mul3A_842 : i32 to index
      %get3A_843 = tpu.vector_load %arg10[%get3A] {strides = array<i32>} : memref<8192xi32, #tpu.memory_space<vmem>>, vector<16xi32>,
      %gather3A = tpu.vector_load_idx %arg8[%iota3A, %broadcast_in_dim3A] : memref<16x513xf32, #tpu.memory_space<vmem>>[vector<16xi32>, vector<16xi32>], vector<16xf32>,
      tpu.vector_store_idx %arg6[%iota3A, %get3A_843], %gather3A {add = true} : memref<16x4097xf32, #tpu.memory_space<vmem>>[vector<16xi32>, vector<16xi32>], vector<16xf32>,
      %scan3A_844 = arith.constant 1 : i32
      %scan3A_845 = arith.addi %scan3A_840, %scan3A_844 : i32
      %iota3A_846 = tpu.iota {dimensions = array<i32: 0>} : vector<16xi32>
      %broadcast_in_dim3A_847 = vector.broadcast %scan3A_845 : i32 to vector<16xi32>
      %mul3A_848 = arith.constant 16 : i32
      %mul3A_849 = arith.muli %scan3A_845, %mul3A_848 : i32
      %get3A_850 = arith.index_cast %mul3A_849 : i32 to index
      %get3A_851 = tpu.vector_load %arg10[%get3A_850] {strides = array<i32>} : memref<8192xi32, #tpu.memory_space<vmem>>, vector<16xi32>,
      %gather3A_852 = tpu.vector_load_idx %arg8[%iota3A_846, %broadcast_in_dim3A_847] : memref<16x513xf32, #tpu.memory_space<vmem>>[vector<16xi32>, vector<16xi32>], vector<16xf32>,
      tpu.vector_store_idx %arg6[%iota3A_846, %get3A_851], %gather3A_852 {add = true} : memref<16x4097xf32, #tpu.memory_space<vmem>>[vector<16xi32>, vector<16xi32>], vector<16xf32>,
      %scan3A_853 = arith.constant 2 : i32
      %scan3A_854 = arith.addi %scan3A_840, %scan3A_853 : i32
      %iota3A_855 = tpu.iota {dimensions = array<i32: 0>} : vector<16xi32>
      %broadcast_in_dim3A_856 = vector.broadcast %scan3A_854 : i32 to vector<16xi32>
      %mul3A_857 = arith.constant 16 : i32
      %mul3A_858 = arith.muli %scan3A_854, %mul3A_857 : i32
      %get3A_859 = arith.index_cast %mul3A_858 : i32 to index
      %get3A_860 = tpu.vector_load %arg10[%get3A_859] {strides = array<i32>} : memref<8192xi32, #tpu.memory_space<vmem>>, vector<16xi32>,
      %gather3A_861 = tpu.vector_load_idx %arg8[%iota3A_855, %broadcast_in_dim3A_856] : memref<16x513xf32, #tpu.memory_space<vmem>>[vector<16xi32>, vector<16xi32>], vector<16xf32>,
      tpu.vector_store_idx %arg6[%iota3A_855, %get3A_860], %gather3A_861 {add = true} : memref<16x4097xf32, #tpu.memory_space<vmem>>[vector<16xi32>, vector<16xi32>], vector<16xf32>,
      %scan3A_862 = arith.constant 3 : i32
      %scan3A_863 = arith.addi %scan3A_840, %scan3A_862 : i32
      %iota3A_864 = tpu.iota {dimensions = array<i32: 0>} : vector<16xi32>
      %broadcast_in_dim3A_865 = vector.broadcast %scan3A_863 : i32 to vector<16xi32>
      %mul3A_866 = arith.constant 16 : i32
      %mul3A_867 = arith.muli %scan3A_863, %mul3A_866 : i32
      %get3A_868 = arith.index_cast %mul3A_867 : i32 to index
      %get3A_869 = tpu.vector_load %arg10[%get3A_868] {strides = array<i32>} : memref<8192xi32, #tpu.memory_space<vmem>>, vector<16xi32>,
      %gather3A_870 = tpu.vector_load_idx %arg8[%iota3A_864, %broadcast_in_dim3A_865] : memref<16x513xf32, #tpu.memory_space<vmem>>[vector<16xi32>, vector<16xi32>], vector<16xf32>,
      tpu.vector_store_idx %arg6[%iota3A_864, %get3A_869], %gather3A_870 {add = true} : memref<16x4097xf32, #tpu.memory_space<vmem>>[vector<16xi32>, vector<16xi32>], vector<16xf32>,
      %scan3A_871 = arith.constant 4 : i32
      %scan3A_872 = arith.addi %scan3A_840, %scan3A_871 : i32
      %iota3A_873 = tpu.iota {dimensions = array<i32: 0>} : vector<16xi32>
      %broadcast_in_dim3A_874 = vector.broadcast %scan3A_872 : i32 to vector<16xi32>
      %mul3A_875 = arith.constant 16 : i32
      %mul3A_876 = arith.muli %scan3A_872, %mul3A_875 : i32
      %get3A_877 = arith.index_cast %mul3A_876 : i32 to index
      %get3A_878 = tpu.vector_load %arg10[%get3A_877] {strides = array<i32>} : memref<8192xi32, #tpu.memory_space<vmem>>, vector<16xi32>,
      %gather3A_879 = tpu.vector_load_idx %arg8[%iota3A_873, %broadcast_in_dim3A_874] : memref<16x513xf32, #tpu.memory_space<vmem>>[vector<16xi32>, vector<16xi32>], vector<16xf32>,
      tpu.vector_store_idx %arg6[%iota3A_873, %get3A_878], %gather3A_879 {add = true} : memref<16x4097xf32, #tpu.memory_space<vmem>>[vector<16xi32>, vector<16xi32>], vector<16xf32>,
      %scan3A_880 = arith.constant 5 : i32
      %scan3A_881 = arith.addi %scan3A_840, %scan3A_880 : i32
      %iota3A_882 = tpu.iota {dimensions = array<i32: 0>} : vector<16xi32>
      %broadcast_in_dim3A_883 = vector.broadcast %scan3A_881 : i32 to vector<16xi32>
      %mul3A_884 = arith.constant 16 : i32
      %mul3A_885 = arith.muli %scan3A_881, %mul3A_884 : i32
      %get3A_886 = arith.index_cast %mul3A_885 : i32 to index
      %get3A_887 = tpu.vector_load %arg10[%get3A_886] {strides = array<i32>} : memref<8192xi32, #tpu.memory_space<vmem>>, vector<16xi32>,
      %gather3A_888 = tpu.vector_load_idx %arg8[%iota3A_882, %broadcast_in_dim3A_883] : memref<16x513xf32, #tpu.memory_space<vmem>>[vector<16xi32>, vector<16xi32>], vector<16xf32>,
      tpu.vector_store_idx %arg6[%iota3A_882, %get3A_887], %gather3A_888 {add = true} : memref<16x4097xf32, #tpu.memory_space<vmem>>[vector<16xi32>, vector<16xi32>], vector<16xf32>,
      %scan3A_889 = arith.constant 6 : i32
      %scan3A_890 = arith.addi %scan3A_840, %scan3A_889 : i32
      %iota3A_891 = tpu.iota {dimensions = array<i32: 0>} : vector<16xi32>
      %broadcast_in_dim3A_892 = vector.broadcast %scan3A_890 : i32 to vector<16xi32>
      %mul3A_893 = arith.constant 16 : i32
      %mul3A_894 = arith.muli %scan3A_890, %mul3A_893 : i32
      %get3A_895 = arith.index_cast %mul3A_894 : i32 to index
      %get3A_896 = tpu.vector_load %arg10[%get3A_895] {strides = array<i32>} : memref<8192xi32, #tpu.memory_space<vmem>>, vector<16xi32>,
      %gather3A_897 = tpu.vector_load_idx %arg8[%iota3A_891, %broadcast_in_dim3A_892] : memref<16x513xf32, #tpu.memory_space<vmem>>[vector<16xi32>, vector<16xi32>], vector<16xf32>,
      tpu.vector_store_idx %arg6[%iota3A_891, %get3A_896], %gather3A_897 {add = true} : memref<16x4097xf32, #tpu.memory_space<vmem>>[vector<16xi32>, vector<16xi32>], vector<16xf32>,
      %scan3A_898 = arith.constant 7 : i32
      %scan3A_899 = arith.addi %scan3A_840, %scan3A_898 : i32
      %iota3A_900 = tpu.iota {dimensions = array<i32: 0>} : vector<16xi32>
      %broadcast_in_dim3A_901 = vector.broadcast %scan3A_899 : i32 to vector<16xi32>
      %mul3A_902 = arith.constant 16 : i32
      %mul3A_903 = arith.muli %scan3A_899, %mul3A_902 : i32
      %get3A_904 = arith.index_cast %mul3A_903 : i32 to index
      %get3A_905 = tpu.vector_load %arg10[%get3A_904] {strides = array<i32>} : memref<8192xi32, #tpu.memory_space<vmem>>, vector<16xi32>,
      %gather3A_906 = tpu.vector_load_idx %arg8[%iota3A_900, %broadcast_in_dim3A_901] : memref<16x513xf32, #tpu.memory_space<vmem>>[vector<16xi32>, vector<16xi32>], vector<16xf32>,
      tpu.vector_store_idx %arg6[%iota3A_900, %get3A_905], %gather3A_906 {add = true} : memref<16x4097xf32, #tpu.memory_space<vmem>>[vector<16xi32>, vector<16xi32>], vector<16xf32>,
    }
    %scan3A_764 = arith.constant 512 : i32
    %dma_wait3A_765 = arith.constant 0 : i32
    %dma_wait3A_766 = arith.constant 0 : i32
    %dma_wait3A_767 = tpu.memref_slice %arg7[%dma_wait3A_765, %dma_wait3A_766] : memref<16x513xf32, #tpu.memory_space<vmem>> -> memref<16x512xf32, #tpu.memory_space<vmem>>
    %dma_wait3A_768 = arith.constant 0 : i32
    %dma_wait3A_769 = arith.constant 3072 : i32
    %dma_wait3A_770 = tpu.memref_slice %arg2[%select_n3A_439, %select_n3A_455, %dma_wait3A_768, %dma_wait3A_769] : memref<4x16x16x4096xf32, #tpu.memory_space<hbm>> -> memref<1x1x16x512xf32, #tpu.memory_space<hbm>>
    %dma_wait3A_771 = tpu.memref_squeeze %dma_wait3A_770 : memref<1x1x16x512xf32, #tpu.memory_space<hbm>> -> memref<16x512xf32, #tpu.memory_space<hbm>>
    %dma_wait3A_772 = arith.constant 0 : i32
    %dma_wait3A_773 = arith.constant 0 : i32
    %dma_wait3A_774 = tpu.memref_slice %arg7[%dma_wait3A_772, %dma_wait3A_773] : memref<16x513xf32, #tpu.memory_space<vmem>> -> memref<16x512xf32, #tpu.memory_space<vmem>>
    %dma_wait3A_775 = arith.constant 0 : i32
    %dma_wait3A_776 = arith.constant 3072 : i32
    %dma_wait3A_777 = tpu.memref_slice %arg2[%select_n3A_439, %select_n3A_455, %dma_wait3A_775, %dma_wait3A_776] : memref<4x16x16x4096xf32, #tpu.memory_space<hbm>> -> memref<1x1x16x512xf32, #tpu.memory_space<hbm>>
    %dma_wait3A_778 = tpu.memref_squeeze %dma_wait3A_777 : memref<1x1x16x512xf32, #tpu.memory_space<hbm>> -> memref<16x512xf32, #tpu.memory_space<hbm>>
    tpu.wait_dma2 semaphore(%arg11 : memref<!tpu.dma_semaphore, #tpu.memory_space<semaphore_mem>>) src(%dma_wait3A_778 : memref<16x512xf32, #tpu.memory_space<hbm>>) dst(%dma_wait3A_774 : memref<16x512xf32, #tpu.memory_space<vmem>>)
    %dma_wait3A_779 = arith.constant 0 : i32
    %dma_wait3A_780 = arith.constant 49152 : i32
    %dma_wait3A_781 = tpu.memref_slice %arg4[%select_n3A_439, %dma_wait3A_779, %dma_wait3A_780] : memref<4x1x65536xi32, #tpu.memory_space<hbm>> -> memref<1x1x8192xi32, #tpu.memory_space<hbm>>
    %dma_wait3A_782 = tpu.memref_squeeze %dma_wait3A_781 : memref<1x1x8192xi32, #tpu.memory_space<hbm>> -> memref<8192xi32, #tpu.memory_space<hbm>>
    %dma_wait3A_783 = arith.constant 49152 : i32
    %dma_wait3A_784 = tpu.memref_slice %arg4[%select_n3A_439, %dma_wait3A_779, %dma_wait3A_783] : memref<4x1x65536xi32, #tpu.memory_space<hbm>> -> memref<1x1x8192xi32, #tpu.memory_space<hbm>>
    %dma_wait3A_785 = tpu.memref_squeeze %dma_wait3A_784 : memref<1x1x8192xi32, #tpu.memory_space<hbm>> -> memref<8192xi32, #tpu.memory_space<hbm>>
    tpu.wait_dma2 semaphore(%arg11 : memref<!tpu.dma_semaphore, #tpu.memory_space<semaphore_mem>>) src(%dma_wait3A_785 : memref<8192xi32, #tpu.memory_space<hbm>>) dst(%arg9 : memref<8192xi32, #tpu.memory_space<vmem>>)
    %dma_start3A_786 = arith.constant 0 : i32
    %dma_start3A_787 = arith.constant 0 : i32
    %dma_start3A_788 = tpu.memref_slice %arg8[%dma_start3A_786, %dma_start3A_787] : memref<16x513xf32, #tpu.memory_space<vmem>> -> memref<16x512xf32, #tpu.memory_space<vmem>>
    %dma_start3A_789 = arith.constant 0 : i32
    %dma_start3A_790 = arith.constant 3584 : i32
    %dma_start3A_791 = tpu.memref_slice %arg2[%select_n3A_439, %select_n3A_455, %dma_start3A_789, %dma_start3A_790] : memref<4x16x16x4096xf32, #tpu.memory_space<hbm>> -> memref<1x1x16x512xf32, #tpu.memory_space<hbm>>
    %dma_start3A_792 = tpu.memref_squeeze %dma_start3A_791 : memref<1x1x16x512xf32, #tpu.memory_space<hbm>> -> memref<16x512xf32, #tpu.memory_space<hbm>>
    %dma_start3A_793 = arith.constant 0 : i32
    %dma_start3A_794 = arith.constant 0 : i32
    %dma_start3A_795 = tpu.memref_slice %arg8[%dma_start3A_793, %dma_start3A_794] : memref<16x513xf32, #tpu.memory_space<vmem>> -> memref<16x512xf32, #tpu.memory_space<vmem>>
    %dma_start3A_796 = arith.constant 0 : i32
    %dma_start3A_797 = arith.constant 3584 : i32
    %dma_start3A_798 = tpu.memref_slice %arg2[%select_n3A_439, %select_n3A_455, %dma_start3A_796, %dma_start3A_797] : memref<4x16x16x4096xf32, #tpu.memory_space<hbm>> -> memref<1x1x16x512xf32, #tpu.memory_space<hbm>>
    %dma_start3A_799 = tpu.memref_squeeze %dma_start3A_798 : memref<1x1x16x512xf32, #tpu.memory_space<hbm>> -> memref<16x512xf32, #tpu.memory_space<hbm>>
    tpu.enqueue_dma source(%dma_start3A_799 : memref<16x512xf32, #tpu.memory_space<hbm>>) target(%dma_start3A_795 : memref<16x512xf32, #tpu.memory_space<vmem>>) target_semaphore(%arg12 : memref<!tpu.dma_semaphore, #tpu.memory_space<semaphore_mem>>)
    %dma_start3A_800 = arith.constant 0 : i32
    %dma_start3A_801 = arith.constant 57344 : i32
    %dma_start3A_802 = tpu.memref_slice %arg4[%select_n3A_439, %dma_start3A_800, %dma_start3A_801] : memref<4x1x65536xi32, #tpu.memory_space<hbm>> -> memref<1x1x8192xi32, #tpu.memory_space<hbm>>
    %dma_start3A_803 = tpu.memref_squeeze %dma_start3A_802 : memref<1x1x8192xi32, #tpu.memory_space<hbm>> -> memref<8192xi32, #tpu.memory_space<hbm>>
    %dma_start3A_804 = arith.constant 57344 : i32
    %dma_start3A_805 = tpu.memref_slice %arg4[%select_n3A_439, %dma_start3A_800, %dma_start3A_804] : memref<4x1x65536xi32, #tpu.memory_space<hbm>> -> memref<1x1x8192xi32, #tpu.memory_space<hbm>>
    %dma_start3A_806 = tpu.memref_squeeze %dma_start3A_805 : memref<1x1x8192xi32, #tpu.memory_space<hbm>> -> memref<8192xi32, #tpu.memory_space<hbm>>
    tpu.enqueue_dma source(%dma_start3A_806 : memref<8192xi32, #tpu.memory_space<hbm>>) target(%arg10 : memref<8192xi32, #tpu.memory_space<vmem>>) target_semaphore(%arg12 : memref<!tpu.dma_semaphore, #tpu.memory_space<semaphore_mem>>)
    %scan3A_807 = arith.constant 0 : i32
    %scan3A_808 = arith.constant 0 : i32
    %scan3A_809 = arith.constant 512 : i32
    %scan3A_810 = arith.addi %scan3A_808, %scan3A_809 : i32
    %scan3A_811 = arith.constant 8 : i32
    scf.for %scan3A_840 = %scan3A_808 to %scan3A_810 step %scan3A_811  : i32 {
      %iota3A = tpu.iota {dimensions = array<i32: 0>} : vector<16xi32>
      %broadcast_in_dim3A = vector.broadcast %scan3A_840 : i32 to vector<16xi32>
      %mul3A_841 = arith.constant 16 : i32
      %mul3A_842 = arith.muli %scan3A_840, %mul3A_841 : i32
      %get3A = arith.index_cast %mul3A_842 : i32 to index
      %get3A_843 = tpu.vector_load %arg9[%get3A] {strides = array<i32>} : memref<8192xi32, #tpu.memory_space<vmem>>, vector<16xi32>,
      %gather3A = tpu.vector_load_idx %arg7[%iota3A, %broadcast_in_dim3A] : memref<16x513xf32, #tpu.memory_space<vmem>>[vector<16xi32>, vector<16xi32>], vector<16xf32>,
      tpu.vector_store_idx %arg6[%iota3A, %get3A_843], %gather3A {add = true} : memref<16x4097xf32, #tpu.memory_space<vmem>>[vector<16xi32>, vector<16xi32>], vector<16xf32>,
      %scan3A_844 = arith.constant 1 : i32
      %scan3A_845 = arith.addi %scan3A_840, %scan3A_844 : i32
      %iota3A_846 = tpu.iota {dimensions = array<i32: 0>} : vector<16xi32>
      %broadcast_in_dim3A_847 = vector.broadcast %scan3A_845 : i32 to vector<16xi32>
      %mul3A_848 = arith.constant 16 : i32
      %mul3A_849 = arith.muli %scan3A_845, %mul3A_848 : i32
      %get3A_850 = arith.index_cast %mul3A_849 : i32 to index
      %get3A_851 = tpu.vector_load %arg9[%get3A_850] {strides = array<i32>} : memref<8192xi32, #tpu.memory_space<vmem>>, vector<16xi32>,
      %gather3A_852 = tpu.vector_load_idx %arg7[%iota3A_846, %broadcast_in_dim3A_847] : memref<16x513xf32, #tpu.memory_space<vmem>>[vector<16xi32>, vector<16xi32>], vector<16xf32>,
      tpu.vector_store_idx %arg6[%iota3A_846, %get3A_851], %gather3A_852 {add = true} : memref<16x4097xf32, #tpu.memory_space<vmem>>[vector<16xi32>, vector<16xi32>], vector<16xf32>,
      %scan3A_853 = arith.constant 2 : i32
      %scan3A_854 = arith.addi %scan3A_840, %scan3A_853 : i32
      %iota3A_855 = tpu.iota {dimensions = array<i32: 0>} : vector<16xi32>
      %broadcast_in_dim3A_856 = vector.broadcast %scan3A_854 : i32 to vector<16xi32>
      %mul3A_857 = arith.constant 16 : i32
      %mul3A_858 = arith.muli %scan3A_854, %mul3A_857 : i32
      %get3A_859 = arith.index_cast %mul3A_858 : i32 to index
      %get3A_860 = tpu.vector_load %arg9[%get3A_859] {strides = array<i32>} : memref<8192xi32, #tpu.memory_space<vmem>>, vector<16xi32>,
      %gather3A_861 = tpu.vector_load_idx %arg7[%iota3A_855, %broadcast_in_dim3A_856] : memref<16x513xf32, #tpu.memory_space<vmem>>[vector<16xi32>, vector<16xi32>], vector<16xf32>,
      tpu.vector_store_idx %arg6[%iota3A_855, %get3A_860], %gather3A_861 {add = true} : memref<16x4097xf32, #tpu.memory_space<vmem>>[vector<16xi32>, vector<16xi32>], vector<16xf32>,
      %scan3A_862 = arith.constant 3 : i32
      %scan3A_863 = arith.addi %scan3A_840, %scan3A_862 : i32
      %iota3A_864 = tpu.iota {dimensions = array<i32: 0>} : vector<16xi32>
      %broadcast_in_dim3A_865 = vector.broadcast %scan3A_863 : i32 to vector<16xi32>
      %mul3A_866 = arith.constant 16 : i32
      %mul3A_867 = arith.muli %scan3A_863, %mul3A_866 : i32
      %get3A_868 = arith.index_cast %mul3A_867 : i32 to index
      %get3A_869 = tpu.vector_load %arg9[%get3A_868] {strides = array<i32>} : memref<8192xi32, #tpu.memory_space<vmem>>, vector<16xi32>,
      %gather3A_870 = tpu.vector_load_idx %arg7[%iota3A_864, %broadcast_in_dim3A_865] : memref<16x513xf32, #tpu.memory_space<vmem>>[vector<16xi32>, vector<16xi32>], vector<16xf32>,
      tpu.vector_store_idx %arg6[%iota3A_864, %get3A_869], %gather3A_870 {add = true} : memref<16x4097xf32, #tpu.memory_space<vmem>>[vector<16xi32>, vector<16xi32>], vector<16xf32>,
      %scan3A_871 = arith.constant 4 : i32
      %scan3A_872 = arith.addi %scan3A_840, %scan3A_871 : i32
      %iota3A_873 = tpu.iota {dimensions = array<i32: 0>} : vector<16xi32>
      %broadcast_in_dim3A_874 = vector.broadcast %scan3A_872 : i32 to vector<16xi32>
      %mul3A_875 = arith.constant 16 : i32
      %mul3A_876 = arith.muli %scan3A_872, %mul3A_875 : i32
      %get3A_877 = arith.index_cast %mul3A_876 : i32 to index
      %get3A_878 = tpu.vector_load %arg9[%get3A_877] {strides = array<i32>} : memref<8192xi32, #tpu.memory_space<vmem>>, vector<16xi32>,
      %gather3A_879 = tpu.vector_load_idx %arg7[%iota3A_873, %broadcast_in_dim3A_874] : memref<16x513xf32, #tpu.memory_space<vmem>>[vector<16xi32>, vector<16xi32>], vector<16xf32>,
      tpu.vector_store_idx %arg6[%iota3A_873, %get3A_878], %gather3A_879 {add = true} : memref<16x4097xf32, #tpu.memory_space<vmem>>[vector<16xi32>, vector<16xi32>], vector<16xf32>,
      %scan3A_880 = arith.constant 5 : i32
      %scan3A_881 = arith.addi %scan3A_840, %scan3A_880 : i32
      %iota3A_882 = tpu.iota {dimensions = array<i32: 0>} : vector<16xi32>
      %broadcast_in_dim3A_883 = vector.broadcast %scan3A_881 : i32 to vector<16xi32>
      %mul3A_884 = arith.constant 16 : i32
      %mul3A_885 = arith.muli %scan3A_881, %mul3A_884 : i32
      %get3A_886 = arith.index_cast %mul3A_885 : i32 to index
      %get3A_887 = tpu.vector_load %arg9[%get3A_886] {strides = array<i32>} : memref<8192xi32, #tpu.memory_space<vmem>>, vector<16xi32>,
      %gather3A_888 = tpu.vector_load_idx %arg7[%iota3A_882, %broadcast_in_dim3A_883] : memref<16x513xf32, #tpu.memory_space<vmem>>[vector<16xi32>, vector<16xi32>], vector<16xf32>,
      tpu.vector_store_idx %arg6[%iota3A_882, %get3A_887], %gather3A_888 {add = true} : memref<16x4097xf32, #tpu.memory_space<vmem>>[vector<16xi32>, vector<16xi32>], vector<16xf32>,
      %scan3A_889 = arith.constant 6 : i32
      %scan3A_890 = arith.addi %scan3A_840, %scan3A_889 : i32
      %iota3A_891 = tpu.iota {dimensions = array<i32: 0>} : vector<16xi32>
      %broadcast_in_dim3A_892 = vector.broadcast %scan3A_890 : i32 to vector<16xi32>
      %mul3A_893 = arith.constant 16 : i32
      %mul3A_894 = arith.muli %scan3A_890, %mul3A_893 : i32
      %get3A_895 = arith.index_cast %mul3A_894 : i32 to index
      %get3A_896 = tpu.vector_load %arg9[%get3A_895] {strides = array<i32>} : memref<8192xi32, #tpu.memory_space<vmem>>, vector<16xi32>,
      %gather3A_897 = tpu.vector_load_idx %arg7[%iota3A_891, %broadcast_in_dim3A_892] : memref<16x513xf32, #tpu.memory_space<vmem>>[vector<16xi32>, vector<16xi32>], vector<16xf32>,
      tpu.vector_store_idx %arg6[%iota3A_891, %get3A_896], %gather3A_897 {add = true} : memref<16x4097xf32, #tpu.memory_space<vmem>>[vector<16xi32>, vector<16xi32>], vector<16xf32>,
      %scan3A_898 = arith.constant 7 : i32
      %scan3A_899 = arith.addi %scan3A_840, %scan3A_898 : i32
      %iota3A_900 = tpu.iota {dimensions = array<i32: 0>} : vector<16xi32>
      %broadcast_in_dim3A_901 = vector.broadcast %scan3A_899 : i32 to vector<16xi32>
      %mul3A_902 = arith.constant 16 : i32
      %mul3A_903 = arith.muli %scan3A_899, %mul3A_902 : i32
      %get3A_904 = arith.index_cast %mul3A_903 : i32 to index
      %get3A_905 = tpu.vector_load %arg9[%get3A_904] {strides = array<i32>} : memref<8192xi32, #tpu.memory_space<vmem>>, vector<16xi32>,
      %gather3A_906 = tpu.vector_load_idx %arg7[%iota3A_900, %broadcast_in_dim3A_901] : memref<16x513xf32, #tpu.memory_space<vmem>>[vector<16xi32>, vector<16xi32>], vector<16xf32>,
      tpu.vector_store_idx %arg6[%iota3A_900, %get3A_905], %gather3A_906 {add = true} : memref<16x4097xf32, #tpu.memory_space<vmem>>[vector<16xi32>, vector<16xi32>], vector<16xf32>,
    }
    %scan3A_812 = arith.constant 512 : i32
    %dma_wait3A_813 = arith.constant 0 : i32
    %dma_wait3A_814 = arith.constant 0 : i32
    %dma_wait3A_815 = tpu.memref_slice %arg8[%dma_wait3A_813, %dma_wait3A_814] : memref<16x513xf32, #tpu.memory_space<vmem>> -> memref<16x512xf32, #tpu.memory_space<vmem>>
    %dma_wait3A_816 = arith.constant 0 : i32
    %dma_wait3A_817 = arith.constant 3584 : i32
    %dma_wait3A_818 = tpu.memref_slice %arg2[%select_n3A_439, %select_n3A_455, %dma_wait3A_816, %dma_wait3A_817] : memref<4x16x16x4096xf32, #tpu.memory_space<hbm>> -> memref<1x1x16x512xf32, #tpu.memory_space<hbm>>
    %dma_wait3A_819 = tpu.memref_squeeze %dma_wait3A_818 : memref<1x1x16x512xf32, #tpu.memory_space<hbm>> -> memref<16x512xf32, #tpu.memory_space<hbm>>
    %dma_wait3A_820 = arith.constant 0 : i32
    %dma_wait3A_821 = arith.constant 0 : i32
    %dma_wait3A_822 = tpu.memref_slice %arg8[%dma_wait3A_820, %dma_wait3A_821] : memref<16x513xf32, #tpu.memory_space<vmem>> -> memref<16x512xf32, #tpu.memory_space<vmem>>
    %dma_wait3A_823 = arith.constant 0 : i32
    %dma_wait3A_824 = arith.constant 3584 : i32
    %dma_wait3A_825 = tpu.memref_slice %arg2[%select_n3A_439, %select_n3A_455, %dma_wait3A_823, %dma_wait3A_824] : memref<4x16x16x4096xf32, #tpu.memory_space<hbm>> -> memref<1x1x16x512xf32, #tpu.memory_space<hbm>>
    %dma_wait3A_826 = tpu.memref_squeeze %dma_wait3A_825 : memref<1x1x16x512xf32, #tpu.memory_space<hbm>> -> memref<16x512xf32, #tpu.memory_space<hbm>>
    tpu.wait_dma2 semaphore(%arg12 : memref<!tpu.dma_semaphore, #tpu.memory_space<semaphore_mem>>) src(%dma_wait3A_826 : memref<16x512xf32, #tpu.memory_space<hbm>>) dst(%dma_wait3A_822 : memref<16x512xf32, #tpu.memory_space<vmem>>)
    %dma_wait3A_827 = arith.constant 0 : i32
    %dma_wait3A_828 = arith.constant 57344 : i32
    %dma_wait3A_829 = tpu.memref_slice %arg4[%select_n3A_439, %dma_wait3A_827, %dma_wait3A_828] : memref<4x1x65536xi32, #tpu.memory_space<hbm>> -> memref<1x1x8192xi32, #tpu.memory_space<hbm>>
    %dma_wait3A_830 = tpu.memref_squeeze %dma_wait3A_829 : memref<1x1x8192xi32, #tpu.memory_space<hbm>> -> memref<8192xi32, #tpu.memory_space<hbm>>
    %dma_wait3A_831 = arith.constant 57344 : i32
    %dma_wait3A_832 = tpu.memref_slice %arg4[%select_n3A_439, %dma_wait3A_827, %dma_wait3A_831] : memref<4x1x65536xi32, #tpu.memory_space<hbm>> -> memref<1x1x8192xi32, #tpu.memory_space<hbm>>
    %dma_wait3A_833 = tpu.memref_squeeze %dma_wait3A_832 : memref<1x1x8192xi32, #tpu.memory_space<hbm>> -> memref<8192xi32, #tpu.memory_space<hbm>>
    tpu.wait_dma2 semaphore(%arg12 : memref<!tpu.dma_semaphore, #tpu.memory_space<semaphore_mem>>) src(%dma_wait3A_833 : memref<8192xi32, #tpu.memory_space<hbm>>) dst(%arg10 : memref<8192xi32, #tpu.memory_space<vmem>>)
    %scan3A_834 = arith.constant 0 : i32
    %scan3A_835 = arith.constant 0 : i32
    %scan3A_836 = arith.constant 512 : i32
    %scan3A_837 = arith.addi %scan3A_835, %scan3A_836 : i32
    %scan3A_838 = arith.constant 8 : i32
    scf.for %scan3A_840 = %scan3A_835 to %scan3A_837 step %scan3A_838  : i32 {
      %iota3A = tpu.iota {dimensions = array<i32: 0>} : vector<16xi32>
      %broadcast_in_dim3A = vector.broadcast %scan3A_840 : i32 to vector<16xi32>
      %mul3A_841 = arith.constant 16 : i32
      %mul3A_842 = arith.muli %scan3A_840, %mul3A_841 : i32
      %get3A = arith.index_cast %mul3A_842 : i32 to index
      %get3A_843 = tpu.vector_load %arg10[%get3A] {strides = array<i32>} : memref<8192xi32, #tpu.memory_space<vmem>>, vector<16xi32>,
      %gather3A = tpu.vector_load_idx %arg8[%iota3A, %broadcast_in_dim3A] : memref<16x513xf32, #tpu.memory_space<vmem>>[vector<16xi32>, vector<16xi32>], vector<16xf32>,
      tpu.vector_store_idx %arg6[%iota3A, %get3A_843], %gather3A {add = true} : memref<16x4097xf32, #tpu.memory_space<vmem>>[vector<16xi32>, vector<16xi32>], vector<16xf32>,
      %scan3A_844 = arith.constant 1 : i32
      %scan3A_845 = arith.addi %scan3A_840, %scan3A_844 : i32
      %iota3A_846 = tpu.iota {dimensions = array<i32: 0>} : vector<16xi32>
      %broadcast_in_dim3A_847 = vector.broadcast %scan3A_845 : i32 to vector<16xi32>
      %mul3A_848 = arith.constant 16 : i32
      %mul3A_849 = arith.muli %scan3A_845, %mul3A_848 : i32
      %get3A_850 = arith.index_cast %mul3A_849 : i32 to index
      %get3A_851 = tpu.vector_load %arg10[%get3A_850] {strides = array<i32>} : memref<8192xi32, #tpu.memory_space<vmem>>, vector<16xi32>,
      %gather3A_852 = tpu.vector_load_idx %arg8[%iota3A_846, %broadcast_in_dim3A_847] : memref<16x513xf32, #tpu.memory_space<vmem>>[vector<16xi32>, vector<16xi32>], vector<16xf32>,
      tpu.vector_store_idx %arg6[%iota3A_846, %get3A_851], %gather3A_852 {add = true} : memref<16x4097xf32, #tpu.memory_space<vmem>>[vector<16xi32>, vector<16xi32>], vector<16xf32>,
      %scan3A_853 = arith.constant 2 : i32
      %scan3A_854 = arith.addi %scan3A_840, %scan3A_853 : i32
      %iota3A_855 = tpu.iota {dimensions = array<i32: 0>} : vector<16xi32>
      %broadcast_in_dim3A_856 = vector.broadcast %scan3A_854 : i32 to vector<16xi32>
      %mul3A_857 = arith.constant 16 : i32
      %mul3A_858 = arith.muli %scan3A_854, %mul3A_857 : i32
      %get3A_859 = arith.index_cast %mul3A_858 : i32 to index
      %get3A_860 = tpu.vector_load %arg10[%get3A_859] {strides = array<i32>} : memref<8192xi32, #tpu.memory_space<vmem>>, vector<16xi32>,
      %gather3A_861 = tpu.vector_load_idx %arg8[%iota3A_855, %broadcast_in_dim3A_856] : memref<16x513xf32, #tpu.memory_space<vmem>>[vector<16xi32>, vector<16xi32>], vector<16xf32>,
      tpu.vector_store_idx %arg6[%iota3A_855, %get3A_860], %gather3A_861 {add = true} : memref<16x4097xf32, #tpu.memory_space<vmem>>[vector<16xi32>, vector<16xi32>], vector<16xf32>,
      %scan3A_862 = arith.constant 3 : i32
      %scan3A_863 = arith.addi %scan3A_840, %scan3A_862 : i32
      %iota3A_864 = tpu.iota {dimensions = array<i32: 0>} : vector<16xi32>
      %broadcast_in_dim3A_865 = vector.broadcast %scan3A_863 : i32 to vector<16xi32>
      %mul3A_866 = arith.constant 16 : i32
      %mul3A_867 = arith.muli %scan3A_863, %mul3A_866 : i32
      %get3A_868 = arith.index_cast %mul3A_867 : i32 to index
      %get3A_869 = tpu.vector_load %arg10[%get3A_868] {strides = array<i32>} : memref<8192xi32, #tpu.memory_space<vmem>>, vector<16xi32>,
      %gather3A_870 = tpu.vector_load_idx %arg8[%iota3A_864, %broadcast_in_dim3A_865] : memref<16x513xf32, #tpu.memory_space<vmem>>[vector<16xi32>, vector<16xi32>], vector<16xf32>,
      tpu.vector_store_idx %arg6[%iota3A_864, %get3A_869], %gather3A_870 {add = true} : memref<16x4097xf32, #tpu.memory_space<vmem>>[vector<16xi32>, vector<16xi32>], vector<16xf32>,
      %scan3A_871 = arith.constant 4 : i32
      %scan3A_872 = arith.addi %scan3A_840, %scan3A_871 : i32
      %iota3A_873 = tpu.iota {dimensions = array<i32: 0>} : vector<16xi32>
      %broadcast_in_dim3A_874 = vector.broadcast %scan3A_872 : i32 to vector<16xi32>
      %mul3A_875 = arith.constant 16 : i32
      %mul3A_876 = arith.muli %scan3A_872, %mul3A_875 : i32
      %get3A_877 = arith.index_cast %mul3A_876 : i32 to index
      %get3A_878 = tpu.vector_load %arg10[%get3A_877] {strides = array<i32>} : memref<8192xi32, #tpu.memory_space<vmem>>, vector<16xi32>,
      %gather3A_879 = tpu.vector_load_idx %arg8[%iota3A_873, %broadcast_in_dim3A_874] : memref<16x513xf32, #tpu.memory_space<vmem>>[vector<16xi32>, vector<16xi32>], vector<16xf32>,
      tpu.vector_store_idx %arg6[%iota3A_873, %get3A_878], %gather3A_879 {add = true} : memref<16x4097xf32, #tpu.memory_space<vmem>>[vector<16xi32>, vector<16xi32>], vector<16xf32>,
      %scan3A_880 = arith.constant 5 : i32
      %scan3A_881 = arith.addi %scan3A_840, %scan3A_880 : i32
      %iota3A_882 = tpu.iota {dimensions = array<i32: 0>} : vector<16xi32>
      %broadcast_in_dim3A_883 = vector.broadcast %scan3A_881 : i32 to vector<16xi32>
      %mul3A_884 = arith.constant 16 : i32
      %mul3A_885 = arith.muli %scan3A_881, %mul3A_884 : i32
      %get3A_886 = arith.index_cast %mul3A_885 : i32 to index
      %get3A_887 = tpu.vector_load %arg10[%get3A_886] {strides = array<i32>} : memref<8192xi32, #tpu.memory_space<vmem>>, vector<16xi32>,
      %gather3A_888 = tpu.vector_load_idx %arg8[%iota3A_882, %broadcast_in_dim3A_883] : memref<16x513xf32, #tpu.memory_space<vmem>>[vector<16xi32>, vector<16xi32>], vector<16xf32>,
      tpu.vector_store_idx %arg6[%iota3A_882, %get3A_887], %gather3A_888 {add = true} : memref<16x4097xf32, #tpu.memory_space<vmem>>[vector<16xi32>, vector<16xi32>], vector<16xf32>,
      %scan3A_889 = arith.constant 6 : i32
      %scan3A_890 = arith.addi %scan3A_840, %scan3A_889 : i32
      %iota3A_891 = tpu.iota {dimensions = array<i32: 0>} : vector<16xi32>
      %broadcast_in_dim3A_892 = vector.broadcast %scan3A_890 : i32 to vector<16xi32>
      %mul3A_893 = arith.constant 16 : i32
      %mul3A_894 = arith.muli %scan3A_890, %mul3A_893 : i32
      %get3A_895 = arith.index_cast %mul3A_894 : i32 to index
      %get3A_896 = tpu.vector_load %arg10[%get3A_895] {strides = array<i32>} : memref<8192xi32, #tpu.memory_space<vmem>>, vector<16xi32>,
      %gather3A_897 = tpu.vector_load_idx %arg8[%iota3A_891, %broadcast_in_dim3A_892] : memref<16x513xf32, #tpu.memory_space<vmem>>[vector<16xi32>, vector<16xi32>], vector<16xf32>,
      tpu.vector_store_idx %arg6[%iota3A_891, %get3A_896], %gather3A_897 {add = true} : memref<16x4097xf32, #tpu.memory_space<vmem>>[vector<16xi32>, vector<16xi32>], vector<16xf32>,
      %scan3A_898 = arith.constant 7 : i32
      %scan3A_899 = arith.addi %scan3A_840, %scan3A_898 : i32
      %iota3A_900 = tpu.iota {dimensions = array<i32: 0>} : vector<16xi32>
      %broadcast_in_dim3A_901 = vector.broadcast %scan3A_899 : i32 to vector<16xi32>
      %mul3A_902 = arith.constant 16 : i32
      %mul3A_903 = arith.muli %scan3A_899, %mul3A_902 : i32
      %get3A_904 = arith.index_cast %mul3A_903 : i32 to index
      %get3A_905 = tpu.vector_load %arg10[%get3A_904] {strides = array<i32>} : memref<8192xi32, #tpu.memory_space<vmem>>, vector<16xi32>,
      %gather3A_906 = tpu.vector_load_idx %arg8[%iota3A_900, %broadcast_in_dim3A_901] : memref<16x513xf32, #tpu.memory_space<vmem>>[vector<16xi32>, vector<16xi32>], vector<16xf32>,
      tpu.vector_store_idx %arg6[%iota3A_900, %get3A_905], %gather3A_906 {add = true} : memref<16x4097xf32, #tpu.memory_space<vmem>>[vector<16xi32>, vector<16xi32>], vector<16xf32>,
    }
    %scan3A_839 = arith.constant 512 : i32
    "tpu.region"() ({
      %run_scoped3A = tpu.sem_alloc : memref<!tpu.dma_semaphore, #tpu.memory_space<semaphore_mem>>
      %dma_start3A_840 = arith.constant 0 : i32
      %dma_start3A_841 = arith.constant 0 : i32
      %dma_start3A_842 = tpu.memref_slice %arg6[%dma_start3A_840, %dma_start3A_841] : memref<16x4097xf32, #tpu.memory_space<vmem>> -> memref<16x4096xf32, #tpu.memory_space<vmem>>
      %dma_start3A_843 = arith.constant 0 : i32
      %dma_start3A_844 = arith.constant 0 : i32
      %dma_start3A_845 = tpu.memref_slice %arg5[%select_n3A_439, %select_n3A_455, %dma_start3A_843, %dma_start3A_844] : memref<4x16x16x4096xf32, #tpu.memory_space<hbm>> -> memref<1x1x16x4096xf32, #tpu.memory_space<hbm>>
      %dma_start3A_846 = tpu.memref_squeeze %dma_start3A_845 : memref<1x1x16x4096xf32, #tpu.memory_space<hbm>> -> memref<16x4096xf32, #tpu.memory_space<hbm>>
      %dma_start3A_847 = arith.constant 0 : i32
      %dma_start3A_848 = arith.constant 0 : i32
      %dma_start3A_849 = tpu.memref_slice %arg5[%select_n3A_439, %select_n3A_455, %dma_start3A_847, %dma_start3A_848] : memref<4x16x16x4096xf32, #tpu.memory_space<hbm>> -> memref<1x1x16x4096xf32, #tpu.memory_space<hbm>>
      %dma_start3A_850 = tpu.memref_squeeze %dma_start3A_849 : memref<1x1x16x4096xf32, #tpu.memory_space<hbm>> -> memref<16x4096xf32, #tpu.memory_space<hbm>>
      %dma_start3A_851 = arith.constant 0 : i32
      %dma_start3A_852 = arith.constant 0 : i32
      %dma_start3A_853 = tpu.memref_slice %arg6[%dma_start3A_851, %dma_start3A_852] : memref<16x4097xf32, #tpu.memory_space<vmem>> -> memref<16x4096xf32, #tpu.memory_space<vmem>>
      tpu.enqueue_dma source(%dma_start3A_853 : memref<16x4096xf32, #tpu.memory_space<vmem>>) target(%dma_start3A_850 : memref<16x4096xf32, #tpu.memory_space<hbm>>) target_semaphore(%run_scoped3A : memref<!tpu.dma_semaphore, #tpu.memory_space<semaphore_mem>>)
      %dma_wait3A_854 = arith.constant 0 : i32
      %dma_wait3A_855 = arith.constant 0 : i32
      %dma_wait3A_856 = tpu.memref_slice %arg6[%dma_wait3A_854, %dma_wait3A_855] : memref<16x4097xf32, #tpu.memory_space<vmem>> -> memref<16x4096xf32, #tpu.memory_space<vmem>>
      %dma_wait3A_857 = arith.constant 0 : i32
      %dma_wait3A_858 = arith.constant 0 : i32
      %dma_wait3A_859 = tpu.memref_slice %arg5[%select_n3A_439, %select_n3A_455, %dma_wait3A_857, %dma_wait3A_858] : memref<4x16x16x4096xf32, #tpu.memory_space<hbm>> -> memref<1x1x16x4096xf32, #tpu.memory_space<hbm>>
      %dma_wait3A_860 = tpu.memref_squeeze %dma_wait3A_859 : memref<1x1x16x4096xf32, #tpu.memory_space<hbm>> -> memref<16x4096xf32, #tpu.memory_space<hbm>>
      %dma_wait3A_861 = arith.constant 0 : i32
      %dma_wait3A_862 = arith.constant 0 : i32
      %dma_wait3A_863 = tpu.memref_slice %arg5[%select_n3A_439, %select_n3A_455, %dma_wait3A_861, %dma_wait3A_862] : memref<4x16x16x4096xf32, #tpu.memory_space<hbm>> -> memref<1x1x16x4096xf32, #tpu.memory_space<hbm>>
      %dma_wait3A_864 = tpu.memref_squeeze %dma_wait3A_863 : memref<1x1x16x4096xf32, #tpu.memory_space<hbm>> -> memref<16x4096xf32, #tpu.memory_space<hbm>>
      %dma_wait3A_865 = arith.constant 0 : i32
      %dma_wait3A_866 = arith.constant 0 : i32
      %dma_wait3A_867 = tpu.memref_slice %arg6[%dma_wait3A_865, %dma_wait3A_866] : memref<16x4097xf32, #tpu.memory_space<vmem>> -> memref<16x4096xf32, #tpu.memory_space<vmem>>
      tpu.wait_dma2 semaphore(%run_scoped3A : memref<!tpu.dma_semaphore, #tpu.memory_space<semaphore_mem>>) src(%dma_wait3A_867 : memref<16x4096xf32, #tpu.memory_space<vmem>>) dst(%dma_wait3A_864 : memref<16x4096xf32, #tpu.memory_space<hbm>>)
      tpu.yield
    }) : () -> ()
    return
  }
}

module attributes {stable_mosaic.version = 14 : i64} {
  func.func @_prea_body(%arg0: i32, %arg1: memref<1x2x4096xf32, #tpu.memory_space<vmem>>, %arg2: memref<1x4096x256xf32, #tpu.memory_space<vmem>>, %arg3: memref<1x2x4096xf32, #tpu.memory_space<vmem>>, %arg4: memref<1x4096x256xf32, #tpu.memory_space<vmem>>, %arg5: memref<1x256xf32, #tpu.memory_space<vmem>>, %arg6: memref<256x256xf32, #tpu.memory_space<vmem>>, %arg7: memref<256x256xf32, #tpu.memory_space<vmem>>, %arg8: memref<1x1x4096xi32, #tpu.memory_space<vmem>>, %arg9: memref<1x8x4096xf32, #tpu.memory_space<vmem>>, %arg10: memref<1x8x4096xf32, #tpu.memory_space<vmem>>) attributes {dimension_semantics = [#tpu.dimension_semantics<arbitrary>], iteration_bounds = array<i64: 4>, scalar_prefetch = 0 : i64, scratch_operands = 0 : i64, tpu.core_type = #tpu.core_type<tc>, window_params = [{transform_indices = @transform_0, window_bounds = array<i64: 1, 2, 4096>}, {transform_indices = @transform_1, window_bounds = array<i64: 1, 4096, 256>}, {transform_indices = @transform_2, window_bounds = array<i64: 1, 2, 4096>}, {transform_indices = @transform_3, window_bounds = array<i64: 1, 4096, 256>}, {pipeline_mode = #tpu.pipeline_mode<synchronous>, transform_indices = @transform_4, window_bounds = array<i64: 1, 256>}, {pipeline_mode = #tpu.pipeline_mode<synchronous>, transform_indices = @transform_5, window_bounds = array<i64: 256, 256>}, {pipeline_mode = #tpu.pipeline_mode<synchronous>, transform_indices = @transform_6, window_bounds = array<i64: 256, 256>}, {transform_indices = @transform_7, window_bounds = array<i64: 1, 1, 4096>}, {transform_indices = @transform_8, window_bounds = array<i64: 1, 8, 4096>}, {transform_indices = @transform_9, window_bounds = array<i64: 1, 8, 4096>}]} {
    %get3A = arith.constant 0 : index
    %get3A_0 = arith.constant 0 : index
    %get3A_1 = arith.constant 0 : index
    %get3A_2 = vector.load %arg1[%get3A, %get3A_0, %get3A_1] : memref<1x2x4096xf32, #tpu.memory_space<vmem>>, vector<1x2x4096xf32>
    %get3A_3 = vector.shape_cast %get3A_2 : vector<1x2x4096xf32> to vector<2x4096xf32>
    %get3A_4 = arith.constant 0 : index
    %get3A_5 = arith.constant 0 : index
    %get3A_6 = arith.constant 0 : index
    %get3A_7 = vector.load %arg3[%get3A_4, %get3A_5, %get3A_6] : memref<1x2x4096xf32, #tpu.memory_space<vmem>>, vector<1x2x4096xf32>
    %get3A_8 = vector.shape_cast %get3A_7 : vector<1x2x4096xf32> to vector<2x4096xf32>
    %get3A_9 = arith.constant 0 : index
    %get3A_10 = arith.constant 0 : index
    %get3A_11 = arith.constant 0 : index
    %get3A_12 = vector.load %arg2[%get3A_9, %get3A_10, %get3A_11] : memref<1x4096x256xf32, #tpu.memory_space<vmem>>, vector<1x4096x256xf32>
    %get3A_13 = vector.shape_cast %get3A_12 : vector<1x4096x256xf32> to vector<4096x256xf32>
    %get3A_14 = arith.constant 0 : index
    %get3A_15 = arith.constant 0 : index
    %get3A_16 = arith.constant 0 : index
    %get3A_17 = vector.load %arg4[%get3A_14, %get3A_15, %get3A_16] : memref<1x4096x256xf32, #tpu.memory_space<vmem>>, vector<1x4096x256xf32>
    %get3A_18 = vector.shape_cast %get3A_17 : vector<1x4096x256xf32> to vector<4096x256xf32>
    %get3A_19 = arith.constant 0 : index
    %get3A_20 = arith.constant 0 : index
    %get3A_21 = vector.load %arg5[%get3A_19, %get3A_20] : memref<1x256xf32, #tpu.memory_space<vmem>>, vector<1x256xf32>
    %get3A_22 = arith.constant 0 : index
    %get3A_23 = arith.constant 0 : index
    %get3A_24 = vector.load %arg6[%get3A_22, %get3A_23] : memref<256x256xf32, #tpu.memory_space<vmem>>, vector<256x256xf32>
    %get3A_25 = arith.constant 0 : index
    %get3A_26 = arith.constant 0 : index
    %get3A_27 = vector.load %arg7[%get3A_25, %get3A_26] : memref<256x256xf32, #tpu.memory_space<vmem>>, vector<256x256xf32>
    %slice3A = vector.extract_strided_slice %get3A_3 {offsets = [0, 0], sizes = [1, 4096], strides = [1, 1]} : vector<2x4096xf32> to vector<1x4096xf32>
    %slice3A_28 = vector.extract_strided_slice %get3A_3 {offsets = [1, 0], sizes = [1, 4096], strides = [1, 1]} : vector<2x4096xf32> to vector<1x4096xf32>
    %slice3A_29 = vector.extract_strided_slice %get3A_8 {offsets = [0, 0], sizes = [1, 4096], strides = [1, 1]} : vector<2x4096xf32> to vector<1x4096xf32>
    %slice3A_30 = vector.extract_strided_slice %get3A_8 {offsets = [1, 0], sizes = [1, 4096], strides = [1, 1]} : vector<2x4096xf32> to vector<1x4096xf32>
    %reduce_min3A = arith.constant dense<0x7F800000> : vector<1xf32>
    %reduce_min3A_31 = vector.multi_reduction <minimumf>, %slice3A_29, %reduce_min3A [1] : vector<1x4096xf32> to vector<1xf32>
    %broadcast_in_dim3A = vector.shape_cast %reduce_min3A_31 : vector<1xf32> to vector<1x1xf32>
    %reduce_max3A = arith.constant dense<0xFF800000> : vector<1xf32>
    %reduce_max3A_32 = vector.multi_reduction <maximumf>, %slice3A_29, %reduce_max3A [1] : vector<1x4096xf32> to vector<1xf32>
    %broadcast_in_dim3A_33 = vector.shape_cast %reduce_max3A_32 : vector<1xf32> to vector<1x1xf32>
    %reduce_min3A_34 = arith.constant dense<0x7F800000> : vector<1xf32>
    %reduce_min3A_35 = vector.multi_reduction <minimumf>, %slice3A_30, %reduce_min3A_34 [1] : vector<1x4096xf32> to vector<1xf32>
    %broadcast_in_dim3A_36 = vector.shape_cast %reduce_min3A_35 : vector<1xf32> to vector<1x1xf32>
    %reduce_max3A_37 = arith.constant dense<0xFF800000> : vector<1xf32>
    %reduce_max3A_38 = vector.multi_reduction <maximumf>, %slice3A_30, %reduce_max3A_37 [1] : vector<1x4096xf32> to vector<1xf32>
    %broadcast_in_dim3A_39 = vector.shape_cast %reduce_max3A_38 : vector<1xf32> to vector<1x1xf32>
    %sub3A = arith.subf %broadcast_in_dim3A_33, %broadcast_in_dim3A : vector<1x1xf32>
    %div3A = arith.constant 6.300000e+01 : f32
    %div3A_40 = vector.broadcast %div3A : f32 to vector<1x1xf32>
    %div3A_41 = arith.divf %sub3A, %div3A_40 : vector<1x1xf32>
    %sub3A_42 = arith.subf %broadcast_in_dim3A_39, %broadcast_in_dim3A_36 : vector<1x1xf32>
    %div3A_43 = arith.constant 6.300000e+01 : f32
    %div3A_44 = vector.broadcast %div3A_43 : f32 to vector<1x1xf32>
    %div3A_45 = arith.divf %sub3A_42, %div3A_44 : vector<1x1xf32>
    %sub3A_46 = vector.broadcast %broadcast_in_dim3A : vector<1x1xf32> to vector<1x4096xf32>
    %sub3A_47 = arith.subf %slice3A, %sub3A_46 : vector<1x4096xf32>
    %mul3A = arith.constant 5.000000e-01 : f32
    %mul3A_48 = vector.broadcast %mul3A : f32 to vector<1x1xf32>
    %mul3A_49 = arith.mulf %mul3A_48, %div3A_41 : vector<1x1xf32>
    %add3A = vector.broadcast %mul3A_49 : vector<1x1xf32> to vector<1x4096xf32>
    %add3A_50 = arith.addf %sub3A_47, %add3A : vector<1x4096xf32>
    %div3A_51 = vector.broadcast %div3A_41 : vector<1x1xf32> to vector<1x4096xf32>
    %div3A_52 = arith.divf %add3A_50, %div3A_51 : vector<1x4096xf32>
    %floor3A = math.floor %div3A_52 : vector<1x4096xf32>
    %jit3A = arith.constant 0.000000e+00 : f32
    %jit3A_53 = arith.constant 6.300000e+01 : f32
    %max3A = vector.broadcast %jit3A : f32 to vector<1x4096xf32>
    %max3A_54 = arith.maximumf %max3A, %floor3A : vector<1x4096xf32>
    %min3A = vector.broadcast %jit3A_53 : f32 to vector<1x4096xf32>
    %min3A_55 = arith.minimumf %min3A, %max3A_54 : vector<1x4096xf32>
    %sub3A_56 = vector.broadcast %broadcast_in_dim3A_36 : vector<1x1xf32> to vector<1x4096xf32>
    %sub3A_57 = arith.subf %slice3A_28, %sub3A_56 : vector<1x4096xf32>
    %mul3A_58 = arith.constant 5.000000e-01 : f32
    %mul3A_59 = vector.broadcast %mul3A_58 : f32 to vector<1x1xf32>
    %mul3A_60 = arith.mulf %mul3A_59, %div3A_45 : vector<1x1xf32>
    %add3A_61 = vector.broadcast %mul3A_60 : vector<1x1xf32> to vector<1x4096xf32>
    %add3A_62 = arith.addf %sub3A_57, %add3A_61 : vector<1x4096xf32>
    %div3A_63 = vector.broadcast %div3A_45 : vector<1x1xf32> to vector<1x4096xf32>
    %div3A_64 = arith.divf %add3A_62, %div3A_63 : vector<1x4096xf32>
    %floor3A_65 = math.floor %div3A_64 : vector<1x4096xf32>
    %jit3A_66 = arith.constant 0.000000e+00 : f32
    %jit3A_67 = arith.constant 6.300000e+01 : f32
    %max3A_68 = vector.broadcast %jit3A_66 : f32 to vector<1x4096xf32>
    %max3A_69 = arith.maximumf %max3A_68, %floor3A_65 : vector<1x4096xf32>
    %min3A_70 = vector.broadcast %jit3A_67 : f32 to vector<1x4096xf32>
    %min3A_71 = arith.minimumf %min3A_70, %max3A_69 : vector<1x4096xf32>
    %mul3A_72 = arith.constant 6.400000e+01 : f32
    %mul3A_73 = vector.broadcast %mul3A_72 : f32 to vector<1x4096xf32>
    %mul3A_74 = arith.mulf %min3A_55, %mul3A_73 : vector<1x4096xf32>
    %add3A_75 = arith.addf %mul3A_74, %min3A_71 : vector<1x4096xf32>
    %convert_element_type3A = arith.fptosi %add3A_75 : vector<1x4096xf32> to vector<1x4096xi32>
    %swap3A = arith.constant 0 : index
    %swap3A_76 = arith.constant 0 : index
    %swap3A_77 = arith.constant 0 : index
    %swap3A_78 = vector.load %arg8[%swap3A, %swap3A_76, %swap3A_77] : memref<1x1x4096xi32, #tpu.memory_space<vmem>>, vector<1x1x4096xi32>
    %swap3A_79 = vector.shape_cast %swap3A_78 : vector<1x1x4096xi32> to vector<1x4096xi32>
    %swap3A_80 = vector.shape_cast %convert_element_type3A : vector<1x4096xi32> to vector<1x1x4096xi32>
    tpu.vector_store %arg8[%swap3A, %swap3A_76, %swap3A_77], %swap3A_80 {strides = array<i32>} : memref<1x1x4096xi32, #tpu.memory_space<vmem>>, vector<1x1x4096xi32>,
    %dot_general3A = arith.constant dense<0.000000e+00> : vector<1x256xf32>
    %dot_general3A_81 = tpu.matmul %get3A_21, %get3A_24, %dot_general3A {dimension_numbers = #tpu.dot_dimension_numbers<[1], [0], [0], [1], [0, 0, 1, 1], [], []>, precision = #tpu.contract_precision<fp32>, transpose_lhs_hint = false} : vector<1x256xf32>, vector<256x256xf32>, vector<1x256xf32> -> vector<1x256xf32>
    %mul3A_82 = vector.broadcast %dot_general3A_81 : vector<1x256xf32> to vector<256x256xf32>
    %mul3A_83 = arith.mulf %get3A_27, %mul3A_82 : vector<256x256xf32>
    %iota3A = tpu.iota {dimensions = array<i32: 0>} : vector<256x8xi32>
    %iota3A_84 = tpu.iota {dimensions = array<i32: 1>} : vector<256x8xi32>
    %jit3A_85 = arith.constant 32 : i32
    %div3A_86 = vector.broadcast %jit3A_85 : i32 to vector<256x8xi32>
    %div3A_87 = arith.divsi %iota3A, %div3A_86 : vector<256x8xi32>
    %sign3A = arith.constant 0 : i32
    %sign3A_88 = vector.broadcast %sign3A : i32 to vector<256x8xi32>
    %sign3A_89 = arith.cmpi sgt, %iota3A, %sign3A_88 : vector<256x8xi32>
    %sign3A_90 = arith.extui %sign3A_89 : vector<256x8xi1> to vector<256x8xi32>
    %sign3A_91 = arith.constant 0 : i32
    %sign3A_92 = vector.broadcast %sign3A_91 : i32 to vector<256x8xi32>
    %sign3A_93 = arith.cmpi slt, %iota3A, %sign3A_92 : vector<256x8xi32>
    %sign3A_94 = arith.extui %sign3A_93 : vector<256x8xi1> to vector<256x8xi32>
    %sign3A_95 = arith.subi %sign3A_90, %sign3A_94 : vector<256x8xi32>
    %sign3A_96 = arith.constant 0 : i32
    %sign3A_97 = arith.cmpi sgt, %jit3A_85, %sign3A_96 : i32
    %sign3A_98 = arith.extui %sign3A_97 : i1 to i32
    %sign3A_99 = arith.constant 0 : i32
    %sign3A_100 = arith.cmpi slt, %jit3A_85, %sign3A_99 : i32
    %sign3A_101 = arith.extui %sign3A_100 : i1 to i32
    %sign3A_102 = arith.subi %sign3A_98, %sign3A_101 : i32
    %ne3A = vector.broadcast %sign3A_102 : i32 to vector<256x8xi32>
    %ne3A_103 = arith.cmpi ne, %sign3A_95, %ne3A : vector<256x8xi32>
    %rem3A = vector.broadcast %jit3A_85 : i32 to vector<256x8xi32>
    %rem3A_104 = arith.remsi %iota3A, %rem3A : vector<256x8xi32>
    %ne3A_105 = arith.constant 0 : i32
    %ne3A_106 = vector.broadcast %ne3A_105 : i32 to vector<256x8xi32>
    %ne3A_107 = arith.cmpi ne, %rem3A_104, %ne3A_106 : vector<256x8xi32>
    %and3A = arith.andi %ne3A_103, %ne3A_107 : vector<256x8xi1>
    %sub3A_108 = arith.constant 1 : i32
    %sub3A_109 = vector.broadcast %sub3A_108 : i32 to vector<256x8xi32>
    %sub3A_110 = arith.subi %div3A_87, %sub3A_109 : vector<256x8xi32>
    %select_n3A = arith.select %and3A, %sub3A_110, %div3A_87 : vector<256x8xi1>, vector<256x8xi32>
    %eq3A = arith.cmpi eq, %select_n3A, %iota3A_84 : vector<256x8xi32>
    %convert_element_type3A_111 = arith.extui %eq3A : vector<256x8xi1> to vector<256x8xi32>
    %convert_element_type3A_112 = arith.sitofp %convert_element_type3A_111 : vector<256x8xi32> to vector<256x8xf32>
    %dot_general3A_113 = arith.constant dense<0.000000e+00> : vector<256x8xf32>
    %dot_general3A_114 = tpu.matmul %mul3A_83, %convert_element_type3A_112, %dot_general3A_113 {dimension_numbers = #tpu.dot_dimension_numbers<[1], [0], [0], [1], [0, 0, 1, 1], [], []>, precision = #tpu.contract_precision<fp32>, transpose_lhs_hint = false} : vector<256x256xf32>, vector<256x8xf32>, vector<256x8xf32> -> vector<256x8xf32>
    %mul3A_115 = arith.constant 0.176776692 : f32
    %mul3A_116 = vector.broadcast %mul3A_115 : f32 to vector<256x8xf32>
    %mul3A_117 = arith.mulf %dot_general3A_114, %mul3A_116 : vector<256x8xf32>
    %dot_general3A_118 = arith.constant dense<0.000000e+00> : vector<8x4096xf32>
    %dot_general3A_119 = tpu.matmul %mul3A_117, %get3A_13, %dot_general3A_118 {dimension_numbers = #tpu.dot_dimension_numbers<[0], [1], [1], [0], [0, 1, 1, 0], [], []>, precision = #tpu.contract_precision<fp32>, transpose_lhs_hint = false} : vector<256x8xf32>, vector<4096x256xf32>, vector<8x4096xf32> -> vector<8x4096xf32>
    %dot_general3A_120 = arith.constant dense<0.000000e+00> : vector<8x4096xf32>
    %dot_general3A_121 = tpu.matmul %mul3A_117, %get3A_18, %dot_general3A_120 {dimension_numbers = #tpu.dot_dimension_numbers<[0], [1], [1], [0], [0, 1, 1, 0], [], []>, precision = #tpu.contract_precision<fp32>, transpose_lhs_hint = false} : vector<256x8xf32>, vector<4096x256xf32>, vector<8x4096xf32> -> vector<8x4096xf32>
    %reduce_max3A_122 = arith.constant dense<0xFF800000> : vector<8xf32>
    %reduce_max3A_123 = vector.multi_reduction <maximumf>, %dot_general3A_119, %reduce_max3A_122 [1] : vector<8x4096xf32> to vector<8xf32>
    %broadcast_in_dim3A_124 = vector.shape_cast %reduce_max3A_123 : vector<8xf32> to vector<8x1xf32>
    %reduce_max3A_125 = arith.constant dense<0xFF800000> : vector<8xf32>
    %reduce_max3A_126 = vector.multi_reduction <maximumf>, %dot_general3A_121, %reduce_max3A_125 [1] : vector<8x4096xf32> to vector<8xf32>
    %broadcast_in_dim3A_127 = vector.shape_cast %reduce_max3A_126 : vector<8xf32> to vector<8x1xf32>
    %max3A_128 = arith.maximumf %broadcast_in_dim3A_124, %broadcast_in_dim3A_127 : vector<8x1xf32>
    %sub3A_129 = vector.broadcast %max3A_128 : vector<8x1xf32> to vector<8x4096xf32>
    %sub3A_130 = arith.subf %dot_general3A_119, %sub3A_129 : vector<8x4096xf32>
    %exp3A = math.exp %sub3A_130 : vector<8x4096xf32>
    %swap3A_131 = arith.constant 0 : index
    %swap3A_132 = arith.constant 0 : index
    %swap3A_133 = arith.constant 0 : index
    %swap3A_134 = vector.load %arg9[%swap3A_131, %swap3A_132, %swap3A_133] : memref<1x8x4096xf32, #tpu.memory_space<vmem>>, vector<1x8x4096xf32>
    %swap3A_135 = vector.shape_cast %swap3A_134 : vector<1x8x4096xf32> to vector<8x4096xf32>
    %swap3A_136 = vector.shape_cast %exp3A : vector<8x4096xf32> to vector<1x8x4096xf32>
    tpu.vector_store %arg9[%swap3A_131, %swap3A_132, %swap3A_133], %swap3A_136 {strides = array<i32>} : memref<1x8x4096xf32, #tpu.memory_space<vmem>>, vector<1x8x4096xf32>,
    %sub3A_137 = vector.broadcast %max3A_128 : vector<8x1xf32> to vector<8x4096xf32>
    %sub3A_138 = arith.subf %dot_general3A_121, %sub3A_137 : vector<8x4096xf32>
    %exp3A_139 = math.exp %sub3A_138 : vector<8x4096xf32>
    %swap3A_140 = arith.constant 0 : index
    %swap3A_141 = arith.constant 0 : index
    %swap3A_142 = arith.constant 0 : index
    %swap3A_143 = vector.load %arg10[%swap3A_140, %swap3A_141, %swap3A_142] : memref<1x8x4096xf32, #tpu.memory_space<vmem>>, vector<1x8x4096xf32>
    %swap3A_144 = vector.shape_cast %swap3A_143 : vector<1x8x4096xf32> to vector<8x4096xf32>
    %swap3A_145 = vector.shape_cast %exp3A_139 : vector<8x4096xf32> to vector<1x8x4096xf32>
    tpu.vector_store %arg10[%swap3A_140, %swap3A_141, %swap3A_142], %swap3A_145 {strides = array<i32>} : memref<1x8x4096xf32, #tpu.memory_space<vmem>>, vector<1x8x4096xf32>,
    return
  }
  func.func @transform_0(%arg0: i32) -> (i32, i32, i32) {
    %c0_i32 = arith.constant 0 : i32
    %c0_i32_0 = arith.constant 0 : i32
    %c0_i32_1 = arith.constant 0 : i32
    return %arg0, %c0_i32, %c0_i32_0 : i32, i32, i32
  }
  func.func @transform_1(%arg0: i32) -> (i32, i32, i32) {
    %c0_i32 = arith.constant 0 : i32
    %c0_i32_0 = arith.constant 0 : i32
    %c0_i32_1 = arith.constant 0 : i32
    return %arg0, %c0_i32, %c0_i32_0 : i32, i32, i32
  }
  func.func @transform_2(%arg0: i32) -> (i32, i32, i32) {
    %c0_i32 = arith.constant 0 : i32
    %c0_i32_0 = arith.constant 0 : i32
    %c0_i32_1 = arith.constant 0 : i32
    return %arg0, %c0_i32, %c0_i32_0 : i32, i32, i32
  }
  func.func @transform_3(%arg0: i32) -> (i32, i32, i32) {
    %c0_i32 = arith.constant 0 : i32
    %c0_i32_0 = arith.constant 0 : i32
    %c0_i32_1 = arith.constant 0 : i32
    return %arg0, %c0_i32, %c0_i32_0 : i32, i32, i32
  }
  func.func @transform_4(%arg0: i32) -> (i32, i32) {
    %c0_i32 = arith.constant 0 : i32
    %c0_i32_0 = arith.constant 0 : i32
    %c0_i32_1 = arith.constant 0 : i32
    return %c0_i32, %c0_i32_0 : i32, i32
  }
  func.func @transform_5(%arg0: i32) -> (i32, i32) {
    %c0_i32 = arith.constant 0 : i32
    %c0_i32_0 = arith.constant 0 : i32
    %c0_i32_1 = arith.constant 0 : i32
    return %c0_i32, %c0_i32_0 : i32, i32
  }
  func.func @transform_6(%arg0: i32) -> (i32, i32) {
    %c0_i32 = arith.constant 0 : i32
    %c0_i32_0 = arith.constant 0 : i32
    %c0_i32_1 = arith.constant 0 : i32
    return %c0_i32, %c0_i32_0 : i32, i32
  }
  func.func @transform_7(%arg0: i32) -> (i32, i32, i32) {
    %c0_i32 = arith.constant 0 : i32
    %c0_i32_0 = arith.constant 0 : i32
    %c0_i32_1 = arith.constant 0 : i32
    return %arg0, %c0_i32, %c0_i32_0 : i32, i32, i32
  }
  func.func @transform_8(%arg0: i32) -> (i32, i32, i32) {
    %c0_i32 = arith.constant 0 : i32
    %c0_i32_0 = arith.constant 0 : i32
    %c0_i32_1 = arith.constant 0 : i32
    return %arg0, %c0_i32, %c0_i32_0 : i32, i32, i32
  }
  func.func @transform_9(%arg0: i32) -> (i32, i32, i32) {
    %c0_i32 = arith.constant 0 : i32
    %c0_i32_0 = arith.constant 0 : i32
    %c0_i32_1 = arith.constant 0 : i32
    return %arg0, %c0_i32, %c0_i32_0 : i32, i32, i32
  }
}

module attributes {stable_mosaic.version = 14 : i64} {
  func.func @_preb_body(%arg0: i32, %arg1: memref<1x4096x256xf32, #tpu.memory_space<vmem>>, %arg2: memref<1x8x4096xf32, #tpu.memory_space<vmem>>, %arg3: memref<256x256xf32, #tpu.memory_space<vmem>>, %arg4: memref<1x16x16x4096xf32, #tpu.memory_space<vmem>>) attributes {dimension_semantics = [#tpu.dimension_semantics<arbitrary>], iteration_bounds = array<i64: 4>, scalar_prefetch = 0 : i64, scratch_operands = 0 : i64, tpu.core_type = #tpu.core_type<tc>, window_params = [{transform_indices = @transform_0, window_bounds = array<i64: 1, 4096, 256>}, {transform_indices = @transform_1, window_bounds = array<i64: 1, 8, 4096>}, {pipeline_mode = #tpu.pipeline_mode<synchronous>, transform_indices = @transform_2, window_bounds = array<i64: 256, 256>}, {transform_indices = @transform_3, window_bounds = array<i64: 1, 16, 16, 4096>}]} {
    %get3A = arith.constant 0 : index
    %get3A_0 = arith.constant 0 : index
    %get3A_1 = arith.constant 0 : index
    %get3A_2 = vector.load %arg1[%get3A, %get3A_0, %get3A_1] : memref<1x4096x256xf32, #tpu.memory_space<vmem>>, vector<1x4096x256xf32>
    %get3A_3 = vector.shape_cast %get3A_2 : vector<1x4096x256xf32> to vector<4096x256xf32>
    %get3A_4 = arith.constant 0 : index
    %get3A_5 = arith.constant 0 : index
    %get3A_6 = arith.constant 0 : index
    %get3A_7 = vector.load %arg2[%get3A_4, %get3A_5, %get3A_6] : memref<1x8x4096xf32, #tpu.memory_space<vmem>>, vector<1x8x4096xf32>
    %get3A_8 = vector.shape_cast %get3A_7 : vector<1x8x4096xf32> to vector<8x4096xf32>
    %get3A_9 = arith.constant 0 : index
    %get3A_10 = arith.constant 0 : index
    %get3A_11 = vector.load %arg3[%get3A_9, %get3A_10] : memref<256x256xf32, #tpu.memory_space<vmem>>, vector<256x256xf32>
    %dot_general3A = arith.constant dense<0.000000e+00> : vector<256x4096xf32>
    %dot_general3A_12 = tpu.matmul %get3A_11, %get3A_3, %dot_general3A {dimension_numbers = #tpu.dot_dimension_numbers<[0], [1], [1], [0], [0, 1, 1, 0], [], []>, precision = #tpu.contract_precision<fp32>, transpose_lhs_hint = false} : vector<256x256xf32>, vector<4096x256xf32>, vector<256x4096xf32> -> vector<256x4096xf32>
    %iota3A = tpu.iota {dimensions = array<i32: 0>} : vector<256x8xi32>
    %iota3A_13 = tpu.iota {dimensions = array<i32: 1>} : vector<256x8xi32>
    %jit3A = arith.constant 32 : i32
    %div3A = vector.broadcast %jit3A : i32 to vector<256x8xi32>
    %div3A_14 = arith.divsi %iota3A, %div3A : vector<256x8xi32>
    %sign3A = arith.constant 0 : i32
    %sign3A_15 = vector.broadcast %sign3A : i32 to vector<256x8xi32>
    %sign3A_16 = arith.cmpi sgt, %iota3A, %sign3A_15 : vector<256x8xi32>
    %sign3A_17 = arith.extui %sign3A_16 : vector<256x8xi1> to vector<256x8xi32>
    %sign3A_18 = arith.constant 0 : i32
    %sign3A_19 = vector.broadcast %sign3A_18 : i32 to vector<256x8xi32>
    %sign3A_20 = arith.cmpi slt, %iota3A, %sign3A_19 : vector<256x8xi32>
    %sign3A_21 = arith.extui %sign3A_20 : vector<256x8xi1> to vector<256x8xi32>
    %sign3A_22 = arith.subi %sign3A_17, %sign3A_21 : vector<256x8xi32>
    %sign3A_23 = arith.constant 0 : i32
    %sign3A_24 = arith.cmpi sgt, %jit3A, %sign3A_23 : i32
    %sign3A_25 = arith.extui %sign3A_24 : i1 to i32
    %sign3A_26 = arith.constant 0 : i32
    %sign3A_27 = arith.cmpi slt, %jit3A, %sign3A_26 : i32
    %sign3A_28 = arith.extui %sign3A_27 : i1 to i32
    %sign3A_29 = arith.subi %sign3A_25, %sign3A_28 : i32
    %ne3A = vector.broadcast %sign3A_29 : i32 to vector<256x8xi32>
    %ne3A_30 = arith.cmpi ne, %sign3A_22, %ne3A : vector<256x8xi32>
    %rem3A = vector.broadcast %jit3A : i32 to vector<256x8xi32>
    %rem3A_31 = arith.remsi %iota3A, %rem3A : vector<256x8xi32>
    %ne3A_32 = arith.constant 0 : i32
    %ne3A_33 = vector.broadcast %ne3A_32 : i32 to vector<256x8xi32>
    %ne3A_34 = arith.cmpi ne, %rem3A_31, %ne3A_33 : vector<256x8xi32>
    %and3A = arith.andi %ne3A_30, %ne3A_34 : vector<256x8xi1>
    %sub3A = arith.constant 1 : i32
    %sub3A_35 = vector.broadcast %sub3A : i32 to vector<256x8xi32>
    %sub3A_36 = arith.subi %div3A_14, %sub3A_35 : vector<256x8xi32>
    %select_n3A = arith.select %and3A, %sub3A_36, %div3A_14 : vector<256x8xi1>, vector<256x8xi32>
    %eq3A = arith.cmpi eq, %select_n3A, %iota3A_13 : vector<256x8xi32>
    %convert_element_type3A = arith.extui %eq3A : vector<256x8xi1> to vector<256x8xi32>
    %convert_element_type3A_37 = arith.sitofp %convert_element_type3A : vector<256x8xi32> to vector<256x8xf32>
    %dot_general3A_38 = arith.constant dense<0.000000e+00> : vector<256x4096xf32>
    %dot_general3A_39 = tpu.matmul %convert_element_type3A_37, %get3A_8, %dot_general3A_38 {dimension_numbers = #tpu.dot_dimension_numbers<[1], [0], [0], [1], [0, 0, 1, 1], [], []>, precision = #tpu.contract_precision<fp32>, transpose_lhs_hint = false} : vector<256x8xf32>, vector<8x4096xf32>, vector<256x4096xf32> -> vector<256x4096xf32>
    %mul3A = arith.mulf %dot_general3A_12, %dot_general3A_39 : vector<256x4096xf32>
    %reshape3A = vector.shape_cast %mul3A : vector<256x4096xf32> to vector<16x16x4096xf32>
    %swap3A = arith.constant 0 : index
    %swap3A_40 = arith.constant 0 : index
    %swap3A_41 = arith.constant 0 : index
    %swap3A_42 = arith.constant 0 : index
    %swap3A_43 = vector.load %arg4[%swap3A, %swap3A_40, %swap3A_41, %swap3A_42] : memref<1x16x16x4096xf32, #tpu.memory_space<vmem>>, vector<1x16x16x4096xf32>
    %swap3A_44 = vector.shape_cast %swap3A_43 : vector<1x16x16x4096xf32> to vector<16x16x4096xf32>
    %swap3A_45 = vector.shape_cast %reshape3A : vector<16x16x4096xf32> to vector<1x16x16x4096xf32>
    tpu.vector_store %arg4[%swap3A, %swap3A_40, %swap3A_41, %swap3A_42], %swap3A_45 {strides = array<i32>} : memref<1x16x16x4096xf32, #tpu.memory_space<vmem>>, vector<1x16x16x4096xf32>,
    return
  }
  func.func @transform_0(%arg0: i32) -> (i32, i32, i32) {
    %c0_i32 = arith.constant 0 : i32
    %c0_i32_0 = arith.constant 0 : i32
    %c0_i32_1 = arith.constant 0 : i32
    return %arg0, %c0_i32, %c0_i32_0 : i32, i32, i32
  }
  func.func @transform_1(%arg0: i32) -> (i32, i32, i32) {
    %c0_i32 = arith.constant 0 : i32
    %c0_i32_0 = arith.constant 0 : i32
    %c0_i32_1 = arith.constant 0 : i32
    return %arg0, %c0_i32, %c0_i32_0 : i32, i32, i32
  }
  func.func @transform_2(%arg0: i32) -> (i32, i32) {
    %c0_i32 = arith.constant 0 : i32
    %c0_i32_0 = arith.constant 0 : i32
    %c0_i32_1 = arith.constant 0 : i32
    return %c0_i32, %c0_i32_0 : i32, i32
  }
  func.func @transform_3(%arg0: i32) -> (i32, i32, i32, i32) {
    %c0_i32 = arith.constant 0 : i32
    %c0_i32_0 = arith.constant 0 : i32
    %c0_i32_1 = arith.constant 0 : i32
    %c0_i32_2 = arith.constant 0 : i32
    return %arg0, %c0_i32, %c0_i32_0, %c0_i32_1 : i32, i32, i32, i32
  }
}

module attributes {stable_mosaic.version = 14 : i64} {
  func.func @_den_body(%arg0: i32, %arg1: memref<1x1x4096xi32, #tpu.memory_space<vmem>>, %arg2: memref<1x8x4096xf32, #tpu.memory_space<vmem>>, %arg3: memref<1x8x4096xf32, #tpu.memory_space<vmem>>, %arg4: memref<1x8x4096xf32, #tpu.memory_space<vmem>>) attributes {dimension_semantics = [#tpu.dimension_semantics<arbitrary>], iteration_bounds = array<i64: 4>, scalar_prefetch = 0 : i64, scratch_operands = 0 : i64, tpu.core_type = #tpu.core_type<tc>, window_params = [{transform_indices = @transform_0, window_bounds = array<i64: 1, 1, 4096>}, {transform_indices = @transform_1, window_bounds = array<i64: 1, 8, 4096>}, {transform_indices = @transform_2, window_bounds = array<i64: 1, 8, 4096>}, {transform_indices = @transform_3, window_bounds = array<i64: 1, 8, 4096>}]} {
    %get3A = arith.constant 0 : index
    %get3A_0 = arith.constant 0 : index
    %get3A_1 = arith.constant 0 : index
    %get3A_2 = vector.load %arg1[%get3A, %get3A_0, %get3A_1] : memref<1x1x4096xi32, #tpu.memory_space<vmem>>, vector<1x1x4096xi32>
    %get3A_3 = vector.shape_cast %get3A_2 : vector<1x1x4096xi32> to vector<1x4096xi32>
    %get3A_4 = arith.constant 0 : index
    %get3A_5 = arith.constant 0 : index
    %get3A_6 = arith.constant 0 : index
    %get3A_7 = vector.load %arg2[%get3A_4, %get3A_5, %get3A_6] : memref<1x8x4096xf32, #tpu.memory_space<vmem>>, vector<1x8x4096xf32>
    %get3A_8 = vector.shape_cast %get3A_7 : vector<1x8x4096xf32> to vector<8x4096xf32>
    %get3A_9 = arith.constant 0 : index
    %get3A_10 = arith.constant 0 : index
    %get3A_11 = arith.constant 0 : index
    %get3A_12 = vector.load %arg3[%get3A_9, %get3A_10, %get3A_11] : memref<1x8x4096xf32, #tpu.memory_space<vmem>>, vector<1x8x4096xf32>
    %get3A_13 = vector.shape_cast %get3A_12 : vector<1x8x4096xf32> to vector<8x4096xf32>
    %convert_element_type3A = arith.truncf %get3A_8 : vector<8x4096xf32> to vector<8x4096xbf16>
    %iota3A = tpu.iota {dimensions = array<i32: 0>} : vector<256x4096xi32>
    %add3A = arith.constant 0 : i32
    %add3A_14 = vector.broadcast %add3A : i32 to vector<256x4096xi32>
    %add3A_15 = arith.addi %iota3A, %add3A_14 : vector<256x4096xi32>
    %eq3A = vector.broadcast %get3A_3 : vector<1x4096xi32> to vector<256x4096xi32>
    %eq3A_16 = arith.cmpi eq, %eq3A, %add3A_15 : vector<256x4096xi32>
    %convert_element_type3A_17 = arith.extui %eq3A_16 : vector<256x4096xi1> to vector<256x4096xi32>
    %convert_element_type3A_18 = arith.sitofp %convert_element_type3A_17 : vector<256x4096xi32> to vector<256x4096xf32>
    %convert_element_type3A_19 = arith.truncf %convert_element_type3A_18 : vector<256x4096xf32> to vector<256x4096xbf16>
    %dot_general3A = arith.constant dense<0.000000e+00> : vector<8x256xf32>
    %dot_general3A_20 = tpu.matmul %convert_element_type3A, %convert_element_type3A_19, %dot_general3A {dimension_numbers = #tpu.dot_dimension_numbers<[1], [1], [0], [0], [0, 0, 1, 0], [], []>, transpose_lhs_hint = false} : vector<8x4096xbf16>, vector<256x4096xbf16>, vector<8x256xf32> -> vector<8x256xf32>
    %slice3A = vector.extract_strided_slice %get3A_13 {offsets = [0, 0], sizes = [8, 256], strides = [1, 1]} : vector<8x4096xf32> to vector<8x256xf32>
    %add3A_21 = arith.addf %dot_general3A_20, %slice3A : vector<8x256xf32>
    %swap3A = arith.constant 0 : index
    %swap3A_22 = arith.constant 0 : index
    %swap3A_23 = arith.constant 0 : index
    %swap3A_24 = vector.load %arg4[%swap3A, %swap3A_22, %swap3A_23] : memref<1x8x4096xf32, #tpu.memory_space<vmem>>, vector<1x8x256xf32>
    %swap3A_25 = vector.shape_cast %swap3A_24 : vector<1x8x256xf32> to vector<8x256xf32>
    %swap3A_26 = vector.shape_cast %add3A_21 : vector<8x256xf32> to vector<1x8x256xf32>
    tpu.vector_store %arg4[%swap3A, %swap3A_22, %swap3A_23], %swap3A_26 {strides = array<i32>} : memref<1x8x4096xf32, #tpu.memory_space<vmem>>, vector<1x8x256xf32>,
    %iota3A_27 = tpu.iota {dimensions = array<i32: 0>} : vector<256x4096xi32>
    %add3A_28 = arith.constant 256 : i32
    %add3A_29 = vector.broadcast %add3A_28 : i32 to vector<256x4096xi32>
    %add3A_30 = arith.addi %iota3A_27, %add3A_29 : vector<256x4096xi32>
    %eq3A_31 = vector.broadcast %get3A_3 : vector<1x4096xi32> to vector<256x4096xi32>
    %eq3A_32 = arith.cmpi eq, %eq3A_31, %add3A_30 : vector<256x4096xi32>
    %convert_element_type3A_33 = arith.extui %eq3A_32 : vector<256x4096xi1> to vector<256x4096xi32>
    %convert_element_type3A_34 = arith.sitofp %convert_element_type3A_33 : vector<256x4096xi32> to vector<256x4096xf32>
    %convert_element_type3A_35 = arith.truncf %convert_element_type3A_34 : vector<256x4096xf32> to vector<256x4096xbf16>
    %dot_general3A_36 = arith.constant dense<0.000000e+00> : vector<8x256xf32>
    %dot_general3A_37 = tpu.matmul %convert_element_type3A, %convert_element_type3A_35, %dot_general3A_36 {dimension_numbers = #tpu.dot_dimension_numbers<[1], [1], [0], [0], [0, 0, 1, 0], [], []>, transpose_lhs_hint = false} : vector<8x4096xbf16>, vector<256x4096xbf16>, vector<8x256xf32> -> vector<8x256xf32>
    %slice3A_38 = vector.extract_strided_slice %get3A_13 {offsets = [0, 256], sizes = [8, 256], strides = [1, 1]} : vector<8x4096xf32> to vector<8x256xf32>
    %add3A_39 = arith.addf %dot_general3A_37, %slice3A_38 : vector<8x256xf32>
    %swap3A_40 = arith.constant 0 : index
    %swap3A_41 = arith.constant 0 : index
    %swap3A_42 = arith.constant 256 : index
    %swap3A_43 = vector.load %arg4[%swap3A_40, %swap3A_41, %swap3A_42] : memref<1x8x4096xf32, #tpu.memory_space<vmem>>, vector<1x8x256xf32>
    %swap3A_44 = vector.shape_cast %swap3A_43 : vector<1x8x256xf32> to vector<8x256xf32>
    %swap3A_45 = vector.shape_cast %add3A_39 : vector<8x256xf32> to vector<1x8x256xf32>
    tpu.vector_store %arg4[%swap3A_40, %swap3A_41, %swap3A_42], %swap3A_45 {strides = array<i32>} : memref<1x8x4096xf32, #tpu.memory_space<vmem>>, vector<1x8x256xf32>,
    %iota3A_46 = tpu.iota {dimensions = array<i32: 0>} : vector<256x4096xi32>
    %add3A_47 = arith.constant 512 : i32
    %add3A_48 = vector.broadcast %add3A_47 : i32 to vector<256x4096xi32>
    %add3A_49 = arith.addi %iota3A_46, %add3A_48 : vector<256x4096xi32>
    %eq3A_50 = vector.broadcast %get3A_3 : vector<1x4096xi32> to vector<256x4096xi32>
    %eq3A_51 = arith.cmpi eq, %eq3A_50, %add3A_49 : vector<256x4096xi32>
    %convert_element_type3A_52 = arith.extui %eq3A_51 : vector<256x4096xi1> to vector<256x4096xi32>
    %convert_element_type3A_53 = arith.sitofp %convert_element_type3A_52 : vector<256x4096xi32> to vector<256x4096xf32>
    %convert_element_type3A_54 = arith.truncf %convert_element_type3A_53 : vector<256x4096xf32> to vector<256x4096xbf16>
    %dot_general3A_55 = arith.constant dense<0.000000e+00> : vector<8x256xf32>
    %dot_general3A_56 = tpu.matmul %convert_element_type3A, %convert_element_type3A_54, %dot_general3A_55 {dimension_numbers = #tpu.dot_dimension_numbers<[1], [1], [0], [0], [0, 0, 1, 0], [], []>, transpose_lhs_hint = false} : vector<8x4096xbf16>, vector<256x4096xbf16>, vector<8x256xf32> -> vector<8x256xf32>
    %slice3A_57 = vector.extract_strided_slice %get3A_13 {offsets = [0, 512], sizes = [8, 256], strides = [1, 1]} : vector<8x4096xf32> to vector<8x256xf32>
    %add3A_58 = arith.addf %dot_general3A_56, %slice3A_57 : vector<8x256xf32>
    %swap3A_59 = arith.constant 0 : index
    %swap3A_60 = arith.constant 0 : index
    %swap3A_61 = arith.constant 512 : index
    %swap3A_62 = vector.load %arg4[%swap3A_59, %swap3A_60, %swap3A_61] : memref<1x8x4096xf32, #tpu.memory_space<vmem>>, vector<1x8x256xf32>
    %swap3A_63 = vector.shape_cast %swap3A_62 : vector<1x8x256xf32> to vector<8x256xf32>
    %swap3A_64 = vector.shape_cast %add3A_58 : vector<8x256xf32> to vector<1x8x256xf32>
    tpu.vector_store %arg4[%swap3A_59, %swap3A_60, %swap3A_61], %swap3A_64 {strides = array<i32>} : memref<1x8x4096xf32, #tpu.memory_space<vmem>>, vector<1x8x256xf32>,
    %iota3A_65 = tpu.iota {dimensions = array<i32: 0>} : vector<256x4096xi32>
    %add3A_66 = arith.constant 768 : i32
    %add3A_67 = vector.broadcast %add3A_66 : i32 to vector<256x4096xi32>
    %add3A_68 = arith.addi %iota3A_65, %add3A_67 : vector<256x4096xi32>
    %eq3A_69 = vector.broadcast %get3A_3 : vector<1x4096xi32> to vector<256x4096xi32>
    %eq3A_70 = arith.cmpi eq, %eq3A_69, %add3A_68 : vector<256x4096xi32>
    %convert_element_type3A_71 = arith.extui %eq3A_70 : vector<256x4096xi1> to vector<256x4096xi32>
    %convert_element_type3A_72 = arith.sitofp %convert_element_type3A_71 : vector<256x4096xi32> to vector<256x4096xf32>
    %convert_element_type3A_73 = arith.truncf %convert_element_type3A_72 : vector<256x4096xf32> to vector<256x4096xbf16>
    %dot_general3A_74 = arith.constant dense<0.000000e+00> : vector<8x256xf32>
    %dot_general3A_75 = tpu.matmul %convert_element_type3A, %convert_element_type3A_73, %dot_general3A_74 {dimension_numbers = #tpu.dot_dimension_numbers<[1], [1], [0], [0], [0, 0, 1, 0], [], []>, transpose_lhs_hint = false} : vector<8x4096xbf16>, vector<256x4096xbf16>, vector<8x256xf32> -> vector<8x256xf32>
    %slice3A_76 = vector.extract_strided_slice %get3A_13 {offsets = [0, 768], sizes = [8, 256], strides = [1, 1]} : vector<8x4096xf32> to vector<8x256xf32>
    %add3A_77 = arith.addf %dot_general3A_75, %slice3A_76 : vector<8x256xf32>
    %swap3A_78 = arith.constant 0 : index
    %swap3A_79 = arith.constant 0 : index
    %swap3A_80 = arith.constant 768 : index
    %swap3A_81 = vector.load %arg4[%swap3A_78, %swap3A_79, %swap3A_80] : memref<1x8x4096xf32, #tpu.memory_space<vmem>>, vector<1x8x256xf32>
    %swap3A_82 = vector.shape_cast %swap3A_81 : vector<1x8x256xf32> to vector<8x256xf32>
    %swap3A_83 = vector.shape_cast %add3A_77 : vector<8x256xf32> to vector<1x8x256xf32>
    tpu.vector_store %arg4[%swap3A_78, %swap3A_79, %swap3A_80], %swap3A_83 {strides = array<i32>} : memref<1x8x4096xf32, #tpu.memory_space<vmem>>, vector<1x8x256xf32>,
    %iota3A_84 = tpu.iota {dimensions = array<i32: 0>} : vector<256x4096xi32>
    %add3A_85 = arith.constant 1024 : i32
    %add3A_86 = vector.broadcast %add3A_85 : i32 to vector<256x4096xi32>
    %add3A_87 = arith.addi %iota3A_84, %add3A_86 : vector<256x4096xi32>
    %eq3A_88 = vector.broadcast %get3A_3 : vector<1x4096xi32> to vector<256x4096xi32>
    %eq3A_89 = arith.cmpi eq, %eq3A_88, %add3A_87 : vector<256x4096xi32>
    %convert_element_type3A_90 = arith.extui %eq3A_89 : vector<256x4096xi1> to vector<256x4096xi32>
    %convert_element_type3A_91 = arith.sitofp %convert_element_type3A_90 : vector<256x4096xi32> to vector<256x4096xf32>
    %convert_element_type3A_92 = arith.truncf %convert_element_type3A_91 : vector<256x4096xf32> to vector<256x4096xbf16>
    %dot_general3A_93 = arith.constant dense<0.000000e+00> : vector<8x256xf32>
    %dot_general3A_94 = tpu.matmul %convert_element_type3A, %convert_element_type3A_92, %dot_general3A_93 {dimension_numbers = #tpu.dot_dimension_numbers<[1], [1], [0], [0], [0, 0, 1, 0], [], []>, transpose_lhs_hint = false} : vector<8x4096xbf16>, vector<256x4096xbf16>, vector<8x256xf32> -> vector<8x256xf32>
    %slice3A_95 = vector.extract_strided_slice %get3A_13 {offsets = [0, 1024], sizes = [8, 256], strides = [1, 1]} : vector<8x4096xf32> to vector<8x256xf32>
    %add3A_96 = arith.addf %dot_general3A_94, %slice3A_95 : vector<8x256xf32>
    %swap3A_97 = arith.constant 0 : index
    %swap3A_98 = arith.constant 0 : index
    %swap3A_99 = arith.constant 1024 : index
    %swap3A_100 = vector.load %arg4[%swap3A_97, %swap3A_98, %swap3A_99] : memref<1x8x4096xf32, #tpu.memory_space<vmem>>, vector<1x8x256xf32>
    %swap3A_101 = vector.shape_cast %swap3A_100 : vector<1x8x256xf32> to vector<8x256xf32>
    %swap3A_102 = vector.shape_cast %add3A_96 : vector<8x256xf32> to vector<1x8x256xf32>
    tpu.vector_store %arg4[%swap3A_97, %swap3A_98, %swap3A_99], %swap3A_102 {strides = array<i32>} : memref<1x8x4096xf32, #tpu.memory_space<vmem>>, vector<1x8x256xf32>,
    %iota3A_103 = tpu.iota {dimensions = array<i32: 0>} : vector<256x4096xi32>
    %add3A_104 = arith.constant 1280 : i32
    %add3A_105 = vector.broadcast %add3A_104 : i32 to vector<256x4096xi32>
    %add3A_106 = arith.addi %iota3A_103, %add3A_105 : vector<256x4096xi32>
    %eq3A_107 = vector.broadcast %get3A_3 : vector<1x4096xi32> to vector<256x4096xi32>
    %eq3A_108 = arith.cmpi eq, %eq3A_107, %add3A_106 : vector<256x4096xi32>
    %convert_element_type3A_109 = arith.extui %eq3A_108 : vector<256x4096xi1> to vector<256x4096xi32>
    %convert_element_type3A_110 = arith.sitofp %convert_element_type3A_109 : vector<256x4096xi32> to vector<256x4096xf32>
    %convert_element_type3A_111 = arith.truncf %convert_element_type3A_110 : vector<256x4096xf32> to vector<256x4096xbf16>
    %dot_general3A_112 = arith.constant dense<0.000000e+00> : vector<8x256xf32>
    %dot_general3A_113 = tpu.matmul %convert_element_type3A, %convert_element_type3A_111, %dot_general3A_112 {dimension_numbers = #tpu.dot_dimension_numbers<[1], [1], [0], [0], [0, 0, 1, 0], [], []>, transpose_lhs_hint = false} : vector<8x4096xbf16>, vector<256x4096xbf16>, vector<8x256xf32> -> vector<8x256xf32>
    %slice3A_114 = vector.extract_strided_slice %get3A_13 {offsets = [0, 1280], sizes = [8, 256], strides = [1, 1]} : vector<8x4096xf32> to vector<8x256xf32>
    %add3A_115 = arith.addf %dot_general3A_113, %slice3A_114 : vector<8x256xf32>
    %swap3A_116 = arith.constant 0 : index
    %swap3A_117 = arith.constant 0 : index
    %swap3A_118 = arith.constant 1280 : index
    %swap3A_119 = vector.load %arg4[%swap3A_116, %swap3A_117, %swap3A_118] : memref<1x8x4096xf32, #tpu.memory_space<vmem>>, vector<1x8x256xf32>
    %swap3A_120 = vector.shape_cast %swap3A_119 : vector<1x8x256xf32> to vector<8x256xf32>
    %swap3A_121 = vector.shape_cast %add3A_115 : vector<8x256xf32> to vector<1x8x256xf32>
    tpu.vector_store %arg4[%swap3A_116, %swap3A_117, %swap3A_118], %swap3A_121 {strides = array<i32>} : memref<1x8x4096xf32, #tpu.memory_space<vmem>>, vector<1x8x256xf32>,
    %iota3A_122 = tpu.iota {dimensions = array<i32: 0>} : vector<256x4096xi32>
    %add3A_123 = arith.constant 1536 : i32
    %add3A_124 = vector.broadcast %add3A_123 : i32 to vector<256x4096xi32>
    %add3A_125 = arith.addi %iota3A_122, %add3A_124 : vector<256x4096xi32>
    %eq3A_126 = vector.broadcast %get3A_3 : vector<1x4096xi32> to vector<256x4096xi32>
    %eq3A_127 = arith.cmpi eq, %eq3A_126, %add3A_125 : vector<256x4096xi32>
    %convert_element_type3A_128 = arith.extui %eq3A_127 : vector<256x4096xi1> to vector<256x4096xi32>
    %convert_element_type3A_129 = arith.sitofp %convert_element_type3A_128 : vector<256x4096xi32> to vector<256x4096xf32>
    %convert_element_type3A_130 = arith.truncf %convert_element_type3A_129 : vector<256x4096xf32> to vector<256x4096xbf16>
    %dot_general3A_131 = arith.constant dense<0.000000e+00> : vector<8x256xf32>
    %dot_general3A_132 = tpu.matmul %convert_element_type3A, %convert_element_type3A_130, %dot_general3A_131 {dimension_numbers = #tpu.dot_dimension_numbers<[1], [1], [0], [0], [0, 0, 1, 0], [], []>, transpose_lhs_hint = false} : vector<8x4096xbf16>, vector<256x4096xbf16>, vector<8x256xf32> -> vector<8x256xf32>
    %slice3A_133 = vector.extract_strided_slice %get3A_13 {offsets = [0, 1536], sizes = [8, 256], strides = [1, 1]} : vector<8x4096xf32> to vector<8x256xf32>
    %add3A_134 = arith.addf %dot_general3A_132, %slice3A_133 : vector<8x256xf32>
    %swap3A_135 = arith.constant 0 : index
    %swap3A_136 = arith.constant 0 : index
    %swap3A_137 = arith.constant 1536 : index
    %swap3A_138 = vector.load %arg4[%swap3A_135, %swap3A_136, %swap3A_137] : memref<1x8x4096xf32, #tpu.memory_space<vmem>>, vector<1x8x256xf32>
    %swap3A_139 = vector.shape_cast %swap3A_138 : vector<1x8x256xf32> to vector<8x256xf32>
    %swap3A_140 = vector.shape_cast %add3A_134 : vector<8x256xf32> to vector<1x8x256xf32>
    tpu.vector_store %arg4[%swap3A_135, %swap3A_136, %swap3A_137], %swap3A_140 {strides = array<i32>} : memref<1x8x4096xf32, #tpu.memory_space<vmem>>, vector<1x8x256xf32>,
    %iota3A_141 = tpu.iota {dimensions = array<i32: 0>} : vector<256x4096xi32>
    %add3A_142 = arith.constant 1792 : i32
    %add3A_143 = vector.broadcast %add3A_142 : i32 to vector<256x4096xi32>
    %add3A_144 = arith.addi %iota3A_141, %add3A_143 : vector<256x4096xi32>
    %eq3A_145 = vector.broadcast %get3A_3 : vector<1x4096xi32> to vector<256x4096xi32>
    %eq3A_146 = arith.cmpi eq, %eq3A_145, %add3A_144 : vector<256x4096xi32>
    %convert_element_type3A_147 = arith.extui %eq3A_146 : vector<256x4096xi1> to vector<256x4096xi32>
    %convert_element_type3A_148 = arith.sitofp %convert_element_type3A_147 : vector<256x4096xi32> to vector<256x4096xf32>
    %convert_element_type3A_149 = arith.truncf %convert_element_type3A_148 : vector<256x4096xf32> to vector<256x4096xbf16>
    %dot_general3A_150 = arith.constant dense<0.000000e+00> : vector<8x256xf32>
    %dot_general3A_151 = tpu.matmul %convert_element_type3A, %convert_element_type3A_149, %dot_general3A_150 {dimension_numbers = #tpu.dot_dimension_numbers<[1], [1], [0], [0], [0, 0, 1, 0], [], []>, transpose_lhs_hint = false} : vector<8x4096xbf16>, vector<256x4096xbf16>, vector<8x256xf32> -> vector<8x256xf32>
    %slice3A_152 = vector.extract_strided_slice %get3A_13 {offsets = [0, 1792], sizes = [8, 256], strides = [1, 1]} : vector<8x4096xf32> to vector<8x256xf32>
    %add3A_153 = arith.addf %dot_general3A_151, %slice3A_152 : vector<8x256xf32>
    %swap3A_154 = arith.constant 0 : index
    %swap3A_155 = arith.constant 0 : index
    %swap3A_156 = arith.constant 1792 : index
    %swap3A_157 = vector.load %arg4[%swap3A_154, %swap3A_155, %swap3A_156] : memref<1x8x4096xf32, #tpu.memory_space<vmem>>, vector<1x8x256xf32>
    %swap3A_158 = vector.shape_cast %swap3A_157 : vector<1x8x256xf32> to vector<8x256xf32>
    %swap3A_159 = vector.shape_cast %add3A_153 : vector<8x256xf32> to vector<1x8x256xf32>
    tpu.vector_store %arg4[%swap3A_154, %swap3A_155, %swap3A_156], %swap3A_159 {strides = array<i32>} : memref<1x8x4096xf32, #tpu.memory_space<vmem>>, vector<1x8x256xf32>,
    %iota3A_160 = tpu.iota {dimensions = array<i32: 0>} : vector<256x4096xi32>
    %add3A_161 = arith.constant 2048 : i32
    %add3A_162 = vector.broadcast %add3A_161 : i32 to vector<256x4096xi32>
    %add3A_163 = arith.addi %iota3A_160, %add3A_162 : vector<256x4096xi32>
    %eq3A_164 = vector.broadcast %get3A_3 : vector<1x4096xi32> to vector<256x4096xi32>
    %eq3A_165 = arith.cmpi eq, %eq3A_164, %add3A_163 : vector<256x4096xi32>
    %convert_element_type3A_166 = arith.extui %eq3A_165 : vector<256x4096xi1> to vector<256x4096xi32>
    %convert_element_type3A_167 = arith.sitofp %convert_element_type3A_166 : vector<256x4096xi32> to vector<256x4096xf32>
    %convert_element_type3A_168 = arith.truncf %convert_element_type3A_167 : vector<256x4096xf32> to vector<256x4096xbf16>
    %dot_general3A_169 = arith.constant dense<0.000000e+00> : vector<8x256xf32>
    %dot_general3A_170 = tpu.matmul %convert_element_type3A, %convert_element_type3A_168, %dot_general3A_169 {dimension_numbers = #tpu.dot_dimension_numbers<[1], [1], [0], [0], [0, 0, 1, 0], [], []>, transpose_lhs_hint = false} : vector<8x4096xbf16>, vector<256x4096xbf16>, vector<8x256xf32> -> vector<8x256xf32>
    %slice3A_171 = vector.extract_strided_slice %get3A_13 {offsets = [0, 2048], sizes = [8, 256], strides = [1, 1]} : vector<8x4096xf32> to vector<8x256xf32>
    %add3A_172 = arith.addf %dot_general3A_170, %slice3A_171 : vector<8x256xf32>
    %swap3A_173 = arith.constant 0 : index
    %swap3A_174 = arith.constant 0 : index
    %swap3A_175 = arith.constant 2048 : index
    %swap3A_176 = vector.load %arg4[%swap3A_173, %swap3A_174, %swap3A_175] : memref<1x8x4096xf32, #tpu.memory_space<vmem>>, vector<1x8x256xf32>
    %swap3A_177 = vector.shape_cast %swap3A_176 : vector<1x8x256xf32> to vector<8x256xf32>
    %swap3A_178 = vector.shape_cast %add3A_172 : vector<8x256xf32> to vector<1x8x256xf32>
    tpu.vector_store %arg4[%swap3A_173, %swap3A_174, %swap3A_175], %swap3A_178 {strides = array<i32>} : memref<1x8x4096xf32, #tpu.memory_space<vmem>>, vector<1x8x256xf32>,
    %iota3A_179 = tpu.iota {dimensions = array<i32: 0>} : vector<256x4096xi32>
    %add3A_180 = arith.constant 2304 : i32
    %add3A_181 = vector.broadcast %add3A_180 : i32 to vector<256x4096xi32>
    %add3A_182 = arith.addi %iota3A_179, %add3A_181 : vector<256x4096xi32>
    %eq3A_183 = vector.broadcast %get3A_3 : vector<1x4096xi32> to vector<256x4096xi32>
    %eq3A_184 = arith.cmpi eq, %eq3A_183, %add3A_182 : vector<256x4096xi32>
    %convert_element_type3A_185 = arith.extui %eq3A_184 : vector<256x4096xi1> to vector<256x4096xi32>
    %convert_element_type3A_186 = arith.sitofp %convert_element_type3A_185 : vector<256x4096xi32> to vector<256x4096xf32>
    %convert_element_type3A_187 = arith.truncf %convert_element_type3A_186 : vector<256x4096xf32> to vector<256x4096xbf16>
    %dot_general3A_188 = arith.constant dense<0.000000e+00> : vector<8x256xf32>
    %dot_general3A_189 = tpu.matmul %convert_element_type3A, %convert_element_type3A_187, %dot_general3A_188 {dimension_numbers = #tpu.dot_dimension_numbers<[1], [1], [0], [0], [0, 0, 1, 0], [], []>, transpose_lhs_hint = false} : vector<8x4096xbf16>, vector<256x4096xbf16>, vector<8x256xf32> -> vector<8x256xf32>
    %slice3A_190 = vector.extract_strided_slice %get3A_13 {offsets = [0, 2304], sizes = [8, 256], strides = [1, 1]} : vector<8x4096xf32> to vector<8x256xf32>
    %add3A_191 = arith.addf %dot_general3A_189, %slice3A_190 : vector<8x256xf32>
    %swap3A_192 = arith.constant 0 : index
    %swap3A_193 = arith.constant 0 : index
    %swap3A_194 = arith.constant 2304 : index
    %swap3A_195 = vector.load %arg4[%swap3A_192, %swap3A_193, %swap3A_194] : memref<1x8x4096xf32, #tpu.memory_space<vmem>>, vector<1x8x256xf32>
    %swap3A_196 = vector.shape_cast %swap3A_195 : vector<1x8x256xf32> to vector<8x256xf32>
    %swap3A_197 = vector.shape_cast %add3A_191 : vector<8x256xf32> to vector<1x8x256xf32>
    tpu.vector_store %arg4[%swap3A_192, %swap3A_193, %swap3A_194], %swap3A_197 {strides = array<i32>} : memref<1x8x4096xf32, #tpu.memory_space<vmem>>, vector<1x8x256xf32>,
    %iota3A_198 = tpu.iota {dimensions = array<i32: 0>} : vector<256x4096xi32>
    %add3A_199 = arith.constant 2560 : i32
    %add3A_200 = vector.broadcast %add3A_199 : i32 to vector<256x4096xi32>
    %add3A_201 = arith.addi %iota3A_198, %add3A_200 : vector<256x4096xi32>
    %eq3A_202 = vector.broadcast %get3A_3 : vector<1x4096xi32> to vector<256x4096xi32>
    %eq3A_203 = arith.cmpi eq, %eq3A_202, %add3A_201 : vector<256x4096xi32>
    %convert_element_type3A_204 = arith.extui %eq3A_203 : vector<256x4096xi1> to vector<256x4096xi32>
    %convert_element_type3A_205 = arith.sitofp %convert_element_type3A_204 : vector<256x4096xi32> to vector<256x4096xf32>
    %convert_element_type3A_206 = arith.truncf %convert_element_type3A_205 : vector<256x4096xf32> to vector<256x4096xbf16>
    %dot_general3A_207 = arith.constant dense<0.000000e+00> : vector<8x256xf32>
    %dot_general3A_208 = tpu.matmul %convert_element_type3A, %convert_element_type3A_206, %dot_general3A_207 {dimension_numbers = #tpu.dot_dimension_numbers<[1], [1], [0], [0], [0, 0, 1, 0], [], []>, transpose_lhs_hint = false} : vector<8x4096xbf16>, vector<256x4096xbf16>, vector<8x256xf32> -> vector<8x256xf32>
    %slice3A_209 = vector.extract_strided_slice %get3A_13 {offsets = [0, 2560], sizes = [8, 256], strides = [1, 1]} : vector<8x4096xf32> to vector<8x256xf32>
    %add3A_210 = arith.addf %dot_general3A_208, %slice3A_209 : vector<8x256xf32>
    %swap3A_211 = arith.constant 0 : index
    %swap3A_212 = arith.constant 0 : index
    %swap3A_213 = arith.constant 2560 : index
    %swap3A_214 = vector.load %arg4[%swap3A_211, %swap3A_212, %swap3A_213] : memref<1x8x4096xf32, #tpu.memory_space<vmem>>, vector<1x8x256xf32>
    %swap3A_215 = vector.shape_cast %swap3A_214 : vector<1x8x256xf32> to vector<8x256xf32>
    %swap3A_216 = vector.shape_cast %add3A_210 : vector<8x256xf32> to vector<1x8x256xf32>
    tpu.vector_store %arg4[%swap3A_211, %swap3A_212, %swap3A_213], %swap3A_216 {strides = array<i32>} : memref<1x8x4096xf32, #tpu.memory_space<vmem>>, vector<1x8x256xf32>,
    %iota3A_217 = tpu.iota {dimensions = array<i32: 0>} : vector<256x4096xi32>
    %add3A_218 = arith.constant 2816 : i32
    %add3A_219 = vector.broadcast %add3A_218 : i32 to vector<256x4096xi32>
    %add3A_220 = arith.addi %iota3A_217, %add3A_219 : vector<256x4096xi32>
    %eq3A_221 = vector.broadcast %get3A_3 : vector<1x4096xi32> to vector<256x4096xi32>
    %eq3A_222 = arith.cmpi eq, %eq3A_221, %add3A_220 : vector<256x4096xi32>
    %convert_element_type3A_223 = arith.extui %eq3A_222 : vector<256x4096xi1> to vector<256x4096xi32>
    %convert_element_type3A_224 = arith.sitofp %convert_element_type3A_223 : vector<256x4096xi32> to vector<256x4096xf32>
    %convert_element_type3A_225 = arith.truncf %convert_element_type3A_224 : vector<256x4096xf32> to vector<256x4096xbf16>
    %dot_general3A_226 = arith.constant dense<0.000000e+00> : vector<8x256xf32>
    %dot_general3A_227 = tpu.matmul %convert_element_type3A, %convert_element_type3A_225, %dot_general3A_226 {dimension_numbers = #tpu.dot_dimension_numbers<[1], [1], [0], [0], [0, 0, 1, 0], [], []>, transpose_lhs_hint = false} : vector<8x4096xbf16>, vector<256x4096xbf16>, vector<8x256xf32> -> vector<8x256xf32>
    %slice3A_228 = vector.extract_strided_slice %get3A_13 {offsets = [0, 2816], sizes = [8, 256], strides = [1, 1]} : vector<8x4096xf32> to vector<8x256xf32>
    %add3A_229 = arith.addf %dot_general3A_227, %slice3A_228 : vector<8x256xf32>
    %swap3A_230 = arith.constant 0 : index
    %swap3A_231 = arith.constant 0 : index
    %swap3A_232 = arith.constant 2816 : index
    %swap3A_233 = vector.load %arg4[%swap3A_230, %swap3A_231, %swap3A_232] : memref<1x8x4096xf32, #tpu.memory_space<vmem>>, vector<1x8x256xf32>
    %swap3A_234 = vector.shape_cast %swap3A_233 : vector<1x8x256xf32> to vector<8x256xf32>
    %swap3A_235 = vector.shape_cast %add3A_229 : vector<8x256xf32> to vector<1x8x256xf32>
    tpu.vector_store %arg4[%swap3A_230, %swap3A_231, %swap3A_232], %swap3A_235 {strides = array<i32>} : memref<1x8x4096xf32, #tpu.memory_space<vmem>>, vector<1x8x256xf32>,
    %iota3A_236 = tpu.iota {dimensions = array<i32: 0>} : vector<256x4096xi32>
    %add3A_237 = arith.constant 3072 : i32
    %add3A_238 = vector.broadcast %add3A_237 : i32 to vector<256x4096xi32>
    %add3A_239 = arith.addi %iota3A_236, %add3A_238 : vector<256x4096xi32>
    %eq3A_240 = vector.broadcast %get3A_3 : vector<1x4096xi32> to vector<256x4096xi32>
    %eq3A_241 = arith.cmpi eq, %eq3A_240, %add3A_239 : vector<256x4096xi32>
    %convert_element_type3A_242 = arith.extui %eq3A_241 : vector<256x4096xi1> to vector<256x4096xi32>
    %convert_element_type3A_243 = arith.sitofp %convert_element_type3A_242 : vector<256x4096xi32> to vector<256x4096xf32>
    %convert_element_type3A_244 = arith.truncf %convert_element_type3A_243 : vector<256x4096xf32> to vector<256x4096xbf16>
    %dot_general3A_245 = arith.constant dense<0.000000e+00> : vector<8x256xf32>
    %dot_general3A_246 = tpu.matmul %convert_element_type3A, %convert_element_type3A_244, %dot_general3A_245 {dimension_numbers = #tpu.dot_dimension_numbers<[1], [1], [0], [0], [0, 0, 1, 0], [], []>, transpose_lhs_hint = false} : vector<8x4096xbf16>, vector<256x4096xbf16>, vector<8x256xf32> -> vector<8x256xf32>
    %slice3A_247 = vector.extract_strided_slice %get3A_13 {offsets = [0, 3072], sizes = [8, 256], strides = [1, 1]} : vector<8x4096xf32> to vector<8x256xf32>
    %add3A_248 = arith.addf %dot_general3A_246, %slice3A_247 : vector<8x256xf32>
    %swap3A_249 = arith.constant 0 : index
    %swap3A_250 = arith.constant 0 : index
    %swap3A_251 = arith.constant 3072 : index
    %swap3A_252 = vector.load %arg4[%swap3A_249, %swap3A_250, %swap3A_251] : memref<1x8x4096xf32, #tpu.memory_space<vmem>>, vector<1x8x256xf32>
    %swap3A_253 = vector.shape_cast %swap3A_252 : vector<1x8x256xf32> to vector<8x256xf32>
    %swap3A_254 = vector.shape_cast %add3A_248 : vector<8x256xf32> to vector<1x8x256xf32>
    tpu.vector_store %arg4[%swap3A_249, %swap3A_250, %swap3A_251], %swap3A_254 {strides = array<i32>} : memref<1x8x4096xf32, #tpu.memory_space<vmem>>, vector<1x8x256xf32>,
    %iota3A_255 = tpu.iota {dimensions = array<i32: 0>} : vector<256x4096xi32>
    %add3A_256 = arith.constant 3328 : i32
    %add3A_257 = vector.broadcast %add3A_256 : i32 to vector<256x4096xi32>
    %add3A_258 = arith.addi %iota3A_255, %add3A_257 : vector<256x4096xi32>
    %eq3A_259 = vector.broadcast %get3A_3 : vector<1x4096xi32> to vector<256x4096xi32>
    %eq3A_260 = arith.cmpi eq, %eq3A_259, %add3A_258 : vector<256x4096xi32>
    %convert_element_type3A_261 = arith.extui %eq3A_260 : vector<256x4096xi1> to vector<256x4096xi32>
    %convert_element_type3A_262 = arith.sitofp %convert_element_type3A_261 : vector<256x4096xi32> to vector<256x4096xf32>
    %convert_element_type3A_263 = arith.truncf %convert_element_type3A_262 : vector<256x4096xf32> to vector<256x4096xbf16>
    %dot_general3A_264 = arith.constant dense<0.000000e+00> : vector<8x256xf32>
    %dot_general3A_265 = tpu.matmul %convert_element_type3A, %convert_element_type3A_263, %dot_general3A_264 {dimension_numbers = #tpu.dot_dimension_numbers<[1], [1], [0], [0], [0, 0, 1, 0], [], []>, transpose_lhs_hint = false} : vector<8x4096xbf16>, vector<256x4096xbf16>, vector<8x256xf32> -> vector<8x256xf32>
    %slice3A_266 = vector.extract_strided_slice %get3A_13 {offsets = [0, 3328], sizes = [8, 256], strides = [1, 1]} : vector<8x4096xf32> to vector<8x256xf32>
    %add3A_267 = arith.addf %dot_general3A_265, %slice3A_266 : vector<8x256xf32>
    %swap3A_268 = arith.constant 0 : index
    %swap3A_269 = arith.constant 0 : index
    %swap3A_270 = arith.constant 3328 : index
    %swap3A_271 = vector.load %arg4[%swap3A_268, %swap3A_269, %swap3A_270] : memref<1x8x4096xf32, #tpu.memory_space<vmem>>, vector<1x8x256xf32>
    %swap3A_272 = vector.shape_cast %swap3A_271 : vector<1x8x256xf32> to vector<8x256xf32>
    %swap3A_273 = vector.shape_cast %add3A_267 : vector<8x256xf32> to vector<1x8x256xf32>
    tpu.vector_store %arg4[%swap3A_268, %swap3A_269, %swap3A_270], %swap3A_273 {strides = array<i32>} : memref<1x8x4096xf32, #tpu.memory_space<vmem>>, vector<1x8x256xf32>,
    %iota3A_274 = tpu.iota {dimensions = array<i32: 0>} : vector<256x4096xi32>
    %add3A_275 = arith.constant 3584 : i32
    %add3A_276 = vector.broadcast %add3A_275 : i32 to vector<256x4096xi32>
    %add3A_277 = arith.addi %iota3A_274, %add3A_276 : vector<256x4096xi32>
    %eq3A_278 = vector.broadcast %get3A_3 : vector<1x4096xi32> to vector<256x4096xi32>
    %eq3A_279 = arith.cmpi eq, %eq3A_278, %add3A_277 : vector<256x4096xi32>
    %convert_element_type3A_280 = arith.extui %eq3A_279 : vector<256x4096xi1> to vector<256x4096xi32>
    %convert_element_type3A_281 = arith.sitofp %convert_element_type3A_280 : vector<256x4096xi32> to vector<256x4096xf32>
    %convert_element_type3A_282 = arith.truncf %convert_element_type3A_281 : vector<256x4096xf32> to vector<256x4096xbf16>
    %dot_general3A_283 = arith.constant dense<0.000000e+00> : vector<8x256xf32>
    %dot_general3A_284 = tpu.matmul %convert_element_type3A, %convert_element_type3A_282, %dot_general3A_283 {dimension_numbers = #tpu.dot_dimension_numbers<[1], [1], [0], [0], [0, 0, 1, 0], [], []>, transpose_lhs_hint = false} : vector<8x4096xbf16>, vector<256x4096xbf16>, vector<8x256xf32> -> vector<8x256xf32>
    %slice3A_285 = vector.extract_strided_slice %get3A_13 {offsets = [0, 3584], sizes = [8, 256], strides = [1, 1]} : vector<8x4096xf32> to vector<8x256xf32>
    %add3A_286 = arith.addf %dot_general3A_284, %slice3A_285 : vector<8x256xf32>
    %swap3A_287 = arith.constant 0 : index
    %swap3A_288 = arith.constant 0 : index
    %swap3A_289 = arith.constant 3584 : index
    %swap3A_290 = vector.load %arg4[%swap3A_287, %swap3A_288, %swap3A_289] : memref<1x8x4096xf32, #tpu.memory_space<vmem>>, vector<1x8x256xf32>
    %swap3A_291 = vector.shape_cast %swap3A_290 : vector<1x8x256xf32> to vector<8x256xf32>
    %swap3A_292 = vector.shape_cast %add3A_286 : vector<8x256xf32> to vector<1x8x256xf32>
    tpu.vector_store %arg4[%swap3A_287, %swap3A_288, %swap3A_289], %swap3A_292 {strides = array<i32>} : memref<1x8x4096xf32, #tpu.memory_space<vmem>>, vector<1x8x256xf32>,
    %iota3A_293 = tpu.iota {dimensions = array<i32: 0>} : vector<256x4096xi32>
    %add3A_294 = arith.constant 3840 : i32
    %add3A_295 = vector.broadcast %add3A_294 : i32 to vector<256x4096xi32>
    %add3A_296 = arith.addi %iota3A_293, %add3A_295 : vector<256x4096xi32>
    %eq3A_297 = vector.broadcast %get3A_3 : vector<1x4096xi32> to vector<256x4096xi32>
    %eq3A_298 = arith.cmpi eq, %eq3A_297, %add3A_296 : vector<256x4096xi32>
    %convert_element_type3A_299 = arith.extui %eq3A_298 : vector<256x4096xi1> to vector<256x4096xi32>
    %convert_element_type3A_300 = arith.sitofp %convert_element_type3A_299 : vector<256x4096xi32> to vector<256x4096xf32>
    %convert_element_type3A_301 = arith.truncf %convert_element_type3A_300 : vector<256x4096xf32> to vector<256x4096xbf16>
    %dot_general3A_302 = arith.constant dense<0.000000e+00> : vector<8x256xf32>
    %dot_general3A_303 = tpu.matmul %convert_element_type3A, %convert_element_type3A_301, %dot_general3A_302 {dimension_numbers = #tpu.dot_dimension_numbers<[1], [1], [0], [0], [0, 0, 1, 0], [], []>, transpose_lhs_hint = false} : vector<8x4096xbf16>, vector<256x4096xbf16>, vector<8x256xf32> -> vector<8x256xf32>
    %slice3A_304 = vector.extract_strided_slice %get3A_13 {offsets = [0, 3840], sizes = [8, 256], strides = [1, 1]} : vector<8x4096xf32> to vector<8x256xf32>
    %add3A_305 = arith.addf %dot_general3A_303, %slice3A_304 : vector<8x256xf32>
    %swap3A_306 = arith.constant 0 : index
    %swap3A_307 = arith.constant 0 : index
    %swap3A_308 = arith.constant 3840 : index
    %swap3A_309 = vector.load %arg4[%swap3A_306, %swap3A_307, %swap3A_308] : memref<1x8x4096xf32, #tpu.memory_space<vmem>>, vector<1x8x256xf32>
    %swap3A_310 = vector.shape_cast %swap3A_309 : vector<1x8x256xf32> to vector<8x256xf32>
    %swap3A_311 = vector.shape_cast %add3A_305 : vector<8x256xf32> to vector<1x8x256xf32>
    tpu.vector_store %arg4[%swap3A_306, %swap3A_307, %swap3A_308], %swap3A_311 {strides = array<i32>} : memref<1x8x4096xf32, #tpu.memory_space<vmem>>, vector<1x8x256xf32>,
    return
  }
  func.func @transform_0(%arg0: i32) -> (i32, i32, i32) {
    %c0_i32 = arith.constant 0 : i32
    %c0_i32_0 = arith.constant 0 : i32
    %c0_i32_1 = arith.constant 0 : i32
    return %arg0, %c0_i32, %c0_i32_0 : i32, i32, i32
  }
  func.func @transform_1(%arg0: i32) -> (i32, i32, i32) {
    %c0_i32 = arith.constant 0 : i32
    %c0_i32_0 = arith.constant 0 : i32
    %c0_i32_1 = arith.constant 0 : i32
    return %arg0, %c0_i32, %c0_i32_0 : i32, i32, i32
  }
  func.func @transform_2(%arg0: i32) -> (i32, i32, i32) {
    %c0_i32 = arith.constant 0 : i32
    %c0_i32_0 = arith.constant 0 : i32
    %c0_i32_1 = arith.constant 0 : i32
    return %arg0, %c0_i32, %c0_i32_0 : i32, i32, i32
  }
  func.func @transform_3(%arg0: i32) -> (i32, i32, i32) {
    %c0_i32 = arith.constant 0 : i32
    %c0_i32_0 = arith.constant 0 : i32
    %c0_i32_1 = arith.constant 0 : i32
    return %arg0, %c0_i32, %c0_i32_0 : i32, i32, i32
  }
}

module attributes {stable_mosaic.version = 14 : i64} {
  func.func @_post_body(%arg0: i32, %arg1: memref<1x16x16x4096xf32, #tpu.memory_space<vmem>>, %arg2: memref<1x8x4096xf32, #tpu.memory_space<vmem>>, %arg3: memref<256x256xf32, #tpu.memory_space<vmem>>, %arg4: memref<1x4096x256xf32, #tpu.memory_space<vmem>>) attributes {dimension_semantics = [#tpu.dimension_semantics<arbitrary>], iteration_bounds = array<i64: 4>, scalar_prefetch = 0 : i64, scratch_operands = 0 : i64, tpu.core_type = #tpu.core_type<tc>, window_params = [{transform_indices = @transform_0, window_bounds = array<i64: 1, 16, 16, 4096>}, {transform_indices = @transform_1, window_bounds = array<i64: 1, 8, 4096>}, {pipeline_mode = #tpu.pipeline_mode<synchronous>, transform_indices = @transform_2, window_bounds = array<i64: 256, 256>}, {transform_indices = @transform_3, window_bounds = array<i64: 1, 4096, 256>}]} {
    %get3A = arith.constant 0 : index
    %get3A_0 = arith.constant 0 : index
    %get3A_1 = arith.constant 0 : index
    %get3A_2 = arith.constant 0 : index
    %get3A_3 = vector.load %arg1[%get3A, %get3A_0, %get3A_1, %get3A_2] : memref<1x16x16x4096xf32, #tpu.memory_space<vmem>>, vector<1x16x16x4096xf32>
    %get3A_4 = vector.shape_cast %get3A_3 : vector<1x16x16x4096xf32> to vector<16x16x4096xf32>
    %reshape3A = vector.shape_cast %get3A_4 : vector<16x16x4096xf32> to vector<256x4096xf32>
    %get3A_5 = arith.constant 0 : index
    %get3A_6 = arith.constant 0 : index
    %get3A_7 = arith.constant 0 : index
    %get3A_8 = vector.load %arg2[%get3A_5, %get3A_6, %get3A_7] : memref<1x8x4096xf32, #tpu.memory_space<vmem>>, vector<1x8x4096xf32>
    %get3A_9 = vector.shape_cast %get3A_8 : vector<1x8x4096xf32> to vector<8x4096xf32>
    %iota3A = tpu.iota {dimensions = array<i32: 0>} : vector<256x8xi32>
    %iota3A_10 = tpu.iota {dimensions = array<i32: 1>} : vector<256x8xi32>
    %jit3A = arith.constant 32 : i32
    %div3A = vector.broadcast %jit3A : i32 to vector<256x8xi32>
    %div3A_11 = arith.divsi %iota3A, %div3A : vector<256x8xi32>
    %sign3A = arith.constant 0 : i32
    %sign3A_12 = vector.broadcast %sign3A : i32 to vector<256x8xi32>
    %sign3A_13 = arith.cmpi sgt, %iota3A, %sign3A_12 : vector<256x8xi32>
    %sign3A_14 = arith.extui %sign3A_13 : vector<256x8xi1> to vector<256x8xi32>
    %sign3A_15 = arith.constant 0 : i32
    %sign3A_16 = vector.broadcast %sign3A_15 : i32 to vector<256x8xi32>
    %sign3A_17 = arith.cmpi slt, %iota3A, %sign3A_16 : vector<256x8xi32>
    %sign3A_18 = arith.extui %sign3A_17 : vector<256x8xi1> to vector<256x8xi32>
    %sign3A_19 = arith.subi %sign3A_14, %sign3A_18 : vector<256x8xi32>
    %sign3A_20 = arith.constant 0 : i32
    %sign3A_21 = arith.cmpi sgt, %jit3A, %sign3A_20 : i32
    %sign3A_22 = arith.extui %sign3A_21 : i1 to i32
    %sign3A_23 = arith.constant 0 : i32
    %sign3A_24 = arith.cmpi slt, %jit3A, %sign3A_23 : i32
    %sign3A_25 = arith.extui %sign3A_24 : i1 to i32
    %sign3A_26 = arith.subi %sign3A_22, %sign3A_25 : i32
    %ne3A = vector.broadcast %sign3A_26 : i32 to vector<256x8xi32>
    %ne3A_27 = arith.cmpi ne, %sign3A_19, %ne3A : vector<256x8xi32>
    %rem3A = vector.broadcast %jit3A : i32 to vector<256x8xi32>
    %rem3A_28 = arith.remsi %iota3A, %rem3A : vector<256x8xi32>
    %ne3A_29 = arith.constant 0 : i32
    %ne3A_30 = vector.broadcast %ne3A_29 : i32 to vector<256x8xi32>
    %ne3A_31 = arith.cmpi ne, %rem3A_28, %ne3A_30 : vector<256x8xi32>
    %and3A = arith.andi %ne3A_27, %ne3A_31 : vector<256x8xi1>
    %sub3A = arith.constant 1 : i32
    %sub3A_32 = vector.broadcast %sub3A : i32 to vector<256x8xi32>
    %sub3A_33 = arith.subi %div3A_11, %sub3A_32 : vector<256x8xi32>
    %select_n3A = arith.select %and3A, %sub3A_33, %div3A_11 : vector<256x8xi1>, vector<256x8xi32>
    %eq3A = arith.cmpi eq, %select_n3A, %iota3A_10 : vector<256x8xi32>
    %convert_element_type3A = arith.extui %eq3A : vector<256x8xi1> to vector<256x8xi32>
    %convert_element_type3A_34 = arith.sitofp %convert_element_type3A : vector<256x8xi32> to vector<256x8xf32>
    %dot_general3A = arith.constant dense<0.000000e+00> : vector<256x4096xf32>
    %dot_general3A_35 = tpu.matmul %convert_element_type3A_34, %get3A_9, %dot_general3A {dimension_numbers = #tpu.dot_dimension_numbers<[1], [0], [0], [1], [0, 0, 1, 1], [], []>, precision = #tpu.contract_precision<fp32>, transpose_lhs_hint = false} : vector<256x8xf32>, vector<8x4096xf32>, vector<256x4096xf32> -> vector<256x4096xf32>
    %div3A_36 = arith.divf %reshape3A, %dot_general3A_35 : vector<256x4096xf32>
    %get3A_37 = arith.constant 0 : index
    %get3A_38 = arith.constant 0 : index
    %get3A_39 = vector.load %arg3[%get3A_37, %get3A_38] : memref<256x256xf32, #tpu.memory_space<vmem>>, vector<256x256xf32>
    %dot_general3A_40 = arith.constant dense<0.000000e+00> : vector<4096x256xf32>
    %dot_general3A_41 = tpu.matmul %div3A_36, %get3A_39, %dot_general3A_40 {dimension_numbers = #tpu.dot_dimension_numbers<[0], [0], [1], [1], [0, 1, 1, 1], [], []>, precision = #tpu.contract_precision<fp32>, transpose_lhs_hint = false} : vector<256x4096xf32>, vector<256x256xf32>, vector<4096x256xf32> -> vector<4096x256xf32>
    %swap3A = arith.constant 0 : index
    %swap3A_42 = arith.constant 0 : index
    %swap3A_43 = arith.constant 0 : index
    %swap3A_44 = vector.load %arg4[%swap3A, %swap3A_42, %swap3A_43] : memref<1x4096x256xf32, #tpu.memory_space<vmem>>, vector<1x4096x256xf32>
    %swap3A_45 = vector.shape_cast %swap3A_44 : vector<1x4096x256xf32> to vector<4096x256xf32>
    %swap3A_46 = vector.shape_cast %dot_general3A_41 : vector<4096x256xf32> to vector<1x4096x256xf32>
    tpu.vector_store %arg4[%swap3A, %swap3A_42, %swap3A_43], %swap3A_46 {strides = array<i32>} : memref<1x4096x256xf32, #tpu.memory_space<vmem>>, vector<1x4096x256xf32>,
    return
  }
  func.func @transform_0(%arg0: i32) -> (i32, i32, i32, i32) {
    %c0_i32 = arith.constant 0 : i32
    %c0_i32_0 = arith.constant 0 : i32
    %c0_i32_1 = arith.constant 0 : i32
    %c0_i32_2 = arith.constant 0 : i32
    return %arg0, %c0_i32, %c0_i32_0, %c0_i32_1 : i32, i32, i32, i32
  }
  func.func @transform_1(%arg0: i32) -> (i32, i32, i32) {
    %c0_i32 = arith.constant 0 : i32
    %c0_i32_0 = arith.constant 0 : i32
    %c0_i32_1 = arith.constant 0 : i32
    return %arg0, %c0_i32, %c0_i32_0 : i32, i32, i32
  }
  func.func @transform_2(%arg0: i32) -> (i32, i32) {
    %c0_i32 = arith.constant 0 : i32
    %c0_i32_0 = arith.constant 0 : i32
    %c0_i32_1 = arith.constant 0 : i32
    return %c0_i32, %c0_i32_0 : i32, i32
  }
  func.func @transform_3(%arg0: i32) -> (i32, i32, i32) {
    %c0_i32 = arith.constant 0 : i32
    %c0_i32_0 = arith.constant 0 : i32
    %c0_i32_1 = arith.constant 0 : i32
    return %arg0, %c0_i32, %c0_i32_0 : i32, i32, i32
  }
}

</mosaic_0001>

<sc_bundles>
// kernel: kernel.8.cloned.1.call-start
scs
__scs_entry_jumppad:
0x0: {  	(pc) =	sbr.rel $0x88, $3  }
0x1: {  	(tag) =	ssettag $0x0;
	lr =	simm.s32 $0x1  }
0x2: {  	[smem:$0x3F98] =	sst lr;
	_ =	strace $0xD0000000  }
0x3: {  	_ = 	snop  }
0x4: {  	_ = 	snop  }
0x5: {  	_ = 	snop  }
0x6: {  	_ = 	snop  }
0x7: {  	_ = 	snop  }
__scs_overlays_trampoline_lowered:
0x8: {  	[smem:$0x3FA7] =	sst s0  }
0x9: {  	[smem:$0x3FA8] =	sst s1  }
0xa: {  	[smem:$0x3FA9] =	sst s2  }
0xb: {  	[smem:$0x3FAA] =	sst s3  }
0xc: {  	[smem:$0x3FAB] =	sst s4  }
0xd: {  	[smem:$0x3FAC] =	sst s5  }
0xe: {  	[smem:$0x3FAD] =	sst s6  }
0xf: {  	[smem:$0x3FAE] =	sst s7  }
0x10: {  	[smem:$0x3FAF] =	sst s8  }
0x11: {  	[smem:$0x3FB0] =	sst s9;
	s0 =	simm.s32 @!p0 $0x0  }
0x12: {  	s1 =	sld [smem:$0x3F96];
	s0 =	simm.s32 @p0 $0x1  }
0x13: {  	[smem:$0x3FB1] =	sst s0;
	s0 =	simm.s32 @!p1 $0x0  }
0x14: {  	s2 =	sld [smem:$0x3F95];
	s0 =	simm.s32 @p1 $0x1  }
0x15: {  	[smem:$0x3FB2] =	sst s0;
	s0 =	simm.s32 @!p2 $0x0  }
0x16: {  	s3 =	sld [smem:$0x3FDB];
	s0 =	simm.s32 @p2 $0x1  }
0x17: {  	s4 =	simm.s32 $0x1BF5;
	[smem:$0x3FB4] =	sst s0  }
0x18: {  	s0 =	sld [smem:$0x3F97];
	_ =	swait.ge [sflag:s4], $0x0  }
0x19: {  	s7 =	sld [smem:$0x3F98]  }
0x1a: {  	s8 =	sadd.s32 $0xFFFFE003, lr  }
0x1b: {  	s9 =	sadd.s32 $0xFFFFFEF7, lr;
	s5 =	simm.s32 $0xFFFFFFFF;
	p2 =	slt.u32 s8, $0xFFFFF086  }
0x1c: {  	p1 =	slt.u32 s9, $0xF7A;
	s5 =	simm.s32 @!p2 $0x0  }
0x1d: {  	s5 =	simm.s32 @p1 $0x1;
	p0 =	seq.s32 s7, s2  }
0x1e: {  	s7 =	smul.u32 @!p0 $0xF7A, s2;
	p2 =	seq.s32 @!p0 s5, $0x0  }
0x1f: {  	s9 =	smul.u32 $0xF7A, s1;
	s8 =	simm.s32 @!p0 $0x1BF5;
	p2 =	por !p2, p0  }
0x20: {  	[sflag:s8] =	ssyncset.s32 @!p0 $0xFFFFF086;
	s6 =	sadd.s32 @!p0 s3, s7;
	s7 =	simm.s32 @!p0 $0x108  }
0x21: {  	s3 =	sadd.s32 s3, s9;
	s6 =	sadd.s32 @!p0 $0x88, s6;
	s7 =	simm.s32 @p2 $0x1082  }
0x22: {  	[simem:s7], [sflag:s8] =	dma.local @!p0 [hbm:s6], $0xF7A  }
0x23: {  	s9 =	sor.u32 $0xD0000000, s2;
	s6 =	simm.s32 $0x108;
	_ =	swait.ge @!p0 [sflag:s8], $0x0  }
0x24: {  	s3 =	sadd.s32 $0x88, s3;
	s6 =	simm.s32 @!p1 $0x1082;
	[sflag:s4] =	ssyncset.s32 $0xFFFFF086  }
0x25: {  	[simem:s6], [sflag:s4] =	dma.local [hbm:s3], $0xF7A  }
0x26: {  	[smem:$0x3F98] =	sst s1;
	(tag) =	ssettag s2;
	_ =	strace s9  }
0x27: {  	s1 =	sld [smem:$0x3FA8]  }
0x28: {  	s2 =	sld [smem:$0x3FA9]  }
0x29: {  	s4 =	sld [smem:$0x3FAB]  }
0x2a: {  	p0 =	seq.s32 s5, $0x0;
	s5 =	sld [smem:$0x3FAC]  }
0x2b: {  	s6 =	sld [smem:$0x3FAD]  }
0x2c: {  	s7 =	sld [smem:$0x3FAE]  }
0x2d: {  	s3 =	simm.s32 $0x108;
	s8 =	sld [smem:$0x3FAF]  }
0x2e: {  	s3 =	simm.s32 @!p0 $0x1082;
	s9 =	sld [smem:$0x3FB0]  }
0x2f: {  	lr =	sadd.s32 s0, s3;
	s0 =	sld [smem:$0x3FA7]  }
0x30: {  	s3 =	sld [smem:$0x3FAA]  }
0x31: {  	[smem:$0x3FB3] =	sst s10  }
0x32: {  	s10 =	sld [smem:$0x3FB1];
	_ =	sdelay $0x3  }
0x33: {  	p0 =	seq.s32 s10, $0x1;
	s10 =	sld [smem:$0x3FB3];
	_ =	sdelay $0x3  }
0x34: {  	[smem:$0x3FB3] =	sst s10  }
0x35: {  	s10 =	sld [smem:$0x3FB2];
	_ =	sdelay $0x3  }
0x36: {  	p1 =	seq.s32 s10, $0x1;
	s10 =	sld [smem:$0x3FB3];
	_ =	sdelay $0x3  }
0x37: {  	[smem:$0x3FB3] =	sst s10  }
0x38: {  	s10 =	sld [smem:$0x3FB4]  }
0x39: {  	_ = 	snop;
	(pc) =	sbr.ind lr, $3  }
0x3a: {  	_ = 	snop  }
0x3b: {  	_ = 	snop  }
0x3c: {  	p2 =	seq.s32 s10, $0x1;
	s10 =	sld [smem:$0x3FB3]  }
0x3d: {  	_ =	shalt  }
0x3e: {  	_ =	shalt  }
0x3f: {  	_ =	shalt  }
0x40: {  	_ =	shalt  }
0x41: {  	_ =	shalt  }
0x42: {  	_ =	shalt  }
0x43: {  	_ =	shalt  }
0x44: {  	_ =	shalt  }
0x45: {  	_ =	shalt  }
0x46: {  	_ =	shalt  }
0x47: {  	_ =	shalt  }
0x48: {  	_ =	shalt  }
0x49: {  	_ =	shalt  }
0x4a: {  	_ =	shalt  }
0x4b: {  	_ =	shalt  }
0x4c: {  	_ =	shalt  }
0x4d: {  	_ =	shalt  }
0x4e: {  	_ =	shalt  }
0x4f: {  	_ =	shalt  }
0x50: {  	_ =	shalt  }
0x51: {  	_ =	shalt  }
0x52: {  	_ =	shalt  }
0x53: {  	_ =	shalt  }
0x54: {  	_ =	shalt  }
0x55: {  	_ =	shalt  }
0x56: {  	_ =	shalt  }
0x57: {  	_ =	shalt  }
0x58: {  	_ =	shalt  }
0x59: {  	_ =	shalt  }
0x5a: {  	_ =	shalt  }
0x5b: {  	_ =	shalt  }
0x5c: {  	_ =	shalt  }
0x5d: {  	_ =	shalt  }
0x5e: {  	_ =	shalt  }
0x5f: {  	_ =	shalt  }
0x60: {  	_ =	shalt  }
0x61: {  	_ =	shalt  }
0x62: {  	_ =	shalt  }
0x63: {  	_ =	shalt  }
0x64: {  	_ =	shalt  }
0x65: {  	_ =	shalt  }
0x66: {  	_ =	shalt  }
0x67: {  	_ =	shalt  }
0x68: {  	_ =	shalt  }
0x69: {  	_ =	shalt  }
0x6a: {  	_ =	shalt  }
0x6b: {  	_ =	shalt  }
0x6c: {  	_ =	shalt  }
0x6d: {  	_ =	shalt  }
0x6e: {  	_ =	shalt  }
0x6f: {  	_ =	shalt  }
0x70: {  	_ =	shalt  }
0x71: {  	_ =	shalt  }
0x72: {  	_ =	shalt  }
0x73: {  	_ =	shalt  }
0x74: {  	_ =	shalt  }
0x75: {  	_ =	shalt  }
0x76: {  	_ =	shalt  }
0x77: {  	_ =	shalt  }
0x78: {  	_ =	shalt  }
0x79: {  	_ =	shalt  }
0x7a: {  	_ =	shalt  }
0x7b: {  	_ =	shalt  }
0x7c: {  	_ =	shalt  }
0x7d: {  	_ =	shalt  }
0x7e: {  	_ =	shalt  }
0x7f: {  	_ =	shalt  }
0x80: {  	_ =	shalt  }
0x81: {  	_ =	shalt  }
0x82: {  	_ =	shalt  }
0x83: {  	_ =	shalt  }
0x84: {  	_ =	shalt  }
0x85: {  	_ =	shalt  }
0x86: {  	_ =	shalt  }
0x87: {  	_ =	shalt  }
.Lfunc_end0:
.L_simem_size_0:
called_computation_lowered:
.L_overlay_start_0:
0x88: {  	s2 =	sld [smem:$0x3FD9]  }
0x89: {  	s3 =	sld [smem:$0x3FFE];
	_ =	sdelay $0x1  }
0x8a: {  	s1 =	srdreg.scid  }
0x8b: {  	s0 =	sand.u32 $0x1, s1  }
0x8c: {  	s14 =	sshll.u32 s0, $0xA;
	s2 =	sadd.s32 s3, s2  }
0x8d: {  	s2 =	sadd.s32 s2, s14  }
0x8e: {  	[smem:$0x3FBF] =	sst s2  }
0x8f: {  	_ = 	snop  }
0x90: {  	s2 =	sld [smem:$0x3FD0];
	_ =	sdelay $0x2  }
0x91: {  	s15 =	simm.s32 $0xA;
	s4 =	simm.s32 $0x10  }
0x92: {  	[smem:s4], [sflag:s15] =	dma.local [hbm:s2], $0x1  }
0x93: {  	_ =	swait.eq [sflag:s15], $0x1  }
0x94: {  	[sflag:s15] =	ssyncset.done $0x0  }
0x95: {  	[sflag:s15] =	ssyncadd.s32 $0xFFFFFFFF  }
0x96: {  	s16 =	sld [smem:$0x11];
	(tm) =	ssettm $0x1  }
0x97: {  	s17 =	sld [smem:$0x3FFB];
	_ =	sdelay $0x3  }
0x98: {  	_ =	strace s17  }
0x99: {  	s3 =	sld [smem:$0x3FFC];
	_ =	sdelay $0x3  }
0x9a: {  	_ =	strace s3  }
0x9b: {  	s3 =	sld [smem:$0x3FFD];
	_ =	sdelay $0x3  }
0x9c: {  	_ =	strace s3  }
0x9d: {  	_ =	strace $0x8FFFFFFF  }
0x9e: {  	s18 =	sld [smem:$0x3FDB];
	_ =	sdelay $0x1  }
0x9f: {  	s19 =	simm.s32 $_scs_section_size  }
0xa0: {  	s5 =	simm.s32 $_size__tile_overlayer_lowered;
	s6 =	simm.s32 $_tile_overlayer_lowered  }
0xa1: {  	s22 =	simm.s32 $0x1BFF;
	s21 =	sshll.u32 s6, $0x1;
	s3 =	sadd.s32 s19, s18  }
0xa2: {  	s7 =	simm.s32 $0x0;
	s20 =	sshll.u32 s5, $0x1;
	s5 =	sadd.s32 s21, s3  }
0xa3: {  	[timem:s7], [sflag:s22] =	dma.local [hbm:s5], s20  }
0xa4: {  	_ =	swait.ge [sflag:s22], s20  }
0xa5: {  	s4 =	ssub.s32 $0x0, s20;
	[sflag:s22] =	ssyncset.done $0x0  }
0xa6: {  	[sflag:s22] =	ssyncadd.s32 s4;
	_ =	sdelay $0x1  }
0xa7: {  	s23 =	simm.s32 $0x1B8B  }
0xa8: {  	_ =	swait.ge [sflag:s23], $0x1  }
0xa9: {  	[sflag:s23] =	ssyncset.done $0x0  }
0xaa: {  	s25 =	simm.s32 $0x1B8E;
	s24 =	sld [smem:$0x3FFE];
	[sflag:s23] =	ssyncadd.s32 $0xFFFFFFFF  }
0xab: {  	s26 =	simm.s32 $execute0_lowered;
	[smem:$0x3FD2] =	sst s25  }
0xac: {  	s5 =	sshll.u32 s26, $0x1;
	_ =	strace $0x80000046;
	[dreg:$0x1] =	wrdreg $0xFFFFFFFF  }
0xad: {  	s28 =	simm.s32 $_size_execute0_lowered;
	s3 =	sadd.s32 s3, s5;
	[dreg:$0x0] =	wrdreg $0x0  }
0xae: {  	s5 =	sshll.u32 s28, $0x1;
	[dreg:$0x2] =	wrdreg s3  }
0xaf: {  	[dreg:$0x3] =	wrdreg s5  }
0xb0: {  	[dreg:$0x4] =	wrdreg $0xC0  }
0xb1: {  	_ =	task [dreg:s7], $0x5FFFF  }
0xb2: {  	[dreg:$0x1] =	wrdreg $0xFFFFFFFF  }
0xb3: {  	[dreg:$0x0] =	wrdreg $0x60  }
0xb4: {  	[dreg:$0x2] =	wrdreg s16  }
0xb5: {  	[dreg:$0x3] =	wrdreg s24  }
0xb6: {  	[dreg:$0x4] =	wrdreg $0x9  }
0xb7: {  	_ =	task.clear_ibuf [dreg:s7], $0x5FFFF;
	_ =	strace $0x90000046  }
0xb8: {  	s29 =	simm.s32 $0x9;
	_ =	strace $0x80000048  }
0xb9: {  	_ =	swait.ge [sflag:s29], $0x1  }
0xba: {  	[sflag:s29] =	ssyncadd.s32 $0xFFFFFFFF  }
0xbb: {  	_ =	strace $0x90000048  }
0xbc: {  	_ =	sfence  }
0xbd: {  	s30 =	sld [smem:$0x0];
	_ =	sdelay $0x2  }
0xbe: {  	s31 =	sshll.u32 s1, $0xD;
	s1 =	sshrl.u32 s1, $0x2  }
0xbf: {  	s3 =	sand.u32 $0x4000, s31;
	s1 =	sadd.s32 s1, s30  }
0xc0: {  	s0 =	sor.u32 s3, s0;
	s1 =	sshll.u32 s1, $0x11  }
0xc1: {  	s0 =	sor.u32 s1, s0  }
0xc2: {  	s0 =	sadd.s32 $0x8F2B, s0  }
0xc3: {  	[sflag:s0] =	ssyncadd.remote.s32 $0x1  }
0xc4: {  	_ =	sfence.sel $0xFFFF  }
0xc5: {  	[dreg:$0x0] =	wrdreg $0xFFFFFFFF;
	(pc) =	sbr.abs _section_cstart, $3  }
0xc6: {  	[dreg:$0x1] =	wrdreg $0xFFFFFFFF  }
0xc7: {  	_ =	task.clear_ibuf [dreg:s7], $0x2FFFF;
	_ =	strace $0x9FFFFFFF  }
0xc8: {  	(tm) =	ssettm $0x7FFFFFFF  }
0xc9: {  	_ =	shalt  }
tec
execute0_lowered:
.L_overlay_start_1:
0x0: {  	(tag) =	ssettag $0x1  }
0x1: {  	s0 =	srdreg.scid  }
0x2: {  	s4 =	stileid.u32;
	s2 =	rddreg [dreg:$0x0];
	s6 =	sand.u32 $0x1, s0  }
0x3: {  	s7 =	rddreg [dreg:$0x1];
	s1 =	simm.s32 $0x1;
	s0 =	sor.u32 s4, s6  }
0x4: {  	p0 =	sne.s32 s4, $0x0;
	s3 =	sadd.s32 $0x9C00, s7;
	p1 =	seq.s32 s0, $0x0  }
0x5: {  	s9 =	sadd.s32 $0x1C00, s7;
	s10 =	sshll.u32 s4, $0x10;
	p1 =	por !p0, !p1  }
0x6: {  	s20 =	sadd.s32 $0x2000, s7;
	s13 =	sadd.s32 $0x2400, s7;
	p1 =	por !p1, !p1  }
0x7: {  	s22 =	sadd.s32 $0x2800, s7;
	s23 =	sadd.s32 $0x2C00, s7;
	s1 =	simm.s32 @!p1 $0x0  }
0x8: {  	s24 =	sadd.s32 $0x3000, s7;
	s25 =	sadd.s32 $0x3400, s7;
	s5 =	ssub.s32 s6, s1  }
0x9: {  	s17 =	ssub.s32 $0x2, s6;
	s0 =	simm.s32 $0x0;
	s11 =	sshll.u32 s5, $0xD  }
0xa: {  	s12 =	sshrl.u32 s17, $0x1;
	[smem:$0x7FF] =	sst s0;
	s11 =	sand.u32 $0x1FFFE000, s11  }
0xb: {  	s1 =	sadd.s32 $0x89C00, s7;
	s6 =	sor.u32 $0x2, s6;
	s18 =	sadd.s32 s9, s11  }
0xc: {  	s7 =	sadd.s32 $0x3800, s7;
	s14 =	sadd.s32 s11, s20;
	[dreg:$0x4] =	wrdreg s18  }
0xd: {  	s8 =	sshll.u32 s5, $0x14;
	s21 =	sadd.s32 s11, s13;
	[dreg:$0x5] =	wrdreg s14  }
0xe: {  	s8 =	sor.u32 s10, s8;
	s15 =	sadd.s32 s11, s22;
	[dreg:$0x6] =	wrdreg s21  }
0xf: {  	s5 =	sshrl.u32 s8, $0x3;
	s16 =	sadd.s32 s11, s23;
	[dreg:$0x7] =	wrdreg s15  }
0x10: {  	s8 =	ssub.s32 s17, s12;
	s26 =	sadd.s32 s11, s25;
	[dreg:$0x8] =	wrdreg s16  }
0x11: {  	s17 =	sshll.u32 s6, $0x14;
	s18 =	sadd.s32 s11, s24;
	[dreg:$0xa] =	wrdreg s26  }
0x12: {  	s6 =	sshll.u32 s6, $0xD;
	s11 =	sadd.s32 s11, s7;
	[dreg:$0x9] =	wrdreg s18  }
0x13: {  	s9 =	sadd.s32 s9, s6;
	[dreg:$0xb] =	wrdreg s11  }
0x14: {  	s4 =	sadd.s32 $0x200, s2;
	s12 =	sadd.s32 s6, s20;
	[dreg:$0xc] =	wrdreg s9  }
0x15: {  	s19 =	sadd.s32 s2, s5;
	s13 =	sadd.s32 s6, s13;
	[dreg:$0xd] =	wrdreg s12  }
0x16: {  	s10 =	sor.u32 s10, s17;
	s14 =	sadd.s32 s6, s22;
	[dreg:$0xe] =	wrdreg s13  }
0x17: {  	s15 =	sadd.s32 s6, s23;
	s17 =	sadd.s32 s6, s24;
	[dreg:$0xf] =	wrdreg s14  }
0x18: {  	s26 =	sadd.s32 s5, s4;
	s16 =	sadd.s32 $0xC00, s2;
	[dreg:$0x10] =	wrdreg s15  }
0x19: {  	[dreg:$0x11] =	wrdreg s17;
	s18 =	sadd.s32 s6, s25;
	s6 =	sadd.s32 s6, s7  }
0x1a: {  	v0 =	vimm.s32 $0x1780;
	vm0 =	vcmask $0x300;
	v1 =	vimm.s32 $0x8780;
	s14 =	sadd.s32 s3, s5;
	s20 =	sshrl.u32 s10, $0x3;
	[dreg:$0x15] =	wrdreg s26  }
0x1b: {  	vm1 =	vcmask $0x704;
	v0 =	vsel vm0, $0x0, v0;
	v1 =	vsel vm0, $0x0, v1;
	s9 =	sadd.s32 $0x400, s2;
	s10 =	sadd.s32 $0x600, s2;
	s12 =	sadd.s32 $0x800, s2  }
0x1c: {  	vm15 =	vcmask $0xB08;
	v0 =	vsel vm1, $0x80, v0;
	v1 =	vsel vm1, $0x80, v1;
	s15 =	sadd.s32 $0xA00, s2;
	s17 =	sadd.s32 $0xE00, s2;
	s24 =	sadd.s32 s5, s16  }
0x1d: {  	vm4 =	vcmask $0xF0C;
	v0 =	vsel vm15, $0x100, v0;
	v1 =	vsel vm15, $0x100, v1;
	s26 =	sadd.s32 s1, s5;
	s11 =	simm.s32 $0x0;
	[dreg:$0x12] =	wrdreg s18  }
0x1e: {  	vm5 =	vcmask $0x1310;
	v0 =	vsel vm4, $0x180, v0;
	v1 =	vsel vm4, $0x180, v1;
	[dreg:$0x13] =	wrdreg s6;
	s13 =	sadd.s32 s5, s9;
	s21 =	sadd.s32 s5, s10  }
0x1f: {  	vm6 =	vcmask $0x1714;
	v0 =	vsel vm5, $0x200, v0;
	v1 =	vsel vm5, $0x200, v1;
	s22 =	sadd.s32 s5, s12;
	s23 =	sadd.s32 s5, s15;
	s25 =	sadd.s32 s5, s17  }
0x20: {  	vm7 =	vcmask $0x1B18;
	v0 =	vsel vm6, $0x280, v0;
	v1 =	vsel vm6, $0x280, v1;
	s28 =	sadd.s32 s2, s20;
	s29 =	sadd.s32 s3, s20;
	s30 =	sadd.s32 s20, s4  }
0x21: {  	vm8 =	vcmask $0x1F1C;
	v0 =	vsel vm7, $0x300, v0;
	v1 =	vsel vm7, $0x300, v1;
	s31 =	sadd.s32 s20, s9;
	s2 =	sadd.s32 s20, s10;
	s3 =	sadd.s32 s20, s12  }
0x22: {  	vm9 =	vcmask $0x2320;
	v0 =	vsel vm8, $0x380, v0;
	v1 =	vsel vm8, $0x380, v1;
	s4 =	sadd.s32 s20, s15;
	s5 =	sadd.s32 s20, s16;
	s6 =	sadd.s32 s20, s17  }
0x23: {  	vm10 =	vcmask $0x2724;
	v0 =	vsel vm9, $0x1400, v0;
	v1 =	vsel vm9, $0x8400, v1;
	s7 =	sadd.s32 s1, s20;
	s18 =	smax.u32 s8, $0x1;
	s9 =	simm.s32 $0x1  }
0x24: {  	vm11 =	vcmask $0x2B28;
	v0 =	vsel vm10, $0x1480, v0;
	v1 =	vsel vm10, $0x8480, v1;
	s20 =	sadd.s32 $0x1000, s14;
	s12 =	simm.s32 $0x10800;
	[dreg:$0x16] =	wrdreg s13  }
0x25: {  	vm12 =	vcmask $0x2F2C;
	v0 =	vsel vm11, $0x1500, v0;
	v1 =	vsel vm11, $0x8500, v1;
	s15 =	simm.s32 $0x8400;
	_ =	strace $0x80000047;
	[dreg:$0x17] =	wrdreg s18  }
0x26: {  	vm13 =	vcmask $0x3330;
	v0 =	vsel vm12, $0x1580, v0;
	v1 =	vsel vm12, $0x8580, v1;
	s16 =	simm.s32 $0x3;
	s17 =	simm.s32 $0x13000;
	[dreg:$0x3] =	wrdreg s19  }
0x27: {  	vm14 =	vcmask $0x3734;
	v0 =	vsel vm13, $0x1600, v0;
	v1 =	vsel vm13, $0x8600, v1;
	s1 =	simm.s32 $0x14400;
	s8 =	simm.s32 $0x17800;
	[dreg:$0x14] =	wrdreg s14  }
0x28: {  	vm15 =	vcmask $0x3B38;
	s10 =	simm.s32 $0x2;
	v0 =	vsel vm14, $0x1680, v0;
	v1 =	vsel vm14, $0x8680, v1;
	s19 =	sadd.s32 $0x1000, s19;
	[dreg:$0x19] =	wrdreg s20  }
0x29: {  	s13 =	simm.s32 $0x11C00;
	s14 =	simm.s32 $0x15800;
	v0 =	vsel vm15, $0x1700, v0;
	v1 =	vsel vm15, $0x8700, v1;
	[dreg:$0x18] =	wrdreg s19  }
.LBB2_1:
0x2a: {  	s18 =	rddreg [dreg:$0x3]  }
0x2b: {  	[tilespmem:s12], [sflag:$0x1] =	stream.linear.gather [hbm4b:s18+s0], $0x1000, $0x38;
	[tilespmem:$0x19800] =	vst v63  }
0x2c: {  	s19 =	rddreg [dreg:$0x18]  }
0x2d: {  	[tilespmem:s13], [sflag:$0x1] =	stream.linear.gather [hbm4b:s19+s0], $0x1000, $0x38;
	[tilespmem:$0x19800] =	vst v63  }
0x2e: {  	s20 =	rddreg [dreg:$0x4]  }
0x2f: {  	[tilespmem:s14], [sflag:$0x1] =	stream.linear.gather [hbm4b:s20+s0], $0x2000, $0x38;
	[tilespmem:$0x19800] =	vst v63  }
0x30: {  	s19 =	rddreg [dreg:$0x14]  }
0x31: {  	[tilespmem:s0], [sflag:$0x3] =	stream.linear.gather [hbm4b:s19+s0], $0x8000, $0x38;
	[tilespmem:$0x19800] =	vst v63  }
0x32: {  	s20 =	rddreg [dreg:$0x19]  }
0x33: {  	[tilespmem:s15], [sflag:$0x3] =	stream.linear.gather [hbm4b:s20+s0], $0x8000, $0x38;
	[tilespmem:$0x19800] =	vst v63  }
0x34: {  	_ =	swait.ge [sflag:s16], $0x10000  }
0x35: {  	[sflag:s16] =	ssyncset.done $0x0  }
0x36: {  	[sflag:s16] =	ssyncadd.s32 $0xFFFF0000  }
0x37: {  	_ =	swait.ge [sflag:s9], $0x2000  }
0x38: {  	[sflag:s9] =	ssyncset.done $0x0  }
0x39: {  	[sflag:s9] =	ssyncadd.s32 $0xFFFFE000  }
0x3a: {  	_ =	swait.ge [sflag:s9], $0x2000  }
0x3b: {  	[sflag:s9] =	ssyncset.done $0x0  }
0x3c: {  	s19 =	rddreg [dreg:$0x15];
	[sflag:s9] =	ssyncadd.s32 $0xFFFFE000  }
0x3d: {  	[tilespmem:s17], [sflag:$0x2] =	stream.linear.gather [hbm4b:s19+s0], $0x1000, $0x38;
	[tilespmem:$0x19800] =	vst v63  }
0x3e: {  	s18 =	sadd.s32 $0x1000, s19  }
0x3f: {  	[tilespmem:s1], [sflag:$0x2] =	stream.linear.gather [hbm4b:s18+s0], $0x1000, $0x38;
	[tilespmem:$0x19800] =	vst v63  }
0x40: {  	s20 =	rddreg [dreg:$0x5];
	s19 =	simm.s32 $0x0;
	s18 =	simm.s32 $0x15840  }
0x41: {  	[tilespmem:s8], [sflag:$0x2] =	stream.linear.gather [hbm4b:s20+s0], $0x2000, $0x38;
	[tilespmem:$0x19800] =	vst v63  }
.LBB2_2:
0x42: {  	v2 =	vmov s19  }
0x43: {  	v3 =	vld [tilespmem:s18+$0xFFFFFFC0];
	v4 =	vshll.u32 v2, $0x3  }
0x44: {  	v2 =	vand.u32 $0x78, v2;
	v4 =	vand.u32 $0xC00, v4  }
0x45: {  	v2 =	vor.u32 v2, v4  }
0x46: {  	v2 =	vadd.s32 v0, v2;
	_ =	sdelay $0x1  }
0x47: {  	v49 =	vshll.u32 v3, $0x3  }
0x48: {  	v3 =	vand.u32 $0x7F, v3;
	v4 =	vand.u32 $0xFFFFFC00, v49  }
0x49: {  	v3 =	vor.u32 v3, v4  }
0x4a: {  	v3 =	vadd.s32 v1, v3;
	v2 =	vld.idx.msk [tilespmem:v2+s12+$0x0], $0xffff;
	_ =	sdelay $0x3  }
0x4b: {  	s20 =	sadd.s32 $0x1, s19  }
0x4c: {  	[tilespmem:v3+s0+$0x0] =	vst.idx.add.f32.msk $0xffff, v2;
	v2 =	vmov s20  }
0x4d: {  	v3 =	vld [tilespmem:s18+$0xFFFFFFD0];
	v50 =	vshll.u32 v2, $0x3  }
0x4e: {  	v2 =	vand.u32 $0x79, v2;
	v4 =	vand.u32 $0xC00, v50  }
0x4f: {  	v2 =	vor.u32 v2, v4  }
0x50: {  	v2 =	vadd.s32 v0, v2;
	_ =	sdelay $0x1  }
0x51: {  	v51 =	vshll.u32 v3, $0x3  }
0x52: {  	v3 =	vand.u32 $0x7F, v3;
	v4 =	vand.u32 $0xFFFFFC00, v51  }
0x53: {  	v3 =	vor.u32 v3, v4  }
0x54: {  	v2 =	vld.idx.msk [tilespmem:v2+s12+$0x0], $0xffff;
	v3 =	vadd.s32 v1, v3;
	_ =	sdelay $0x3  }
0x55: {  	s20 =	sadd.s32 $0x2, s19  }
0x56: {  	[tilespmem:v3+s0+$0x0] =	vst.idx.add.f32.msk $0xffff, v2;
	v2 =	vmov s20  }
0x57: {  	v3 =	vld [tilespmem:s18+$0xFFFFFFE0];
	v52 =	vshll.u32 v2, $0x3  }
0x58: {  	v2 =	vand.u32 $0x7A, v2;
	v4 =	vand.u32 $0xC00, v52  }
0x59: {  	v2 =	vor.u32 v2, v4  }
0x5a: {  	v2 =	vadd.s32 v0, v2;
	_ =	sdelay $0x1  }
0x5b: {  	v53 =	vshll.u32 v3, $0x3  }
0x5c: {  	v3 =	vand.u32 $0x7F, v3;
	v4 =	vand.u32 $0xFFFFFC00, v53  }
0x5d: {  	v3 =	vor.u32 v3, v4  }
0x5e: {  	v2 =	vld.idx.msk [tilespmem:v2+s12+$0x0], $0xffff;
	v3 =	vadd.s32 v1, v3;
	_ =	sdelay $0x3  }
0x5f: {  	s20 =	sadd.s32 $0x3, s19  }
0x60: {  	[tilespmem:v3+s0+$0x0] =	vst.idx.add.f32.msk $0xffff, v2;
	v2 =	vmov s20  }
0x61: {  	v3 =	vld [tilespmem:s18+$0xFFFFFFF0];
	v54 =	vshll.u32 v2, $0x3  }
0x62: {  	v2 =	vand.u32 $0x7B, v2;
	v4 =	vand.u32 $0xC00, v54  }
0x63: {  	v2 =	vor.u32 v2, v4  }
0x64: {  	v2 =	vadd.s32 v0, v2;
	_ =	sdelay $0x1  }
0x65: {  	v55 =	vshll.u32 v3, $0x3  }
0x66: {  	v3 =	vand.u32 $0x7F, v3;
	v4 =	vand.u32 $0xFFFFFC00, v55  }
0x67: {  	v3 =	vor.u32 v3, v4  }
0x68: {  	v2 =	vld.idx.msk [tilespmem:v2+s12+$0x0], $0xffff;
	v3 =	vadd.s32 v1, v3;
	_ =	sdelay $0x3  }
0x69: {  	s20 =	sadd.s32 $0x4, s19  }
0x6a: {  	[tilespmem:v3+s0+$0x0] =	vst.idx.add.f32.msk $0xffff, v2;
	v2 =	vmov s20  }
0x6b: {  	v3 =	vld [tilespmem:s18+$0x0];
	v56 =	vshll.u32 v2, $0x3  }
0x6c: {  	v2 =	vand.u32 $0x7C, v2;
	v4 =	vand.u32 $0xC00, v56  }
0x6d: {  	v2 =	vor.u32 v2, v4  }
0x6e: {  	v2 =	vadd.s32 v0, v2;
	_ =	sdelay $0x1  }
0x6f: {  	v57 =	vshll.u32 v3, $0x3  }
0x70: {  	v3 =	vand.u32 $0x7F, v3;
	v4 =	vand.u32 $0xFFFFFC00, v57  }
0x71: {  	v3 =	vor.u32 v3, v4  }
0x72: {  	v2 =	vld.idx.msk [tilespmem:v2+s12+$0x0], $0xffff;
	v3 =	vadd.s32 v1, v3;
	_ =	sdelay $0x3  }
0x73: {  	s20 =	sadd.s32 $0x5, s19  }
0x74: {  	[tilespmem:v3+s0+$0x0] =	vst.idx.add.f32.msk $0xffff, v2;
	v2 =	vmov s20  }
0x75: {  	v3 =	vld [tilespmem:s18+$0x10];
	v58 =	vshll.u32 v2, $0x3  }
0x76: {  	v2 =	vand.u32 $0x7D, v2;
	v4 =	vand.u32 $0xC00, v58  }
0x77: {  	v2 =	vor.u32 v2, v4  }
0x78: {  	v2 =	vadd.s32 v0, v2;
	_ =	sdelay $0x1  }
0x79: {  	v59 =	vshll.u32 v3, $0x3  }
0x7a: {  	v3 =	vand.u32 $0x7F, v3;
	v4 =	vand.u32 $0xFFFFFC00, v59  }
0x7b: {  	v3 =	vor.u32 v3, v4  }
0x7c: {  	v2 =	vld.idx.msk [tilespmem:v2+s12+$0x0], $0xffff;
	v3 =	vadd.s32 v1, v3;
	_ =	sdelay $0x3  }
0x7d: {  	s20 =	sadd.s32 $0x6, s19  }
0x7e: {  	[tilespmem:v3+s0+$0x0] =	vst.idx.add.f32.msk $0xffff, v2;
	v2 =	vmov s20  }
0x7f: {  	v3 =	vld [tilespmem:s18+$0x20];
	v60 =	vshll.u32 v2, $0x3  }
0x80: {  	v2 =	vand.u32 $0x7E, v2;
	v4 =	vand.u32 $0xC00, v60  }
0x81: {  	v2 =	vor.u32 v2, v4  }
0x82: {  	v2 =	vadd.s32 v0, v2;
	_ =	sdelay $0x1  }
0x83: {  	v61 =	vshll.u32 v3, $0x3  }
0x84: {  	v3 =	vand.u32 $0x7F, v3;
	v4 =	vand.u32 $0xFFFFFC00, v61  }
0x85: {  	v3 =	vor.u32 v3, v4  }
0x86: {  	v2 =	vld.idx.msk [tilespmem:v2+s12+$0x0], $0xffff;
	v3 =	vadd.s32 v1, v3;
	_ =	sdelay $0x3  }
0x87: {  	s20 =	sadd.s32 $0x7, s19  }
0x88: {  	[tilespmem:v3+s0+$0x0] =	vst.idx.add.f32.msk $0xffff, v2;
	v2 =	vmov s20  }
0x89: {  	v3 =	vld [tilespmem:s18+$0x30];
	v62 =	vshll.u32 v2, $0x3  }
0x8a: {  	v2 =	vand.u32 $0x7F, v2;
	v4 =	vand.u32 $0xC00, v62  }
0x8b: {  	v2 =	vor.u32 v2, v4  }
0x8c: {  	v2 =	vadd.s32 v0, v2;
	_ =	sdelay $0x1  }
0x8d: {  	v63 =	vshll.u32 v3, $0x3  }
0x8e: {  	v3 =	vand.u32 $0x7F, v3;
	v4 =	vand.u32 $0xFFFFFC00, v63  }
0x8f: {  	v3 =	vor.u32 v3, v4  }
0x90: {  	p1 =	slt.u32 s19, $0x1F8;
	v2 =	vld.idx.msk [tilespmem:v2+s12+$0x0], $0xffff;
	v3 =	vadd.s32 v1, v3  }
.Ltmp0:
0x91: {  	_ = 	snop;
	(pc) =	sbr.rel @p1 .LBB2_2-.Ltmp0, $2  }
0x92: {  	_ =	sdelay $0x2  }
0x93: {  	s19 =	sadd.s32 $0x8, s19;
	s18 =	sadd.s32 $0x80, s18;
	[tilespmem:v3+s0+$0x0] =	vst.idx.add.f32.msk $0xffff, v2  }
0x94: {  	_ =	swait.ge [sflag:s10], $0x2000  }
0x95: {  	[sflag:s10] =	ssyncset.done $0x0  }
0x96: {  	[sflag:s10] =	ssyncadd.s32 $0xFFFFE000  }
0x97: {  	_ =	swait.ge [sflag:s10], $0x2000  }
0x98: {  	[sflag:s10] =	ssyncset.done $0x0  }
0x99: {  	s18 =	simm.s32 $0x0;
	s19 =	rddreg [dreg:$0x16];
	[sflag:s10] =	ssyncadd.s32 $0xFFFFE000  }
0x9a: {  	[tilespmem:s12], [sflag:$0x1] =	stream.linear.gather [hbm4b:s19+s18], $0x1000, $0x38;
	[tilespmem:$0x19800] =	vst v63  }
0x9b: {  	s19 =	sadd.s32 $0x1000, s19  }
0x9c: {  	[tilespmem:s13], [sflag:$0x1] =	stream.linear.gather [hbm4b:s19+s18], $0x1000, $0x38;
	[tilespmem:$0x19800] =	vst v63  }
0x9d: {  	s20 =	rddreg [dreg:$0x6];
	s19 =	simm.s32 $0x17840  }
0x9e: {  	[tilespmem:s14], [sflag:$0x1] =	stream.linear.gather [hbm4b:s20+s18], $0x2000, $0x38;
	[tilespmem:$0x19800] =	vst v63  }
.LBB2_4:
0x9f: {  	v2 =	vmov s18  }
0xa0: {  	v3 =	vld [tilespmem:s19+$0xFFFFFFC0];
	v4 =	vshll.u32 v2, $0x3  }
0xa1: {  	v2 =	vand.u32 $0x78, v2;
	v4 =	vand.u32 $0xC00, v4  }
0xa2: {  	v2 =	vor.u32 v2, v4  }
0xa3: {  	v2 =	vadd.s32 v0, v2;
	_ =	sdelay $0x1  }
0xa4: {  	v49 =	vshll.u32 v3, $0x3  }
0xa5: {  	v3 =	vand.u32 $0x7F, v3;
	v4 =	vand.u32 $0xFFFFFC00, v49  }
0xa6: {  	v3 =	vor.u32 v3, v4  }
0xa7: {  	v3 =	vadd.s32 v1, v3;
	v2 =	vld.idx.msk [tilespmem:v2+s17+$0x0], $0xffff;
	_ =	sdelay $0x3  }
0xa8: {  	s20 =	sadd.s32 $0x1, s18  }
0xa9: {  	[tilespmem:v3+s0+$0x0] =	vst.idx.add.f32.msk $0xffff, v2;
	v2 =	vmov s20  }
0xaa: {  	v3 =	vld [tilespmem:s19+$0xFFFFFFD0];
	v50 =	vshll.u32 v2, $0x3  }
0xab: {  	v2 =	vand.u32 $0x79, v2;
	v4 =	vand.u32 $0xC00, v50  }
0xac: {  	v2 =	vor.u32 v2, v4  }
0xad: {  	v2 =	vadd.s32 v0, v2;
	_ =	sdelay $0x1  }
0xae: {  	v51 =	vshll.u32 v3, $0x3  }
0xaf: {  	v3 =	vand.u32 $0x7F, v3;
	v4 =	vand.u32 $0xFFFFFC00, v51  }
0xb0: {  	v3 =	vor.u32 v3, v4  }
0xb1: {  	v2 =	vld.idx.msk [tilespmem:v2+s17+$0x0], $0xffff;
	v3 =	vadd.s32 v1, v3;
	_ =	sdelay $0x3  }
0xb2: {  	s20 =	sadd.s32 $0x2, s18  }
0xb3: {  	[tilespmem:v3+s0+$0x0] =	vst.idx.add.f32.msk $0xffff, v2;
	v2 =	vmov s20  }
0xb4: {  	v3 =	vld [tilespmem:s19+$0xFFFFFFE0];
	v52 =	vshll.u32 v2, $0x3  }
0xb5: {  	v2 =	vand.u32 $0x7A, v2;
	v4 =	vand.u32 $0xC00, v52  }
0xb6: {  	v2 =	vor.u32 v2, v4  }
0xb7: {  	v2 =	vadd.s32 v0, v2;
	_ =	sdelay $0x1  }
0xb8: {  	v53 =	vshll.u32 v3, $0x3  }
0xb9: {  	v3 =	vand.u32 $0x7F, v3;
	v4 =	vand.u32 $0xFFFFFC00, v53  }
0xba: {  	v3 =	vor.u32 v3, v4  }
0xbb: {  	v2 =	vld.idx.msk [tilespmem:v2+s17+$0x0], $0xffff;
	v3 =	vadd.s32 v1, v3;
	_ =	sdelay $0x3  }
0xbc: {  	s20 =	sadd.s32 $0x3, s18  }
0xbd: {  	[tilespmem:v3+s0+$0x0] =	vst.idx.add.f32.msk $0xffff, v2;
	v2 =	vmov s20  }
0xbe: {  	v3 =	vld [tilespmem:s19+$0xFFFFFFF0];
	v54 =	vshll.u32 v2, $0x3  }
0xbf: {  	v2 =	vand.u32 $0x7B, v2;
	v4 =	vand.u32 $0xC00, v54  }
0xc0: {  	v2 =	vor.u32 v2, v4  }
0xc1: {  	v2 =	vadd.s32 v0, v2;
	_ =	sdelay $0x1  }
0xc2: {  	v55 =	vshll.u32 v3, $0x3  }
0xc3: {  	v3 =	vand.u32 $0x7F, v3;
	v4 =	vand.u32 $0xFFFFFC00, v55  }
0xc4: {  	v3 =	vor.u32 v3, v4  }
0xc5: {  	v2 =	vld.idx.msk [tilespmem:v2+s17+$0x0], $0xffff;
	v3 =	vadd.s32 v1, v3;
	_ =	sdelay $0x3  }
0xc6: {  	s20 =	sadd.s32 $0x4, s18  }
0xc7: {  	[tilespmem:v3+s0+$0x0] =	vst.idx.add.f32.msk $0xffff, v2;
	v2 =	vmov s20  }
0xc8: {  	v3 =	vld [tilespmem:s19+$0x0];
	v56 =	vshll.u32 v2, $0x3  }
0xc9: {  	v2 =	vand.u32 $0x7C, v2;
	v4 =	vand.u32 $0xC00, v56  }
0xca: {  	v2 =	vor.u32 v2, v4  }
0xcb: {  	v2 =	vadd.s32 v0, v2;
	_ =	sdelay $0x1  }
0xcc: {  	v57 =	vshll.u32 v3, $0x3  }
0xcd: {  	v3 =	vand.u32 $0x7F, v3;
	v4 =	vand.u32 $0xFFFFFC00, v57  }
0xce: {  	v3 =	vor.u32 v3, v4  }
0xcf: {  	v2 =	vld.idx.msk [tilespmem:v2+s17+$0x0], $0xffff;
	v3 =	vadd.s32 v1, v3;
	_ =	sdelay $0x3  }
0xd0: {  	s20 =	sadd.s32 $0x5, s18  }
0xd1: {  	[tilespmem:v3+s0+$0x0] =	vst.idx.add.f32.msk $0xffff, v2;
	v2 =	vmov s20  }
0xd2: {  	v3 =	vld [tilespmem:s19+$0x10];
	v58 =	vshll.u32 v2, $0x3  }
0xd3: {  	v2 =	vand.u32 $0x7D, v2;
	v4 =	vand.u32 $0xC00, v58  }
0xd4: {  	v2 =	vor.u32 v2, v4  }
0xd5: {  	v2 =	vadd.s32 v0, v2;
	_ =	sdelay $0x1  }
0xd6: {  	v59 =	vshll.u32 v3, $0x3  }
0xd7: {  	v3 =	vand.u32 $0x7F, v3;
	v4 =	vand.u32 $0xFFFFFC00, v59  }
0xd8: {  	v3 =	vor.u32 v3, v4  }
0xd9: {  	v2 =	vld.idx.msk [tilespmem:v2+s17+$0x0], $0xffff;
	v3 =	vadd.s32 v1, v3;
	_ =	sdelay $0x3  }
0xda: {  	s20 =	sadd.s32 $0x6, s18  }
0xdb: {  	[tilespmem:v3+s0+$0x0] =	vst.idx.add.f32.msk $0xffff, v2;
	v2 =	vmov s20  }
0xdc: {  	v3 =	vld [tilespmem:s19+$0x20];
	v60 =	vshll.u32 v2, $0x3  }
0xdd: {  	v2 =	vand.u32 $0x7E, v2;
	v4 =	vand.u32 $0xC00, v60  }
0xde: {  	v2 =	vor.u32 v2, v4  }
0xdf: {  	v2 =	vadd.s32 v0, v2;
	_ =	sdelay $0x1  }
0xe0: {  	v61 =	vshll.u32 v3, $0x3  }
0xe1: {  	v3 =	vand.u32 $0x7F, v3;
	v4 =	vand.u32 $0xFFFFFC00, v61  }
0xe2: {  	v3 =	vor.u32 v3, v4  }
0xe3: {  	v2 =	vld.idx.msk [tilespmem:v2+s17+$0x0], $0xffff;
	v3 =	vadd.s32 v1, v3;
	_ =	sdelay $0x3  }
0xe4: {  	s20 =	sadd.s32 $0x7, s18  }
0xe5: {  	[tilespmem:v3+s0+$0x0] =	vst.idx.add.f32.msk $0xffff, v2;
	v2 =	vmov s20  }
0xe6: {  	v3 =	vld [tilespmem:s19+$0x30];
	v62 =	vshll.u32 v2, $0x3  }
0xe7: {  	v2 =	vand.u32 $0x7F, v2;
	v4 =	vand.u32 $0xC00, v62  }
0xe8: {  	v2 =	vor.u32 v2, v4  }
0xe9: {  	v2 =	vadd.s32 v0, v2;
	_ =	sdelay $0x1  }
0xea: {  	v63 =	vshll.u32 v3, $0x3  }
0xeb: {  	v3 =	vand.u32 $0x7F, v3;
	v4 =	vand.u32 $0xFFFFFC00, v63  }
0xec: {  	v3 =	vor.u32 v3, v4  }
0xed: {  	p1 =	slt.u32 s18, $0x1F8;
	v2 =	vld.idx.msk [tilespmem:v2+s17+$0x0], $0xffff;
	v3 =	vadd.s32 v1, v3  }
.Ltmp1:
0xee: {  	_ = 	snop;
	(pc) =	sbr.rel @p1 .LBB2_4-.Ltmp1, $2  }
0xef: {  	_ =	sdelay $0x2  }
0xf0: {  	s18 =	sadd.s32 $0x8, s18;
	s19 =	sadd.s32 $0x80, s19;
	[tilespmem:v3+s0+$0x0] =	vst.idx.add.f32.msk $0xffff, v2  }
0xf1: {  	_ =	swait.ge [sflag:s9], $0x2000  }
0xf2: {  	[sflag:s9] =	ssyncset.done $0x0  }
0xf3: {  	[sflag:s9] =	ssyncadd.s32 $0xFFFFE000  }
0xf4: {  	_ =	swait.ge [sflag:s9], $0x2000  }
0xf5: {  	[sflag:s9] =	ssyncset.done $0x0  }
0xf6: {  	s18 =	simm.s32 $0x0;
	[sflag:s9] =	ssyncadd.s32 $0xFFFFE000  }
0xf7: {  	[tilespmem:s17], [sflag:$0x2] =	stream.linear.gather [hbm4b:s21+s18], $0x1000, $0x38;
	[tilespmem:$0x19800] =	vst v63  }
0xf8: {  	s19 =	sadd.s32 $0x1000, s21  }
0xf9: {  	[tilespmem:s1], [sflag:$0x2] =	stream.linear.gather [hbm4b:s19+s18], $0x1000, $0x38;
	[tilespmem:$0x19800] =	vst v63  }
0xfa: {  	s20 =	rddreg [dreg:$0x7];
	s19 =	simm.s32 $0x15840  }
0xfb: {  	[tilespmem:s8], [sflag:$0x2] =	stream.linear.gather [hbm4b:s20+s18], $0x2000, $0x38;
	[tilespmem:$0x19800] =	vst v63  }
.LBB2_6:
0xfc: {  	v2 =	vmov s18  }
0xfd: {  	v3 =	vld [tilespmem:s19+$0xFFFFFFC0];
	v4 =	vshll.u32 v2, $0x3  }
0xfe: {  	v2 =	vand.u32 $0x78, v2;
	v4 =	vand.u32 $0xC00, v4  }
0xff: {  	v2 =	vor.u32 v2, v4  }
0x100: {  	v2 =	vadd.s32 v0, v2;
	_ =	sdelay $0x1  }
0x101: {  	v49 =	vshll.u32 v3, $0x3  }
0x102: {  	v3 =	vand.u32 $0x7F, v3;
	v4 =	vand.u32 $0xFFFFFC00, v49  }
0x103: {  	v3 =	vor.u32 v3, v4  }
0x104: {  	v3 =	vadd.s32 v1, v3;
	v2 =	vld.idx.msk [tilespmem:v2+s12+$0x0], $0xffff;
	_ =	sdelay $0x3  }
0x105: {  	s20 =	sadd.s32 $0x1, s18  }
0x106: {  	[tilespmem:v3+s0+$0x0] =	vst.idx.add.f32.msk $0xffff, v2;
	v2 =	vmov s20  }
0x107: {  	v3 =	vld [tilespmem:s19+$0xFFFFFFD0];
	v50 =	vshll.u32 v2, $0x3  }
0x108: {  	v2 =	vand.u32 $0x79, v2;
	v4 =	vand.u32 $0xC00, v50  }
0x109: {  	v2 =	vor.u32 v2, v4  }
0x10a: {  	v2 =	vadd.s32 v0, v2;
	_ =	sdelay $0x1  }
0x10b: {  	v51 =	vshll.u32 v3, $0x3  }
0x10c: {  	v3 =	vand.u32 $0x7F, v3;
	v4 =	vand.u32 $0xFFFFFC00, v51  }
0x10d: {  	v3 =	vor.u32 v3, v4  }
0x10e: {  	v2 =	vld.idx.msk [tilespmem:v2+s12+$0x0], $0xffff;
	v3 =	vadd.s32 v1, v3;
	_ =	sdelay $0x3  }
0x10f: {  	s20 =	sadd.s32 $0x2, s18  }
0x110: {  	[tilespmem:v3+s0+$0x0] =	vst.idx.add.f32.msk $0xffff, v2;
	v2 =	vmov s20  }
0x111: {  	v3 =	vld [tilespmem:s19+$0xFFFFFFE0];
	v52 =	vshll.u32 v2, $0x3  }
0x112: {  	v2 =	vand.u32 $0x7A, v2;
	v4 =	vand.u32 $0xC00, v52  }
0x113: {  	v2 =	vor.u32 v2, v4  }
0x114: {  	v2 =	vadd.s32 v0, v2;
	_ =	sdelay $0x1  }
0x115: {  	v53 =	vshll.u32 v3, $0x3  }
0x116: {  	v3 =	vand.u32 $0x7F, v3;
	v4 =	vand.u32 $0xFFFFFC00, v53  }
0x117: {  	v3 =	vor.u32 v3, v4  }
0x118: {  	v2 =	vld.idx.msk [tilespmem:v2+s12+$0x0], $0xffff;
	v3 =	vadd.s32 v1, v3;
	_ =	sdelay $0x3  }
0x119: {  	s20 =	sadd.s32 $0x3, s18  }
0x11a: {  	[tilespmem:v3+s0+$0x0] =	vst.idx.add.f32.msk $0xffff, v2;
	v2 =	vmov s20  }
0x11b: {  	v3 =	vld [tilespmem:s19+$0xFFFFFFF0];
	v54 =	vshll.u32 v2, $0x3  }
0x11c: {  	v2 =	vand.u32 $0x7B, v2;
	v4 =	vand.u32 $0xC00, v54  }
0x11d: {  	v2 =	vor.u32 v2, v4  }
0x11e: {  	v2 =	vadd.s32 v0, v2;
	_ =	sdelay $0x1  }
0x11f: {  	v55 =	vshll.u32 v3, $0x3  }
0x120: {  	v3 =	vand.u32 $0x7F, v3;
	v4 =	vand.u32 $0xFFFFFC00, v55  }
0x121: {  	v3 =	vor.u32 v3, v4  }
0x122: {  	v2 =	vld.idx.msk [tilespmem:v2+s12+$0x0], $0xffff;
	v3 =	vadd.s32 v1, v3;
	_ =	sdelay $0x3  }
0x123: {  	s20 =	sadd.s32 $0x4, s18  }
0x124: {  	[tilespmem:v3+s0+$0x0] =	vst.idx.add.f32.msk $0xffff, v2;
	v2 =	vmov s20  }
0x125: {  	v3 =	vld [tilespmem:s19+$0x0];
	v56 =	vshll.u32 v2, $0x3  }
0x126: {  	v2 =	vand.u32 $0x7C, v2;
	v4 =	vand.u32 $0xC00, v56  }
0x127: {  	v2 =	vor.u32 v2, v4  }
0x128: {  	v2 =	vadd.s32 v0, v2;
	_ =	sdelay $0x1  }
0x129: {  	v57 =	vshll.u32 v3, $0x3  }
0x12a: {  	v3 =	vand.u32 $0x7F, v3;
	v4 =	vand.u32 $0xFFFFFC00, v57  }
0x12b: {  	v3 =	vor.u32 v3, v4  }
0x12c: {  	v2 =	vld.idx.msk [tilespmem:v2+s12+$0x0], $0xffff;
	v3 =	vadd.s32 v1, v3;
	_ =	sdelay $0x3  }
0x12d: {  	s20 =	sadd.s32 $0x5, s18  }
0x12e: {  	[tilespmem:v3+s0+$0x0] =	vst.idx.add.f32.msk $0xffff, v2;
	v2 =	vmov s20  }
0x12f: {  	v3 =	vld [tilespmem:s19+$0x10];
	v58 =	vshll.u32 v2, $0x3  }
0x130: {  	v2 =	vand.u32 $0x7D, v2;
	v4 =	vand.u32 $0xC00, v58  }
0x131: {  	v2 =	vor.u32 v2, v4  }
0x132: {  	v2 =	vadd.s32 v0, v2;
	_ =	sdelay $0x1  }
0x133: {  	v59 =	vshll.u32 v3, $0x3  }
0x134: {  	v3 =	vand.u32 $0x7F, v3;
	v4 =	vand.u32 $0xFFFFFC00, v59  }
0x135: {  	v3 =	vor.u32 v3, v4  }
0x136: {  	v2 =	vld.idx.msk [tilespmem:v2+s12+$0x0], $0xffff;
	v3 =	vadd.s32 v1, v3;
	_ =	sdelay $0x3  }
0x137: {  	s20 =	sadd.s32 $0x6, s18  }
0x138: {  	[tilespmem:v3+s0+$0x0] =	vst.idx.add.f32.msk $0xffff, v2;
	v2 =	vmov s20  }
0x139: {  	v3 =	vld [tilespmem:s19+$0x20];
	v60 =	vshll.u32 v2, $0x3  }
0x13a: {  	v2 =	vand.u32 $0x7E, v2;
	v4 =	vand.u32 $0xC00, v60  }
0x13b: {  	v2 =	vor.u32 v2, v4  }
0x13c: {  	v2 =	vadd.s32 v0, v2;
	_ =	sdelay $0x1  }
0x13d: {  	v61 =	vshll.u32 v3, $0x3  }
0x13e: {  	v3 =	vand.u32 $0x7F, v3;
	v4 =	vand.u32 $0xFFFFFC00, v61  }
0x13f: {  	v3 =	vor.u32 v3, v4  }
0x140: {  	v2 =	vld.idx.msk [tilespmem:v2+s12+$0x0], $0xffff;
	v3 =	vadd.s32 v1, v3;
	_ =	sdelay $0x3  }
0x141: {  	s20 =	sadd.s32 $0x7, s18  }
0x142: {  	[tilespmem:v3+s0+$0x0] =	vst.idx.add.f32.msk $0xffff, v2;
	v2 =	vmov s20  }
0x143: {  	v3 =	vld [tilespmem:s19+$0x30];
	v62 =	vshll.u32 v2, $0x3  }
0x144: {  	v2 =	vand.u32 $0x7F, v2;
	v4 =	vand.u32 $0xC00, v62  }
0x145: {  	v2 =	vor.u32 v2, v4  }
0x146: {  	v2 =	vadd.s32 v0, v2;
	_ =	sdelay $0x1  }
0x147: {  	v63 =	vshll.u32 v3, $0x3  }
0x148: {  	v3 =	vand.u32 $0x7F, v3;
	v4 =	vand.u32 $0xFFFFFC00, v63  }
0x149: {  	v3 =	vor.u32 v3, v4  }
0x14a: {  	p1 =	slt.u32 s18, $0x1F8;
	v2 =	vld.idx.msk [tilespmem:v2+s12+$0x0], $0xffff;
	v3 =	vadd.s32 v1, v3  }
.Ltmp2:
0x14b: {  	_ = 	snop;
	(pc) =	sbr.rel @p1 .LBB2_6-.Ltmp2, $2  }
0x14c: {  	_ =	sdelay $0x2  }
0x14d: {  	s18 =	sadd.s32 $0x8, s18;
	s19 =	sadd.s32 $0x80, s19;
	[tilespmem:v3+s0+$0x0] =	vst.idx.add.f32.msk $0xffff, v2  }
0x14e: {  	_ =	swait.ge [sflag:s10], $0x2000  }
0x14f: {  	[sflag:s10] =	ssyncset.done $0x0  }
0x150: {  	[sflag:s10] =	ssyncadd.s32 $0xFFFFE000  }
0x151: {  	_ =	swait.ge [sflag:s10], $0x2000  }
0x152: {  	[sflag:s10] =	ssyncset.done $0x0  }
0x153: {  	s18 =	simm.s32 $0x0;
	[sflag:s10] =	ssyncadd.s32 $0xFFFFE000  }
0x154: {  	[tilespmem:s12], [sflag:$0x1] =	stream.linear.gather [hbm4b:s22+s18], $0x1000, $0x38;
	[tilespmem:$0x19800] =	vst v63  }
0x155: {  	s19 =	sadd.s32 $0x1000, s22  }
0x156: {  	[tilespmem:s13], [sflag:$0x1] =	stream.linear.gather [hbm4b:s19+s18], $0x1000, $0x38;
	[tilespmem:$0x19800] =	vst v63  }
0x157: {  	s20 =	rddreg [dreg:$0x8];
	s19 =	simm.s32 $0x17840  }
0x158: {  	[tilespmem:s14], [sflag:$0x1] =	stream.linear.gather [hbm4b:s20+s18], $0x2000, $0x38;
	[tilespmem:$0x19800] =	vst v63  }
.LBB2_8:
0x159: {  	v2 =	vmov s18  }
0x15a: {  	v3 =	vld [tilespmem:s19+$0xFFFFFFC0];
	v4 =	vshll.u32 v2, $0x3  }
0x15b: {  	v2 =	vand.u32 $0x78, v2;
	v4 =	vand.u32 $0xC00, v4  }
0x15c: {  	v2 =	vor.u32 v2, v4  }
0x15d: {  	v2 =	vadd.s32 v0, v2;
	_ =	sdelay $0x1  }
0x15e: {  	v49 =	vshll.u32 v3, $0x3  }
0x15f: {  	v3 =	vand.u32 $0x7F, v3;
	v4 =	vand.u32 $0xFFFFFC00, v49  }
0x160: {  	v3 =	vor.u32 v3, v4  }
0x161: {  	v3 =	vadd.s32 v1, v3;
	v2 =	vld.idx.msk [tilespmem:v2+s17+$0x0], $0xffff;
	_ =	sdelay $0x3  }
0x162: {  	s20 =	sadd.s32 $0x1, s18  }
0x163: {  	[tilespmem:v3+s0+$0x0] =	vst.idx.add.f32.msk $0xffff, v2;
	v2 =	vmov s20  }
0x164: {  	v3 =	vld [tilespmem:s19+$0xFFFFFFD0];
	v50 =	vshll.u32 v2, $0x3  }
0x165: {  	v2 =	vand.u32 $0x79, v2;
	v4 =	vand.u32 $0xC00, v50  }
0x166: {  	v2 =	vor.u32 v2, v4  }
0x167: {  	v2 =	vadd.s32 v0, v2;
	_ =	sdelay $0x1  }
0x168: {  	v51 =	vshll.u32 v3, $0x3  }
0x169: {  	v3 =	vand.u32 $0x7F, v3;
	v4 =	vand.u32 $0xFFFFFC00, v51  }
0x16a: {  	v3 =	vor.u32 v3, v4  }
0x16b: {  	v2 =	vld.idx.msk [tilespmem:v2+s17+$0x0], $0xffff;
	v3 =	vadd.s32 v1, v3;
	_ =	sdelay $0x3  }
0x16c: {  	s20 =	sadd.s32 $0x2, s18  }
0x16d: {  	[tilespmem:v3+s0+$0x0] =	vst.idx.add.f32.msk $0xffff, v2;
	v2 =	vmov s20  }
0x16e: {  	v3 =	vld [tilespmem:s19+$0xFFFFFFE0];
	v52 =	vshll.u32 v2, $0x3  }
0x16f: {  	v2 =	vand.u32 $0x7A, v2;
	v4 =	vand.u32 $0xC00, v52  }
0x170: {  	v2 =	vor.u32 v2, v4  }
0x171: {  	v2 =	vadd.s32 v0, v2;
	_ =	sdelay $0x1  }
0x172: {  	v53 =	vshll.u32 v3, $0x3  }
0x173: {  	v3 =	vand.u32 $0x7F, v3;
	v4 =	vand.u32 $0xFFFFFC00, v53  }
0x174: {  	v3 =	vor.u32 v3, v4  }
0x175: {  	v2 =	vld.idx.msk [tilespmem:v2+s17+$0x0], $0xffff;
	v3 =	vadd.s32 v1, v3;
	_ =	sdelay $0x3  }
0x176: {  	s20 =	sadd.s32 $0x3, s18  }
0x177: {  	[tilespmem:v3+s0+$0x0] =	vst.idx.add.f32.msk $0xffff, v2;
	v2 =	vmov s20  }
0x178: {  	v3 =	vld [tilespmem:s19+$0xFFFFFFF0];
	v54 =	vshll.u32 v2, $0x3  }
0x179: {  	v2 =	vand.u32 $0x7B, v2;
	v4 =	vand.u32 $0xC00, v54  }
0x17a: {  	v2 =	vor.u32 v2, v4  }
0x17b: {  	v2 =	vadd.s32 v0, v2;
	_ =	sdelay $0x1  }
0x17c: {  	v55 =	vshll.u32 v3, $0x3  }
0x17d: {  	v3 =	vand.u32 $0x7F, v3;
	v4 =	vand.u32 $0xFFFFFC00, v55  }
0x17e: {  	v3 =	vor.u32 v3, v4  }
0x17f: {  	v2 =	vld.idx.msk [tilespmem:v2+s17+$0x0], $0xffff;
	v3 =	vadd.s32 v1, v3;
	_ =	sdelay $0x3  }
0x180: {  	s20 =	sadd.s32 $0x4, s18  }
0x181: {  	[tilespmem:v3+s0+$0x0] =	vst.idx.add.f32.msk $0xffff, v2;
	v2 =	vmov s20  }
0x182: {  	v3 =	vld [tilespmem:s19+$0x0];
	v56 =	vshll.u32 v2, $0x3  }
0x183: {  	v2 =	vand.u32 $0x7C, v2;
	v4 =	vand.u32 $0xC00, v56  }
0x184: {  	v2 =	vor.u32 v2, v4  }
0x185: {  	v2 =	vadd.s32 v0, v2;
	_ =	sdelay $0x1  }
0x186: {  	v57 =	vshll.u32 v3, $0x3  }
0x187: {  	v3 =	vand.u32 $0x7F, v3;
	v4 =	vand.u32 $0xFFFFFC00, v57  }
0x188: {  	v3 =	vor.u32 v3, v4  }
0x189: {  	v2 =	vld.idx.msk [tilespmem:v2+s17+$0x0], $0xffff;
	v3 =	vadd.s32 v1, v3;
	_ =	sdelay $0x3  }
0x18a: {  	s20 =	sadd.s32 $0x5, s18  }
0x18b: {  	[tilespmem:v3+s0+$0x0] =	vst.idx.add.f32.msk $0xffff, v2;
	v2 =	vmov s20  }
0x18c: {  	v3 =	vld [tilespmem:s19+$0x10];
	v58 =	vshll.u32 v2, $0x3  }
0x18d: {  	v2 =	vand.u32 $0x7D, v2;
	v4 =	vand.u32 $0xC00, v58  }
0x18e: {  	v2 =	vor.u32 v2, v4  }
0x18f: {  	v2 =	vadd.s32 v0, v2;
	_ =	sdelay $0x1  }
0x190: {  	v59 =	vshll.u32 v3, $0x3  }
0x191: {  	v3 =	vand.u32 $0x7F, v3;
	v4 =	vand.u32 $0xFFFFFC00, v59  }
0x192: {  	v3 =	vor.u32 v3, v4  }
0x193: {  	v2 =	vld.idx.msk [tilespmem:v2+s17+$0x0], $0xffff;
	v3 =	vadd.s32 v1, v3;
	_ =	sdelay $0x3  }
0x194: {  	s20 =	sadd.s32 $0x6, s18  }
0x195: {  	[tilespmem:v3+s0+$0x0] =	vst.idx.add.f32.msk $0xffff, v2;
	v2 =	vmov s20  }
0x196: {  	v3 =	vld [tilespmem:s19+$0x20];
	v60 =	vshll.u32 v2, $0x3  }
0x197: {  	v2 =	vand.u32 $0x7E, v2;
	v4 =	vand.u32 $0xC00, v60  }
0x198: {  	v2 =	vor.u32 v2, v4  }
0x199: {  	v2 =	vadd.s32 v0, v2;
	_ =	sdelay $0x1  }
0x19a: {  	v61 =	vshll.u32 v3, $0x3  }
0x19b: {  	v3 =	vand.u32 $0x7F, v3;
	v4 =	vand.u32 $0xFFFFFC00, v61  }
0x19c: {  	v3 =	vor.u32 v3, v4  }
0x19d: {  	v2 =	vld.idx.msk [tilespmem:v2+s17+$0x0], $0xffff;
	v3 =	vadd.s32 v1, v3;
	_ =	sdelay $0x3  }
0x19e: {  	s20 =	sadd.s32 $0x7, s18  }
0x19f: {  	[tilespmem:v3+s0+$0x0] =	vst.idx.add.f32.msk $0xffff, v2;
	v2 =	vmov s20  }
0x1a0: {  	v3 =	vld [tilespmem:s19+$0x30];
	v62 =	vshll.u32 v2, $0x3  }
0x1a1: {  	v2 =	vand.u32 $0x7F, v2;
	v4 =	vand.u32 $0xC00, v62  }
0x1a2: {  	v2 =	vor.u32 v2, v4  }
0x1a3: {  	v2 =	vadd.s32 v0, v2;
	_ =	sdelay $0x1  }
0x1a4: {  	v63 =	vshll.u32 v3, $0x3  }
0x1a5: {  	v3 =	vand.u32 $0x7F, v3;
	v4 =	vand.u32 $0xFFFFFC00, v63  }
0x1a6: {  	v3 =	vor.u32 v3, v4  }
0x1a7: {  	p1 =	slt.u32 s18, $0x1F8;
	v2 =	vld.idx.msk [tilespmem:v2+s17+$0x0], $0xffff;
	v3 =	vadd.s32 v1, v3  }
.Ltmp3:
0x1a8: {  	_ = 	snop;
	(pc) =	sbr.rel @p1 .LBB2_8-.Ltmp3, $2  }
0x1a9: {  	_ =	sdelay $0x2  }
0x1aa: {  	s18 =	sadd.s32 $0x8, s18;
	s19 =	sadd.s32 $0x80, s19;
	[tilespmem:v3+s0+$0x0] =	vst.idx.add.f32.msk $0xffff, v2  }
0x1ab: {  	_ =	swait.ge [sflag:s9], $0x2000  }
0x1ac: {  	[sflag:s9] =	ssyncset.done $0x0  }
0x1ad: {  	[sflag:s9] =	ssyncadd.s32 $0xFFFFE000  }
0x1ae: {  	_ =	swait.ge [sflag:s9], $0x2000  }
0x1af: {  	[sflag:s9] =	ssyncset.done $0x0  }
0x1b0: {  	s18 =	simm.s32 $0x0;
	[sflag:s9] =	ssyncadd.s32 $0xFFFFE000  }
0x1b1: {  	[tilespmem:s17], [sflag:$0x2] =	stream.linear.gather [hbm4b:s23+s18], $0x1000, $0x38;
	[tilespmem:$0x19800] =	vst v63  }
0x1b2: {  	s19 =	sadd.s32 $0x1000, s23  }
0x1b3: {  	[tilespmem:s1], [sflag:$0x2] =	stream.linear.gather [hbm4b:s19+s18], $0x1000, $0x38;
	[tilespmem:$0x19800] =	vst v63  }
0x1b4: {  	s20 =	rddreg [dreg:$0x9];
	s19 =	simm.s32 $0x15840  }
0x1b5: {  	[tilespmem:s8], [sflag:$0x2] =	stream.linear.gather [hbm4b:s20+s18], $0x2000, $0x38;
	[tilespmem:$0x19800] =	vst v63  }
.LBB2_10:
0x1b6: {  	v2 =	vmov s18  }
0x1b7: {  	v3 =	vld [tilespmem:s19+$0xFFFFFFC0];
	v4 =	vshll.u32 v2, $0x3  }
0x1b8: {  	v2 =	vand.u32 $0x78, v2;
	v4 =	vand.u32 $0xC00, v4  }
0x1b9: {  	v2 =	vor.u32 v2, v4  }
0x1ba: {  	v2 =	vadd.s32 v0, v2;
	_ =	sdelay $0x1  }
0x1bb: {  	v49 =	vshll.u32 v3, $0x3  }
0x1bc: {  	v3 =	vand.u32 $0x7F, v3;
	v4 =	vand.u32 $0xFFFFFC00, v49  }
0x1bd: {  	v3 =	vor.u32 v3, v4  }
0x1be: {  	v3 =	vadd.s32 v1, v3;
	v2 =	vld.idx.msk [tilespmem:v2+s12+$0x0], $0xffff;
	_ =	sdelay $0x3  }
0x1bf: {  	s20 =	sadd.s32 $0x1, s18  }
0x1c0: {  	[tilespmem:v3+s0+$0x0] =	vst.idx.add.f32.msk $0xffff, v2;
	v2 =	vmov s20  }
0x1c1: {  	v3 =	vld [tilespmem:s19+$0xFFFFFFD0];
	v50 =	vshll.u32 v2, $0x3  }
0x1c2: {  	v2 =	vand.u32 $0x79, v2;
	v4 =	vand.u32 $0xC00, v50  }
0x1c3: {  	v2 =	vor.u32 v2, v4  }
0x1c4: {  	v2 =	vadd.s32 v0, v2;
	_ =	sdelay $0x1  }
0x1c5: {  	v51 =	vshll.u32 v3, $0x3  }
0x1c6: {  	v3 =	vand.u32 $0x7F, v3;
	v4 =	vand.u32 $0xFFFFFC00, v51  }
0x1c7: {  	v3 =	vor.u32 v3, v4  }
0x1c8: {  	v2 =	vld.idx.msk [tilespmem:v2+s12+$0x0], $0xffff;
	v3 =	vadd.s32 v1, v3;
	_ =	sdelay $0x3  }
0x1c9: {  	s20 =	sadd.s32 $0x2, s18  }
0x1ca: {  	[tilespmem:v3+s0+$0x0] =	vst.idx.add.f32.msk $0xffff, v2;
	v2 =	vmov s20  }
0x1cb: {  	v3 =	vld [tilespmem:s19+$0xFFFFFFE0];
	v52 =	vshll.u32 v2, $0x3  }
0x1cc: {  	v2 =	vand.u32 $0x7A, v2;
	v4 =	vand.u32 $0xC00, v52  }
0x1cd: {  	v2 =	vor.u32 v2, v4  }
0x1ce: {  	v2 =	vadd.s32 v0, v2;
	_ =	sdelay $0x1  }
0x1cf: {  	v53 =	vshll.u32 v3, $0x3  }
0x1d0: {  	v3 =	vand.u32 $0x7F, v3;
	v4 =	vand.u32 $0xFFFFFC00, v53  }
0x1d1: {  	v3 =	vor.u32 v3, v4  }
0x1d2: {  	v2 =	vld.idx.msk [tilespmem:v2+s12+$0x0], $0xffff;
	v3 =	vadd.s32 v1, v3;
	_ =	sdelay $0x3  }
0x1d3: {  	s20 =	sadd.s32 $0x3, s18  }
0x1d4: {  	[tilespmem:v3+s0+$0x0] =	vst.idx.add.f32.msk $0xffff, v2;
	v2 =	vmov s20  }
0x1d5: {  	v3 =	vld [tilespmem:s19+$0xFFFFFFF0];
	v54 =	vshll.u32 v2, $0x3  }
0x1d6: {  	v2 =	vand.u32 $0x7B, v2;
	v4 =	vand.u32 $0xC00, v54  }
0x1d7: {  	v2 =	vor.u32 v2, v4  }
0x1d8: {  	v2 =	vadd.s32 v0, v2;
	_ =	sdelay $0x1  }
0x1d9: {  	v55 =	vshll.u32 v3, $0x3  }
0x1da: {  	v3 =	vand.u32 $0x7F, v3;
	v4 =	vand.u32 $0xFFFFFC00, v55  }
0x1db: {  	v3 =	vor.u32 v3, v4  }
0x1dc: {  	v2 =	vld.idx.msk [tilespmem:v2+s12+$0x0], $0xffff;
	v3 =	vadd.s32 v1, v3;
	_ =	sdelay $0x3  }
0x1dd: {  	s20 =	sadd.s32 $0x4, s18  }
0x1de: {  	[tilespmem:v3+s0+$0x0] =	vst.idx.add.f32.msk $0xffff, v2;
	v2 =	vmov s20  }
0x1df: {  	v3 =	vld [tilespmem:s19+$0x0];
	v56 =	vshll.u32 v2, $0x3  }
0x1e0: {  	v2 =	vand.u32 $0x7C, v2;
	v4 =	vand.u32 $0xC00, v56  }
0x1e1: {  	v2 =	vor.u32 v2, v4  }
0x1e2: {  	v2 =	vadd.s32 v0, v2;
	_ =	sdelay $0x1  }
0x1e3: {  	v57 =	vshll.u32 v3, $0x3  }
0x1e4: {  	v3 =	vand.u32 $0x7F, v3;
	v4 =	vand.u32 $0xFFFFFC00, v57  }
0x1e5: {  	v3 =	vor.u32 v3, v4  }
0x1e6: {  	v2 =	vld.idx.msk [tilespmem:v2+s12+$0x0], $0xffff;
	v3 =	vadd.s32 v1, v3;
	_ =	sdelay $0x3  }
0x1e7: {  	s20 =	sadd.s32 $0x5, s18  }
0x1e8: {  	[tilespmem:v3+s0+$0x0] =	vst.idx.add.f32.msk $0xffff, v2;
	v2 =	vmov s20  }
0x1e9: {  	v3 =	vld [tilespmem:s19+$0x10];
	v58 =	vshll.u32 v2, $0x3  }
0x1ea: {  	v2 =	vand.u32 $0x7D, v2;
	v4 =	vand.u32 $0xC00, v58  }
0x1eb: {  	v2 =	vor.u32 v2, v4  }
0x1ec: {  	v2 =	vadd.s32 v0, v2;
	_ =	sdelay $0x1  }
0x1ed: {  	v59 =	vshll.u32 v3, $0x3  }
0x1ee: {  	v3 =	vand.u32 $0x7F, v3;
	v4 =	vand.u32 $0xFFFFFC00, v59  }
0x1ef: {  	v3 =	vor.u32 v3, v4  }
0x1f0: {  	v2 =	vld.idx.msk [tilespmem:v2+s12+$0x0], $0xffff;
	v3 =	vadd.s32 v1, v3;
	_ =	sdelay $0x3  }
0x1f1: {  	s20 =	sadd.s32 $0x6, s18  }
0x1f2: {  	[tilespmem:v3+s0+$0x0] =	vst.idx.add.f32.msk $0xffff, v2;
	v2 =	vmov s20  }
0x1f3: {  	v3 =	vld [tilespmem:s19+$0x20];
	v60 =	vshll.u32 v2, $0x3  }
0x1f4: {  	v2 =	vand.u32 $0x7E, v2;
	v4 =	vand.u32 $0xC00, v60  }
0x1f5: {  	v2 =	vor.u32 v2, v4  }
0x1f6: {  	v2 =	vadd.s32 v0, v2;
	_ =	sdelay $0x1  }
0x1f7: {  	v61 =	vshll.u32 v3, $0x3  }
0x1f8: {  	v3 =	vand.u32 $0x7F, v3;
	v4 =	vand.u32 $0xFFFFFC00, v61  }
0x1f9: {  	v3 =	vor.u32 v3, v4  }
0x1fa: {  	v2 =	vld.idx.msk [tilespmem:v2+s12+$0x0], $0xffff;
	v3 =	vadd.s32 v1, v3;
	_ =	sdelay $0x3  }
0x1fb: {  	s20 =	sadd.s32 $0x7, s18  }
0x1fc: {  	[tilespmem:v3+s0+$0x0] =	vst.idx.add.f32.msk $0xffff, v2;
	v2 =	vmov s20  }
0x1fd: {  	v3 =	vld [tilespmem:s19+$0x30];
	v62 =	vshll.u32 v2, $0x3  }
0x1fe: {  	v2 =	vand.u32 $0x7F, v2;
	v4 =	vand.u32 $0xC00, v62  }
0x1ff: {  	v2 =	vor.u32 v2, v4  }
0x200: {  	v2 =	vadd.s32 v0, v2;
	_ =	sdelay $0x1  }
0x201: {  	v63 =	vshll.u32 v3, $0x3  }
0x202: {  	v3 =	vand.u32 $0x7F, v3;
	v4 =	vand.u32 $0xFFFFFC00, v63  }
0x203: {  	v3 =	vor.u32 v3, v4  }
0x204: {  	p1 =	slt.u32 s18, $0x1F8;
	v2 =	vld.idx.msk [tilespmem:v2+s12+$0x0], $0xffff;
	v3 =	vadd.s32 v1, v3  }
.Ltmp4:
0x205: {  	_ = 	snop;
	(pc) =	sbr.rel @p1 .LBB2_10-.Ltmp4, $2  }
0x206: {  	_ =	sdelay $0x2  }
0x207: {  	s18 =	sadd.s32 $0x8, s18;
	s19 =	sadd.s32 $0x80, s19;
	[tilespmem:v3+s0+$0x0] =	vst.idx.add.f32.msk $0xffff, v2  }
0x208: {  	_ =	swait.ge [sflag:s10], $0x2000  }
0x209: {  	[sflag:s10] =	ssyncset.done $0x0  }
0x20a: {  	[sflag:s10] =	ssyncadd.s32 $0xFFFFE000  }
0x20b: {  	_ =	swait.ge [sflag:s10], $0x2000  }
0x20c: {  	[sflag:s10] =	ssyncset.done $0x0  }
0x20d: {  	s18 =	simm.s32 $0x0;
	[sflag:s10] =	ssyncadd.s32 $0xFFFFE000  }
0x20e: {  	[tilespmem:s12], [sflag:$0x1] =	stream.linear.gather [hbm4b:s24+s18], $0x1000, $0x38;
	[tilespmem:$0x19800] =	vst v63  }
0x20f: {  	s19 =	sadd.s32 $0x1000, s24  }
0x210: {  	[tilespmem:s13], [sflag:$0x1] =	stream.linear.gather [hbm4b:s19+s18], $0x1000, $0x38;
	[tilespmem:$0x19800] =	vst v63  }
0x211: {  	s20 =	rddreg [dreg:$0xa];
	s19 =	simm.s32 $0x17840  }
0x212: {  	[tilespmem:s14], [sflag:$0x1] =	stream.linear.gather [hbm4b:s20+s18], $0x2000, $0x38;
	[tilespmem:$0x19800] =	vst v63  }
.LBB2_12:
0x213: {  	v2 =	vmov s18  }
0x214: {  	v3 =	vld [tilespmem:s19+$0xFFFFFFC0];
	v4 =	vshll.u32 v2, $0x3  }
0x215: {  	v2 =	vand.u32 $0x78, v2;
	v4 =	vand.u32 $0xC00, v4  }
0x216: {  	v2 =	vor.u32 v2, v4  }
0x217: {  	v2 =	vadd.s32 v0, v2;
	_ =	sdelay $0x1  }
0x218: {  	v49 =	vshll.u32 v3, $0x3  }
0x219: {  	v3 =	vand.u32 $0x7F, v3;
	v4 =	vand.u32 $0xFFFFFC00, v49  }
0x21a: {  	v3 =	vor.u32 v3, v4  }
0x21b: {  	v3 =	vadd.s32 v1, v3;
	v2 =	vld.idx.msk [tilespmem:v2+s17+$0x0], $0xffff;
	_ =	sdelay $0x3  }
0x21c: {  	s20 =	sadd.s32 $0x1, s18  }
0x21d: {  	[tilespmem:v3+s0+$0x0] =	vst.idx.add.f32.msk $0xffff, v2;
	v2 =	vmov s20  }
0x21e: {  	v3 =	vld [tilespmem:s19+$0xFFFFFFD0];
	v50 =	vshll.u32 v2, $0x3  }
0x21f: {  	v2 =	vand.u32 $0x79, v2;
	v4 =	vand.u32 $0xC00, v50  }
0x220: {  	v2 =	vor.u32 v2, v4  }
0x221: {  	v2 =	vadd.s32 v0, v2;
	_ =	sdelay $0x1  }
0x222: {  	v51 =	vshll.u32 v3, $0x3  }
0x223: {  	v3 =	vand.u32 $0x7F, v3;
	v4 =	vand.u32 $0xFFFFFC00, v51  }
0x224: {  	v3 =	vor.u32 v3, v4  }
0x225: {  	v2 =	vld.idx.msk [tilespmem:v2+s17+$0x0], $0xffff;
	v3 =	vadd.s32 v1, v3;
	_ =	sdelay $0x3  }
0x226: {  	s20 =	sadd.s32 $0x2, s18  }
0x227: {  	[tilespmem:v3+s0+$0x0] =	vst.idx.add.f32.msk $0xffff, v2;
	v2 =	vmov s20  }
0x228: {  	v3 =	vld [tilespmem:s19+$0xFFFFFFE0];
	v52 =	vshll.u32 v2, $0x3  }
0x229: {  	v2 =	vand.u32 $0x7A, v2;
	v4 =	vand.u32 $0xC00, v52  }
0x22a: {  	v2 =	vor.u32 v2, v4  }
0x22b: {  	v2 =	vadd.s32 v0, v2;
	_ =	sdelay $0x1  }
0x22c: {  	v53 =	vshll.u32 v3, $0x3  }
0x22d: {  	v3 =	vand.u32 $0x7F, v3;
	v4 =	vand.u32 $0xFFFFFC00, v53  }
0x22e: {  	v3 =	vor.u32 v3, v4  }
0x22f: {  	v2 =	vld.idx.msk [tilespmem:v2+s17+$0x0], $0xffff;
	v3 =	vadd.s32 v1, v3;
	_ =	sdelay $0x3  }
0x230: {  	s20 =	sadd.s32 $0x3, s18  }
0x231: {  	[tilespmem:v3+s0+$0x0] =	vst.idx.add.f32.msk $0xffff, v2;
	v2 =	vmov s20  }
0x232: {  	v3 =	vld [tilespmem:s19+$0xFFFFFFF0];
	v54 =	vshll.u32 v2, $0x3  }
0x233: {  	v2 =	vand.u32 $0x7B, v2;
	v4 =	vand.u32 $0xC00, v54  }
0x234: {  	v2 =	vor.u32 v2, v4  }
0x235: {  	v2 =	vadd.s32 v0, v2;
	_ =	sdelay $0x1  }
0x236: {  	v55 =	vshll.u32 v3, $0x3  }
0x237: {  	v3 =	vand.u32 $0x7F, v3;
	v4 =	vand.u32 $0xFFFFFC00, v55  }
0x238: {  	v3 =	vor.u32 v3, v4  }
0x239: {  	v2 =	vld.idx.msk [tilespmem:v2+s17+$0x0], $0xffff;
	v3 =	vadd.s32 v1, v3;
	_ =	sdelay $0x3  }
0x23a: {  	s20 =	sadd.s32 $0x4, s18  }
0x23b: {  	[tilespmem:v3+s0+$0x0] =	vst.idx.add.f32.msk $0xffff, v2;
	v2 =	vmov s20  }
0x23c: {  	v3 =	vld [tilespmem:s19+$0x0];
	v56 =	vshll.u32 v2, $0x3  }
0x23d: {  	v2 =	vand.u32 $0x7C, v2;
	v4 =	vand.u32 $0xC00, v56  }
0x23e: {  	v2 =	vor.u32 v2, v4  }
0x23f: {  	v2 =	vadd.s32 v0, v2;
	_ =	sdelay $0x1  }
0x240: {  	v57 =	vshll.u32 v3, $0x3  }
0x241: {  	v3 =	vand.u32 $0x7F, v3;
	v4 =	vand.u32 $0xFFFFFC00, v57  }
0x242: {  	v3 =	vor.u32 v3, v4  }
0x243: {  	v2 =	vld.idx.msk [tilespmem:v2+s17+$0x0], $0xffff;
	v3 =	vadd.s32 v1, v3;
	_ =	sdelay $0x3  }
0x244: {  	s20 =	sadd.s32 $0x5, s18  }
0x245: {  	[tilespmem:v3+s0+$0x0] =	vst.idx.add.f32.msk $0xffff, v2;
	v2 =	vmov s20  }
0x246: {  	v3 =	vld [tilespmem:s19+$0x10];
	v58 =	vshll.u32 v2, $0x3  }
0x247: {  	v2 =	vand.u32 $0x7D, v2;
	v4 =	vand.u32 $0xC00, v58  }
0x248: {  	v2 =	vor.u32 v2, v4  }
0x249: {  	v2 =	vadd.s32 v0, v2;
	_ =	sdelay $0x1  }
0x24a: {  	v59 =	vshll.u32 v3, $0x3  }
0x24b: {  	v3 =	vand.u32 $0x7F, v3;
	v4 =	vand.u32 $0xFFFFFC00, v59  }
0x24c: {  	v3 =	vor.u32 v3, v4  }
0x24d: {  	v2 =	vld.idx.msk [tilespmem:v2+s17+$0x0], $0xffff;
	v3 =	vadd.s32 v1, v3;
	_ =	sdelay $0x3  }
0x24e: {  	s20 =	sadd.s32 $0x6, s18  }
0x24f: {  	[tilespmem:v3+s0+$0x0] =	vst.idx.add.f32.msk $0xffff, v2;
	v2 =	vmov s20  }
0x250: {  	v3 =	vld [tilespmem:s19+$0x20];
	v60 =	vshll.u32 v2, $0x3  }
0x251: {  	v2 =	vand.u32 $0x7E, v2;
	v4 =	vand.u32 $0xC00, v60  }
0x252: {  	v2 =	vor.u32 v2, v4  }
0x253: {  	v2 =	vadd.s32 v0, v2;
	_ =	sdelay $0x1  }
0x254: {  	v61 =	vshll.u32 v3, $0x3  }
0x255: {  	v3 =	vand.u32 $0x7F, v3;
	v4 =	vand.u32 $0xFFFFFC00, v61  }
0x256: {  	v3 =	vor.u32 v3, v4  }
0x257: {  	v2 =	vld.idx.msk [tilespmem:v2+s17+$0x0], $0xffff;
	v3 =	vadd.s32 v1, v3;
	_ =	sdelay $0x3  }
0x258: {  	s20 =	sadd.s32 $0x7, s18  }
0x259: {  	[tilespmem:v3+s0+$0x0] =	vst.idx.add.f32.msk $0xffff, v2;
	v2 =	vmov s20  }
0x25a: {  	v3 =	vld [tilespmem:s19+$0x30];
	v62 =	vshll.u32 v2, $0x3  }
0x25b: {  	v2 =	vand.u32 $0x7F, v2;
	v4 =	vand.u32 $0xC00, v62  }
0x25c: {  	v2 =	vor.u32 v2, v4  }
0x25d: {  	v2 =	vadd.s32 v0, v2;
	_ =	sdelay $0x1  }
0x25e: {  	v63 =	vshll.u32 v3, $0x3  }
0x25f: {  	v3 =	vand.u32 $0x7F, v3;
	v4 =	vand.u32 $0xFFFFFC00, v63  }
0x260: {  	v3 =	vor.u32 v3, v4  }
0x261: {  	p1 =	slt.u32 s18, $0x1F8;
	v2 =	vld.idx.msk [tilespmem:v2+s17+$0x0], $0xffff;
	v3 =	vadd.s32 v1, v3  }
.Ltmp5:
0x262: {  	_ = 	snop;
	(pc) =	sbr.rel @p1 .LBB2_12-.Ltmp5, $2  }
0x263: {  	_ =	sdelay $0x2  }
0x264: {  	s18 =	sadd.s32 $0x8, s18;
	s19 =	sadd.s32 $0x80, s19;
	[tilespmem:v3+s0+$0x0] =	vst.idx.add.f32.msk $0xffff, v2  }
0x265: {  	_ =	swait.ge [sflag:s9], $0x2000  }
0x266: {  	[sflag:s9] =	ssyncset.done $0x0  }
0x267: {  	[sflag:s9] =	ssyncadd.s32 $0xFFFFE000  }
0x268: {  	_ =	swait.ge [sflag:s9], $0x2000  }
0x269: {  	[sflag:s9] =	ssyncset.done $0x0  }
0x26a: {  	s18 =	simm.s32 $0x0;
	[sflag:s9] =	ssyncadd.s32 $0xFFFFE000  }
0x26b: {  	[tilespmem:s17], [sflag:$0x2] =	stream.linear.gather [hbm4b:s25+s18], $0x1000, $0x38;
	[tilespmem:$0x19800] =	vst v63  }
0x26c: {  	s19 =	sadd.s32 $0x1000, s25  }
0x26d: {  	[tilespmem:s1], [sflag:$0x2] =	stream.linear.gather [hbm4b:s19+s18], $0x1000, $0x38;
	[tilespmem:$0x19800] =	vst v63  }
0x26e: {  	s20 =	rddreg [dreg:$0xb];
	s19 =	simm.s32 $0x15840  }
0x26f: {  	[tilespmem:s8], [sflag:$0x2] =	stream.linear.gather [hbm4b:s20+s18], $0x2000, $0x38;
	[tilespmem:$0x19800] =	vst v63  }
.LBB2_14:
0x270: {  	v2 =	vmov s18  }
0x271: {  	v3 =	vld [tilespmem:s19+$0xFFFFFFC0];
	v4 =	vshll.u32 v2, $0x3  }
0x272: {  	v2 =	vand.u32 $0x78, v2;
	v4 =	vand.u32 $0xC00, v4  }
0x273: {  	v2 =	vor.u32 v2, v4  }
0x274: {  	v2 =	vadd.s32 v0, v2;
	_ =	sdelay $0x1  }
0x275: {  	v49 =	vshll.u32 v3, $0x3  }
0x276: {  	v3 =	vand.u32 $0x7F, v3;
	v4 =	vand.u32 $0xFFFFFC00, v49  }
0x277: {  	v3 =	vor.u32 v3, v4  }
0x278: {  	v3 =	vadd.s32 v1, v3;
	v2 =	vld.idx.msk [tilespmem:v2+s12+$0x0], $0xffff;
	_ =	sdelay $0x3  }
0x279: {  	s20 =	sadd.s32 $0x1, s18  }
0x27a: {  	[tilespmem:v3+s0+$0x0] =	vst.idx.add.f32.msk $0xffff, v2;
	v2 =	vmov s20  }
0x27b: {  	v3 =	vld [tilespmem:s19+$0xFFFFFFD0];
	v50 =	vshll.u32 v2, $0x3  }
0x27c: {  	v2 =	vand.u32 $0x79, v2;
	v4 =	vand.u32 $0xC00, v50  }
0x27d: {  	v2 =	vor.u32 v2, v4  }
0x27e: {  	v2 =	vadd.s32 v0, v2;
	_ =	sdelay $0x1  }
0x27f: {  	v51 =	vshll.u32 v3, $0x3  }
0x280: {  	v3 =	vand.u32 $0x7F, v3;
	v4 =	vand.u32 $0xFFFFFC00, v51  }
0x281: {  	v3 =	vor.u32 v3, v4  }
0x282: {  	v2 =	vld.idx.msk [tilespmem:v2+s12+$0x0], $0xffff;
	v3 =	vadd.s32 v1, v3;
	_ =	sdelay $0x3  }
0x283: {  	s20 =	sadd.s32 $0x2, s18  }
0x284: {  	[tilespmem:v3+s0+$0x0] =	vst.idx.add.f32.msk $0xffff, v2;
	v2 =	vmov s20  }
0x285: {  	v3 =	vld [tilespmem:s19+$0xFFFFFFE0];
	v52 =	vshll.u32 v2, $0x3  }
0x286: {  	v2 =	vand.u32 $0x7A, v2;
	v4 =	vand.u32 $0xC00, v52  }
0x287: {  	v2 =	vor.u32 v2, v4  }
0x288: {  	v2 =	vadd.s32 v0, v2;
	_ =	sdelay $0x1  }
0x289: {  	v53 =	vshll.u32 v3, $0x3  }
0x28a: {  	v3 =	vand.u32 $0x7F, v3;
	v4 =	vand.u32 $0xFFFFFC00, v53  }
0x28b: {  	v3 =	vor.u32 v3, v4  }
0x28c: {  	v2 =	vld.idx.msk [tilespmem:v2+s12+$0x0], $0xffff;
	v3 =	vadd.s32 v1, v3;
	_ =	sdelay $0x3  }
0x28d: {  	s20 =	sadd.s32 $0x3, s18  }
0x28e: {  	[tilespmem:v3+s0+$0x0] =	vst.idx.add.f32.msk $0xffff, v2;
	v2 =	vmov s20  }
0x28f: {  	v3 =	vld [tilespmem:s19+$0xFFFFFFF0];
	v54 =	vshll.u32 v2, $0x3  }
0x290: {  	v2 =	vand.u32 $0x7B, v2;
	v4 =	vand.u32 $0xC00, v54  }
0x291: {  	v2 =	vor.u32 v2, v4  }
0x292: {  	v2 =	vadd.s32 v0, v2;
	_ =	sdelay $0x1  }
0x293: {  	v55 =	vshll.u32 v3, $0x3  }
0x294: {  	v3 =	vand.u32 $0x7F, v3;
	v4 =	vand.u32 $0xFFFFFC00, v55  }
0x295: {  	v3 =	vor.u32 v3, v4  }
0x296: {  	v2 =	vld.idx.msk [tilespmem:v2+s12+$0x0], $0xffff;
	v3 =	vadd.s32 v1, v3;
	_ =	sdelay $0x3  }
0x297: {  	s20 =	sadd.s32 $0x4, s18  }
0x298: {  	[tilespmem:v3+s0+$0x0] =	vst.idx.add.f32.msk $0xffff, v2;
	v2 =	vmov s20  }
0x299: {  	v3 =	vld [tilespmem:s19+$0x0];
	v56 =	vshll.u32 v2, $0x3  }
0x29a: {  	v2 =	vand.u32 $0x7C, v2;
	v4 =	vand.u32 $0xC00, v56  }
0x29b: {  	v2 =	vor.u32 v2, v4  }
0x29c: {  	v2 =	vadd.s32 v0, v2;
	_ =	sdelay $0x1  }
0x29d: {  	v57 =	vshll.u32 v3, $0x3  }
0x29e: {  	v3 =	vand.u32 $0x7F, v3;
	v4 =	vand.u32 $0xFFFFFC00, v57  }
0x29f: {  	v3 =	vor.u32 v3, v4  }
0x2a0: {  	v2 =	vld.idx.msk [tilespmem:v2+s12+$0x0], $0xffff;
	v3 =	vadd.s32 v1, v3;
	_ =	sdelay $0x3  }
0x2a1: {  	s20 =	sadd.s32 $0x5, s18  }
0x2a2: {  	[tilespmem:v3+s0+$0x0] =	vst.idx.add.f32.msk $0xffff, v2;
	v2 =	vmov s20  }
0x2a3: {  	v3 =	vld [tilespmem:s19+$0x10];
	v58 =	vshll.u32 v2, $0x3  }
0x2a4: {  	v2 =	vand.u32 $0x7D, v2;
	v4 =	vand.u32 $0xC00, v58  }
0x2a5: {  	v2 =	vor.u32 v2, v4  }
0x2a6: {  	v2 =	vadd.s32 v0, v2;
	_ =	sdelay $0x1  }
0x2a7: {  	v59 =	vshll.u32 v3, $0x3  }
0x2a8: {  	v3 =	vand.u32 $0x7F, v3;
	v4 =	vand.u32 $0xFFFFFC00, v59  }
0x2a9: {  	v3 =	vor.u32 v3, v4  }
0x2aa: {  	v2 =	vld.idx.msk [tilespmem:v2+s12+$0x0], $0xffff;
	v3 =	vadd.s32 v1, v3;
	_ =	sdelay $0x3  }
0x2ab: {  	s20 =	sadd.s32 $0x6, s18  }
0x2ac: {  	[tilespmem:v3+s0+$0x0] =	vst.idx.add.f32.msk $0xffff, v2;
	v2 =	vmov s20  }
0x2ad: {  	v3 =	vld [tilespmem:s19+$0x20];
	v60 =	vshll.u32 v2, $0x3  }
0x2ae: {  	v2 =	vand.u32 $0x7E, v2;
	v4 =	vand.u32 $0xC00, v60  }
0x2af: {  	v2 =	vor.u32 v2, v4  }
0x2b0: {  	v2 =	vadd.s32 v0, v2;
	_ =	sdelay $0x1  }
0x2b1: {  	v61 =	vshll.u32 v3, $0x3  }
0x2b2: {  	v3 =	vand.u32 $0x7F, v3;
	v4 =	vand.u32 $0xFFFFFC00, v61  }
0x2b3: {  	v3 =	vor.u32 v3, v4  }
0x2b4: {  	v2 =	vld.idx.msk [tilespmem:v2+s12+$0x0], $0xffff;
	v3 =	vadd.s32 v1, v3;
	_ =	sdelay $0x3  }
0x2b5: {  	s20 =	sadd.s32 $0x7, s18  }
0x2b6: {  	[tilespmem:v3+s0+$0x0] =	vst.idx.add.f32.msk $0xffff, v2;
	v2 =	vmov s20  }
0x2b7: {  	v3 =	vld [tilespmem:s19+$0x30];
	v62 =	vshll.u32 v2, $0x3  }
0x2b8: {  	v2 =	vand.u32 $0x7F, v2;
	v4 =	vand.u32 $0xC00, v62  }
0x2b9: {  	v2 =	vor.u32 v2, v4  }
0x2ba: {  	v2 =	vadd.s32 v0, v2;
	_ =	sdelay $0x1  }
0x2bb: {  	v63 =	vshll.u32 v3, $0x3  }
0x2bc: {  	v3 =	vand.u32 $0x7F, v3;
	v4 =	vand.u32 $0xFFFFFC00, v63  }
0x2bd: {  	v3 =	vor.u32 v3, v4  }
0x2be: {  	p1 =	slt.u32 s18, $0x1F8;
	v2 =	vld.idx.msk [tilespmem:v2+s12+$0x0], $0xffff;
	v3 =	vadd.s32 v1, v3  }
.Ltmp6:
0x2bf: {  	_ = 	snop;
	(pc) =	sbr.rel @p1 .LBB2_14-.Ltmp6, $2  }
0x2c0: {  	_ =	sdelay $0x2  }
0x2c1: {  	s18 =	sadd.s32 $0x8, s18;
	s19 =	sadd.s32 $0x80, s19;
	[tilespmem:v3+s0+$0x0] =	vst.idx.add.f32.msk $0xffff, v2  }
0x2c2: {  	_ =	swait.ge [sflag:s10], $0x2000  }
0x2c3: {  	[sflag:s10] =	ssyncset.done $0x0  }
0x2c4: {  	[sflag:s10] =	ssyncadd.s32 $0xFFFFE000  }
0x2c5: {  	_ =	swait.ge [sflag:s10], $0x2000  }
0x2c6: {  	[sflag:s10] =	ssyncset.done $0x0  }
0x2c7: {  	s18 =	simm.s32 $0x0;
	s19 =	simm.s32 $0x17840;
	[sflag:s10] =	ssyncadd.s32 $0xFFFFE000  }
.LBB2_16:
0x2c8: {  	v2 =	vmov s18  }
0x2c9: {  	v3 =	vld [tilespmem:s19+$0xFFFFFFC0];
	v4 =	vshll.u32 v2, $0x3  }
0x2ca: {  	v2 =	vand.u32 $0x78, v2;
	v4 =	vand.u32 $0xC00, v4  }
0x2cb: {  	v2 =	vor.u32 v2, v4  }
0x2cc: {  	v2 =	vadd.s32 v0, v2;
	_ =	sdelay $0x1  }
0x2cd: {  	v49 =	vshll.u32 v3, $0x3  }
0x2ce: {  	v3 =	vand.u32 $0x7F, v3;
	v4 =	vand.u32 $0xFFFFFC00, v49  }
0x2cf: {  	v3 =	vor.u32 v3, v4  }
0x2d0: {  	v3 =	vadd.s32 v1, v3;
	v2 =	vld.idx.msk [tilespmem:v2+s17+$0x0], $0xffff;
	_ =	sdelay $0x3  }
0x2d1: {  	s20 =	sadd.s32 $0x1, s18  }
0x2d2: {  	[tilespmem:v3+s0+$0x0] =	vst.idx.add.f32.msk $0xffff, v2;
	v2 =	vmov s20  }
0x2d3: {  	v3 =	vld [tilespmem:s19+$0xFFFFFFD0];
	v50 =	vshll.u32 v2, $0x3  }
0x2d4: {  	v2 =	vand.u32 $0x79, v2;
	v4 =	vand.u32 $0xC00, v50  }
0x2d5: {  	v2 =	vor.u32 v2, v4  }
0x2d6: {  	v2 =	vadd.s32 v0, v2;
	_ =	sdelay $0x1  }
0x2d7: {  	v51 =	vshll.u32 v3, $0x3  }
0x2d8: {  	v3 =	vand.u32 $0x7F, v3;
	v4 =	vand.u32 $0xFFFFFC00, v51  }
0x2d9: {  	v3 =	vor.u32 v3, v4  }
0x2da: {  	v2 =	vld.idx.msk [tilespmem:v2+s17+$0x0], $0xffff;
	v3 =	vadd.s32 v1, v3;
	_ =	sdelay $0x3  }
0x2db: {  	s20 =	sadd.s32 $0x2, s18  }
0x2dc: {  	[tilespmem:v3+s0+$0x0] =	vst.idx.add.f32.msk $0xffff, v2;
	v2 =	vmov s20  }
0x2dd: {  	v3 =	vld [tilespmem:s19+$0xFFFFFFE0];
	v52 =	vshll.u32 v2, $0x3  }
0x2de: {  	v2 =	vand.u32 $0x7A, v2;
	v4 =	vand.u32 $0xC00, v52  }
0x2df: {  	v2 =	vor.u32 v2, v4  }
0x2e0: {  	v2 =	vadd.s32 v0, v2;
	_ =	sdelay $0x1  }
0x2e1: {  	v53 =	vshll.u32 v3, $0x3  }
0x2e2: {  	v3 =	vand.u32 $0x7F, v3;
	v4 =	vand.u32 $0xFFFFFC00, v53  }
0x2e3: {  	v3 =	vor.u32 v3, v4  }
0x2e4: {  	v2 =	vld.idx.msk [tilespmem:v2+s17+$0x0], $0xffff;
	v3 =	vadd.s32 v1, v3;
	_ =	sdelay $0x3  }
0x2e5: {  	s20 =	sadd.s32 $0x3, s18  }
0x2e6: {  	[tilespmem:v3+s0+$0x0] =	vst.idx.add.f32.msk $0xffff, v2;
	v2 =	vmov s20  }
0x2e7: {  	v3 =	vld [tilespmem:s19+$0xFFFFFFF0];
	v54 =	vshll.u32 v2, $0x3  }
0x2e8: {  	v2 =	vand.u32 $0x7B, v2;
	v4 =	vand.u32 $0xC00, v54  }
0x2e9: {  	v2 =	vor.u32 v2, v4  }
0x2ea: {  	v2 =	vadd.s32 v0, v2;
	_ =	sdelay $0x1  }
0x2eb: {  	v55 =	vshll.u32 v3, $0x3  }
0x2ec: {  	v3 =	vand.u32 $0x7F, v3;
	v4 =	vand.u32 $0xFFFFFC00, v55  }
0x2ed: {  	v3 =	vor.u32 v3, v4  }
0x2ee: {  	v2 =	vld.idx.msk [tilespmem:v2+s17+$0x0], $0xffff;
	v3 =	vadd.s32 v1, v3;
	_ =	sdelay $0x3  }
0x2ef: {  	s20 =	sadd.s32 $0x4, s18  }
0x2f0: {  	[tilespmem:v3+s0+$0x0] =	vst.idx.add.f32.msk $0xffff, v2;
	v2 =	vmov s20  }
0x2f1: {  	v3 =	vld [tilespmem:s19+$0x0];
	v56 =	vshll.u32 v2, $0x3  }
0x2f2: {  	v2 =	vand.u32 $0x7C, v2;
	v4 =	vand.u32 $0xC00, v56  }
0x2f3: {  	v2 =	vor.u32 v2, v4  }
0x2f4: {  	v2 =	vadd.s32 v0, v2;
	_ =	sdelay $0x1  }
0x2f5: {  	v57 =	vshll.u32 v3, $0x3  }
0x2f6: {  	v3 =	vand.u32 $0x7F, v3;
	v4 =	vand.u32 $0xFFFFFC00, v57  }
0x2f7: {  	v3 =	vor.u32 v3, v4  }
0x2f8: {  	v2 =	vld.idx.msk [tilespmem:v2+s17+$0x0], $0xffff;
	v3 =	vadd.s32 v1, v3;
	_ =	sdelay $0x3  }
0x2f9: {  	s20 =	sadd.s32 $0x5, s18  }
0x2fa: {  	[tilespmem:v3+s0+$0x0] =	vst.idx.add.f32.msk $0xffff, v2;
	v2 =	vmov s20  }
0x2fb: {  	v3 =	vld [tilespmem:s19+$0x10];
	v58 =	vshll.u32 v2, $0x3  }
0x2fc: {  	v2 =	vand.u32 $0x7D, v2;
	v4 =	vand.u32 $0xC00, v58  }
0x2fd: {  	v2 =	vor.u32 v2, v4  }
0x2fe: {  	v2 =	vadd.s32 v0, v2;
	_ =	sdelay $0x1  }
0x2ff: {  	v59 =	vshll.u32 v3, $0x3  }
0x300: {  	v3 =	vand.u32 $0x7F, v3;
	v4 =	vand.u32 $0xFFFFFC00, v59  }
0x301: {  	v3 =	vor.u32 v3, v4  }
0x302: {  	v2 =	vld.idx.msk [tilespmem:v2+s17+$0x0], $0xffff;
	v3 =	vadd.s32 v1, v3;
	_ =	sdelay $0x3  }
0x303: {  	s20 =	sadd.s32 $0x6, s18  }
0x304: {  	[tilespmem:v3+s0+$0x0] =	vst.idx.add.f32.msk $0xffff, v2;
	v2 =	vmov s20  }
0x305: {  	v3 =	vld [tilespmem:s19+$0x20];
	v60 =	vshll.u32 v2, $0x3  }
0x306: {  	v2 =	vand.u32 $0x7E, v2;
	v4 =	vand.u32 $0xC00, v60  }
0x307: {  	v2 =	vor.u32 v2, v4  }
0x308: {  	v2 =	vadd.s32 v0, v2;
	_ =	sdelay $0x1  }
0x309: {  	v61 =	vshll.u32 v3, $0x3  }
0x30a: {  	v3 =	vand.u32 $0x7F, v3;
	v4 =	vand.u32 $0xFFFFFC00, v61  }
0x30b: {  	v3 =	vor.u32 v3, v4  }
0x30c: {  	v2 =	vld.idx.msk [tilespmem:v2+s17+$0x0], $0xffff;
	v3 =	vadd.s32 v1, v3;
	_ =	sdelay $0x3  }
0x30d: {  	s20 =	sadd.s32 $0x7, s18  }
0x30e: {  	[tilespmem:v3+s0+$0x0] =	vst.idx.add.f32.msk $0xffff, v2;
	v2 =	vmov s20  }
0x30f: {  	v3 =	vld [tilespmem:s19+$0x30];
	v62 =	vshll.u32 v2, $0x3  }
0x310: {  	v2 =	vand.u32 $0x7F, v2;
	v4 =	vand.u32 $0xC00, v62  }
0x311: {  	v2 =	vor.u32 v2, v4  }
0x312: {  	v2 =	vadd.s32 v0, v2;
	_ =	sdelay $0x1  }
0x313: {  	v63 =	vshll.u32 v3, $0x3  }
0x314: {  	v3 =	vand.u32 $0x7F, v3;
	v4 =	vand.u32 $0xFFFFFC00, v63  }
0x315: {  	v3 =	vor.u32 v3, v4  }
0x316: {  	p1 =	slt.u32 s18, $0x1F8;
	v2 =	vld.idx.msk [tilespmem:v2+s17+$0x0], $0xffff;
	v3 =	vadd.s32 v1, v3  }
.Ltmp7:
0x317: {  	_ = 	snop;
	(pc) =	sbr.rel @p1 .LBB2_16-.Ltmp7, $2  }
0x318: {  	_ =	sdelay $0x2  }
0x319: {  	s18 =	sadd.s32 $0x8, s18;
	s19 =	sadd.s32 $0x80, s19;
	[tilespmem:v3+s0+$0x0] =	vst.idx.add.f32.msk $0xffff, v2  }
0x31a: {  	s18 =	simm.s32 $0x0  }
0x31b: {  	[hbm4b:s26+s18] =	stream.linear.scatter [tilespmem:s18], [sflag:$0x3], $0x8000, $0x38;
	[tilespmem:$0x19800] =	vst v63  }
0x31c: {  	s19 =	sadd.s32 $0x1000, s26  }
0x31d: {  	[hbm4b:s19+s18] =	stream.linear.scatter [tilespmem:s15], [sflag:$0x3], $0x8000, $0x38;
	[tilespmem:$0x19800] =	vst v63  }
0x31e: {  	_ =	swait.ge [sflag:s16], $0x10000  }
0x31f: {  	[sflag:s16] =	ssyncset.done $0x0  }
0x320: {  	[sflag:s16] =	ssyncadd.s32 $0xFFFF0000  }
0x321: {  	[tilespmem:s12], [sflag:$0x1] =	stream.linear.gather [hbm4b:s28+s18], $0x1000, $0x38;
	[tilespmem:$0x19800] =	vst v63  }
0x322: {  	s20 =	sadd.s32 $0x1000, s28  }
0x323: {  	[tilespmem:s13], [sflag:$0x1] =	stream.linear.gather [hbm4b:s20+s18], $0x1000, $0x38;
	[tilespmem:$0x19800] =	vst v63  }
0x324: {  	s20 =	rddreg [dreg:$0xc]  }
0x325: {  	[tilespmem:s14], [sflag:$0x1] =	stream.linear.gather [hbm4b:s20+s18], $0x2000, $0x38;
	[tilespmem:$0x19800] =	vst v63  }
0x326: {  	_ = 	snop  }
0x327: {  	[tilespmem:s18], [sflag:$0x3] =	stream.linear.gather [hbm4b:s29+s18], $0x8000, $0x38;
	[tilespmem:$0x19800] =	vst v63  }
0x328: {  	s20 =	sadd.s32 $0x1000, s29  }
0x329: {  	[tilespmem:s15], [sflag:$0x3] =	stream.linear.gather [hbm4b:s20+s18], $0x8000, $0x38;
	[tilespmem:$0x19800] =	vst v63  }
0x32a: {  	_ =	swait.ge [sflag:s16], $0x10000  }
0x32b: {  	[sflag:s16] =	ssyncset.done $0x0  }
0x32c: {  	[sflag:s16] =	ssyncadd.s32 $0xFFFF0000  }
0x32d: {  	_ =	swait.ge [sflag:s9], $0x2000  }
0x32e: {  	[sflag:s9] =	ssyncset.done $0x0  }
0x32f: {  	[sflag:s9] =	ssyncadd.s32 $0xFFFFE000  }
0x330: {  	_ =	swait.ge [sflag:s9], $0x2000  }
0x331: {  	[sflag:s9] =	ssyncset.done $0x0  }
0x332: {  	[sflag:s9] =	ssyncadd.s32 $0xFFFFE000  }
0x333: {  	[tilespmem:s17], [sflag:$0x2] =	stream.linear.gather [hbm4b:s30+s18], $0x1000, $0x38;
	[tilespmem:$0x19800] =	vst v63  }
0x334: {  	s20 =	sadd.s32 $0x1000, s30  }
0x335: {  	[tilespmem:s1], [sflag:$0x2] =	stream.linear.gather [hbm4b:s20+s18], $0x1000, $0x38;
	[tilespmem:$0x19800] =	vst v63  }
0x336: {  	s19 =	simm.s32 $0x15840;
	s20 =	rddreg [dreg:$0xd]  }
0x337: {  	[tilespmem:s8], [sflag:$0x2] =	stream.linear.gather [hbm4b:s20+s18], $0x2000, $0x38;
	[tilespmem:$0x19800] =	vst v63  }
.LBB2_18:
0x338: {  	v2 =	vmov s18  }
0x339: {  	v3 =	vld [tilespmem:s19+$0xFFFFFFC0];
	v4 =	vshll.u32 v2, $0x3  }
0x33a: {  	v2 =	vand.u32 $0x78, v2;
	v4 =	vand.u32 $0xC00, v4  }
0x33b: {  	v2 =	vor.u32 v2, v4  }
0x33c: {  	v2 =	vadd.s32 v0, v2;
	_ =	sdelay $0x1  }
0x33d: {  	v49 =	vshll.u32 v3, $0x3  }
0x33e: {  	v3 =	vand.u32 $0x7F, v3;
	v4 =	vand.u32 $0xFFFFFC00, v49  }
0x33f: {  	v3 =	vor.u32 v3, v4  }
0x340: {  	v3 =	vadd.s32 v1, v3;
	v2 =	vld.idx.msk [tilespmem:v2+s12+$0x0], $0xffff;
	_ =	sdelay $0x3  }
0x341: {  	s20 =	sadd.s32 $0x1, s18  }
0x342: {  	[tilespmem:v3+s0+$0x0] =	vst.idx.add.f32.msk $0xffff, v2;
	v2 =	vmov s20  }
0x343: {  	v3 =	vld [tilespmem:s19+$0xFFFFFFD0];
	v50 =	vshll.u32 v2, $0x3  }
0x344: {  	v2 =	vand.u32 $0x79, v2;
	v4 =	vand.u32 $0xC00, v50  }
0x345: {  	v2 =	vor.u32 v2, v4  }
0x346: {  	v2 =	vadd.s32 v0, v2;
	_ =	sdelay $0x1  }
0x347: {  	v51 =	vshll.u32 v3, $0x3  }
0x348: {  	v3 =	vand.u32 $0x7F, v3;
	v4 =	vand.u32 $0xFFFFFC00, v51  }
0x349: {  	v3 =	vor.u32 v3, v4  }
0x34a: {  	v2 =	vld.idx.msk [tilespmem:v2+s12+$0x0], $0xffff;
	v3 =	vadd.s32 v1, v3;
	_ =	sdelay $0x3  }
0x34b: {  	s20 =	sadd.s32 $0x2, s18  }
0x34c: {  	[tilespmem:v3+s0+$0x0] =	vst.idx.add.f32.msk $0xffff, v2;
	v2 =	vmov s20  }
0x34d: {  	v3 =	vld [tilespmem:s19+$0xFFFFFFE0];
	v52 =	vshll.u32 v2, $0x3  }
0x34e: {  	v2 =	vand.u32 $0x7A, v2;
	v4 =	vand.u32 $0xC00, v52  }
0x34f: {  	v2 =	vor.u32 v2, v4  }
0x350: {  	v2 =	vadd.s32 v0, v2;
	_ =	sdelay $0x1  }
0x351: {  	v53 =	vshll.u32 v3, $0x3  }
0x352: {  	v3 =	vand.u32 $0x7F, v3;
	v4 =	vand.u32 $0xFFFFFC00, v53  }
0x353: {  	v3 =	vor.u32 v3, v4  }
0x354: {  	v2 =	vld.idx.msk [tilespmem:v2+s12+$0x0], $0xffff;
	v3 =	vadd.s32 v1, v3;
	_ =	sdelay $0x3  }
0x355: {  	s20 =	sadd.s32 $0x3, s18  }
0x356: {  	[tilespmem:v3+s0+$0x0] =	vst.idx.add.f32.msk $0xffff, v2;
	v2 =	vmov s20  }
0x357: {  	v3 =	vld [tilespmem:s19+$0xFFFFFFF0];
	v54 =	vshll.u32 v2, $0x3  }
0x358: {  	v2 =	vand.u32 $0x7B, v2;
	v4 =	vand.u32 $0xC00, v54  }
0x359: {  	v2 =	vor.u32 v2, v4  }
0x35a: {  	v2 =	vadd.s32 v0, v2;
	_ =	sdelay $0x1  }
0x35b: {  	v55 =	vshll.u32 v3, $0x3  }
0x35c: {  	v3 =	vand.u32 $0x7F, v3;
	v4 =	vand.u32 $0xFFFFFC00, v55  }
0x35d: {  	v3 =	vor.u32 v3, v4  }
0x35e: {  	v2 =	vld.idx.msk [tilespmem:v2+s12+$0x0], $0xffff;
	v3 =	vadd.s32 v1, v3;
	_ =	sdelay $0x3  }
0x35f: {  	s20 =	sadd.s32 $0x4, s18  }
0x360: {  	[tilespmem:v3+s0+$0x0] =	vst.idx.add.f32.msk $0xffff, v2;
	v2 =	vmov s20  }
0x361: {  	v3 =	vld [tilespmem:s19+$0x0];
	v56 =	vshll.u32 v2, $0x3  }
0x362: {  	v2 =	vand.u32 $0x7C, v2;
	v4 =	vand.u32 $0xC00, v56  }
0x363: {  	v2 =	vor.u32 v2, v4  }
0x364: {  	v2 =	vadd.s32 v0, v2;
	_ =	sdelay $0x1  }
0x365: {  	v57 =	vshll.u32 v3, $0x3  }
0x366: {  	v3 =	vand.u32 $0x7F, v3;
	v4 =	vand.u32 $0xFFFFFC00, v57  }
0x367: {  	v3 =	vor.u32 v3, v4  }
0x368: {  	v2 =	vld.idx.msk [tilespmem:v2+s12+$0x0], $0xffff;
	v3 =	vadd.s32 v1, v3;
	_ =	sdelay $0x3  }
0x369: {  	s20 =	sadd.s32 $0x5, s18  }
0x36a: {  	[tilespmem:v3+s0+$0x0] =	vst.idx.add.f32.msk $0xffff, v2;
	v2 =	vmov s20  }
0x36b: {  	v3 =	vld [tilespmem:s19+$0x10];
	v58 =	vshll.u32 v2, $0x3  }
0x36c: {  	v2 =	vand.u32 $0x7D, v2;
	v4 =	vand.u32 $0xC00, v58  }
0x36d: {  	v2 =	vor.u32 v2, v4  }
0x36e: {  	v2 =	vadd.s32 v0, v2;
	_ =	sdelay $0x1  }
0x36f: {  	v59 =	vshll.u32 v3, $0x3  }
0x370: {  	v3 =	vand.u32 $0x7F, v3;
	v4 =	vand.u32 $0xFFFFFC00, v59  }
0x371: {  	v3 =	vor.u32 v3, v4  }
0x372: {  	v2 =	vld.idx.msk [tilespmem:v2+s12+$0x0], $0xffff;
	v3 =	vadd.s32 v1, v3;
	_ =	sdelay $0x3  }
0x373: {  	s20 =	sadd.s32 $0x6, s18  }
0x374: {  	[tilespmem:v3+s0+$0x0] =	vst.idx.add.f32.msk $0xffff, v2;
	v2 =	vmov s20  }
0x375: {  	v3 =	vld [tilespmem:s19+$0x20];
	v60 =	vshll.u32 v2, $0x3  }
0x376: {  	v2 =	vand.u32 $0x7E, v2;
	v4 =	vand.u32 $0xC00, v60  }
0x377: {  	v2 =	vor.u32 v2, v4  }
0x378: {  	v2 =	vadd.s32 v0, v2;
	_ =	sdelay $0x1  }
0x379: {  	v61 =	vshll.u32 v3, $0x3  }
0x37a: {  	v3 =	vand.u32 $0x7F, v3;
	v4 =	vand.u32 $0xFFFFFC00, v61  }
0x37b: {  	v3 =	vor.u32 v3, v4  }
0x37c: {  	v2 =	vld.idx.msk [tilespmem:v2+s12+$0x0], $0xffff;
	v3 =	vadd.s32 v1, v3;
	_ =	sdelay $0x3  }
0x37d: {  	s20 =	sadd.s32 $0x7, s18  }
0x37e: {  	[tilespmem:v3+s0+$0x0] =	vst.idx.add.f32.msk $0xffff, v2;
	v2 =	vmov s20  }
0x37f: {  	v3 =	vld [tilespmem:s19+$0x30];
	v62 =	vshll.u32 v2, $0x3  }
0x380: {  	v2 =	vand.u32 $0x7F, v2;
	v4 =	vand.u32 $0xC00, v62  }
0x381: {  	v2 =	vor.u32 v2, v4  }
0x382: {  	v2 =	vadd.s32 v0, v2;
	_ =	sdelay $0x1  }
0x383: {  	v63 =	vshll.u32 v3, $0x3  }
0x384: {  	v3 =	vand.u32 $0x7F, v3;
	v4 =	vand.u32 $0xFFFFFC00, v63  }
0x385: {  	v3 =	vor.u32 v3, v4  }
0x386: {  	p1 =	slt.u32 s18, $0x1F8;
	v2 =	vld.idx.msk [tilespmem:v2+s12+$0x0], $0xffff;
	v3 =	vadd.s32 v1, v3  }
.Ltmp8:
0x387: {  	_ = 	snop;
	(pc) =	sbr.rel @p1 .LBB2_18-.Ltmp8, $2  }
0x388: {  	_ =	sdelay $0x2  }
0x389: {  	s18 =	sadd.s32 $0x8, s18;
	s19 =	sadd.s32 $0x80, s19;
	[tilespmem:v3+s0+$0x0] =	vst.idx.add.f32.msk $0xffff, v2  }
0x38a: {  	_ =	swait.ge [sflag:s10], $0x2000  }
0x38b: {  	[sflag:s10] =	ssyncset.done $0x0  }
0x38c: {  	[sflag:s10] =	ssyncadd.s32 $0xFFFFE000  }
0x38d: {  	_ =	swait.ge [sflag:s10], $0x2000  }
0x38e: {  	[sflag:s10] =	ssyncset.done $0x0  }
0x38f: {  	s18 =	simm.s32 $0x0;
	[sflag:s10] =	ssyncadd.s32 $0xFFFFE000  }
0x390: {  	[tilespmem:s12], [sflag:$0x1] =	stream.linear.gather [hbm4b:s31+s18], $0x1000, $0x38;
	[tilespmem:$0x19800] =	vst v63  }
0x391: {  	s19 =	sadd.s32 $0x1000, s31  }
0x392: {  	[tilespmem:s13], [sflag:$0x1] =	stream.linear.gather [hbm4b:s19+s18], $0x1000, $0x38;
	[tilespmem:$0x19800] =	vst v63  }
0x393: {  	s20 =	rddreg [dreg:$0xe];
	s19 =	simm.s32 $0x17840  }
0x394: {  	[tilespmem:s14], [sflag:$0x1] =	stream.linear.gather [hbm4b:s20+s18], $0x2000, $0x38;
	[tilespmem:$0x19800] =	vst v63  }
.LBB2_20:
0x395: {  	v2 =	vmov s18  }
0x396: {  	v3 =	vld [tilespmem:s19+$0xFFFFFFC0];
	v4 =	vshll.u32 v2, $0x3  }
0x397: {  	v2 =	vand.u32 $0x78, v2;
	v4 =	vand.u32 $0xC00, v4  }
0x398: {  	v2 =	vor.u32 v2, v4  }
0x399: {  	v2 =	vadd.s32 v0, v2;
	_ =	sdelay $0x1  }
0x39a: {  	v49 =	vshll.u32 v3, $0x3  }
0x39b: {  	v3 =	vand.u32 $0x7F, v3;
	v4 =	vand.u32 $0xFFFFFC00, v49  }
0x39c: {  	v3 =	vor.u32 v3, v4  }
0x39d: {  	v3 =	vadd.s32 v1, v3;
	v2 =	vld.idx.msk [tilespmem:v2+s17+$0x0], $0xffff;
	_ =	sdelay $0x3  }
0x39e: {  	s20 =	sadd.s32 $0x1, s18  }
0x39f: {  	[tilespmem:v3+s0+$0x0] =	vst.idx.add.f32.msk $0xffff, v2;
	v2 =	vmov s20  }
0x3a0: {  	v3 =	vld [tilespmem:s19+$0xFFFFFFD0];
	v50 =	vshll.u32 v2, $0x3  }
0x3a1: {  	v2 =	vand.u32 $0x79, v2;
	v4 =	vand.u32 $0xC00, v50  }
0x3a2: {  	v2 =	vor.u32 v2, v4  }
0x3a3: {  	v2 =	vadd.s32 v0, v2;
	_ =	sdelay $0x1  }
0x3a4: {  	v51 =	vshll.u32 v3, $0x3  }
0x3a5: {  	v3 =	vand.u32 $0x7F, v3;
	v4 =	vand.u32 $0xFFFFFC00, v51  }
0x3a6: {  	v3 =	vor.u32 v3, v4  }
0x3a7: {  	v2 =	vld.idx.msk [tilespmem:v2+s17+$0x0], $0xffff;
	v3 =	vadd.s32 v1, v3;
	_ =	sdelay $0x3  }
0x3a8: {  	s20 =	sadd.s32 $0x2, s18  }
0x3a9: {  	[tilespmem:v3+s0+$0x0] =	vst.idx.add.f32.msk $0xffff, v2;
	v2 =	vmov s20  }
0x3aa: {  	v3 =	vld [tilespmem:s19+$0xFFFFFFE0];
	v52 =	vshll.u32 v2, $0x3  }
0x3ab: {  	v2 =	vand.u32 $0x7A, v2;
	v4 =	vand.u32 $0xC00, v52  }
0x3ac: {  	v2 =	vor.u32 v2, v4  }
0x3ad: {  	v2 =	vadd.s32 v0, v2;
	_ =	sdelay $0x1  }
0x3ae: {  	v53 =	vshll.u32 v3, $0x3  }
0x3af: {  	v3 =	vand.u32 $0x7F, v3;
	v4 =	vand.u32 $0xFFFFFC00, v53  }
0x3b0: {  	v3 =	vor.u32 v3, v4  }
0x3b1: {  	v2 =	vld.idx.msk [tilespmem:v2+s17+$0x0], $0xffff;
	v3 =	vadd.s32 v1, v3;
	_ =	sdelay $0x3  }
0x3b2: {  	s20 =	sadd.s32 $0x3, s18  }
0x3b3: {  	[tilespmem:v3+s0+$0x0] =	vst.idx.add.f32.msk $0xffff, v2;
	v2 =	vmov s20  }
0x3b4: {  	v3 =	vld [tilespmem:s19+$0xFFFFFFF0];
	v54 =	vshll.u32 v2, $0x3  }
0x3b5: {  	v2 =	vand.u32 $0x7B, v2;
	v4 =	vand.u32 $0xC00, v54  }
0x3b6: {  	v2 =	vor.u32 v2, v4  }
0x3b7: {  	v2 =	vadd.s32 v0, v2;
	_ =	sdelay $0x1  }
0x3b8: {  	v55 =	vshll.u32 v3, $0x3  }
0x3b9: {  	v3 =	vand.u32 $0x7F, v3;
	v4 =	vand.u32 $0xFFFFFC00, v55  }
0x3ba: {  	v3 =	vor.u32 v3, v4  }
0x3bb: {  	v2 =	vld.idx.msk [tilespmem:v2+s17+$0x0], $0xffff;
	v3 =	vadd.s32 v1, v3;
	_ =	sdelay $0x3  }
0x3bc: {  	s20 =	sadd.s32 $0x4, s18  }
0x3bd: {  	[tilespmem:v3+s0+$0x0] =	vst.idx.add.f32.msk $0xffff, v2;
	v2 =	vmov s20  }
0x3be: {  	v3 =	vld [tilespmem:s19+$0x0];
	v56 =	vshll.u32 v2, $0x3  }
0x3bf: {  	v2 =	vand.u32 $0x7C, v2;
	v4 =	vand.u32 $0xC00, v56  }
0x3c0: {  	v2 =	vor.u32 v2, v4  }
0x3c1: {  	v2 =	vadd.s32 v0, v2;
	_ =	sdelay $0x1  }
0x3c2: {  	v57 =	vshll.u32 v3, $0x3  }
0x3c3: {  	v3 =	vand.u32 $0x7F, v3;
	v4 =	vand.u32 $0xFFFFFC00, v57  }
0x3c4: {  	v3 =	vor.u32 v3, v4  }
0x3c5: {  	v2 =	vld.idx.msk [tilespmem:v2+s17+$0x0], $0xffff;
	v3 =	vadd.s32 v1, v3;
	_ =	sdelay $0x3  }
0x3c6: {  	s20 =	sadd.s32 $0x5, s18  }
0x3c7: {  	[tilespmem:v3+s0+$0x0] =	vst.idx.add.f32.msk $0xffff, v2;
	v2 =	vmov s20  }
0x3c8: {  	v3 =	vld [tilespmem:s19+$0x10];
	v58 =	vshll.u32 v2, $0x3  }
0x3c9: {  	v2 =	vand.u32 $0x7D, v2;
	v4 =	vand.u32 $0xC00, v58  }
0x3ca: {  	v2 =	vor.u32 v2, v4  }
0x3cb: {  	v2 =	vadd.s32 v0, v2;
	_ =	sdelay $0x1  }
0x3cc: {  	v59 =	vshll.u32 v3, $0x3  }
0x3cd: {  	v3 =	vand.u32 $0x7F, v3;
	v4 =	vand.u32 $0xFFFFFC00, v59  }
0x3ce: {  	v3 =	vor.u32 v3, v4  }
0x3cf: {  	v2 =	vld.idx.msk [tilespmem:v2+s17+$0x0], $0xffff;
	v3 =	vadd.s32 v1, v3;
	_ =	sdelay $0x3  }
0x3d0: {  	s20 =	sadd.s32 $0x6, s18  }
0x3d1: {  	[tilespmem:v3+s0+$0x0] =	vst.idx.add.f32.msk $0xffff, v2;
	v2 =	vmov s20  }
0x3d2: {  	v3 =	vld [tilespmem:s19+$0x20];
	v60 =	vshll.u32 v2, $0x3  }
0x3d3: {  	v2 =	vand.u32 $0x7E, v2;
	v4 =	vand.u32 $0xC00, v60  }
0x3d4: {  	v2 =	vor.u32 v2, v4  }
0x3d5: {  	v2 =	vadd.s32 v0, v2;
	_ =	sdelay $0x1  }
0x3d6: {  	v61 =	vshll.u32 v3, $0x3  }
0x3d7: {  	v3 =	vand.u32 $0x7F, v3;
	v4 =	vand.u32 $0xFFFFFC00, v61  }
0x3d8: {  	v3 =	vor.u32 v3, v4  }
0x3d9: {  	v2 =	vld.idx.msk [tilespmem:v2+s17+$0x0], $0xffff;
	v3 =	vadd.s32 v1, v3;
	_ =	sdelay $0x3  }
0x3da: {  	s20 =	sadd.s32 $0x7, s18  }
0x3db: {  	[tilespmem:v3+s0+$0x0] =	vst.idx.add.f32.msk $0xffff, v2;
	v2 =	vmov s20  }
0x3dc: {  	v3 =	vld [tilespmem:s19+$0x30];
	v62 =	vshll.u32 v2, $0x3  }
0x3dd: {  	v2 =	vand.u32 $0x7F, v2;
	v4 =	vand.u32 $0xC00, v62  }
0x3de: {  	v2 =	vor.u32 v2, v4  }
0x3df: {  	v2 =	vadd.s32 v0, v2;
	_ =	sdelay $0x1  }
0x3e0: {  	v63 =	vshll.u32 v3, $0x3  }
0x3e1: {  	v3 =	vand.u32 $0x7F, v3;
	v4 =	vand.u32 $0xFFFFFC00, v63  }
0x3e2: {  	v3 =	vor.u32 v3, v4  }
0x3e3: {  	p1 =	slt.u32 s18, $0x1F8;
	v2 =	vld.idx.msk [tilespmem:v2+s17+$0x0], $0xffff;
	v3 =	vadd.s32 v1, v3  }
.Ltmp9:
0x3e4: {  	_ = 	snop;
	(pc) =	sbr.rel @p1 .LBB2_20-.Ltmp9, $2  }
0x3e5: {  	_ =	sdelay $0x2  }
0x3e6: {  	s18 =	sadd.s32 $0x8, s18;
	s19 =	sadd.s32 $0x80, s19;
	[tilespmem:v3+s0+$0x0] =	vst.idx.add.f32.msk $0xffff, v2  }
0x3e7: {  	_ =	swait.ge [sflag:s9], $0x2000  }
0x3e8: {  	[sflag:s9] =	ssyncset.done $0x0  }
0x3e9: {  	[sflag:s9] =	ssyncadd.s32 $0xFFFFE000  }
0x3ea: {  	_ =	swait.ge [sflag:s9], $0x2000  }
0x3eb: {  	[sflag:s9] =	ssyncset.done $0x0  }
0x3ec: {  	s18 =	simm.s32 $0x0;
	[sflag:s9] =	ssyncadd.s32 $0xFFFFE000  }
0x3ed: {  	[tilespmem:s17], [sflag:$0x2] =	stream.linear.gather [hbm4b:s2+s18], $0x1000, $0x38;
	[tilespmem:$0x19800] =	vst v63  }
0x3ee: {  	s19 =	sadd.s32 $0x1000, s2  }
0x3ef: {  	[tilespmem:s1], [sflag:$0x2] =	stream.linear.gather [hbm4b:s19+s18], $0x1000, $0x38;
	[tilespmem:$0x19800] =	vst v63  }
0x3f0: {  	s20 =	rddreg [dreg:$0xf];
	s19 =	simm.s32 $0x15840  }
0x3f1: {  	[tilespmem:s8], [sflag:$0x2] =	stream.linear.gather [hbm4b:s20+s18], $0x2000, $0x38;
	[tilespmem:$0x19800] =	vst v63  }
.LBB2_22:
0x3f2: {  	v2 =	vmov s18  }
0x3f3: {  	v3 =	vld [tilespmem:s19+$0xFFFFFFC0];
	v4 =	vshll.u32 v2, $0x3  }
0x3f4: {  	v2 =	vand.u32 $0x78, v2;
	v4 =	vand.u32 $0xC00, v4  }
0x3f5: {  	v2 =	vor.u32 v2, v4  }
0x3f6: {  	v2 =	vadd.s32 v0, v2;
	_ =	sdelay $0x1  }
0x3f7: {  	v49 =	vshll.u32 v3, $0x3  }
0x3f8: {  	v3 =	vand.u32 $0x7F, v3;
	v4 =	vand.u32 $0xFFFFFC00, v49  }
0x3f9: {  	v3 =	vor.u32 v3, v4  }
0x3fa: {  	v3 =	vadd.s32 v1, v3;
	v2 =	vld.idx.msk [tilespmem:v2+s12+$0x0], $0xffff;
	_ =	sdelay $0x3  }
0x3fb: {  	s20 =	sadd.s32 $0x1, s18  }
0x3fc: {  	[tilespmem:v3+s0+$0x0] =	vst.idx.add.f32.msk $0xffff, v2;
	v2 =	vmov s20  }
0x3fd: {  	v3 =	vld [tilespmem:s19+$0xFFFFFFD0];
	v50 =	vshll.u32 v2, $0x3  }
0x3fe: {  	v2 =	vand.u32 $0x79, v2;
	v4 =	vand.u32 $0xC00, v50  }
0x3ff: {  	v2 =	vor.u32 v2, v4  }
0x400: {  	v2 =	vadd.s32 v0, v2;
	_ =	sdelay $0x1  }
0x401: {  	v51 =	vshll.u32 v3, $0x3  }
0x402: {  	v3 =	vand.u32 $0x7F, v3;
	v4 =	vand.u32 $0xFFFFFC00, v51  }
0x403: {  	v3 =	vor.u32 v3, v4  }
0x404: {  	v2 =	vld.idx.msk [tilespmem:v2+s12+$0x0], $0xffff;
	v3 =	vadd.s32 v1, v3;
	_ =	sdelay $0x3  }
0x405: {  	s20 =	sadd.s32 $0x2, s18  }
0x406: {  	[tilespmem:v3+s0+$0x0] =	vst.idx.add.f32.msk $0xffff, v2;
	v2 =	vmov s20  }
0x407: {  	v3 =	vld [tilespmem:s19+$0xFFFFFFE0];
	v52 =	vshll.u32 v2, $0x3  }
0x408: {  	v2 =	vand.u32 $0x7A, v2;
	v4 =	vand.u32 $0xC00, v52  }
0x409: {  	v2 =	vor.u32 v2, v4  }
0x40a: {  	v2 =	vadd.s32 v0, v2;
	_ =	sdelay $0x1  }
0x40b: {  	v53 =	vshll.u32 v3, $0x3  }
0x40c: {  	v3 =	vand.u32 $0x7F, v3;
	v4 =	vand.u32 $0xFFFFFC00, v53  }
0x40d: {  	v3 =	vor.u32 v3, v4  }
0x40e: {  	v2 =	vld.idx.msk [tilespmem:v2+s12+$0x0], $0xffff;
	v3 =	vadd.s32 v1, v3;
	_ =	sdelay $0x3  }
0x40f: {  	s20 =	sadd.s32 $0x3, s18  }
0x410: {  	[tilespmem:v3+s0+$0x0] =	vst.idx.add.f32.msk $0xffff, v2;
	v2 =	vmov s20  }
0x411: {  	v3 =	vld [tilespmem:s19+$0xFFFFFFF0];
	v54 =	vshll.u32 v2, $0x3  }
0x412: {  	v2 =	vand.u32 $0x7B, v2;
	v4 =	vand.u32 $0xC00, v54  }
0x413: {  	v2 =	vor.u32 v2, v4  }
0x414: {  	v2 =	vadd.s32 v0, v2;
	_ =	sdelay $0x1  }
0x415: {  	v55 =	vshll.u32 v3, $0x3  }
0x416: {  	v3 =	vand.u32 $0x7F, v3;
	v4 =	vand.u32 $0xFFFFFC00, v55  }
0x417: {  	v3 =	vor.u32 v3, v4  }
0x418: {  	v2 =	vld.idx.msk [tilespmem:v2+s12+$0x0], $0xffff;
	v3 =	vadd.s32 v1, v3;
	_ =	sdelay $0x3  }
0x419: {  	s20 =	sadd.s32 $0x4, s18  }
0x41a: {  	[tilespmem:v3+s0+$0x0] =	vst.idx.add.f32.msk $0xffff, v2;
	v2 =	vmov s20  }
0x41b: {  	v3 =	vld [tilespmem:s19+$0x0];
	v56 =	vshll.u32 v2, $0x3  }
0x41c: {  	v2 =	vand.u32 $0x7C, v2;
	v4 =	vand.u32 $0xC00, v56  }
0x41d: {  	v2 =	vor.u32 v2, v4  }
0x41e: {  	v2 =	vadd.s32 v0, v2;
	_ =	sdelay $0x1  }
0x41f: {  	v57 =	vshll.u32 v3, $0x3  }
0x420: {  	v3 =	vand.u32 $0x7F, v3;
	v4 =	vand.u32 $0xFFFFFC00, v57  }
0x421: {  	v3 =	vor.u32 v3, v4  }
0x422: {  	v2 =	vld.idx.msk [tilespmem:v2+s12+$0x0], $0xffff;
	v3 =	vadd.s32 v1, v3;
	_ =	sdelay $0x3  }
0x423: {  	s20 =	sadd.s32 $0x5, s18  }
0x424: {  	[tilespmem:v3+s0+$0x0] =	vst.idx.add.f32.msk $0xffff, v2;
	v2 =	vmov s20  }
0x425: {  	v3 =	vld [tilespmem:s19+$0x10];
	v58 =	vshll.u32 v2, $0x3  }
0x426: {  	v2 =	vand.u32 $0x7D, v2;
	v4 =	vand.u32 $0xC00, v58  }
0x427: {  	v2 =	vor.u32 v2, v4  }
0x428: {  	v2 =	vadd.s32 v0, v2;
	_ =	sdelay $0x1  }
0x429: {  	v59 =	vshll.u32 v3, $0x3  }
0x42a: {  	v3 =	vand.u32 $0x7F, v3;
	v4 =	vand.u32 $0xFFFFFC00, v59  }
0x42b: {  	v3 =	vor.u32 v3, v4  }
0x42c: {  	v2 =	vld.idx.msk [tilespmem:v2+s12+$0x0], $0xffff;
	v3 =	vadd.s32 v1, v3;
	_ =	sdelay $0x3  }
0x42d: {  	s20 =	sadd.s32 $0x6, s18  }
0x42e: {  	[tilespmem:v3+s0+$0x0] =	vst.idx.add.f32.msk $0xffff, v2;
	v2 =	vmov s20  }
0x42f: {  	v3 =	vld [tilespmem:s19+$0x20];
	v60 =	vshll.u32 v2, $0x3  }
0x430: {  	v2 =	vand.u32 $0x7E, v2;
	v4 =	vand.u32 $0xC00, v60  }
0x431: {  	v2 =	vor.u32 v2, v4  }
0x432: {  	v2 =	vadd.s32 v0, v2;
	_ =	sdelay $0x1  }
0x433: {  	v61 =	vshll.u32 v3, $0x3  }
0x434: {  	v3 =	vand.u32 $0x7F, v3;
	v4 =	vand.u32 $0xFFFFFC00, v61  }
0x435: {  	v3 =	vor.u32 v3, v4  }
0x436: {  	v2 =	vld.idx.msk [tilespmem:v2+s12+$0x0], $0xffff;
	v3 =	vadd.s32 v1, v3;
	_ =	sdelay $0x3  }
0x437: {  	s20 =	sadd.s32 $0x7, s18  }
0x438: {  	[tilespmem:v3+s0+$0x0] =	vst.idx.add.f32.msk $0xffff, v2;
	v2 =	vmov s20  }
0x439: {  	v3 =	vld [tilespmem:s19+$0x30];
	v62 =	vshll.u32 v2, $0x3  }
0x43a: {  	v2 =	vand.u32 $0x7F, v2;
	v4 =	vand.u32 $0xC00, v62  }
0x43b: {  	v2 =	vor.u32 v2, v4  }
0x43c: {  	v2 =	vadd.s32 v0, v2;
	_ =	sdelay $0x1  }
0x43d: {  	v63 =	vshll.u32 v3, $0x3  }
0x43e: {  	v3 =	vand.u32 $0x7F, v3;
	v4 =	vand.u32 $0xFFFFFC00, v63  }
0x43f: {  	v3 =	vor.u32 v3, v4  }
0x440: {  	p1 =	slt.u32 s18, $0x1F8;
	v2 =	vld.idx.msk [tilespmem:v2+s12+$0x0], $0xffff;
	v3 =	vadd.s32 v1, v3  }
.Ltmp10:
0x441: {  	_ = 	snop;
	(pc) =	sbr.rel @p1 .LBB2_22-.Ltmp10, $2  }
0x442: {  	_ =	sdelay $0x2  }
0x443: {  	s18 =	sadd.s32 $0x8, s18;
	s19 =	sadd.s32 $0x80, s19;
	[tilespmem:v3+s0+$0x0] =	vst.idx.add.f32.msk $0xffff, v2  }
0x444: {  	_ =	swait.ge [sflag:s10], $0x2000  }
0x445: {  	[sflag:s10] =	ssyncset.done $0x0  }
0x446: {  	[sflag:s10] =	ssyncadd.s32 $0xFFFFE000  }
0x447: {  	_ =	swait.ge [sflag:s10], $0x2000  }
0x448: {  	[sflag:s10] =	ssyncset.done $0x0  }
0x449: {  	s18 =	simm.s32 $0x0;
	[sflag:s10] =	ssyncadd.s32 $0xFFFFE000  }
0x44a: {  	[tilespmem:s12], [sflag:$0x1] =	stream.linear.gather [hbm4b:s3+s18], $0x1000, $0x38;
	[tilespmem:$0x19800] =	vst v63  }
0x44b: {  	s19 =	sadd.s32 $0x1000, s3  }
0x44c: {  	[tilespmem:s13], [sflag:$0x1] =	stream.linear.gather [hbm4b:s19+s18], $0x1000, $0x38;
	[tilespmem:$0x19800] =	vst v63  }
0x44d: {  	s20 =	rddreg [dreg:$0x10];
	s19 =	simm.s32 $0x17840  }
0x44e: {  	[tilespmem:s14], [sflag:$0x1] =	stream.linear.gather [hbm4b:s20+s18], $0x2000, $0x38;
	[tilespmem:$0x19800] =	vst v63  }
.LBB2_24:
0x44f: {  	v2 =	vmov s18  }
0x450: {  	v3 =	vld [tilespmem:s19+$0xFFFFFFC0];
	v4 =	vshll.u32 v2, $0x3  }
0x451: {  	v2 =	vand.u32 $0x78, v2;
	v4 =	vand.u32 $0xC00, v4  }
0x452: {  	v2 =	vor.u32 v2, v4  }
0x453: {  	v2 =	vadd.s32 v0, v2;
	_ =	sdelay $0x1  }
0x454: {  	v49 =	vshll.u32 v3, $0x3  }
0x455: {  	v3 =	vand.u32 $0x7F, v3;
	v4 =	vand.u32 $0xFFFFFC00, v49  }
0x456: {  	v3 =	vor.u32 v3, v4  }
0x457: {  	v3 =	vadd.s32 v1, v3;
	v2 =	vld.idx.msk [tilespmem:v2+s17+$0x0], $0xffff;
	_ =	sdelay $0x3  }
0x458: {  	s20 =	sadd.s32 $0x1, s18  }
0x459: {  	[tilespmem:v3+s0+$0x0] =	vst.idx.add.f32.msk $0xffff, v2;
	v2 =	vmov s20  }
0x45a: {  	v3 =	vld [tilespmem:s19+$0xFFFFFFD0];
	v50 =	vshll.u32 v2, $0x3  }
0x45b: {  	v2 =	vand.u32 $0x79, v2;
	v4 =	vand.u32 $0xC00, v50  }
0x45c: {  	v2 =	vor.u32 v2, v4  }
0x45d: {  	v2 =	vadd.s32 v0, v2;
	_ =	sdelay $0x1  }
0x45e: {  	v51 =	vshll.u32 v3, $0x3  }
0x45f: {  	v3 =	vand.u32 $0x7F, v3;
	v4 =	vand.u32 $0xFFFFFC00, v51  }
0x460: {  	v3 =	vor.u32 v3, v4  }
0x461: {  	v2 =	vld.idx.msk [tilespmem:v2+s17+$0x0], $0xffff;
	v3 =	vadd.s32 v1, v3;
	_ =	sdelay $0x3  }
0x462: {  	s20 =	sadd.s32 $0x2, s18  }
0x463: {  	[tilespmem:v3+s0+$0x0] =	vst.idx.add.f32.msk $0xffff, v2;
	v2 =	vmov s20  }
0x464: {  	v3 =	vld [tilespmem:s19+$0xFFFFFFE0];
	v52 =	vshll.u32 v2, $0x3  }
0x465: {  	v2 =	vand.u32 $0x7A, v2;
	v4 =	vand.u32 $0xC00, v52  }
0x466: {  	v2 =	vor.u32 v2, v4  }
0x467: {  	v2 =	vadd.s32 v0, v2;
	_ =	sdelay $0x1  }
0x468: {  	v53 =	vshll.u32 v3, $0x3  }
0x469: {  	v3 =	vand.u32 $0x7F, v3;
	v4 =	vand.u32 $0xFFFFFC00, v53  }
0x46a: {  	v3 =	vor.u32 v3, v4  }
0x46b: {  	v2 =	vld.idx.msk [tilespmem:v2+s17+$0x0], $0xffff;
	v3 =	vadd.s32 v1, v3;
	_ =	sdelay $0x3  }
0x46c: {  	s20 =	sadd.s32 $0x3, s18  }
0x46d: {  	[tilespmem:v3+s0+$0x0] =	vst.idx.add.f32.msk $0xffff, v2;
	v2 =	vmov s20  }
0x46e: {  	v3 =	vld [tilespmem:s19+$0xFFFFFFF0];
	v54 =	vshll.u32 v2, $0x3  }
0x46f: {  	v2 =	vand.u32 $0x7B, v2;
	v4 =	vand.u32 $0xC00, v54  }
0x470: {  	v2 =	vor.u32 v2, v4  }
0x471: {  	v2 =	vadd.s32 v0, v2;
	_ =	sdelay $0x1  }
0x472: {  	v55 =	vshll.u32 v3, $0x3  }
0x473: {  	v3 =	vand.u32 $0x7F, v3;
	v4 =	vand.u32 $0xFFFFFC00, v55  }
0x474: {  	v3 =	vor.u32 v3, v4  }
0x475: {  	v2 =	vld.idx.msk [tilespmem:v2+s17+$0x0], $0xffff;
	v3 =	vadd.s32 v1, v3;
	_ =	sdelay $0x3  }
0x476: {  	s20 =	sadd.s32 $0x4, s18  }
0x477: {  	[tilespmem:v3+s0+$0x0] =	vst.idx.add.f32.msk $0xffff, v2;
	v2 =	vmov s20  }
0x478: {  	v3 =	vld [tilespmem:s19+$0x0];
	v56 =	vshll.u32 v2, $0x3  }
0x479: {  	v2 =	vand.u32 $0x7C, v2;
	v4 =	vand.u32 $0xC00, v56  }
0x47a: {  	v2 =	vor.u32 v2, v4  }
0x47b: {  	v2 =	vadd.s32 v0, v2;
	_ =	sdelay $0x1  }
0x47c: {  	v57 =	vshll.u32 v3, $0x3  }
0x47d: {  	v3 =	vand.u32 $0x7F, v3;
	v4 =	vand.u32 $0xFFFFFC00, v57  }
0x47e: {  	v3 =	vor.u32 v3, v4  }
0x47f: {  	v2 =	vld.idx.msk [tilespmem:v2+s17+$0x0], $0xffff;
	v3 =	vadd.s32 v1, v3;
	_ =	sdelay $0x3  }
0x480: {  	s20 =	sadd.s32 $0x5, s18  }
0x481: {  	[tilespmem:v3+s0+$0x0] =	vst.idx.add.f32.msk $0xffff, v2;
	v2 =	vmov s20  }
0x482: {  	v3 =	vld [tilespmem:s19+$0x10];
	v58 =	vshll.u32 v2, $0x3  }
0x483: {  	v2 =	vand.u32 $0x7D, v2;
	v4 =	vand.u32 $0xC00, v58  }
0x484: {  	v2 =	vor.u32 v2, v4  }
0x485: {  	v2 =	vadd.s32 v0, v2;
	_ =	sdelay $0x1  }
0x486: {  	v59 =	vshll.u32 v3, $0x3  }
0x487: {  	v3 =	vand.u32 $0x7F, v3;
	v4 =	vand.u32 $0xFFFFFC00, v59  }
0x488: {  	v3 =	vor.u32 v3, v4  }
0x489: {  	v2 =	vld.idx.msk [tilespmem:v2+s17+$0x0], $0xffff;
	v3 =	vadd.s32 v1, v3;
	_ =	sdelay $0x3  }
0x48a: {  	s20 =	sadd.s32 $0x6, s18  }
0x48b: {  	[tilespmem:v3+s0+$0x0] =	vst.idx.add.f32.msk $0xffff, v2;
	v2 =	vmov s20  }
0x48c: {  	v3 =	vld [tilespmem:s19+$0x20];
	v60 =	vshll.u32 v2, $0x3  }
0x48d: {  	v2 =	vand.u32 $0x7E, v2;
	v4 =	vand.u32 $0xC00, v60  }
0x48e: {  	v2 =	vor.u32 v2, v4  }
0x48f: {  	v2 =	vadd.s32 v0, v2;
	_ =	sdelay $0x1  }
0x490: {  	v61 =	vshll.u32 v3, $0x3  }
0x491: {  	v3 =	vand.u32 $0x7F, v3;
	v4 =	vand.u32 $0xFFFFFC00, v61  }
0x492: {  	v3 =	vor.u32 v3, v4  }
0x493: {  	v2 =	vld.idx.msk [tilespmem:v2+s17+$0x0], $0xffff;
	v3 =	vadd.s32 v1, v3;
	_ =	sdelay $0x3  }
0x494: {  	s20 =	sadd.s32 $0x7, s18  }
0x495: {  	[tilespmem:v3+s0+$0x0] =	vst.idx.add.f32.msk $0xffff, v2;
	v2 =	vmov s20  }
0x496: {  	v3 =	vld [tilespmem:s19+$0x30];
	v62 =	vshll.u32 v2, $0x3  }
0x497: {  	v2 =	vand.u32 $0x7F, v2;
	v4 =	vand.u32 $0xC00, v62  }
0x498: {  	v2 =	vor.u32 v2, v4  }
0x499: {  	v2 =	vadd.s32 v0, v2;
	_ =	sdelay $0x1  }
0x49a: {  	v63 =	vshll.u32 v3, $0x3  }
0x49b: {  	v3 =	vand.u32 $0x7F, v3;
	v4 =	vand.u32 $0xFFFFFC00, v63  }
0x49c: {  	v3 =	vor.u32 v3, v4  }
0x49d: {  	p1 =	slt.u32 s18, $0x1F8;
	v2 =	vld.idx.msk [tilespmem:v2+s17+$0x0], $0xffff;
	v3 =	vadd.s32 v1, v3  }
.Ltmp11:
0x49e: {  	_ = 	snop;
	(pc) =	sbr.rel @p1 .LBB2_24-.Ltmp11, $2  }
0x49f: {  	_ =	sdelay $0x2  }
0x4a0: {  	s18 =	sadd.s32 $0x8, s18;
	s19 =	sadd.s32 $0x80, s19;
	[tilespmem:v3+s0+$0x0] =	vst.idx.add.f32.msk $0xffff, v2  }
0x4a1: {  	_ =	swait.ge [sflag:s9], $0x2000  }
0x4a2: {  	[sflag:s9] =	ssyncset.done $0x0  }
0x4a3: {  	[sflag:s9] =	ssyncadd.s32 $0xFFFFE000  }
0x4a4: {  	_ =	swait.ge [sflag:s9], $0x2000  }
0x4a5: {  	[sflag:s9] =	ssyncset.done $0x0  }
0x4a6: {  	s18 =	simm.s32 $0x0;
	[sflag:s9] =	ssyncadd.s32 $0xFFFFE000  }
0x4a7: {  	[tilespmem:s17], [sflag:$0x2] =	stream.linear.gather [hbm4b:s4+s18], $0x1000, $0x38;
	[tilespmem:$0x19800] =	vst v63  }
0x4a8: {  	s19 =	sadd.s32 $0x1000, s4  }
0x4a9: {  	[tilespmem:s1], [sflag:$0x2] =	stream.linear.gather [hbm4b:s19+s18], $0x1000, $0x38;
	[tilespmem:$0x19800] =	vst v63  }
0x4aa: {  	s20 =	rddreg [dreg:$0x11];
	s19 =	simm.s32 $0x15840  }
0x4ab: {  	[tilespmem:s8], [sflag:$0x2] =	stream.linear.gather [hbm4b:s20+s18], $0x2000, $0x38;
	[tilespmem:$0x19800] =	vst v63  }
.LBB2_26:
0x4ac: {  	v2 =	vmov s18  }
0x4ad: {  	v3 =	vld [tilespmem:s19+$0xFFFFFFC0];
	v4 =	vshll.u32 v2, $0x3  }
0x4ae: {  	v2 =	vand.u32 $0x78, v2;
	v4 =	vand.u32 $0xC00, v4  }
0x4af: {  	v2 =	vor.u32 v2, v4  }
0x4b0: {  	v2 =	vadd.s32 v0, v2;
	_ =	sdelay $0x1  }
0x4b1: {  	v49 =	vshll.u32 v3, $0x3  }
0x4b2: {  	v3 =	vand.u32 $0x7F, v3;
	v4 =	vand.u32 $0xFFFFFC00, v49  }
0x4b3: {  	v3 =	vor.u32 v3, v4  }
0x4b4: {  	v3 =	vadd.s32 v1, v3;
	v2 =	vld.idx.msk [tilespmem:v2+s12+$0x0], $0xffff;
	_ =	sdelay $0x3  }
0x4b5: {  	s20 =	sadd.s32 $0x1, s18  }
0x4b6: {  	[tilespmem:v3+s0+$0x0] =	vst.idx.add.f32.msk $0xffff, v2;
	v2 =	vmov s20  }
0x4b7: {  	v3 =	vld [tilespmem:s19+$0xFFFFFFD0];
	v50 =	vshll.u32 v2, $0x3  }
0x4b8: {  	v2 =	vand.u32 $0x79, v2;
	v4 =	vand.u32 $0xC00, v50  }
0x4b9: {  	v2 =	vor.u32 v2, v4  }
0x4ba: {  	v2 =	vadd.s32 v0, v2;
	_ =	sdelay $0x1  }
0x4bb: {  	v51 =	vshll.u32 v3, $0x3  }
0x4bc: {  	v3 =	vand.u32 $0x7F, v3;
	v4 =	vand.u32 $0xFFFFFC00, v51  }
0x4bd: {  	v3 =	vor.u32 v3, v4  }
0x4be: {  	v2 =	vld.idx.msk [tilespmem:v2+s12+$0x0], $0xffff;
	v3 =	vadd.s32 v1, v3;
	_ =	sdelay $0x3  }
0x4bf: {  	s20 =	sadd.s32 $0x2, s18  }
0x4c0: {  	[tilespmem:v3+s0+$0x0] =	vst.idx.add.f32.msk $0xffff, v2;
	v2 =	vmov s20  }
0x4c1: {  	v3 =	vld [tilespmem:s19+$0xFFFFFFE0];
	v52 =	vshll.u32 v2, $0x3  }
0x4c2: {  	v2 =	vand.u32 $0x7A, v2;
	v4 =	vand.u32 $0xC00, v52  }
0x4c3: {  	v2 =	vor.u32 v2, v4  }
0x4c4: {  	v2 =	vadd.s32 v0, v2;
	_ =	sdelay $0x1  }
0x4c5: {  	v53 =	vshll.u32 v3, $0x3  }
0x4c6: {  	v3 =	vand.u32 $0x7F, v3;
	v4 =	vand.u32 $0xFFFFFC00, v53  }
0x4c7: {  	v3 =	vor.u32 v3, v4  }
0x4c8: {  	v2 =	vld.idx.msk [tilespmem:v2+s12+$0x0], $0xffff;
	v3 =	vadd.s32 v1, v3;
	_ =	sdelay $0x3  }
0x4c9: {  	s20 =	sadd.s32 $0x3, s18  }
0x4ca: {  	[tilespmem:v3+s0+$0x0] =	vst.idx.add.f32.msk $0xffff, v2;
	v2 =	vmov s20  }
0x4cb: {  	v3 =	vld [tilespmem:s19+$0xFFFFFFF0];
	v54 =	vshll.u32 v2, $0x3  }
0x4cc: {  	v2 =	vand.u32 $0x7B, v2;
	v4 =	vand.u32 $0xC00, v54  }
0x4cd: {  	v2 =	vor.u32 v2, v4  }
0x4ce: {  	v2 =	vadd.s32 v0, v2;
	_ =	sdelay $0x1  }
0x4cf: {  	v55 =	vshll.u32 v3, $0x3  }
0x4d0: {  	v3 =	vand.u32 $0x7F, v3;
	v4 =	vand.u32 $0xFFFFFC00, v55  }
0x4d1: {  	v3 =	vor.u32 v3, v4  }
0x4d2: {  	v2 =	vld.idx.msk [tilespmem:v2+s12+$0x0], $0xffff;
	v3 =	vadd.s32 v1, v3;
	_ =	sdelay $0x3  }
0x4d3: {  	s20 =	sadd.s32 $0x4, s18  }
0x4d4: {  	[tilespmem:v3+s0+$0x0] =	vst.idx.add.f32.msk $0xffff, v2;
	v2 =	vmov s20  }
0x4d5: {  	v3 =	vld [tilespmem:s19+$0x0];
	v56 =	vshll.u32 v2, $0x3  }
0x4d6: {  	v2 =	vand.u32 $0x7C, v2;
	v4 =	vand.u32 $0xC00, v56  }
0x4d7: {  	v2 =	vor.u32 v2, v4  }
0x4d8: {  	v2 =	vadd.s32 v0, v2;
	_ =	sdelay $0x1  }
0x4d9: {  	v57 =	vshll.u32 v3, $0x3  }
0x4da: {  	v3 =	vand.u32 $0x7F, v3;
	v4 =	vand.u32 $0xFFFFFC00, v57  }
0x4db: {  	v3 =	vor.u32 v3, v4  }
0x4dc: {  	v2 =	vld.idx.msk [tilespmem:v2+s12+$0x0], $0xffff;
	v3 =	vadd.s32 v1, v3;
	_ =	sdelay $0x3  }
0x4dd: {  	s20 =	sadd.s32 $0x5, s18  }
0x4de: {  	[tilespmem:v3+s0+$0x0] =	vst.idx.add.f32.msk $0xffff, v2;
	v2 =	vmov s20  }
0x4df: {  	v3 =	vld [tilespmem:s19+$0x10];
	v58 =	vshll.u32 v2, $0x3  }
0x4e0: {  	v2 =	vand.u32 $0x7D, v2;
	v4 =	vand.u32 $0xC00, v58  }
0x4e1: {  	v2 =	vor.u32 v2, v4  }
0x4e2: {  	v2 =	vadd.s32 v0, v2;
	_ =	sdelay $0x1  }
0x4e3: {  	v59 =	vshll.u32 v3, $0x3  }
0x4e4: {  	v3 =	vand.u32 $0x7F, v3;
	v4 =	vand.u32 $0xFFFFFC00, v59  }
0x4e5: {  	v3 =	vor.u32 v3, v4  }
0x4e6: {  	v2 =	vld.idx.msk [tilespmem:v2+s12+$0x0], $0xffff;
	v3 =	vadd.s32 v1, v3;
	_ =	sdelay $0x3  }
0x4e7: {  	s20 =	sadd.s32 $0x6, s18  }
0x4e8: {  	[tilespmem:v3+s0+$0x0] =	vst.idx.add.f32.msk $0xffff, v2;
	v2 =	vmov s20  }
0x4e9: {  	v3 =	vld [tilespmem:s19+$0x20];
	v60 =	vshll.u32 v2, $0x3  }
0x4ea: {  	v2 =	vand.u32 $0x7E, v2;
	v4 =	vand.u32 $0xC00, v60  }
0x4eb: {  	v2 =	vor.u32 v2, v4  }
0x4ec: {  	v2 =	vadd.s32 v0, v2;
	_ =	sdelay $0x1  }
0x4ed: {  	v61 =	vshll.u32 v3, $0x3  }
0x4ee: {  	v3 =	vand.u32 $0x7F, v3;
	v4 =	vand.u32 $0xFFFFFC00, v61  }
0x4ef: {  	v3 =	vor.u32 v3, v4  }
0x4f0: {  	v2 =	vld.idx.msk [tilespmem:v2+s12+$0x0], $0xffff;
	v3 =	vadd.s32 v1, v3;
	_ =	sdelay $0x3  }
0x4f1: {  	s20 =	sadd.s32 $0x7, s18  }
0x4f2: {  	[tilespmem:v3+s0+$0x0] =	vst.idx.add.f32.msk $0xffff, v2;
	v2 =	vmov s20  }
0x4f3: {  	v3 =	vld [tilespmem:s19+$0x30];
	v62 =	vshll.u32 v2, $0x3  }
0x4f4: {  	v2 =	vand.u32 $0x7F, v2;
	v4 =	vand.u32 $0xC00, v62  }
0x4f5: {  	v2 =	vor.u32 v2, v4  }
0x4f6: {  	v2 =	vadd.s32 v0, v2;
	_ =	sdelay $0x1  }
0x4f7: {  	v63 =	vshll.u32 v3, $0x3  }
0x4f8: {  	v3 =	vand.u32 $0x7F, v3;
	v4 =	vand.u32 $0xFFFFFC00, v63  }
0x4f9: {  	v3 =	vor.u32 v3, v4  }
0x4fa: {  	p1 =	slt.u32 s18, $0x1F8;
	v2 =	vld.idx.msk [tilespmem:v2+s12+$0x0], $0xffff;
	v3 =	vadd.s32 v1, v3  }
.Ltmp12:
0x4fb: {  	_ = 	snop;
	(pc) =	sbr.rel @p1 .LBB2_26-.Ltmp12, $2  }
0x4fc: {  	_ =	sdelay $0x2  }
0x4fd: {  	s18 =	sadd.s32 $0x8, s18;
	s19 =	sadd.s32 $0x80, s19;
	[tilespmem:v3+s0+$0x0] =	vst.idx.add.f32.msk $0xffff, v2  }
0x4fe: {  	_ =	swait.ge [sflag:s10], $0x2000  }
0x4ff: {  	[sflag:s10] =	ssyncset.done $0x0  }
0x500: {  	[sflag:s10] =	ssyncadd.s32 $0xFFFFE000  }
0x501: {  	_ =	swait.ge [sflag:s10], $0x2000  }
0x502: {  	[sflag:s10] =	ssyncset.done $0x0  }
0x503: {  	s18 =	simm.s32 $0x0;
	[sflag:s10] =	ssyncadd.s32 $0xFFFFE000  }
0x504: {  	[tilespmem:s12], [sflag:$0x1] =	stream.linear.gather [hbm4b:s5+s18], $0x1000, $0x38;
	[tilespmem:$0x19800] =	vst v63  }
0x505: {  	s19 =	sadd.s32 $0x1000, s5  }
0x506: {  	[tilespmem:s13], [sflag:$0x1] =	stream.linear.gather [hbm4b:s19+s18], $0x1000, $0x38;
	[tilespmem:$0x19800] =	vst v63  }
0x507: {  	s20 =	rddreg [dreg:$0x12];
	s19 =	simm.s32 $0x17840  }
0x508: {  	[tilespmem:s14], [sflag:$0x1] =	stream.linear.gather [hbm4b:s20+s18], $0x2000, $0x38;
	[tilespmem:$0x19800] =	vst v63  }
.LBB2_28:
0x509: {  	v2 =	vmov s18  }
0x50a: {  	v3 =	vld [tilespmem:s19+$0xFFFFFFC0];
	v4 =	vshll.u32 v2, $0x3  }
0x50b: {  	v2 =	vand.u32 $0x78, v2;
	v4 =	vand.u32 $0xC00, v4  }
0x50c: {  	v2 =	vor.u32 v2, v4  }
0x50d: {  	v2 =	vadd.s32 v0, v2;
	_ =	sdelay $0x1  }
0x50e: {  	v49 =	vshll.u32 v3, $0x3  }
0x50f: {  	v3 =	vand.u32 $0x7F, v3;
	v4 =	vand.u32 $0xFFFFFC00, v49  }
0x510: {  	v3 =	vor.u32 v3, v4  }
0x511: {  	v3 =	vadd.s32 v1, v3;
	v2 =	vld.idx.msk [tilespmem:v2+s17+$0x0], $0xffff;
	_ =	sdelay $0x3  }
0x512: {  	s20 =	sadd.s32 $0x1, s18  }
0x513: {  	[tilespmem:v3+s0+$0x0] =	vst.idx.add.f32.msk $0xffff, v2;
	v2 =	vmov s20  }
0x514: {  	v3 =	vld [tilespmem:s19+$0xFFFFFFD0];
	v50 =	vshll.u32 v2, $0x3  }
0x515: {  	v2 =	vand.u32 $0x79, v2;
	v4 =	vand.u32 $0xC00, v50  }
0x516: {  	v2 =	vor.u32 v2, v4  }
0x517: {  	v2 =	vadd.s32 v0, v2;
	_ =	sdelay $0x1  }
0x518: {  	v51 =	vshll.u32 v3, $0x3  }
0x519: {  	v3 =	vand.u32 $0x7F, v3;
	v4 =	vand.u32 $0xFFFFFC00, v51  }
0x51a: {  	v3 =	vor.u32 v3, v4  }
0x51b: {  	v2 =	vld.idx.msk [tilespmem:v2+s17+$0x0], $0xffff;
	v3 =	vadd.s32 v1, v3;
	_ =	sdelay $0x3  }
0x51c: {  	s20 =	sadd.s32 $0x2, s18  }
0x51d: {  	[tilespmem:v3+s0+$0x0] =	vst.idx.add.f32.msk $0xffff, v2;
	v2 =	vmov s20  }
0x51e: {  	v3 =	vld [tilespmem:s19+$0xFFFFFFE0];
	v52 =	vshll.u32 v2, $0x3  }
0x51f: {  	v2 =	vand.u32 $0x7A, v2;
	v4 =	vand.u32 $0xC00, v52  }
0x520: {  	v2 =	vor.u32 v2, v4  }
0x521: {  	v2 =	vadd.s32 v0, v2;
	_ =	sdelay $0x1  }
0x522: {  	v53 =	vshll.u32 v3, $0x3  }
0x523: {  	v3 =	vand.u32 $0x7F, v3;
	v4 =	vand.u32 $0xFFFFFC00, v53  }
0x524: {  	v3 =	vor.u32 v3, v4  }
0x525: {  	v2 =	vld.idx.msk [tilespmem:v2+s17+$0x0], $0xffff;
	v3 =	vadd.s32 v1, v3;
	_ =	sdelay $0x3  }
0x526: {  	s20 =	sadd.s32 $0x3, s18  }
0x527: {  	[tilespmem:v3+s0+$0x0] =	vst.idx.add.f32.msk $0xffff, v2;
	v2 =	vmov s20  }
0x528: {  	v3 =	vld [tilespmem:s19+$0xFFFFFFF0];
	v54 =	vshll.u32 v2, $0x3  }
0x529: {  	v2 =	vand.u32 $0x7B, v2;
	v4 =	vand.u32 $0xC00, v54  }
0x52a: {  	v2 =	vor.u32 v2, v4  }
0x52b: {  	v2 =	vadd.s32 v0, v2;
	_ =	sdelay $0x1  }
0x52c: {  	v55 =	vshll.u32 v3, $0x3  }
0x52d: {  	v3 =	vand.u32 $0x7F, v3;
	v4 =	vand.u32 $0xFFFFFC00, v55  }
0x52e: {  	v3 =	vor.u32 v3, v4  }
0x52f: {  	v2 =	vld.idx.msk [tilespmem:v2+s17+$0x0], $0xffff;
	v3 =	vadd.s32 v1, v3;
	_ =	sdelay $0x3  }
0x530: {  	s20 =	sadd.s32 $0x4, s18  }
0x531: {  	[tilespmem:v3+s0+$0x0] =	vst.idx.add.f32.msk $0xffff, v2;
	v2 =	vmov s20  }
0x532: {  	v3 =	vld [tilespmem:s19+$0x0];
	v56 =	vshll.u32 v2, $0x3  }
0x533: {  	v2 =	vand.u32 $0x7C, v2;
	v4 =	vand.u32 $0xC00, v56  }
0x534: {  	v2 =	vor.u32 v2, v4  }
0x535: {  	v2 =	vadd.s32 v0, v2;
	_ =	sdelay $0x1  }
0x536: {  	v57 =	vshll.u32 v3, $0x3  }
0x537: {  	v3 =	vand.u32 $0x7F, v3;
	v4 =	vand.u32 $0xFFFFFC00, v57  }
0x538: {  	v3 =	vor.u32 v3, v4  }
0x539: {  	v2 =	vld.idx.msk [tilespmem:v2+s17+$0x0], $0xffff;
	v3 =	vadd.s32 v1, v3;
	_ =	sdelay $0x3  }
0x53a: {  	s20 =	sadd.s32 $0x5, s18  }
0x53b: {  	[tilespmem:v3+s0+$0x0] =	vst.idx.add.f32.msk $0xffff, v2;
	v2 =	vmov s20  }
0x53c: {  	v3 =	vld [tilespmem:s19+$0x10];
	v58 =	vshll.u32 v2, $0x3  }
0x53d: {  	v2 =	vand.u32 $0x7D, v2;
	v4 =	vand.u32 $0xC00, v58  }
0x53e: {  	v2 =	vor.u32 v2, v4  }
0x53f: {  	v2 =	vadd.s32 v0, v2;
	_ =	sdelay $0x1  }
0x540: {  	v59 =	vshll.u32 v3, $0x3  }
0x541: {  	v3 =	vand.u32 $0x7F, v3;
	v4 =	vand.u32 $0xFFFFFC00, v59  }
0x542: {  	v3 =	vor.u32 v3, v4  }
0x543: {  	v2 =	vld.idx.msk [tilespmem:v2+s17+$0x0], $0xffff;
	v3 =	vadd.s32 v1, v3;
	_ =	sdelay $0x3  }
0x544: {  	s20 =	sadd.s32 $0x6, s18  }
0x545: {  	[tilespmem:v3+s0+$0x0] =	vst.idx.add.f32.msk $0xffff, v2;
	v2 =	vmov s20  }
0x546: {  	v3 =	vld [tilespmem:s19+$0x20];
	v60 =	vshll.u32 v2, $0x3  }
0x547: {  	v2 =	vand.u32 $0x7E, v2;
	v4 =	vand.u32 $0xC00, v60  }
0x548: {  	v2 =	vor.u32 v2, v4  }
0x549: {  	v2 =	vadd.s32 v0, v2;
	_ =	sdelay $0x1  }
0x54a: {  	v61 =	vshll.u32 v3, $0x3  }
0x54b: {  	v3 =	vand.u32 $0x7F, v3;
	v4 =	vand.u32 $0xFFFFFC00, v61  }
0x54c: {  	v3 =	vor.u32 v3, v4  }
0x54d: {  	v2 =	vld.idx.msk [tilespmem:v2+s17+$0x0], $0xffff;
	v3 =	vadd.s32 v1, v3;
	_ =	sdelay $0x3  }
0x54e: {  	s20 =	sadd.s32 $0x7, s18  }
0x54f: {  	[tilespmem:v3+s0+$0x0] =	vst.idx.add.f32.msk $0xffff, v2;
	v2 =	vmov s20  }
0x550: {  	v3 =	vld [tilespmem:s19+$0x30];
	v62 =	vshll.u32 v2, $0x3  }
0x551: {  	v2 =	vand.u32 $0x7F, v2;
	v4 =	vand.u32 $0xC00, v62  }
0x552: {  	v2 =	vor.u32 v2, v4  }
0x553: {  	v2 =	vadd.s32 v0, v2;
	_ =	sdelay $0x1  }
0x554: {  	v63 =	vshll.u32 v3, $0x3  }
0x555: {  	v3 =	vand.u32 $0x7F, v3;
	v4 =	vand.u32 $0xFFFFFC00, v63  }
0x556: {  	v3 =	vor.u32 v3, v4  }
0x557: {  	p1 =	slt.u32 s18, $0x1F8;
	v2 =	vld.idx.msk [tilespmem:v2+s17+$0x0], $0xffff;
	v3 =	vadd.s32 v1, v3  }
.Ltmp13:
0x558: {  	_ = 	snop;
	(pc) =	sbr.rel @p1 .LBB2_28-.Ltmp13, $2  }
0x559: {  	_ =	sdelay $0x2  }
0x55a: {  	s18 =	sadd.s32 $0x8, s18;
	s19 =	sadd.s32 $0x80, s19;
	[tilespmem:v3+s0+$0x0] =	vst.idx.add.f32.msk $0xffff, v2  }
0x55b: {  	_ =	swait.ge [sflag:s9], $0x2000  }
0x55c: {  	[sflag:s9] =	ssyncset.done $0x0  }
0x55d: {  	[sflag:s9] =	ssyncadd.s32 $0xFFFFE000  }
0x55e: {  	_ =	swait.ge [sflag:s9], $0x2000  }
0x55f: {  	[sflag:s9] =	ssyncset.done $0x0  }
0x560: {  	s18 =	simm.s32 $0x0;
	[sflag:s9] =	ssyncadd.s32 $0xFFFFE000  }
0x561: {  	[tilespmem:s17], [sflag:$0x2] =	stream.linear.gather [hbm4b:s6+s18], $0x1000, $0x38;
	[tilespmem:$0x19800] =	vst v63  }
0x562: {  	s19 =	sadd.s32 $0x1000, s6  }
0x563: {  	[tilespmem:s1], [sflag:$0x2] =	stream.linear.gather [hbm4b:s19+s18], $0x1000, $0x38;
	[tilespmem:$0x19800] =	vst v63  }
0x564: {  	s20 =	rddreg [dreg:$0x13];
	s19 =	simm.s32 $0x15840  }
0x565: {  	[tilespmem:s8], [sflag:$0x2] =	stream.linear.gather [hbm4b:s20+s18], $0x2000, $0x38;
	[tilespmem:$0x19800] =	vst v63  }
.LBB2_30:
0x566: {  	v2 =	vmov s18  }
0x567: {  	v3 =	vld [tilespmem:s19+$0xFFFFFFC0];
	v4 =	vshll.u32 v2, $0x3  }
0x568: {  	v2 =	vand.u32 $0x78, v2;
	v4 =	vand.u32 $0xC00, v4  }
0x569: {  	v2 =	vor.u32 v2, v4  }
0x56a: {  	v2 =	vadd.s32 v0, v2;
	_ =	sdelay $0x1  }
0x56b: {  	v49 =	vshll.u32 v3, $0x3  }
0x56c: {  	v3 =	vand.u32 $0x7F, v3;
	v4 =	vand.u32 $0xFFFFFC00, v49  }
0x56d: {  	v3 =	vor.u32 v3, v4  }
0x56e: {  	v3 =	vadd.s32 v1, v3;
	v2 =	vld.idx.msk [tilespmem:v2+s12+$0x0], $0xffff;
	_ =	sdelay $0x3  }
0x56f: {  	s20 =	sadd.s32 $0x1, s18  }
0x570: {  	[tilespmem:v3+s0+$0x0] =	vst.idx.add.f32.msk $0xffff, v2;
	v2 =	vmov s20  }
0x571: {  	v3 =	vld [tilespmem:s19+$0xFFFFFFD0];
	v50 =	vshll.u32 v2, $0x3  }
0x572: {  	v2 =	vand.u32 $0x79, v2;
	v4 =	vand.u32 $0xC00, v50  }
0x573: {  	v2 =	vor.u32 v2, v4  }
0x574: {  	v2 =	vadd.s32 v0, v2;
	_ =	sdelay $0x1  }
0x575: {  	v51 =	vshll.u32 v3, $0x3  }
0x576: {  	v3 =	vand.u32 $0x7F, v3;
	v4 =	vand.u32 $0xFFFFFC00, v51  }
0x577: {  	v3 =	vor.u32 v3, v4  }
0x578: {  	v2 =	vld.idx.msk [tilespmem:v2+s12+$0x0], $0xffff;
	v3 =	vadd.s32 v1, v3;
	_ =	sdelay $0x3  }
0x579: {  	s20 =	sadd.s32 $0x2, s18  }
0x57a: {  	[tilespmem:v3+s0+$0x0] =	vst.idx.add.f32.msk $0xffff, v2;
	v2 =	vmov s20  }
0x57b: {  	v3 =	vld [tilespmem:s19+$0xFFFFFFE0];
	v52 =	vshll.u32 v2, $0x3  }
0x57c: {  	v2 =	vand.u32 $0x7A, v2;
	v4 =	vand.u32 $0xC00, v52  }
0x57d: {  	v2 =	vor.u32 v2, v4  }
0x57e: {  	v2 =	vadd.s32 v0, v2;
	_ =	sdelay $0x1  }
0x57f: {  	v53 =	vshll.u32 v3, $0x3  }
0x580: {  	v3 =	vand.u32 $0x7F, v3;
	v4 =	vand.u32 $0xFFFFFC00, v53  }
0x581: {  	v3 =	vor.u32 v3, v4  }
0x582: {  	v2 =	vld.idx.msk [tilespmem:v2+s12+$0x0], $0xffff;
	v3 =	vadd.s32 v1, v3;
	_ =	sdelay $0x3  }
0x583: {  	s20 =	sadd.s32 $0x3, s18  }
0x584: {  	[tilespmem:v3+s0+$0x0] =	vst.idx.add.f32.msk $0xffff, v2;
	v2 =	vmov s20  }
0x585: {  	v3 =	vld [tilespmem:s19+$0xFFFFFFF0];
	v54 =	vshll.u32 v2, $0x3  }
0x586: {  	v2 =	vand.u32 $0x7B, v2;
	v4 =	vand.u32 $0xC00, v54  }
0x587: {  	v2 =	vor.u32 v2, v4  }
0x588: {  	v2 =	vadd.s32 v0, v2;
	_ =	sdelay $0x1  }
0x589: {  	v55 =	vshll.u32 v3, $0x3  }
0x58a: {  	v3 =	vand.u32 $0x7F, v3;
	v4 =	vand.u32 $0xFFFFFC00, v55  }
0x58b: {  	v3 =	vor.u32 v3, v4  }
0x58c: {  	v2 =	vld.idx.msk [tilespmem:v2+s12+$0x0], $0xffff;
	v3 =	vadd.s32 v1, v3;
	_ =	sdelay $0x3  }
0x58d: {  	s20 =	sadd.s32 $0x4, s18  }
0x58e: {  	[tilespmem:v3+s0+$0x0] =	vst.idx.add.f32.msk $0xffff, v2;
	v2 =	vmov s20  }
0x58f: {  	v3 =	vld [tilespmem:s19+$0x0];
	v56 =	vshll.u32 v2, $0x3  }
0x590: {  	v2 =	vand.u32 $0x7C, v2;
	v4 =	vand.u32 $0xC00, v56  }
0x591: {  	v2 =	vor.u32 v2, v4  }
0x592: {  	v2 =	vadd.s32 v0, v2;
	_ =	sdelay $0x1  }
0x593: {  	v57 =	vshll.u32 v3, $0x3  }
0x594: {  	v3 =	vand.u32 $0x7F, v3;
	v4 =	vand.u32 $0xFFFFFC00, v57  }
0x595: {  	v3 =	vor.u32 v3, v4  }
0x596: {  	v2 =	vld.idx.msk [tilespmem:v2+s12+$0x0], $0xffff;
	v3 =	vadd.s32 v1, v3;
	_ =	sdelay $0x3  }
0x597: {  	s20 =	sadd.s32 $0x5, s18  }
0x598: {  	[tilespmem:v3+s0+$0x0] =	vst.idx.add.f32.msk $0xffff, v2;
	v2 =	vmov s20  }
0x599: {  	v3 =	vld [tilespmem:s19+$0x10];
	v58 =	vshll.u32 v2, $0x3  }
0x59a: {  	v2 =	vand.u32 $0x7D, v2;
	v4 =	vand.u32 $0xC00, v58  }
0x59b: {  	v2 =	vor.u32 v2, v4  }
0x59c: {  	v2 =	vadd.s32 v0, v2;
	_ =	sdelay $0x1  }
0x59d: {  	v59 =	vshll.u32 v3, $0x3  }
0x59e: {  	v3 =	vand.u32 $0x7F, v3;
	v4 =	vand.u32 $0xFFFFFC00, v59  }
0x59f: {  	v3 =	vor.u32 v3, v4  }
0x5a0: {  	v2 =	vld.idx.msk [tilespmem:v2+s12+$0x0], $0xffff;
	v3 =	vadd.s32 v1, v3;
	_ =	sdelay $0x3  }
0x5a1: {  	s20 =	sadd.s32 $0x6, s18  }
0x5a2: {  	[tilespmem:v3+s0+$0x0] =	vst.idx.add.f32.msk $0xffff, v2;
	v2 =	vmov s20  }
0x5a3: {  	v3 =	vld [tilespmem:s19+$0x20];
	v60 =	vshll.u32 v2, $0x3  }
0x5a4: {  	v2 =	vand.u32 $0x7E, v2;
	v4 =	vand.u32 $0xC00, v60  }
0x5a5: {  	v2 =	vor.u32 v2, v4  }
0x5a6: {  	v2 =	vadd.s32 v0, v2;
	_ =	sdelay $0x1  }
0x5a7: {  	v61 =	vshll.u32 v3, $0x3  }
0x5a8: {  	v3 =	vand.u32 $0x7F, v3;
	v4 =	vand.u32 $0xFFFFFC00, v61  }
0x5a9: {  	v3 =	vor.u32 v3, v4  }
0x5aa: {  	v2 =	vld.idx.msk [tilespmem:v2+s12+$0x0], $0xffff;
	v3 =	vadd.s32 v1, v3;
	_ =	sdelay $0x3  }
0x5ab: {  	s20 =	sadd.s32 $0x7, s18  }
0x5ac: {  	[tilespmem:v3+s0+$0x0] =	vst.idx.add.f32.msk $0xffff, v2;
	v2 =	vmov s20  }
0x5ad: {  	v3 =	vld [tilespmem:s19+$0x30];
	v62 =	vshll.u32 v2, $0x3  }
0x5ae: {  	v2 =	vand.u32 $0x7F, v2;
	v4 =	vand.u32 $0xC00, v62  }
0x5af: {  	v2 =	vor.u32 v2, v4  }
0x5b0: {  	v2 =	vadd.s32 v0, v2;
	_ =	sdelay $0x1  }
0x5b1: {  	v63 =	vshll.u32 v3, $0x3  }
0x5b2: {  	v3 =	vand.u32 $0x7F, v3;
	v4 =	vand.u32 $0xFFFFFC00, v63  }
0x5b3: {  	v3 =	vor.u32 v3, v4  }
0x5b4: {  	p1 =	slt.u32 s18, $0x1F8;
	v2 =	vld.idx.msk [tilespmem:v2+s12+$0x0], $0xffff;
	v3 =	vadd.s32 v1, v3  }
.Ltmp14:
0x5b5: {  	_ = 	snop;
	(pc) =	sbr.rel @p1 .LBB2_30-.Ltmp14, $2  }
0x5b6: {  	_ =	sdelay $0x2  }
0x5b7: {  	s18 =	sadd.s32 $0x8, s18;
	s19 =	sadd.s32 $0x80, s19;
	[tilespmem:v3+s0+$0x0] =	vst.idx.add.f32.msk $0xffff, v2  }
0x5b8: {  	_ =	swait.ge [sflag:s10], $0x2000  }
0x5b9: {  	[sflag:s10] =	ssyncset.done $0x0  }
0x5ba: {  	[sflag:s10] =	ssyncadd.s32 $0xFFFFE000  }
0x5bb: {  	_ =	swait.ge [sflag:s10], $0x2000  }
0x5bc: {  	[sflag:s10] =	ssyncset.done $0x0  }
0x5bd: {  	s18 =	simm.s32 $0x0;
	s19 =	simm.s32 $0x17840;
	[sflag:s10] =	ssyncadd.s32 $0xFFFFE000  }
.LBB2_32:
0x5be: {  	v2 =	vmov s18  }
0x5bf: {  	v3 =	vld [tilespmem:s19+$0xFFFFFFC0];
	v4 =	vshll.u32 v2, $0x3  }
0x5c0: {  	v2 =	vand.u32 $0x78, v2;
	v4 =	vand.u32 $0xC00, v4  }
0x5c1: {  	v2 =	vor.u32 v2, v4  }
0x5c2: {  	v2 =	vadd.s32 v0, v2;
	_ =	sdelay $0x1  }
0x5c3: {  	v49 =	vshll.u32 v3, $0x3  }
0x5c4: {  	v3 =	vand.u32 $0x7F, v3;
	v4 =	vand.u32 $0xFFFFFC00, v49  }
0x5c5: {  	v3 =	vor.u32 v3, v4  }
0x5c6: {  	v3 =	vadd.s32 v1, v3;
	v2 =	vld.idx.msk [tilespmem:v2+s17+$0x0], $0xffff;
	_ =	sdelay $0x3  }
0x5c7: {  	s20 =	sadd.s32 $0x1, s18  }
0x5c8: {  	[tilespmem:v3+s0+$0x0] =	vst.idx.add.f32.msk $0xffff, v2;
	v2 =	vmov s20  }
0x5c9: {  	v3 =	vld [tilespmem:s19+$0xFFFFFFD0];
	v50 =	vshll.u32 v2, $0x3  }
0x5ca: {  	v2 =	vand.u32 $0x79, v2;
	v4 =	vand.u32 $0xC00, v50  }
0x5cb: {  	v2 =	vor.u32 v2, v4  }
0x5cc: {  	v2 =	vadd.s32 v0, v2;
	_ =	sdelay $0x1  }
0x5cd: {  	v51 =	vshll.u32 v3, $0x3  }
0x5ce: {  	v3 =	vand.u32 $0x7F, v3;
	v4 =	vand.u32 $0xFFFFFC00, v51  }
0x5cf: {  	v3 =	vor.u32 v3, v4  }
0x5d0: {  	v2 =	vld.idx.msk [tilespmem:v2+s17+$0x0], $0xffff;
	v3 =	vadd.s32 v1, v3;
	_ =	sdelay $0x3  }
0x5d1: {  	s20 =	sadd.s32 $0x2, s18  }
0x5d2: {  	[tilespmem:v3+s0+$0x0] =	vst.idx.add.f32.msk $0xffff, v2;
	v2 =	vmov s20  }
0x5d3: {  	v3 =	vld [tilespmem:s19+$0xFFFFFFE0];
	v52 =	vshll.u32 v2, $0x3  }
0x5d4: {  	v2 =	vand.u32 $0x7A, v2;
	v4 =	vand.u32 $0xC00, v52  }
0x5d5: {  	v2 =	vor.u32 v2, v4  }
0x5d6: {  	v2 =	vadd.s32 v0, v2;
	_ =	sdelay $0x1  }
0x5d7: {  	v53 =	vshll.u32 v3, $0x3  }
0x5d8: {  	v3 =	vand.u32 $0x7F, v3;
	v4 =	vand.u32 $0xFFFFFC00, v53  }
0x5d9: {  	v3 =	vor.u32 v3, v4  }
0x5da: {  	v2 =	vld.idx.msk [tilespmem:v2+s17+$0x0], $0xffff;
	v3 =	vadd.s32 v1, v3;
	_ =	sdelay $0x3  }
0x5db: {  	s20 =	sadd.s32 $0x3, s18  }
0x5dc: {  	[tilespmem:v3+s0+$0x0] =	vst.idx.add.f32.msk $0xffff, v2;
	v2 =	vmov s20  }
0x5dd: {  	v3 =	vld [tilespmem:s19+$0xFFFFFFF0];
	v54 =	vshll.u32 v2, $0x3  }
0x5de: {  	v2 =	vand.u32 $0x7B, v2;
	v4 =	vand.u32 $0xC00, v54  }
0x5df: {  	v2 =	vor.u32 v2, v4  }
0x5e0: {  	v2 =	vadd.s32 v0, v2;
	_ =	sdelay $0x1  }
0x5e1: {  	v55 =	vshll.u32 v3, $0x3  }
0x5e2: {  	v3 =	vand.u32 $0x7F, v3;
	v4 =	vand.u32 $0xFFFFFC00, v55  }
0x5e3: {  	v3 =	vor.u32 v3, v4  }
0x5e4: {  	v2 =	vld.idx.msk [tilespmem:v2+s17+$0x0], $0xffff;
	v3 =	vadd.s32 v1, v3;
	_ =	sdelay $0x3  }
0x5e5: {  	s20 =	sadd.s32 $0x4, s18  }
0x5e6: {  	[tilespmem:v3+s0+$0x0] =	vst.idx.add.f32.msk $0xffff, v2;
	v2 =	vmov s20  }
0x5e7: {  	v3 =	vld [tilespmem:s19+$0x0];
	v56 =	vshll.u32 v2, $0x3  }
0x5e8: {  	v2 =	vand.u32 $0x7C, v2;
	v4 =	vand.u32 $0xC00, v56  }
0x5e9: {  	v2 =	vor.u32 v2, v4  }
0x5ea: {  	v2 =	vadd.s32 v0, v2;
	_ =	sdelay $0x1  }
0x5eb: {  	v57 =	vshll.u32 v3, $0x3  }
0x5ec: {  	v3 =	vand.u32 $0x7F, v3;
	v4 =	vand.u32 $0xFFFFFC00, v57  }
0x5ed: {  	v3 =	vor.u32 v3, v4  }
0x5ee: {  	v2 =	vld.idx.msk [tilespmem:v2+s17+$0x0], $0xffff;
	v3 =	vadd.s32 v1, v3;
	_ =	sdelay $0x3  }
0x5ef: {  	s20 =	sadd.s32 $0x5, s18  }
0x5f0: {  	[tilespmem:v3+s0+$0x0] =	vst.idx.add.f32.msk $0xffff, v2;
	v2 =	vmov s20  }
0x5f1: {  	v3 =	vld [tilespmem:s19+$0x10];
	v58 =	vshll.u32 v2, $0x3  }
0x5f2: {  	v2 =	vand.u32 $0x7D, v2;
	v4 =	vand.u32 $0xC00, v58  }
0x5f3: {  	v2 =	vor.u32 v2, v4  }
0x5f4: {  	v2 =	vadd.s32 v0, v2;
	_ =	sdelay $0x1  }
0x5f5: {  	v59 =	vshll.u32 v3, $0x3  }
0x5f6: {  	v3 =	vand.u32 $0x7F, v3;
	v4 =	vand.u32 $0xFFFFFC00, v59  }
0x5f7: {  	v3 =	vor.u32 v3, v4  }
0x5f8: {  	v2 =	vld.idx.msk [tilespmem:v2+s17+$0x0], $0xffff;
	v3 =	vadd.s32 v1, v3;
	_ =	sdelay $0x3  }
0x5f9: {  	s20 =	sadd.s32 $0x6, s18  }
0x5fa: {  	[tilespmem:v3+s0+$0x0] =	vst.idx.add.f32.msk $0xffff, v2;
	v2 =	vmov s20  }
0x5fb: {  	v3 =	vld [tilespmem:s19+$0x20];
	v60 =	vshll.u32 v2, $0x3  }
0x5fc: {  	v2 =	vand.u32 $0x7E, v2;
	v4 =	vand.u32 $0xC00, v60  }
0x5fd: {  	v2 =	vor.u32 v2, v4  }
0x5fe: {  	v2 =	vadd.s32 v0, v2;
	_ =	sdelay $0x1  }
0x5ff: {  	v61 =	vshll.u32 v3, $0x3  }
0x600: {  	v3 =	vand.u32 $0x7F, v3;
	v4 =	vand.u32 $0xFFFFFC00, v61  }
0x601: {  	v3 =	vor.u32 v3, v4  }
0x602: {  	v2 =	vld.idx.msk [tilespmem:v2+s17+$0x0], $0xffff;
	v3 =	vadd.s32 v1, v3;
	_ =	sdelay $0x3  }
0x603: {  	s20 =	sadd.s32 $0x7, s18  }
0x604: {  	[tilespmem:v3+s0+$0x0] =	vst.idx.add.f32.msk $0xffff, v2;
	v2 =	vmov s20  }
0x605: {  	v3 =	vld [tilespmem:s19+$0x30];
	v62 =	vshll.u32 v2, $0x3  }
0x606: {  	v2 =	vand.u32 $0x7F, v2;
	v4 =	vand.u32 $0xC00, v62  }
0x607: {  	v2 =	vor.u32 v2, v4  }
0x608: {  	v2 =	vadd.s32 v0, v2;
	_ =	sdelay $0x1  }
0x609: {  	v63 =	vshll.u32 v3, $0x3  }
0x60a: {  	v3 =	vand.u32 $0x7F, v3;
	v4 =	vand.u32 $0xFFFFFC00, v63  }
0x60b: {  	v3 =	vor.u32 v3, v4  }
0x60c: {  	p1 =	slt.u32 s18, $0x1F8;
	v2 =	vld.idx.msk [tilespmem:v2+s17+$0x0], $0xffff;
	v3 =	vadd.s32 v1, v3  }
.Ltmp15:
0x60d: {  	_ = 	snop;
	(pc) =	sbr.rel @p1 .LBB2_32-.Ltmp15, $2  }
0x60e: {  	_ =	sdelay $0x2  }
0x60f: {  	s18 =	sadd.s32 $0x8, s18;
	s19 =	sadd.s32 $0x80, s19;
	[tilespmem:v3+s0+$0x0] =	vst.idx.add.f32.msk $0xffff, v2  }
0x610: {  	[hbm4b:s7+s0] =	stream.linear.scatter [tilespmem:s0], [sflag:$0x3], $0x8000, $0x38;
	[tilespmem:$0x19800] =	vst v63  }
0x611: {  	s18 =	sadd.s32 $0x1000, s7  }
0x612: {  	[hbm4b:s18+s0] =	stream.linear.scatter [tilespmem:s15], [sflag:$0x3], $0x8000, $0x38;
	[tilespmem:$0x19800] =	vst v63  }
0x613: {  	_ =	swait.ge [sflag:s16], $0x10000  }
0x614: {  	s11 =	sadd.s32 $0x1, s11;
	s20 =	rddreg [dreg:$0x17]  }
0x615: {  	p1 =	sne.s32 s11, s20  }
.Ltmp16:
0x616: {  	_ = 	snop;
	(pc) =	sbr.rel @p1 .LBB2_1-.Ltmp16, $3  }
0x617: {  	_ =	sdelay $0x1  }
0x618: {  	[sflag:s16] =	ssyncset.done $0x0  }
0x619: {  	[sflag:s16] =	ssyncadd.s32 $0xFFFF0000  }
0x61a: {  	_ =	sfence.sel $0x180000  }
0x61b: {  	[bflag:$0x0] =	sbarrier.arrive $0xFFFF  }
0x61c: {  	_ =	strace $0x90000047  }
0x61d: {  	[bflag:$0x2] =	sbarrier.arrive $0xFFFF  }
0x61e: {  	s0 =	rddreg [dreg:$0x2]  }
0x61f: {  	s0 =	sadd.s32 @!p0 $0x100000, s0  }
0x620: {  	[sflag:s0] =	ssyncadd.tile.s32 @!p0 $0x1;
	_ =	shalt  }
.Lfunc_end2:
_tile_overlayer_lowered:
.L_overlay_start_2:
0x621: {  	(tag) =	ssettag $0x2  }
0x622: {  	s0 =	rddreg [dreg:$0x0];
	s2 =	stileid.u32  }
0x623: {  	s1 =	rddreg [dreg:$0x1];
	p0 =	sne.s32 s2, $0x0  }
0x624: {  	s3 =	rddreg [dreg:$0x2];
	[bflag:$0x3] =	sbarrier.arrive $0xFFFF;
	s2 =	simm.s32 @!p0 $0x1C03  }
0x625: {  	[timem:s3], [sflag:s2] =	dma.local @!p0 [hbm:s0], s1  }
0x626: {  	s0 =	simm.s32 @!p0 $0x3  }
0x627: {  	_ =	swait.ge @!p0 [sflag:s0], s1  }
0x628: {  	s1 =	ssub.s32 @!p0 $0x0, s1;
	[sflag:s0] =	ssyncset.done @!p0 $0x0  }
0x629: {  	[sflag:s0] =	ssyncadd.s32 @!p0 s1  }
0x62a: {  	[bflag:$0x3] =	sbarrier.arrive $0xFFFF  }
0x62b: {  	_ =	shalt  }

</sc_bundles>
